<compile_context>
chip_gen: v7x
topology: tpu7x:2x2x1
jax: 0.10.2.dev20260603
libtpu: 0.0.44.dev20260713+nightly
codegen_flags: <defaults>
</compile_context>

<pallas_src>
import jax
import jax.numpy as jnp
from jax import lax
from jax.experimental import pallas as pl
from jax.experimental.pallas import tpu as pltpu
from jax.experimental.pallas import tpu_sc as plsc

N_NODES = 10000
IN_CH = 256
HID = 512
OUT_CH = 64
N_GRAPHS = 128

NP = 10240
NW = 32
B = 128
NBATCH = 40
EPT = B * NBATCH
EP = EPT * NW
NT = 2
TW = HID // NT
ROWS_PER_TILE = NP // 16
PC = 4

_mesh = plsc.VectorSubcoreMesh(core_axis_name="c", subcore_axis_name="s",
                               num_cores=2, num_subcores=16)


def _deg_body(dst_hbm, ones_hbm, zeros_hbm, degp_hbm, idx_v, ones_v, shared):
    c = lax.axis_index("c")
    s = lax.axis_index("s")
    wid = c * 16 + s
    row0 = s * ROWS_PER_TILE
    pltpu.sync_copy(dst_hbm.at[wid], idx_v)
    pltpu.sync_copy(ones_hbm, ones_v)
    pltpu.sync_copy(zeros_hbm.at[pl.ds(row0, ROWS_PER_TILE)],
                    shared.at[pl.ds(row0, ROWS_PER_TILE)])
    plsc.subcore_barrier()

    def body(b, carry):
        pltpu.sync_copy(ones_v, shared.at[idx_v.at[b]], add=True)
        return carry

    lax.fori_loop(0, NBATCH, body, 0)
    plsc.subcore_barrier()
    pltpu.sync_copy(shared.at[pl.ds(row0, ROWS_PER_TILE)],
                    degp_hbm.at[c, pl.ds(row0, ROWS_PER_TILE)])


def _deg_call(dst_t, ones128, zeros128):
    return pl.kernel(
        _deg_body,
        out_type=jax.ShapeDtypeStruct((2, NP, 128), jnp.float32),
        mesh=_mesh,
        scratch_types=[
            pltpu.VMEM((NBATCH, B), jnp.int32),
            pltpu.VMEM((B, 128), jnp.float32),
            pltpu.VMEM_SHARED((NP, 128), jnp.float32),
        ],
    )(dst_t, ones128, zeros128)


NBUF = 2
HALF = NBATCH
NGH = HALF // NBUF
assert HALF % NBUF == 0


def _agg_body(y0, y1, src_hbm, dst_hbm, zeros_hbm, out_hbm,
              si_v, di_v, rows_v, gsem, ssem, shared):
    c = lax.axis_index("c")
    s = lax.axis_index("s")
    wid = c * 16 + s
    row0 = s * ROWS_PER_TILE
    for t, y_hbm in enumerate((y0, y1)):
        pltpu.sync_copy(zeros_hbm.at[pl.ds(row0, ROWS_PER_TILE)],
                        shared.at[pl.ds(row0, ROWS_PER_TILE)])
        plsc.subcore_barrier()

        for h in range(1):
            pltpu.sync_copy(src_hbm.at[wid, pl.ds(h * HALF, HALF)], si_v)
            pltpu.sync_copy(dst_hbm.at[wid, pl.ds(h * HALF, HALF)], di_v)
            for k in range(NBUF):
                pltpu.async_copy(y_hbm.at[si_v.at[k]], rows_v.at[k],
                                 gsem.at[k])

            def group(g, carry, y_hbm=y_hbm):
                for k in range(NBUF):
                    b = g * NBUF + k
                    pltpu.make_async_copy(
                        y_hbm.at[si_v.at[b]], rows_v.at[k], gsem.at[k]).wait()
                    pltpu.async_copy(rows_v.at[k], shared.at[di_v.at[b]],
                                     ssem.at[k], add=True)
                for k in range(NBUF):
                    b = g * NBUF + k
                    pltpu.make_async_copy(
                        rows_v.at[k], shared.at[di_v.at[b]], ssem.at[k]).wait()
                    pltpu.async_copy(y_hbm.at[si_v.at[b + NBUF]],
                                     rows_v.at[k], gsem.at[k])
                return carry

            lax.fori_loop(0, NGH - 1, group, 0)
            for k in range(NBUF):
                b = (NGH - 1) * NBUF + k
                pltpu.make_async_copy(
                    y_hbm.at[si_v.at[b]], rows_v.at[k], gsem.at[k]).wait()
                pltpu.async_copy(rows_v.at[k], shared.at[di_v.at[b]],
                                 ssem.at[k], add=True)
            for k in range(NBUF):
                b = (NGH - 1) * NBUF + k
                pltpu.make_async_copy(
                    rows_v.at[k], shared.at[di_v.at[b]], ssem.at[k]).wait()
        plsc.subcore_barrier()
        pltpu.sync_copy(shared.at[pl.ds(row0, ROWS_PER_TILE)],
                        out_hbm.at[c, t, pl.ds(row0, ROWS_PER_TILE)])
        plsc.subcore_barrier()


def _agg_call(yc, src_t, dst_t, zeros_b):
    return pl.kernel(
        _agg_body,
        out_type=jax.ShapeDtypeStruct((2, NT, NP, 2, 128), jnp.bfloat16),
        mesh=_mesh,
        compiler_params=pltpu.CompilerParams(use_tc_tiling_on_sc=False),
        scratch_types=[
            pltpu.VMEM((HALF, B), jnp.int32),
            pltpu.VMEM((HALF, B), jnp.int32),
            pltpu.VMEM((NBUF, B, 2, 128), jnp.bfloat16),
            pltpu.SemaphoreType.DMA((NBUF,)),
            pltpu.SemaphoreType.DMA((NBUF,)),
            pltpu.VMEM_SHARED((NP, 2, 128), jnp.bfloat16),
        ],
    )(yc[0], yc[1], src_t, dst_t, zeros_b)


def _stats_kernel(p0_ref, p1_ref, dis_ref):
    deg = 1.0 + p0_ref[:, :1] + p1_ref[:, :1]
    dis = lax.rsqrt(deg)
    dis_ref[...] = jnp.broadcast_to(dis, dis_ref.shape)


def _stats_call(degp):
    return pl.pallas_call(
        _stats_kernel,
        grid=(10,),
        in_specs=[
            pl.BlockSpec((1024, 128), lambda r: (r, 0)),
            pl.BlockSpec((1024, 128), lambda r: (r, 0)),
        ],
        out_specs=pl.BlockSpec((1024, 128), lambda r: (r, 0)),
        out_shape=jax.ShapeDtypeStruct((NP, 128), jnp.float32),
    )(degp[0], degp[1])


def _to_tables(xw, dis, y_ref):
    d = jnp.broadcast_to(dis[:, :1], (512, TW))
    for t in range(NT):
        yt = d * xw[:, t * TW:(t + 1) * TW]
        y_ref[t] = yt.astype(jnp.bfloat16)


def _mm1_kernel(x_ref, w_ref, dis_ref, y_ref):
    xw = jnp.dot(x_ref[...], w_ref[...], preferred_element_type=jnp.float32)
    _to_tables(xw, dis_ref[...], y_ref)


def _mm1_call(x_pad, W1, dis):
    return pl.pallas_call(
        _mm1_kernel,
        grid=(20,),
        in_specs=[
            pl.BlockSpec((512, IN_CH), lambda r: (r, 0)),
            pl.BlockSpec((IN_CH, HID), lambda r: (0, 0)),
            pl.BlockSpec((512, 128), lambda r: (r, 0)),
        ],
        out_specs=pl.BlockSpec((NT, 512, TW), lambda r: (0, r, 0)),
        out_shape=jax.ShapeDtypeStruct((NT, NP, TW), jnp.bfloat16),
    )(x_pad, W1, dis)


def _combine(p_ref, y_ref, dis, b_ref):
    hs = []
    d = jnp.broadcast_to(dis[:, :1], (512, TW))
    for t in range(NT):
        pc = (p_ref[0, t].astype(jnp.float32)
              + p_ref[1, t].astype(jnp.float32)
              + y_ref[t].astype(jnp.float32))
        hs.append(jnp.maximum(d * pc + b_ref[t], 0.0))
    return jnp.concatenate(hs, axis=1)


def _combine_mm_kernel(p_ref, y_ref, dis_ref, b_ref, w_ref, out_ref):
    h = _combine(p_ref, y_ref, dis_ref[...], b_ref)
    xw = jnp.dot(h, w_ref[...], preferred_element_type=jnp.float32)
    _to_tables(xw, dis_ref[...], out_ref)


def _combine_mm_call(part, y, dis, b_r, W):
    return pl.pallas_call(
        _combine_mm_kernel,
        grid=(20,),
        in_specs=[
            pl.BlockSpec((2, NT, 512, TW), lambda r: (0, 0, r, 0)),
            pl.BlockSpec((NT, 512, TW), lambda r: (0, r, 0)),
            pl.BlockSpec((512, 128), lambda r: (r, 0)),
            pl.BlockSpec((NT, 1, TW), lambda r: (0, 0, 0)),
            pl.BlockSpec((HID, HID), lambda r: (0, 0)),
        ],
        out_specs=pl.BlockSpec((NT, 512, TW), lambda r: (0, r, 0)),
        out_shape=jax.ShapeDtypeStruct((NT, NP, TW), jnp.bfloat16),
    )(part, y, dis, b_r, W)


def _pool_kernel(p_ref, y_ref, dis_ref, b_ref, batch_ref, s_ref, cnt_ref):
    r = pl.program_id(0)
    h = _combine(p_ref, y_ref, dis_ref[...], b_ref)
    iota = lax.broadcasted_iota(jnp.int32, (512, N_GRAPHS), 1)
    oh = (batch_ref[...] == iota).astype(jnp.float32)

    @pl.when(r == 0)
    def _():
        s_ref[...] = jnp.zeros_like(s_ref)
        cnt_ref[...] = jnp.zeros_like(cnt_ref)

    sb = lax.dot_general(h, oh, (((0,), (0,)), ((), ())),
                         preferred_element_type=jnp.float32)
    for ci in range(PC):
        s_ref[ci] += sb[ci * 128:(ci + 1) * 128, :]
    cnt_ref[0:1, :] += jnp.sum(oh, axis=0, keepdims=True)


def _pool_call(part, y, dis, b_r, batch_col):
    return pl.pallas_call(
        _pool_kernel,
        grid=(20,),
        in_specs=[
            pl.BlockSpec((2, NT, 512, TW), lambda r: (0, 0, r, 0)),
            pl.BlockSpec((NT, 512, TW), lambda r: (0, r, 0)),
            pl.BlockSpec((512, 128), lambda r: (r, 0)),
            pl.BlockSpec((NT, 1, TW), lambda r: (0, 0, 0)),
            pl.BlockSpec((512, 1), lambda r: (r, 0)),
        ],
        out_specs=[
            pl.BlockSpec((PC, 128, 128), lambda r: (0, 0, 0)),
            pl.BlockSpec((8, 128), lambda r: (0, 0)),
        ],
        out_shape=[
            jax.ShapeDtypeStruct((PC, 128, N_GRAPHS), jnp.float32),
            jax.ShapeDtypeStruct((8, N_GRAPHS), jnp.float32),
        ],
    )(part, y, dis, b_r, batch_col)


def _final_kernel(s_ref, w_ref, cnt_ref, b_ref, out_ref):
    acc = jnp.zeros((N_GRAPHS, OUT_CH), jnp.float32)
    for ci in range(PC):
        acc += lax.dot_general(s_ref[ci], w_ref[ci], (((0,), (0,)), ((), ())),
                               preferred_element_type=jnp.float32)
    inv = 1.0 / jnp.maximum(cnt_ref[...], 1.0)
    out_ref[...] = acc * inv + b_ref[...]


def _final_call(S, Wl_r, cnt_col, bl_row):
    return pl.pallas_call(
        _final_kernel,
        grid=(1,),
        in_specs=[
            pl.BlockSpec((PC, 128, N_GRAPHS), lambda i: (0, 0, 0)),
            pl.BlockSpec((PC, 128, OUT_CH), lambda i: (0, 0, 0)),
            pl.BlockSpec((N_GRAPHS, 1), lambda i: (0, 0)),
            pl.BlockSpec((1, OUT_CH), lambda i: (0, 0)),
        ],
        out_specs=pl.BlockSpec((N_GRAPHS, OUT_CH), lambda i: (0, 0)),
        out_shape=jax.ShapeDtypeStruct((N_GRAPHS, OUT_CH), jnp.float32),
    )(S, Wl_r, cnt_col, bl_row)


def kernel(x, edge_index, batch, W1, b1, W2, b2, W3, b3, W_lin, b_lin):
    src = edge_index[0].astype(jnp.int32)
    dst = edge_index[1].astype(jnp.int32)
    n_e = src.shape[0]

    dummy = N_NODES + (jnp.arange(EP - n_e, dtype=jnp.int32) % (NP - N_NODES))
    src_t = jnp.concatenate([src, dummy]).reshape(NW, NBATCH, B)
    dst_t = jnp.concatenate([dst, dummy]).reshape(NW, NBATCH, B)
    x_pad = jnp.pad(x, ((0, NP - N_NODES), (0, 0)))
    batch_col = jnp.pad(batch.astype(jnp.int32), (0, NP - N_NODES),
                        constant_values=N_GRAPHS).reshape(NP, 1)
    ones128 = jnp.ones((B, 128), jnp.float32)
    zeros128 = jnp.zeros((NP, 128), jnp.float32)
    zeros_b = jnp.zeros((NP, 2, 128), jnp.bfloat16)
    b1_r = b1.reshape(NT, 1, TW)
    b2_r = b2.reshape(NT, 1, TW)
    b3_r = b3.reshape(NT, 1, TW)
    Wl_r = W_lin.reshape(PC, 128, OUT_CH)
    bl_row = b_lin.reshape(1, OUT_CH)

    degp = _deg_call(dst_t, ones128, zeros128)
    dis = _stats_call(degp)

    def to_sc(y2d):
        y3 = y2d.reshape(NT, NP, 2, 128)
        return [y3[0], y3[1]]

    y = _mm1_call(x_pad, W1, dis)
    part = _agg_call(to_sc(y), src_t, dst_t, zeros_b).reshape(2, NT, NP, TW)

    y = _combine_mm_call(part, y, dis, b1_r, W2)
    part = _agg_call(to_sc(y), src_t, dst_t, zeros_b).reshape(2, NT, NP, TW)

    y = _combine_mm_call(part, y, dis, b2_r, W3)
    part = _agg_call(to_sc(y), src_t, dst_t, zeros_b).reshape(2, NT, NP, TW)

    S, cnt = _pool_call(part, y, dis, b3_r, batch_col)
    cnt_col = cnt[0:1, :].reshape(N_GRAPHS, 1)
    return _final_call(S, Wl_r, cnt_col, bl_row)

# --- scband reference (transcript-rebuilt; emitter-appended) ---
"""Pipeline reference for scband-student-model-42923903156272 (READ-ONLY COPY).

The authoritative reference and input builder live on the scoring server;
editing this copy changes nothing except your own understanding.
"""

import jax, jax.numpy as jnp
import numpy as np

N_NODES = 10000
N_EDGES = 160000
IN_CH = 256
HID = 512
OUT_CH = 64
N_GRAPHS = 128


def gcn_conv(x, src, dst, W, b, num_nodes):
    # PyG GCNConv: add self-loops, symmetric normalization, x @ W, scatter-add, + bias
    loop = jnp.arange(num_nodes, dtype=src.dtype)
    src2 = jnp.concatenate([src, loop])
    dst2 = jnp.concatenate([dst, loop])
    deg = jnp.zeros((num_nodes,), dtype=x.dtype).at[dst2].add(1.0)
    deg_inv_sqrt = jnp.where(deg > 0, deg ** -0.5, 0.0)
    norm = deg_inv_sqrt[src2] * deg_inv_sqrt[dst2]
    xw = x @ W
    msg = xw[src2] * norm[:, None]
    out = jnp.zeros((num_nodes, W.shape[1]), dtype=x.dtype).at[dst2].add(msg)
    return out + b


def global_mean_pool(x, batch, num_graphs):
    sums = jax.ops.segment_sum(x, batch, num_segments=num_graphs)
    counts = jax.ops.segment_sum(jnp.ones((x.shape[0],), dtype=x.dtype), batch, num_segments=num_graphs)
    return sums / jnp.clip(counts, 1.0)[:, None]


def setup_inputs(seed: int = 0) -> dict:
    key = jax.random.key(seed)
    ks = jax.random.split(key, 12)
    x = jax.random.normal(ks[0], (N_NODES, IN_CH), dtype=jnp.float32)
    edge_index = jax.random.randint(ks[1], (2, N_EDGES), 0, N_NODES, dtype=jnp.int64 if jax.config.read('jax_enable_x64') else jnp.int32)
    batch = jnp.sort(jax.random.randint(ks[2], (N_NODES,), 0, N_GRAPHS))
    def glorot(k, shape):
        lim = np.sqrt(6.0 / (shape[0] + shape[1]))
        return jax.random.uniform(k, shape, dtype=jnp.float32, minval=-lim, maxval=lim)
    W1 = glorot(ks[3], (IN_CH, HID)); b1 = jnp.zeros((HID,), dtype=jnp.float32)
    W2 = glorot(ks[4], (HID, HID)); b2 = jnp.zeros((HID,), dtype=jnp.float32)
    W3 = glorot(ks[5], (HID, HID)); b3 = jnp.zeros((HID,), dtype=jnp.float32)
    W_lin = glorot(ks[6], (HID, OUT_CH)); b_lin = jnp.zeros((OUT_CH,), dtype=jnp.float32)
    return {"x": x, "edge_index": edge_index, "batch": batch,
            "W1": W1, "b1": b1, "W2": W2, "b2": b2, "W3": W3, "b3": b3,
            "W_lin": W_lin, "b_lin": b_lin}


def reference(x, edge_index, batch, W1, b1, W2, b2, W3, b3, W_lin, b_lin):
    num_nodes = x.shape[0]
    src, dst = edge_index[0], edge_index[1]
    h = jax.nn.relu(gcn_conv(x, src, dst, W1, b1, num_nodes))
    h = jax.nn.relu(gcn_conv(h, src, dst, W2, b2, num_nodes))
    h = jax.nn.relu(gcn_conv(h, src, dst, W3, b3, num_nodes))
    pooled = global_mean_pool(h, batch, N_GRAPHS)
    # dropout is identity at inference (training=False)
    out = pooled @ W_lin + b_lin
    return out


if False:  # reference __main__ guard neutralized (emitter)
    inp = setup_inputs()
    out = reference(**inp)
    print(out.shape)

if __name__ == "__main__":
    import jax
    _d = setup_inputs()
    print(jax.jit(kernel)(*tuple(_d.values())))

</pallas_src>

<mosaic_0001>
#map = affine_map<(d0, d1) -> (0, 0, 0)>
#map1 = affine_map<(d0, d1) -> (0, 0)>
module attributes {stable_mosaic.version = 14 : i64} {
  func.func @_deg_body(%arg0: i32, %arg1: i32, %arg2: memref<32x40x128xi32, #tpu.memory_space<hbm>>, %arg3: memref<128x128xf32, #tpu.memory_space<hbm>>, %arg4: memref<10240x128xf32, #tpu.memory_space<hbm>>, %arg5: memref<2x10240x128xf32, #tpu.memory_space<hbm>>, %arg6: memref<40x128xi32, #tpu.memory_space<vmem>>, %arg7: memref<128x128xf32, #tpu.memory_space<vmem>>, %arg8: memref<10240x128xf32, #tpu.memory_space<vmem_shared>>) attributes {dimension_semantics = [#tpu.dimension_semantics<core_parallel>, #tpu.dimension_semantics<subcore_parallel>], iteration_bounds = array<i64: 2, 16>, scalar_prefetch = 0 : i64, scratch_operands = 3 : i64, tpu.core_type = #tpu.core_type<sc_vector_subcore>, window_params = [{transform_indices = #map}, {transform_indices = #map1}, {transform_indices = #map1}, {transform_indices = #map}]} {
    %mul3A = arith.constant 16 : i32
    %mul3A_0 = arith.muli %arg0, %mul3A : i32
    %add3A = arith.addi %mul3A_0, %arg1 : i32
    %mul3A_1 = arith.constant 640 : i32
    %mul3A_2 = arith.muli %arg1, %mul3A_1 : i32
    "tpu.region"() ({
      %run_scoped3A = tpu.sem_alloc : memref<!tpu.dma_semaphore, #tpu.memory_space<semaphore_mem>>
      %dma_start3A = arith.constant 0 : i32
      %dma_start3A_9 = arith.constant 0 : i32
      %dma_start3A_10 = tpu.memref_slice %arg2[%add3A, %dma_start3A, %dma_start3A_9] : memref<32x40x128xi32, #tpu.memory_space<hbm>> -> memref<1x40x128xi32, #tpu.memory_space<hbm>>
      %dma_start3A_11 = tpu.memref_squeeze %dma_start3A_10 : memref<1x40x128xi32, #tpu.memory_space<hbm>> -> memref<40x128xi32, #tpu.memory_space<hbm>>
      %dma_start3A_12 = arith.constant 0 : i32
      %dma_start3A_13 = arith.constant 0 : i32
      %dma_start3A_14 = tpu.memref_slice %arg2[%add3A, %dma_start3A_12, %dma_start3A_13] : memref<32x40x128xi32, #tpu.memory_space<hbm>> -> memref<1x40x128xi32, #tpu.memory_space<hbm>>
      %dma_start3A_15 = tpu.memref_squeeze %dma_start3A_14 : memref<1x40x128xi32, #tpu.memory_space<hbm>> -> memref<40x128xi32, #tpu.memory_space<hbm>>
      tpu.enqueue_dma source(%dma_start3A_15 : memref<40x128xi32, #tpu.memory_space<hbm>>) target(%arg6 : memref<40x128xi32, #tpu.memory_space<vmem>>) target_semaphore(%run_scoped3A : memref<!tpu.dma_semaphore, #tpu.memory_space<semaphore_mem>>)
      %dma_wait3A = arith.constant 0 : i32
      %dma_wait3A_16 = arith.constant 0 : i32
      %dma_wait3A_17 = tpu.memref_slice %arg2[%add3A, %dma_wait3A, %dma_wait3A_16] : memref<32x40x128xi32, #tpu.memory_space<hbm>> -> memref<1x40x128xi32, #tpu.memory_space<hbm>>
      %dma_wait3A_18 = tpu.memref_squeeze %dma_wait3A_17 : memref<1x40x128xi32, #tpu.memory_space<hbm>> -> memref<40x128xi32, #tpu.memory_space<hbm>>
      %dma_wait3A_19 = arith.constant 0 : i32
      %dma_wait3A_20 = arith.constant 0 : i32
      %dma_wait3A_21 = tpu.memref_slice %arg2[%add3A, %dma_wait3A_19, %dma_wait3A_20] : memref<32x40x128xi32, #tpu.memory_space<hbm>> -> memref<1x40x128xi32, #tpu.memory_space<hbm>>
      %dma_wait3A_22 = tpu.memref_squeeze %dma_wait3A_21 : memref<1x40x128xi32, #tpu.memory_space<hbm>> -> memref<40x128xi32, #tpu.memory_space<hbm>>
      tpu.wait_dma2 semaphore(%run_scoped3A : memref<!tpu.dma_semaphore, #tpu.memory_space<semaphore_mem>>) src(%dma_wait3A_22 : memref<40x128xi32, #tpu.memory_space<hbm>>) dst(%arg6 : memref<40x128xi32, #tpu.memory_space<vmem>>)
      tpu.yield
    }) : () -> ()
    "tpu.region"() ({
      %run_scoped3A = tpu.sem_alloc : memref<!tpu.dma_semaphore, #tpu.memory_space<semaphore_mem>>
      tpu.enqueue_dma source(%arg3 : memref<128x128xf32, #tpu.memory_space<hbm>>) target(%arg7 : memref<128x128xf32, #tpu.memory_space<vmem>>) target_semaphore(%run_scoped3A : memref<!tpu.dma_semaphore, #tpu.memory_space<semaphore_mem>>)
      tpu.wait_dma2 semaphore(%run_scoped3A : memref<!tpu.dma_semaphore, #tpu.memory_space<semaphore_mem>>) src(%arg3 : memref<128x128xf32, #tpu.memory_space<hbm>>) dst(%arg7 : memref<128x128xf32, #tpu.memory_space<vmem>>)
      tpu.yield
    }) : () -> ()
    "tpu.region"() ({
      %run_scoped3A = tpu.sem_alloc : memref<!tpu.dma_semaphore, #tpu.memory_space<semaphore_mem>>
      %dma_start3A = arith.constant 0 : i32
      %dma_start3A_9 = tpu.memref_slice %arg8[%mul3A_2, %dma_start3A] : memref<10240x128xf32, #tpu.memory_space<vmem_shared>> -> memref<640x128xf32, #tpu.memory_space<vmem_shared>>
      %dma_start3A_10 = arith.constant 0 : i32
      %dma_start3A_11 = tpu.memref_slice %arg4[%mul3A_2, %dma_start3A_10] : memref<10240x128xf32, #tpu.memory_space<hbm>> -> memref<640x128xf32, #tpu.memory_space<hbm>>
      tpu.enqueue_dma source(%dma_start3A_11 : memref<640x128xf32, #tpu.memory_space<hbm>>) target(%dma_start3A_9 : memref<640x128xf32, #tpu.memory_space<vmem_shared>>) target_semaphore(%run_scoped3A : memref<!tpu.dma_semaphore, #tpu.memory_space<semaphore_mem>>)
      %dma_wait3A = arith.constant 0 : i32
      %dma_wait3A_12 = tpu.memref_slice %arg8[%mul3A_2, %dma_wait3A] : memref<10240x128xf32, #tpu.memory_space<vmem_shared>> -> memref<640x128xf32, #tpu.memory_space<vmem_shared>>
      %dma_wait3A_13 = arith.constant 0 : i32
      %dma_wait3A_14 = tpu.memref_slice %arg4[%mul3A_2, %dma_wait3A_13] : memref<10240x128xf32, #tpu.memory_space<hbm>> -> memref<640x128xf32, #tpu.memory_space<hbm>>
      tpu.wait_dma2 semaphore(%run_scoped3A : memref<!tpu.dma_semaphore, #tpu.memory_space<semaphore_mem>>) src(%dma_wait3A_14 : memref<640x128xf32, #tpu.memory_space<hbm>>) dst(%dma_wait3A_12 : memref<640x128xf32, #tpu.memory_space<vmem_shared>>)
      tpu.yield
    }) : () -> ()
    %barrier3A = arith.constant 0 : index
    tpu.barrier barrier_id(%barrier3A)
    %scan3A = arith.constant 0 : i32
    %scan3A_3 = arith.constant 0 : i32
    %scan3A_4 = arith.constant 40 : i32
    %scan3A_5 = arith.addi %scan3A_3, %scan3A_4 : i32
    %scan3A_6 = arith.constant 1 : i32
    scf.for %scan3A_9 = %scan3A_3 to %scan3A_5 step %scan3A_6  : i32 {
      "tpu.region"() ({
        %run_scoped3A = tpu.sem_alloc : memref<!tpu.dma_semaphore, #tpu.memory_space<semaphore_mem>>
        %dma_start3A = arith.constant 0 : i32
        %dma_start3A_10 = tpu.memref_slice %arg6[%scan3A_9, %dma_start3A] : memref<40x128xi32, #tpu.memory_space<vmem>> -> memref<1x128xi32, #tpu.memory_space<vmem>>
        %dma_start3A_11 = tpu.memref_squeeze %dma_start3A_10 : memref<1x128xi32, #tpu.memory_space<vmem>> -> memref<128xi32, #tpu.memory_space<vmem>>
        %dma_start3A_12 = arith.constant 0 : i32
        %dma_start3A_13 = arith.constant 0 : i32
        %dma_start3A_14 = tpu.memref_slice %arg8[%dma_start3A_12, %dma_start3A_13] : memref<10240x128xf32, #tpu.memory_space<vmem_shared>> -> memref<10240x128xf32, #tpu.memory_space<vmem_shared>>
        tpu.enqueue_indirect_dma source(%arg7 : memref<128x128xf32, #tpu.memory_space<vmem>>) target(%dma_start3A_14 : memref<10240x128xf32, #tpu.memory_space<vmem_shared>>) offsets(%dma_start3A_11 : memref<128xi32, #tpu.memory_space<vmem>>) semaphore(%run_scoped3A : memref<!tpu.dma_semaphore, #tpu.memory_space<semaphore_mem>>) {add = true}
        %dma_wait3A = arith.constant 0 : i32
        %dma_wait3A_15 = tpu.memref_slice %arg6[%scan3A_9, %dma_wait3A] : memref<40x128xi32, #tpu.memory_space<vmem>> -> memref<1x128xi32, #tpu.memory_space<vmem>>
        %dma_wait3A_16 = tpu.memref_squeeze %dma_wait3A_15 : memref<1x128xi32, #tpu.memory_space<vmem>> -> memref<128xi32, #tpu.memory_space<vmem>>
        %dma_wait3A_17 = arith.constant 0 : i32
        %dma_wait3A_18 = arith.constant 0 : i32
        %dma_wait3A_19 = tpu.memref_slice %arg8[%dma_wait3A_17, %dma_wait3A_18] : memref<10240x128xf32, #tpu.memory_space<vmem_shared>> -> memref<10240x128xf32, #tpu.memory_space<vmem_shared>>
        tpu.wait_indirect_dma semaphore(%run_scoped3A : memref<!tpu.dma_semaphore, #tpu.memory_space<semaphore_mem>>) src(%arg7 : memref<128x128xf32, #tpu.memory_space<vmem>>) dst(%dma_wait3A_19 : memref<10240x128xf32, #tpu.memory_space<vmem_shared>>)
        tpu.yield
      }) : () -> ()
    }
    %scan3A_7 = arith.constant 40 : i32
    %barrier3A_8 = arith.constant 0 : index
    tpu.barrier barrier_id(%barrier3A_8)
    "tpu.region"() ({
      %run_scoped3A = tpu.sem_alloc : memref<!tpu.dma_semaphore, #tpu.memory_space<semaphore_mem>>
      %dma_start3A = arith.constant 0 : i32
      %dma_start3A_9 = tpu.memref_slice %arg5[%arg0, %mul3A_2, %dma_start3A] : memref<2x10240x128xf32, #tpu.memory_space<hbm>> -> memref<1x640x128xf32, #tpu.memory_space<hbm>>
      %dma_start3A_10 = tpu.memref_squeeze %dma_start3A_9 : memref<1x640x128xf32, #tpu.memory_space<hbm>> -> memref<640x128xf32, #tpu.memory_space<hbm>>
      %dma_start3A_11 = arith.constant 0 : i32
      %dma_start3A_12 = tpu.memref_slice %arg8[%mul3A_2, %dma_start3A_11] : memref<10240x128xf32, #tpu.memory_space<vmem_shared>> -> memref<640x128xf32, #tpu.memory_space<vmem_shared>>
      tpu.enqueue_dma source(%dma_start3A_12 : memref<640x128xf32, #tpu.memory_space<vmem_shared>>) target(%dma_start3A_10 : memref<640x128xf32, #tpu.memory_space<hbm>>) target_semaphore(%run_scoped3A : memref<!tpu.dma_semaphore, #tpu.memory_space<semaphore_mem>>)
      %dma_wait3A = arith.constant 0 : i32
      %dma_wait3A_13 = tpu.memref_slice %arg5[%arg0, %mul3A_2, %dma_wait3A] : memref<2x10240x128xf32, #tpu.memory_space<hbm>> -> memref<1x640x128xf32, #tpu.memory_space<hbm>>
      %dma_wait3A_14 = tpu.memref_squeeze %dma_wait3A_13 : memref<1x640x128xf32, #tpu.memory_space<hbm>> -> memref<640x128xf32, #tpu.memory_space<hbm>>
      %dma_wait3A_15 = arith.constant 0 : i32
      %dma_wait3A_16 = tpu.memref_slice %arg8[%mul3A_2, %dma_wait3A_15] : memref<10240x128xf32, #tpu.memory_space<vmem_shared>> -> memref<640x128xf32, #tpu.memory_space<vmem_shared>>
      tpu.wait_dma2 semaphore(%run_scoped3A : memref<!tpu.dma_semaphore, #tpu.memory_space<semaphore_mem>>) src(%dma_wait3A_16 : memref<640x128xf32, #tpu.memory_space<vmem_shared>>) dst(%dma_wait3A_14 : memref<640x128xf32, #tpu.memory_space<hbm>>)
      tpu.yield
    }) : () -> ()
    return
  }
}

#map = affine_map<(d0, d1) -> (0, 0, 0)>
#map1 = affine_map<(d0, d1) -> (0, 0, 0, 0, 0)>
module attributes {stable_mosaic.version = 14 : i64} {
  func.func @_agg_body(%arg0: i32, %arg1: i32, %arg2: memref<10240x2x128xbf16, #tpu.memory_space<hbm>>, %arg3: memref<10240x2x128xbf16, #tpu.memory_space<hbm>>, %arg4: memref<32x40x128xi32, #tpu.memory_space<hbm>>, %arg5: memref<32x40x128xi32, #tpu.memory_space<hbm>>, %arg6: memref<10240x2x128xbf16, #tpu.memory_space<hbm>>, %arg7: memref<2x2x10240x2x128xbf16, #tpu.memory_space<hbm>>, %arg8: memref<40x128xi32, #tpu.memory_space<vmem>>, %arg9: memref<40x128xi32, #tpu.memory_space<vmem>>, %arg10: memref<2x128x2x128xbf16, #tpu.memory_space<vmem>>, %arg11: memref<2x!tpu.dma_semaphore, #tpu.memory_space<semaphore_mem>>, %arg12: memref<2x!tpu.dma_semaphore, #tpu.memory_space<semaphore_mem>>, %arg13: memref<10240x2x128xbf16, #tpu.memory_space<vmem_shared>>) attributes {dimension_semantics = [#tpu.dimension_semantics<core_parallel>, #tpu.dimension_semantics<subcore_parallel>], iteration_bounds = array<i64: 2, 16>, scalar_prefetch = 0 : i64, scratch_operands = 6 : i64, tpu.core_type = #tpu.core_type<sc_vector_subcore>, window_params = [{transform_indices = #map}, {transform_indices = #map}, {transform_indices = #map}, {transform_indices = #map}, {transform_indices = #map}, {transform_indices = #map1}]} {
    %mul3A = arith.constant 16 : i32
    %mul3A_0 = arith.muli %arg0, %mul3A : i32
    %add3A = arith.addi %mul3A_0, %arg1 : i32
    %mul3A_1 = arith.constant 640 : i32
    %mul3A_2 = arith.muli %arg1, %mul3A_1 : i32
    "tpu.region"() ({
      %run_scoped3A_290 = tpu.sem_alloc : memref<!tpu.dma_semaphore, #tpu.memory_space<semaphore_mem>>
      %dma_start3A_291 = arith.constant 0 : i32
      %dma_start3A_292 = arith.constant 0 : i32
      %dma_start3A_293 = tpu.memref_slice %arg13[%mul3A_2, %dma_start3A_291, %dma_start3A_292] : memref<10240x2x128xbf16, #tpu.memory_space<vmem_shared>> -> memref<640x2x128xbf16, #tpu.memory_space<vmem_shared>>
      %dma_start3A_294 = arith.constant 0 : i32
      %dma_start3A_295 = arith.constant 0 : i32
      %dma_start3A_296 = tpu.memref_slice %arg6[%mul3A_2, %dma_start3A_294, %dma_start3A_295] : memref<10240x2x128xbf16, #tpu.memory_space<hbm>> -> memref<640x2x128xbf16, #tpu.memory_space<hbm>>
      tpu.enqueue_dma source(%dma_start3A_296 : memref<640x2x128xbf16, #tpu.memory_space<hbm>>) target(%dma_start3A_293 : memref<640x2x128xbf16, #tpu.memory_space<vmem_shared>>) target_semaphore(%run_scoped3A_290 : memref<!tpu.dma_semaphore, #tpu.memory_space<semaphore_mem>>)
      %dma_wait3A_297 = arith.constant 0 : i32
      %dma_wait3A_298 = arith.constant 0 : i32
      %dma_wait3A_299 = tpu.memref_slice %arg13[%mul3A_2, %dma_wait3A_297, %dma_wait3A_298] : memref<10240x2x128xbf16, #tpu.memory_space<vmem_shared>> -> memref<640x2x128xbf16, #tpu.memory_space<vmem_shared>>
      %dma_wait3A_300 = arith.constant 0 : i32
      %dma_wait3A_301 = arith.constant 0 : i32
      %dma_wait3A_302 = tpu.memref_slice %arg6[%mul3A_2, %dma_wait3A_300, %dma_wait3A_301] : memref<10240x2x128xbf16, #tpu.memory_space<hbm>> -> memref<640x2x128xbf16, #tpu.memory_space<hbm>>
      tpu.wait_dma2 semaphore(%run_scoped3A_290 : memref<!tpu.dma_semaphore, #tpu.memory_space<semaphore_mem>>) src(%dma_wait3A_302 : memref<640x2x128xbf16, #tpu.memory_space<hbm>>) dst(%dma_wait3A_299 : memref<640x2x128xbf16, #tpu.memory_space<vmem_shared>>)
      tpu.yield
    }) : () -> ()
    %barrier3A = arith.constant 0 : index
    tpu.barrier barrier_id(%barrier3A)
    "tpu.region"() ({
      %run_scoped3A_290 = tpu.sem_alloc : memref<!tpu.dma_semaphore, #tpu.memory_space<semaphore_mem>>
      %dma_start3A_291 = arith.constant 0 : i32
      %dma_start3A_292 = arith.constant 0 : i32
      %dma_start3A_293 = tpu.memref_slice %arg4[%add3A, %dma_start3A_291, %dma_start3A_292] : memref<32x40x128xi32, #tpu.memory_space<hbm>> -> memref<1x40x128xi32, #tpu.memory_space<hbm>>
      %dma_start3A_294 = tpu.memref_squeeze %dma_start3A_293 : memref<1x40x128xi32, #tpu.memory_space<hbm>> -> memref<40x128xi32, #tpu.memory_space<hbm>>
      %dma_start3A_295 = arith.constant 0 : i32
      %dma_start3A_296 = arith.constant 0 : i32
      %dma_start3A_297 = tpu.memref_slice %arg4[%add3A, %dma_start3A_295, %dma_start3A_296] : memref<32x40x128xi32, #tpu.memory_space<hbm>> -> memref<1x40x128xi32, #tpu.memory_space<hbm>>
      %dma_start3A_298 = tpu.memref_squeeze %dma_start3A_297 : memref<1x40x128xi32, #tpu.memory_space<hbm>> -> memref<40x128xi32, #tpu.memory_space<hbm>>
      tpu.enqueue_dma source(%dma_start3A_298 : memref<40x128xi32, #tpu.memory_space<hbm>>) target(%arg8 : memref<40x128xi32, #tpu.memory_space<vmem>>) target_semaphore(%run_scoped3A_290 : memref<!tpu.dma_semaphore, #tpu.memory_space<semaphore_mem>>)
      %dma_wait3A_299 = arith.constant 0 : i32
      %dma_wait3A_300 = arith.constant 0 : i32
      %dma_wait3A_301 = tpu.memref_slice %arg4[%add3A, %dma_wait3A_299, %dma_wait3A_300] : memref<32x40x128xi32, #tpu.memory_space<hbm>> -> memref<1x40x128xi32, #tpu.memory_space<hbm>>
      %dma_wait3A_302 = tpu.memref_squeeze %dma_wait3A_301 : memref<1x40x128xi32, #tpu.memory_space<hbm>> -> memref<40x128xi32, #tpu.memory_space<hbm>>
      %dma_wait3A_303 = arith.constant 0 : i32
      %dma_wait3A_304 = arith.constant 0 : i32
      %dma_wait3A_305 = tpu.memref_slice %arg4[%add3A, %dma_wait3A_303, %dma_wait3A_304] : memref<32x40x128xi32, #tpu.memory_space<hbm>> -> memref<1x40x128xi32, #tpu.memory_space<hbm>>
      %dma_wait3A_306 = tpu.memref_squeeze %dma_wait3A_305 : memref<1x40x128xi32, #tpu.memory_space<hbm>> -> memref<40x128xi32, #tpu.memory_space<hbm>>
      tpu.wait_dma2 semaphore(%run_scoped3A_290 : memref<!tpu.dma_semaphore, #tpu.memory_space<semaphore_mem>>) src(%dma_wait3A_306 : memref<40x128xi32, #tpu.memory_space<hbm>>) dst(%arg8 : memref<40x128xi32, #tpu.memory_space<vmem>>)
      tpu.yield
    }) : () -> ()
    "tpu.region"() ({
      %run_scoped3A_290 = tpu.sem_alloc : memref<!tpu.dma_semaphore, #tpu.memory_space<semaphore_mem>>
      %dma_start3A_291 = arith.constant 0 : i32
      %dma_start3A_292 = arith.constant 0 : i32
      %dma_start3A_293 = tpu.memref_slice %arg5[%add3A, %dma_start3A_291, %dma_start3A_292] : memref<32x40x128xi32, #tpu.memory_space<hbm>> -> memref<1x40x128xi32, #tpu.memory_space<hbm>>
      %dma_start3A_294 = tpu.memref_squeeze %dma_start3A_293 : memref<1x40x128xi32, #tpu.memory_space<hbm>> -> memref<40x128xi32, #tpu.memory_space<hbm>>
      %dma_start3A_295 = arith.constant 0 : i32
      %dma_start3A_296 = arith.constant 0 : i32
      %dma_start3A_297 = tpu.memref_slice %arg5[%add3A, %dma_start3A_295, %dma_start3A_296] : memref<32x40x128xi32, #tpu.memory_space<hbm>> -> memref<1x40x128xi32, #tpu.memory_space<hbm>>
      %dma_start3A_298 = tpu.memref_squeeze %dma_start3A_297 : memref<1x40x128xi32, #tpu.memory_space<hbm>> -> memref<40x128xi32, #tpu.memory_space<hbm>>
      tpu.enqueue_dma source(%dma_start3A_298 : memref<40x128xi32, #tpu.memory_space<hbm>>) target(%arg9 : memref<40x128xi32, #tpu.memory_space<vmem>>) target_semaphore(%run_scoped3A_290 : memref<!tpu.dma_semaphore, #tpu.memory_space<semaphore_mem>>)
      %dma_wait3A_299 = arith.constant 0 : i32
      %dma_wait3A_300 = arith.constant 0 : i32
      %dma_wait3A_301 = tpu.memref_slice %arg5[%add3A, %dma_wait3A_299, %dma_wait3A_300] : memref<32x40x128xi32, #tpu.memory_space<hbm>> -> memref<1x40x128xi32, #tpu.memory_space<hbm>>
      %dma_wait3A_302 = tpu.memref_squeeze %dma_wait3A_301 : memref<1x40x128xi32, #tpu.memory_space<hbm>> -> memref<40x128xi32, #tpu.memory_space<hbm>>
      %dma_wait3A_303 = arith.constant 0 : i32
      %dma_wait3A_304 = arith.constant 0 : i32
      %dma_wait3A_305 = tpu.memref_slice %arg5[%add3A, %dma_wait3A_303, %dma_wait3A_304] : memref<32x40x128xi32, #tpu.memory_space<hbm>> -> memref<1x40x128xi32, #tpu.memory_space<hbm>>
      %dma_wait3A_306 = tpu.memref_squeeze %dma_wait3A_305 : memref<1x40x128xi32, #tpu.memory_space<hbm>> -> memref<40x128xi32, #tpu.memory_space<hbm>>
      tpu.wait_dma2 semaphore(%run_scoped3A_290 : memref<!tpu.dma_semaphore, #tpu.memory_space<semaphore_mem>>) src(%dma_wait3A_306 : memref<40x128xi32, #tpu.memory_space<hbm>>) dst(%arg9 : memref<40x128xi32, #tpu.memory_space<vmem>>)
      tpu.yield
    }) : () -> ()
    %dma_start3A = arith.constant 0 : i32
    %dma_start3A_3 = arith.constant 0 : i32
    %dma_start3A_4 = arith.constant 0 : i32
    %dma_start3A_5 = arith.constant 0 : i32
    %dma_start3A_6 = arith.constant 0 : i32
    %dma_start3A_7 = arith.constant 0 : i32
    %dma_start3A_8 = tpu.memref_slice %arg10[%dma_start3A_3, %dma_start3A_5, %dma_start3A_6, %dma_start3A_7] : memref<2x128x2x128xbf16, #tpu.memory_space<vmem>> -> memref<1x128x2x128xbf16, #tpu.memory_space<vmem>>
    %dma_start3A_9 = tpu.memref_squeeze %dma_start3A_8 : memref<1x128x2x128xbf16, #tpu.memory_space<vmem>> -> memref<128x2x128xbf16, #tpu.memory_space<vmem>>
    %dma_start3A_10 = arith.constant 0 : i32
    %dma_start3A_11 = tpu.memref_slice %arg8[%dma_start3A, %dma_start3A_10] : memref<40x128xi32, #tpu.memory_space<vmem>> -> memref<1x128xi32, #tpu.memory_space<vmem>>
    %dma_start3A_12 = tpu.memref_squeeze %dma_start3A_11 : memref<1x128xi32, #tpu.memory_space<vmem>> -> memref<128xi32, #tpu.memory_space<vmem>>
    %dma_start3A_13 = arith.constant 0 : i32
    %dma_start3A_14 = arith.constant 0 : i32
    %dma_start3A_15 = arith.constant 0 : i32
    %dma_start3A_16 = tpu.memref_slice %arg2[%dma_start3A_13, %dma_start3A_14, %dma_start3A_15] : memref<10240x2x128xbf16, #tpu.memory_space<hbm>> -> memref<10240x2x128xbf16, #tpu.memory_space<hbm>>
    %dma_start3A_17 = tpu.memref_slice %arg11[%dma_start3A_4] : memref<2x!tpu.dma_semaphore, #tpu.memory_space<semaphore_mem>> -> memref<1x!tpu.dma_semaphore, #tpu.memory_space<semaphore_mem>>
    %dma_start3A_18 = tpu.memref_squeeze %dma_start3A_17 : memref<1x!tpu.dma_semaphore, #tpu.memory_space<semaphore_mem>> -> memref<!tpu.dma_semaphore, #tpu.memory_space<semaphore_mem>>
    tpu.enqueue_indirect_dma source(%dma_start3A_16 : memref<10240x2x128xbf16, #tpu.memory_space<hbm>>) target(%dma_start3A_9 : memref<128x2x128xbf16, #tpu.memory_space<vmem>>) offsets(%dma_start3A_12 : memref<128xi32, #tpu.memory_space<vmem>>) semaphore(%dma_start3A_18 : memref<!tpu.dma_semaphore, #tpu.memory_space<semaphore_mem>>)
    %dma_start3A_19 = arith.constant 1 : i32
    %dma_start3A_20 = arith.constant 1 : i32
    %dma_start3A_21 = arith.constant 1 : i32
    %dma_start3A_22 = arith.constant 0 : i32
    %dma_start3A_23 = arith.constant 0 : i32
    %dma_start3A_24 = arith.constant 0 : i32
    %dma_start3A_25 = tpu.memref_slice %arg10[%dma_start3A_20, %dma_start3A_22, %dma_start3A_23, %dma_start3A_24] : memref<2x128x2x128xbf16, #tpu.memory_space<vmem>> -> memref<1x128x2x128xbf16, #tpu.memory_space<vmem>>
    %dma_start3A_26 = tpu.memref_squeeze %dma_start3A_25 : memref<1x128x2x128xbf16, #tpu.memory_space<vmem>> -> memref<128x2x128xbf16, #tpu.memory_space<vmem>>
    %dma_start3A_27 = arith.constant 0 : i32
    %dma_start3A_28 = tpu.memref_slice %arg8[%dma_start3A_19, %dma_start3A_27] : memref<40x128xi32, #tpu.memory_space<vmem>> -> memref<1x128xi32, #tpu.memory_space<vmem>>
    %dma_start3A_29 = tpu.memref_squeeze %dma_start3A_28 : memref<1x128xi32, #tpu.memory_space<vmem>> -> memref<128xi32, #tpu.memory_space<vmem>>
    %dma_start3A_30 = arith.constant 0 : i32
    %dma_start3A_31 = arith.constant 0 : i32
    %dma_start3A_32 = arith.constant 0 : i32
    %dma_start3A_33 = tpu.memref_slice %arg2[%dma_start3A_30, %dma_start3A_31, %dma_start3A_32] : memref<10240x2x128xbf16, #tpu.memory_space<hbm>> -> memref<10240x2x128xbf16, #tpu.memory_space<hbm>>
    %dma_start3A_34 = tpu.memref_slice %arg11[%dma_start3A_21] : memref<2x!tpu.dma_semaphore, #tpu.memory_space<semaphore_mem>> -> memref<1x!tpu.dma_semaphore, #tpu.memory_space<semaphore_mem>>
    %dma_start3A_35 = tpu.memref_squeeze %dma_start3A_34 : memref<1x!tpu.dma_semaphore, #tpu.memory_space<semaphore_mem>> -> memref<!tpu.dma_semaphore, #tpu.memory_space<semaphore_mem>>
    tpu.enqueue_indirect_dma source(%dma_start3A_33 : memref<10240x2x128xbf16, #tpu.memory_space<hbm>>) target(%dma_start3A_26 : memref<128x2x128xbf16, #tpu.memory_space<vmem>>) offsets(%dma_start3A_29 : memref<128xi32, #tpu.memory_space<vmem>>) semaphore(%dma_start3A_35 : memref<!tpu.dma_semaphore, #tpu.memory_space<semaphore_mem>>)
    %scan3A = arith.constant 0 : i32
    %scan3A_36 = arith.constant 0 : i32
    %scan3A_37 = arith.constant 19 : i32
    %scan3A_38 = arith.addi %scan3A_36, %scan3A_37 : i32
    %scan3A_39 = arith.constant 1 : i32
    scf.for %scan3A_290 = %scan3A_36 to %scan3A_38 step %scan3A_39  : i32 {
      %mul3A_291 = arith.constant 2 : i32
      %mul3A_292 = arith.muli %scan3A_290, %mul3A_291 : i32
      %add3A_293 = arith.constant 0 : i32
      %add3A_294 = arith.addi %mul3A_292, %add3A_293 : i32
      %dma_wait3A_295 = arith.constant 0 : i32
      %dma_wait3A_296 = arith.constant 0 : i32
      %dma_wait3A_297 = arith.constant 0 : i32
      %dma_wait3A_298 = arith.constant 0 : i32
      %dma_wait3A_299 = arith.constant 0 : i32
      %dma_wait3A_300 = tpu.memref_slice %arg10[%dma_wait3A_295, %dma_wait3A_297, %dma_wait3A_298, %dma_wait3A_299] : memref<2x128x2x128xbf16, #tpu.memory_space<vmem>> -> memref<1x128x2x128xbf16, #tpu.memory_space<vmem>>
      %dma_wait3A_301 = tpu.memref_squeeze %dma_wait3A_300 : memref<1x128x2x128xbf16, #tpu.memory_space<vmem>> -> memref<128x2x128xbf16, #tpu.memory_space<vmem>>
      %dma_wait3A_302 = arith.constant 0 : i32
      %dma_wait3A_303 = tpu.memref_slice %arg8[%add3A_294, %dma_wait3A_302] : memref<40x128xi32, #tpu.memory_space<vmem>> -> memref<1x128xi32, #tpu.memory_space<vmem>>
      %dma_wait3A_304 = tpu.memref_squeeze %dma_wait3A_303 : memref<1x128xi32, #tpu.memory_space<vmem>> -> memref<128xi32, #tpu.memory_space<vmem>>
      %dma_wait3A_305 = arith.constant 0 : i32
      %dma_wait3A_306 = arith.constant 0 : i32
      %dma_wait3A_307 = arith.constant 0 : i32
      %dma_wait3A_308 = tpu.memref_slice %arg2[%dma_wait3A_305, %dma_wait3A_306, %dma_wait3A_307] : memref<10240x2x128xbf16, #tpu.memory_space<hbm>> -> memref<10240x2x128xbf16, #tpu.memory_space<hbm>>
      %dma_wait3A_309 = tpu.memref_slice %arg11[%dma_wait3A_296] : memref<2x!tpu.dma_semaphore, #tpu.memory_space<semaphore_mem>> -> memref<1x!tpu.dma_semaphore, #tpu.memory_space<semaphore_mem>>
      %dma_wait3A_310 = tpu.memref_squeeze %dma_wait3A_309 : memref<1x!tpu.dma_semaphore, #tpu.memory_space<semaphore_mem>> -> memref<!tpu.dma_semaphore, #tpu.memory_space<semaphore_mem>>
      tpu.wait_indirect_dma semaphore(%dma_wait3A_310 : memref<!tpu.dma_semaphore, #tpu.memory_space<semaphore_mem>>) src(%dma_wait3A_308 : memref<10240x2x128xbf16, #tpu.memory_space<hbm>>) dst(%dma_wait3A_301 : memref<128x2x128xbf16, #tpu.memory_space<vmem>>)
      %dma_start3A_311 = arith.constant 0 : i32
      %dma_start3A_312 = arith.constant 0 : i32
      %dma_start3A_313 = arith.constant 0 : i32
      %dma_start3A_314 = arith.constant 0 : i32
      %dma_start3A_315 = arith.constant 0 : i32
      %dma_start3A_316 = tpu.memref_slice %arg10[%dma_start3A_311, %dma_start3A_313, %dma_start3A_314, %dma_start3A_315] : memref<2x128x2x128xbf16, #tpu.memory_space<vmem>> -> memref<1x128x2x128xbf16, #tpu.memory_space<vmem>>
      %dma_start3A_317 = tpu.memref_squeeze %dma_start3A_316 : memref<1x128x2x128xbf16, #tpu.memory_space<vmem>> -> memref<128x2x128xbf16, #tpu.memory_space<vmem>>
      %dma_start3A_318 = arith.constant 0 : i32
      %dma_start3A_319 = tpu.memref_slice %arg9[%add3A_294, %dma_start3A_318] : memref<40x128xi32, #tpu.memory_space<vmem>> -> memref<1x128xi32, #tpu.memory_space<vmem>>
      %dma_start3A_320 = tpu.memref_squeeze %dma_start3A_319 : memref<1x128xi32, #tpu.memory_space<vmem>> -> memref<128xi32, #tpu.memory_space<vmem>>
      %dma_start3A_321 = arith.constant 0 : i32
      %dma_start3A_322 = arith.constant 0 : i32
      %dma_start3A_323 = arith.constant 0 : i32
      %dma_start3A_324 = tpu.memref_slice %arg13[%dma_start3A_321, %dma_start3A_322, %dma_start3A_323] : memref<10240x2x128xbf16, #tpu.memory_space<vmem_shared>> -> memref<10240x2x128xbf16, #tpu.memory_space<vmem_shared>>
      %dma_start3A_325 = tpu.memref_slice %arg12[%dma_start3A_312] : memref<2x!tpu.dma_semaphore, #tpu.memory_space<semaphore_mem>> -> memref<1x!tpu.dma_semaphore, #tpu.memory_space<semaphore_mem>>
      %dma_start3A_326 = tpu.memref_squeeze %dma_start3A_325 : memref<1x!tpu.dma_semaphore, #tpu.memory_space<semaphore_mem>> -> memref<!tpu.dma_semaphore, #tpu.memory_space<semaphore_mem>>
      tpu.enqueue_indirect_dma source(%dma_start3A_317 : memref<128x2x128xbf16, #tpu.memory_space<vmem>>) target(%dma_start3A_324 : memref<10240x2x128xbf16, #tpu.memory_space<vmem_shared>>) offsets(%dma_start3A_320 : memref<128xi32, #tpu.memory_space<vmem>>) semaphore(%dma_start3A_326 : memref<!tpu.dma_semaphore, #tpu.memory_space<semaphore_mem>>) {add = true}
      %mul3A_327 = arith.constant 2 : i32
      %mul3A_328 = arith.muli %scan3A_290, %mul3A_327 : i32
      %add3A_329 = arith.constant 1 : i32
      %add3A_330 = arith.addi %mul3A_328, %add3A_329 : i32
      %dma_wait3A_331 = arith.constant 1 : i32
      %dma_wait3A_332 = arith.constant 1 : i32
      %dma_wait3A_333 = arith.constant 0 : i32
      %dma_wait3A_334 = arith.constant 0 : i32
      %dma_wait3A_335 = arith.constant 0 : i32
      %dma_wait3A_336 = tpu.memref_slice %arg10[%dma_wait3A_331, %dma_wait3A_333, %dma_wait3A_334, %dma_wait3A_335] : memref<2x128x2x128xbf16, #tpu.memory_space<vmem>> -> memref<1x128x2x128xbf16, #tpu.memory_space<vmem>>
      %dma_wait3A_337 = tpu.memref_squeeze %dma_wait3A_336 : memref<1x128x2x128xbf16, #tpu.memory_space<vmem>> -> memref<128x2x128xbf16, #tpu.memory_space<vmem>>
      %dma_wait3A_338 = arith.constant 0 : i32
      %dma_wait3A_339 = tpu.memref_slice %arg8[%add3A_330, %dma_wait3A_338] : memref<40x128xi32, #tpu.memory_space<vmem>> -> memref<1x128xi32, #tpu.memory_space<vmem>>
      %dma_wait3A_340 = tpu.memref_squeeze %dma_wait3A_339 : memref<1x128xi32, #tpu.memory_space<vmem>> -> memref<128xi32, #tpu.memory_space<vmem>>
      %dma_wait3A_341 = arith.constant 0 : i32
      %dma_wait3A_342 = arith.constant 0 : i32
      %dma_wait3A_343 = arith.constant 0 : i32
      %dma_wait3A_344 = tpu.memref_slice %arg2[%dma_wait3A_341, %dma_wait3A_342, %dma_wait3A_343] : memref<10240x2x128xbf16, #tpu.memory_space<hbm>> -> memref<10240x2x128xbf16, #tpu.memory_space<hbm>>
      %dma_wait3A_345 = tpu.memref_slice %arg11[%dma_wait3A_332] : memref<2x!tpu.dma_semaphore, #tpu.memory_space<semaphore_mem>> -> memref<1x!tpu.dma_semaphore, #tpu.memory_space<semaphore_mem>>
      %dma_wait3A_346 = tpu.memref_squeeze %dma_wait3A_345 : memref<1x!tpu.dma_semaphore, #tpu.memory_space<semaphore_mem>> -> memref<!tpu.dma_semaphore, #tpu.memory_space<semaphore_mem>>
      tpu.wait_indirect_dma semaphore(%dma_wait3A_346 : memref<!tpu.dma_semaphore, #tpu.memory_space<semaphore_mem>>) src(%dma_wait3A_344 : memref<10240x2x128xbf16, #tpu.memory_space<hbm>>) dst(%dma_wait3A_337 : memref<128x2x128xbf16, #tpu.memory_space<vmem>>)
      %dma_start3A_347 = arith.constant 1 : i32
      %dma_start3A_348 = arith.constant 1 : i32
      %dma_start3A_349 = arith.constant 0 : i32
      %dma_start3A_350 = arith.constant 0 : i32
      %dma_start3A_351 = arith.constant 0 : i32
      %dma_start3A_352 = tpu.memref_slice %arg10[%dma_start3A_347, %dma_start3A_349, %dma_start3A_350, %dma_start3A_351] : memref<2x128x2x128xbf16, #tpu.memory_space<vmem>> -> memref<1x128x2x128xbf16, #tpu.memory_space<vmem>>
      %dma_start3A_353 = tpu.memref_squeeze %dma_start3A_352 : memref<1x128x2x128xbf16, #tpu.memory_space<vmem>> -> memref<128x2x128xbf16, #tpu.memory_space<vmem>>
      %dma_start3A_354 = arith.constant 0 : i32
      %dma_start3A_355 = tpu.memref_slice %arg9[%add3A_330, %dma_start3A_354] : memref<40x128xi32, #tpu.memory_space<vmem>> -> memref<1x128xi32, #tpu.memory_space<vmem>>
      %dma_start3A_356 = tpu.memref_squeeze %dma_start3A_355 : memref<1x128xi32, #tpu.memory_space<vmem>> -> memref<128xi32, #tpu.memory_space<vmem>>
      %dma_start3A_357 = arith.constant 0 : i32
      %dma_start3A_358 = arith.constant 0 : i32
      %dma_start3A_359 = arith.constant 0 : i32
      %dma_start3A_360 = tpu.memref_slice %arg13[%dma_start3A_357, %dma_start3A_358, %dma_start3A_359] : memref<10240x2x128xbf16, #tpu.memory_space<vmem_shared>> -> memref<10240x2x128xbf16, #tpu.memory_space<vmem_shared>>
      %dma_start3A_361 = tpu.memref_slice %arg12[%dma_start3A_348] : memref<2x!tpu.dma_semaphore, #tpu.memory_space<semaphore_mem>> -> memref<1x!tpu.dma_semaphore, #tpu.memory_space<semaphore_mem>>
      %dma_start3A_362 = tpu.memref_squeeze %dma_start3A_361 : memref<1x!tpu.dma_semaphore, #tpu.memory_space<semaphore_mem>> -> memref<!tpu.dma_semaphore, #tpu.memory_space<semaphore_mem>>
      tpu.enqueue_indirect_dma source(%dma_start3A_353 : memref<128x2x128xbf16, #tpu.memory_space<vmem>>) target(%dma_start3A_360 : memref<10240x2x128xbf16, #tpu.memory_space<vmem_shared>>) offsets(%dma_start3A_356 : memref<128xi32, #tpu.memory_space<vmem>>) semaphore(%dma_start3A_362 : memref<!tpu.dma_semaphore, #tpu.memory_space<semaphore_mem>>) {add = true}
      %mul3A_363 = arith.constant 2 : i32
      %mul3A_364 = arith.muli %scan3A_290, %mul3A_363 : i32
      %add3A_365 = arith.constant 0 : i32
      %add3A_366 = arith.addi %mul3A_364, %add3A_365 : i32
      %dma_wait3A_367 = arith.constant 0 : i32
      %dma_wait3A_368 = arith.constant 0 : i32
      %dma_wait3A_369 = arith.constant 0 : i32
      %dma_wait3A_370 = arith.constant 0 : i32
      %dma_wait3A_371 = arith.constant 0 : i32
      %dma_wait3A_372 = tpu.memref_slice %arg10[%dma_wait3A_367, %dma_wait3A_369, %dma_wait3A_370, %dma_wait3A_371] : memref<2x128x2x128xbf16, #tpu.memory_space<vmem>> -> memref<1x128x2x128xbf16, #tpu.memory_space<vmem>>
      %dma_wait3A_373 = tpu.memref_squeeze %dma_wait3A_372 : memref<1x128x2x128xbf16, #tpu.memory_space<vmem>> -> memref<128x2x128xbf16, #tpu.memory_space<vmem>>
      %dma_wait3A_374 = arith.constant 0 : i32
      %dma_wait3A_375 = tpu.memref_slice %arg9[%add3A_366, %dma_wait3A_374] : memref<40x128xi32, #tpu.memory_space<vmem>> -> memref<1x128xi32, #tpu.memory_space<vmem>>
      %dma_wait3A_376 = tpu.memref_squeeze %dma_wait3A_375 : memref<1x128xi32, #tpu.memory_space<vmem>> -> memref<128xi32, #tpu.memory_space<vmem>>
      %dma_wait3A_377 = arith.constant 0 : i32
      %dma_wait3A_378 = arith.constant 0 : i32
      %dma_wait3A_379 = arith.constant 0 : i32
      %dma_wait3A_380 = tpu.memref_slice %arg13[%dma_wait3A_377, %dma_wait3A_378, %dma_wait3A_379] : memref<10240x2x128xbf16, #tpu.memory_space<vmem_shared>> -> memref<10240x2x128xbf16, #tpu.memory_space<vmem_shared>>
      %dma_wait3A_381 = tpu.memref_slice %arg12[%dma_wait3A_368] : memref<2x!tpu.dma_semaphore, #tpu.memory_space<semaphore_mem>> -> memref<1x!tpu.dma_semaphore, #tpu.memory_space<semaphore_mem>>
      %dma_wait3A_382 = tpu.memref_squeeze %dma_wait3A_381 : memref<1x!tpu.dma_semaphore, #tpu.memory_space<semaphore_mem>> -> memref<!tpu.dma_semaphore, #tpu.memory_space<semaphore_mem>>
      tpu.wait_indirect_dma semaphore(%dma_wait3A_382 : memref<!tpu.dma_semaphore, #tpu.memory_space<semaphore_mem>>) src(%dma_wait3A_373 : memref<128x2x128xbf16, #tpu.memory_space<vmem>>) dst(%dma_wait3A_380 : memref<10240x2x128xbf16, #tpu.memory_space<vmem_shared>>)
      %add3A_383 = arith.constant 2 : i32
      %add3A_384 = arith.addi %add3A_366, %add3A_383 : i32
      %dma_start3A_385 = arith.constant 0 : i32
      %dma_start3A_386 = arith.constant 0 : i32
      %dma_start3A_387 = arith.constant 0 : i32
      %dma_start3A_388 = arith.constant 0 : i32
      %dma_start3A_389 = arith.constant 0 : i32
      %dma_start3A_390 = tpu.memref_slice %arg10[%dma_start3A_385, %dma_start3A_387, %dma_start3A_388, %dma_start3A_389] : memref<2x128x2x128xbf16, #tpu.memory_space<vmem>> -> memref<1x128x2x128xbf16, #tpu.memory_space<vmem>>
      %dma_start3A_391 = tpu.memref_squeeze %dma_start3A_390 : memref<1x128x2x128xbf16, #tpu.memory_space<vmem>> -> memref<128x2x128xbf16, #tpu.memory_space<vmem>>
      %dma_start3A_392 = arith.constant 0 : i32
      %dma_start3A_393 = tpu.memref_slice %arg8[%add3A_384, %dma_start3A_392] : memref<40x128xi32, #tpu.memory_space<vmem>> -> memref<1x128xi32, #tpu.memory_space<vmem>>
      %dma_start3A_394 = tpu.memref_squeeze %dma_start3A_393 : memref<1x128xi32, #tpu.memory_space<vmem>> -> memref<128xi32, #tpu.memory_space<vmem>>
      %dma_start3A_395 = arith.constant 0 : i32
      %dma_start3A_396 = arith.constant 0 : i32
      %dma_start3A_397 = arith.constant 0 : i32
      %dma_start3A_398 = tpu.memref_slice %arg2[%dma_start3A_395, %dma_start3A_396, %dma_start3A_397] : memref<10240x2x128xbf16, #tpu.memory_space<hbm>> -> memref<10240x2x128xbf16, #tpu.memory_space<hbm>>
      %dma_start3A_399 = tpu.memref_slice %arg11[%dma_start3A_386] : memref<2x!tpu.dma_semaphore, #tpu.memory_space<semaphore_mem>> -> memref<1x!tpu.dma_semaphore, #tpu.memory_space<semaphore_mem>>
      %dma_start3A_400 = tpu.memref_squeeze %dma_start3A_399 : memref<1x!tpu.dma_semaphore, #tpu.memory_space<semaphore_mem>> -> memref<!tpu.dma_semaphore, #tpu.memory_space<semaphore_mem>>
      tpu.enqueue_indirect_dma source(%dma_start3A_398 : memref<10240x2x128xbf16, #tpu.memory_space<hbm>>) target(%dma_start3A_391 : memref<128x2x128xbf16, #tpu.memory_space<vmem>>) offsets(%dma_start3A_394 : memref<128xi32, #tpu.memory_space<vmem>>) semaphore(%dma_start3A_400 : memref<!tpu.dma_semaphore, #tpu.memory_space<semaphore_mem>>)
      %mul3A_401 = arith.constant 2 : i32
      %mul3A_402 = arith.muli %scan3A_290, %mul3A_401 : i32
      %add3A_403 = arith.constant 1 : i32
      %add3A_404 = arith.addi %mul3A_402, %add3A_403 : i32
      %dma_wait3A_405 = arith.constant 1 : i32
      %dma_wait3A_406 = arith.constant 1 : i32
      %dma_wait3A_407 = arith.constant 0 : i32
      %dma_wait3A_408 = arith.constant 0 : i32
      %dma_wait3A_409 = arith.constant 0 : i32
      %dma_wait3A_410 = tpu.memref_slice %arg10[%dma_wait3A_405, %dma_wait3A_407, %dma_wait3A_408, %dma_wait3A_409] : memref<2x128x2x128xbf16, #tpu.memory_space<vmem>> -> memref<1x128x2x128xbf16, #tpu.memory_space<vmem>>
      %dma_wait3A_411 = tpu.memref_squeeze %dma_wait3A_410 : memref<1x128x2x128xbf16, #tpu.memory_space<vmem>> -> memref<128x2x128xbf16, #tpu.memory_space<vmem>>
      %dma_wait3A_412 = arith.constant 0 : i32
      %dma_wait3A_413 = tpu.memref_slice %arg9[%add3A_404, %dma_wait3A_412] : memref<40x128xi32, #tpu.memory_space<vmem>> -> memref<1x128xi32, #tpu.memory_space<vmem>>
      %dma_wait3A_414 = tpu.memref_squeeze %dma_wait3A_413 : memref<1x128xi32, #tpu.memory_space<vmem>> -> memref<128xi32, #tpu.memory_space<vmem>>
      %dma_wait3A_415 = arith.constant 0 : i32
      %dma_wait3A_416 = arith.constant 0 : i32
      %dma_wait3A_417 = arith.constant 0 : i32
      %dma_wait3A_418 = tpu.memref_slice %arg13[%dma_wait3A_415, %dma_wait3A_416, %dma_wait3A_417] : memref<10240x2x128xbf16, #tpu.memory_space<vmem_shared>> -> memref<10240x2x128xbf16, #tpu.memory_space<vmem_shared>>
      %dma_wait3A_419 = tpu.memref_slice %arg12[%dma_wait3A_406] : memref<2x!tpu.dma_semaphore, #tpu.memory_space<semaphore_mem>> -> memref<1x!tpu.dma_semaphore, #tpu.memory_space<semaphore_mem>>
      %dma_wait3A_420 = tpu.memref_squeeze %dma_wait3A_419 : memref<1x!tpu.dma_semaphore, #tpu.memory_space<semaphore_mem>> -> memref<!tpu.dma_semaphore, #tpu.memory_space<semaphore_mem>>
      tpu.wait_indirect_dma semaphore(%dma_wait3A_420 : memref<!tpu.dma_semaphore, #tpu.memory_space<semaphore_mem>>) src(%dma_wait3A_411 : memref<128x2x128xbf16, #tpu.memory_space<vmem>>) dst(%dma_wait3A_418 : memref<10240x2x128xbf16, #tpu.memory_space<vmem_shared>>)
      %add3A_421 = arith.constant 2 : i32
      %add3A_422 = arith.addi %add3A_404, %add3A_421 : i32
      %dma_start3A_423 = arith.constant 1 : i32
      %dma_start3A_424 = arith.constant 1 : i32
      %dma_start3A_425 = arith.constant 0 : i32
      %dma_start3A_426 = arith.constant 0 : i32
      %dma_start3A_427 = arith.constant 0 : i32
      %dma_start3A_428 = tpu.memref_slice %arg10[%dma_start3A_423, %dma_start3A_425, %dma_start3A_426, %dma_start3A_427] : memref<2x128x2x128xbf16, #tpu.memory_space<vmem>> -> memref<1x128x2x128xbf16, #tpu.memory_space<vmem>>
      %dma_start3A_429 = tpu.memref_squeeze %dma_start3A_428 : memref<1x128x2x128xbf16, #tpu.memory_space<vmem>> -> memref<128x2x128xbf16, #tpu.memory_space<vmem>>
      %dma_start3A_430 = arith.constant 0 : i32
      %dma_start3A_431 = tpu.memref_slice %arg8[%add3A_422, %dma_start3A_430] : memref<40x128xi32, #tpu.memory_space<vmem>> -> memref<1x128xi32, #tpu.memory_space<vmem>>
      %dma_start3A_432 = tpu.memref_squeeze %dma_start3A_431 : memref<1x128xi32, #tpu.memory_space<vmem>> -> memref<128xi32, #tpu.memory_space<vmem>>
      %dma_start3A_433 = arith.constant 0 : i32
      %dma_start3A_434 = arith.constant 0 : i32
      %dma_start3A_435 = arith.constant 0 : i32
      %dma_start3A_436 = tpu.memref_slice %arg2[%dma_start3A_433, %dma_start3A_434, %dma_start3A_435] : memref<10240x2x128xbf16, #tpu.memory_space<hbm>> -> memref<10240x2x128xbf16, #tpu.memory_space<hbm>>
      %dma_start3A_437 = tpu.memref_slice %arg11[%dma_start3A_424] : memref<2x!tpu.dma_semaphore, #tpu.memory_space<semaphore_mem>> -> memref<1x!tpu.dma_semaphore, #tpu.memory_space<semaphore_mem>>
      %dma_start3A_438 = tpu.memref_squeeze %dma_start3A_437 : memref<1x!tpu.dma_semaphore, #tpu.memory_space<semaphore_mem>> -> memref<!tpu.dma_semaphore, #tpu.memory_space<semaphore_mem>>
      tpu.enqueue_indirect_dma source(%dma_start3A_436 : memref<10240x2x128xbf16, #tpu.memory_space<hbm>>) target(%dma_start3A_429 : memref<128x2x128xbf16, #tpu.memory_space<vmem>>) offsets(%dma_start3A_432 : memref<128xi32, #tpu.memory_space<vmem>>) semaphore(%dma_start3A_438 : memref<!tpu.dma_semaphore, #tpu.memory_space<semaphore_mem>>)
    }
    %scan3A_40 = arith.constant 19 : i32
    %dma_wait3A = arith.constant 38 : i32
    %dma_wait3A_41 = arith.constant 0 : i32
    %dma_wait3A_42 = arith.constant 0 : i32
    %dma_wait3A_43 = arith.constant 0 : i32
    %dma_wait3A_44 = arith.constant 0 : i32
    %dma_wait3A_45 = arith.constant 0 : i32
    %dma_wait3A_46 = tpu.memref_slice %arg10[%dma_wait3A_41, %dma_wait3A_43, %dma_wait3A_44, %dma_wait3A_45] : memref<2x128x2x128xbf16, #tpu.memory_space<vmem>> -> memref<1x128x2x128xbf16, #tpu.memory_space<vmem>>
    %dma_wait3A_47 = tpu.memref_squeeze %dma_wait3A_46 : memref<1x128x2x128xbf16, #tpu.memory_space<vmem>> -> memref<128x2x128xbf16, #tpu.memory_space<vmem>>
    %dma_wait3A_48 = arith.constant 0 : i32
    %dma_wait3A_49 = tpu.memref_slice %arg8[%dma_wait3A, %dma_wait3A_48] : memref<40x128xi32, #tpu.memory_space<vmem>> -> memref<1x128xi32, #tpu.memory_space<vmem>>
    %dma_wait3A_50 = tpu.memref_squeeze %dma_wait3A_49 : memref<1x128xi32, #tpu.memory_space<vmem>> -> memref<128xi32, #tpu.memory_space<vmem>>
    %dma_wait3A_51 = arith.constant 0 : i32
    %dma_wait3A_52 = arith.constant 0 : i32
    %dma_wait3A_53 = arith.constant 0 : i32
    %dma_wait3A_54 = tpu.memref_slice %arg2[%dma_wait3A_51, %dma_wait3A_52, %dma_wait3A_53] : memref<10240x2x128xbf16, #tpu.memory_space<hbm>> -> memref<10240x2x128xbf16, #tpu.memory_space<hbm>>
    %dma_wait3A_55 = tpu.memref_slice %arg11[%dma_wait3A_42] : memref<2x!tpu.dma_semaphore, #tpu.memory_space<semaphore_mem>> -> memref<1x!tpu.dma_semaphore, #tpu.memory_space<semaphore_mem>>
    %dma_wait3A_56 = tpu.memref_squeeze %dma_wait3A_55 : memref<1x!tpu.dma_semaphore, #tpu.memory_space<semaphore_mem>> -> memref<!tpu.dma_semaphore, #tpu.memory_space<semaphore_mem>>
    tpu.wait_indirect_dma semaphore(%dma_wait3A_56 : memref<!tpu.dma_semaphore, #tpu.memory_space<semaphore_mem>>) src(%dma_wait3A_54 : memref<10240x2x128xbf16, #tpu.memory_space<hbm>>) dst(%dma_wait3A_47 : memref<128x2x128xbf16, #tpu.memory_space<vmem>>)
    %dma_start3A_57 = arith.constant 0 : i32
    %dma_start3A_58 = arith.constant 38 : i32
    %dma_start3A_59 = arith.constant 0 : i32
    %dma_start3A_60 = arith.constant 0 : i32
    %dma_start3A_61 = arith.constant 0 : i32
    %dma_start3A_62 = arith.constant 0 : i32
    %dma_start3A_63 = tpu.memref_slice %arg10[%dma_start3A_57, %dma_start3A_60, %dma_start3A_61, %dma_start3A_62] : memref<2x128x2x128xbf16, #tpu.memory_space<vmem>> -> memref<1x128x2x128xbf16, #tpu.memory_space<vmem>>
    %dma_start3A_64 = tpu.memref_squeeze %dma_start3A_63 : memref<1x128x2x128xbf16, #tpu.memory_space<vmem>> -> memref<128x2x128xbf16, #tpu.memory_space<vmem>>
    %dma_start3A_65 = arith.constant 0 : i32
    %dma_start3A_66 = tpu.memref_slice %arg9[%dma_start3A_58, %dma_start3A_65] : memref<40x128xi32, #tpu.memory_space<vmem>> -> memref<1x128xi32, #tpu.memory_space<vmem>>
    %dma_start3A_67 = tpu.memref_squeeze %dma_start3A_66 : memref<1x128xi32, #tpu.memory_space<vmem>> -> memref<128xi32, #tpu.memory_space<vmem>>
    %dma_start3A_68 = arith.constant 0 : i32
    %dma_start3A_69 = arith.constant 0 : i32
    %dma_start3A_70 = arith.constant 0 : i32
    %dma_start3A_71 = tpu.memref_slice %arg13[%dma_start3A_68, %dma_start3A_69, %dma_start3A_70] : memref<10240x2x128xbf16, #tpu.memory_space<vmem_shared>> -> memref<10240x2x128xbf16, #tpu.memory_space<vmem_shared>>
    %dma_start3A_72 = tpu.memref_slice %arg12[%dma_start3A_59] : memref<2x!tpu.dma_semaphore, #tpu.memory_space<semaphore_mem>> -> memref<1x!tpu.dma_semaphore, #tpu.memory_space<semaphore_mem>>
    %dma_start3A_73 = tpu.memref_squeeze %dma_start3A_72 : memref<1x!tpu.dma_semaphore, #tpu.memory_space<semaphore_mem>> -> memref<!tpu.dma_semaphore, #tpu.memory_space<semaphore_mem>>
    tpu.enqueue_indirect_dma source(%dma_start3A_64 : memref<128x2x128xbf16, #tpu.memory_space<vmem>>) target(%dma_start3A_71 : memref<10240x2x128xbf16, #tpu.memory_space<vmem_shared>>) offsets(%dma_start3A_67 : memref<128xi32, #tpu.memory_space<vmem>>) semaphore(%dma_start3A_73 : memref<!tpu.dma_semaphore, #tpu.memory_space<semaphore_mem>>) {add = true}
    %dma_wait3A_74 = arith.constant 39 : i32
    %dma_wait3A_75 = arith.constant 1 : i32
    %dma_wait3A_76 = arith.constant 1 : i32
    %dma_wait3A_77 = arith.constant 0 : i32
    %dma_wait3A_78 = arith.constant 0 : i32
    %dma_wait3A_79 = arith.constant 0 : i32
    %dma_wait3A_80 = tpu.memref_slice %arg10[%dma_wait3A_75, %dma_wait3A_77, %dma_wait3A_78, %dma_wait3A_79] : memref<2x128x2x128xbf16, #tpu.memory_space<vmem>> -> memref<1x128x2x128xbf16, #tpu.memory_space<vmem>>
    %dma_wait3A_81 = tpu.memref_squeeze %dma_wait3A_80 : memref<1x128x2x128xbf16, #tpu.memory_space<vmem>> -> memref<128x2x128xbf16, #tpu.memory_space<vmem>>
    %dma_wait3A_82 = arith.constant 0 : i32
    %dma_wait3A_83 = tpu.memref_slice %arg8[%dma_wait3A_74, %dma_wait3A_82] : memref<40x128xi32, #tpu.memory_space<vmem>> -> memref<1x128xi32, #tpu.memory_space<vmem>>
    %dma_wait3A_84 = tpu.memref_squeeze %dma_wait3A_83 : memref<1x128xi32, #tpu.memory_space<vmem>> -> memref<128xi32, #tpu.memory_space<vmem>>
    %dma_wait3A_85 = arith.constant 0 : i32
    %dma_wait3A_86 = arith.constant 0 : i32
    %dma_wait3A_87 = arith.constant 0 : i32
    %dma_wait3A_88 = tpu.memref_slice %arg2[%dma_wait3A_85, %dma_wait3A_86, %dma_wait3A_87] : memref<10240x2x128xbf16, #tpu.memory_space<hbm>> -> memref<10240x2x128xbf16, #tpu.memory_space<hbm>>
    %dma_wait3A_89 = tpu.memref_slice %arg11[%dma_wait3A_76] : memref<2x!tpu.dma_semaphore, #tpu.memory_space<semaphore_mem>> -> memref<1x!tpu.dma_semaphore, #tpu.memory_space<semaphore_mem>>
    %dma_wait3A_90 = tpu.memref_squeeze %dma_wait3A_89 : memref<1x!tpu.dma_semaphore, #tpu.memory_space<semaphore_mem>> -> memref<!tpu.dma_semaphore, #tpu.memory_space<semaphore_mem>>
    tpu.wait_indirect_dma semaphore(%dma_wait3A_90 : memref<!tpu.dma_semaphore, #tpu.memory_space<semaphore_mem>>) src(%dma_wait3A_88 : memref<10240x2x128xbf16, #tpu.memory_space<hbm>>) dst(%dma_wait3A_81 : memref<128x2x128xbf16, #tpu.memory_space<vmem>>)
    %dma_start3A_91 = arith.constant 1 : i32
    %dma_start3A_92 = arith.constant 39 : i32
    %dma_start3A_93 = arith.constant 1 : i32
    %dma_start3A_94 = arith.constant 0 : i32
    %dma_start3A_95 = arith.constant 0 : i32
    %dma_start3A_96 = arith.constant 0 : i32
    %dma_start3A_97 = tpu.memref_slice %arg10[%dma_start3A_91, %dma_start3A_94, %dma_start3A_95, %dma_start3A_96] : memref<2x128x2x128xbf16, #tpu.memory_space<vmem>> -> memref<1x128x2x128xbf16, #tpu.memory_space<vmem>>
    %dma_start3A_98 = tpu.memref_squeeze %dma_start3A_97 : memref<1x128x2x128xbf16, #tpu.memory_space<vmem>> -> memref<128x2x128xbf16, #tpu.memory_space<vmem>>
    %dma_start3A_99 = arith.constant 0 : i32
    %dma_start3A_100 = tpu.memref_slice %arg9[%dma_start3A_92, %dma_start3A_99] : memref<40x128xi32, #tpu.memory_space<vmem>> -> memref<1x128xi32, #tpu.memory_space<vmem>>
    %dma_start3A_101 = tpu.memref_squeeze %dma_start3A_100 : memref<1x128xi32, #tpu.memory_space<vmem>> -> memref<128xi32, #tpu.memory_space<vmem>>
    %dma_start3A_102 = arith.constant 0 : i32
    %dma_start3A_103 = arith.constant 0 : i32
    %dma_start3A_104 = arith.constant 0 : i32
    %dma_start3A_105 = tpu.memref_slice %arg13[%dma_start3A_102, %dma_start3A_103, %dma_start3A_104] : memref<10240x2x128xbf16, #tpu.memory_space<vmem_shared>> -> memref<10240x2x128xbf16, #tpu.memory_space<vmem_shared>>
    %dma_start3A_106 = tpu.memref_slice %arg12[%dma_start3A_93] : memref<2x!tpu.dma_semaphore, #tpu.memory_space<semaphore_mem>> -> memref<1x!tpu.dma_semaphore, #tpu.memory_space<semaphore_mem>>
    %dma_start3A_107 = tpu.memref_squeeze %dma_start3A_106 : memref<1x!tpu.dma_semaphore, #tpu.memory_space<semaphore_mem>> -> memref<!tpu.dma_semaphore, #tpu.memory_space<semaphore_mem>>
    tpu.enqueue_indirect_dma source(%dma_start3A_98 : memref<128x2x128xbf16, #tpu.memory_space<vmem>>) target(%dma_start3A_105 : memref<10240x2x128xbf16, #tpu.memory_space<vmem_shared>>) offsets(%dma_start3A_101 : memref<128xi32, #tpu.memory_space<vmem>>) semaphore(%dma_start3A_107 : memref<!tpu.dma_semaphore, #tpu.memory_space<semaphore_mem>>) {add = true}
    %dma_wait3A_108 = arith.constant 0 : i32
    %dma_wait3A_109 = arith.constant 38 : i32
    %dma_wait3A_110 = arith.constant 0 : i32
    %dma_wait3A_111 = arith.constant 0 : i32
    %dma_wait3A_112 = arith.constant 0 : i32
    %dma_wait3A_113 = arith.constant 0 : i32
    %dma_wait3A_114 = tpu.memref_slice %arg10[%dma_wait3A_108, %dma_wait3A_111, %dma_wait3A_112, %dma_wait3A_113] : memref<2x128x2x128xbf16, #tpu.memory_space<vmem>> -> memref<1x128x2x128xbf16, #tpu.memory_space<vmem>>
    %dma_wait3A_115 = tpu.memref_squeeze %dma_wait3A_114 : memref<1x128x2x128xbf16, #tpu.memory_space<vmem>> -> memref<128x2x128xbf16, #tpu.memory_space<vmem>>
    %dma_wait3A_116 = arith.constant 0 : i32
    %dma_wait3A_117 = tpu.memref_slice %arg9[%dma_wait3A_109, %dma_wait3A_116] : memref<40x128xi32, #tpu.memory_space<vmem>> -> memref<1x128xi32, #tpu.memory_space<vmem>>
    %dma_wait3A_118 = tpu.memref_squeeze %dma_wait3A_117 : memref<1x128xi32, #tpu.memory_space<vmem>> -> memref<128xi32, #tpu.memory_space<vmem>>
    %dma_wait3A_119 = arith.constant 0 : i32
    %dma_wait3A_120 = arith.constant 0 : i32
    %dma_wait3A_121 = arith.constant 0 : i32
    %dma_wait3A_122 = tpu.memref_slice %arg13[%dma_wait3A_119, %dma_wait3A_120, %dma_wait3A_121] : memref<10240x2x128xbf16, #tpu.memory_space<vmem_shared>> -> memref<10240x2x128xbf16, #tpu.memory_space<vmem_shared>>
    %dma_wait3A_123 = tpu.memref_slice %arg12[%dma_wait3A_110] : memref<2x!tpu.dma_semaphore, #tpu.memory_space<semaphore_mem>> -> memref<1x!tpu.dma_semaphore, #tpu.memory_space<semaphore_mem>>
    %dma_wait3A_124 = tpu.memref_squeeze %dma_wait3A_123 : memref<1x!tpu.dma_semaphore, #tpu.memory_space<semaphore_mem>> -> memref<!tpu.dma_semaphore, #tpu.memory_space<semaphore_mem>>
    tpu.wait_indirect_dma semaphore(%dma_wait3A_124 : memref<!tpu.dma_semaphore, #tpu.memory_space<semaphore_mem>>) src(%dma_wait3A_115 : memref<128x2x128xbf16, #tpu.memory_space<vmem>>) dst(%dma_wait3A_122 : memref<10240x2x128xbf16, #tpu.memory_space<vmem_shared>>)
    %dma_wait3A_125 = arith.constant 1 : i32
    %dma_wait3A_126 = arith.constant 39 : i32
    %dma_wait3A_127 = arith.constant 1 : i32
    %dma_wait3A_128 = arith.constant 0 : i32
    %dma_wait3A_129 = arith.constant 0 : i32
    %dma_wait3A_130 = arith.constant 0 : i32
    %dma_wait3A_131 = tpu.memref_slice %arg10[%dma_wait3A_125, %dma_wait3A_128, %dma_wait3A_129, %dma_wait3A_130] : memref<2x128x2x128xbf16, #tpu.memory_space<vmem>> -> memref<1x128x2x128xbf16, #tpu.memory_space<vmem>>
    %dma_wait3A_132 = tpu.memref_squeeze %dma_wait3A_131 : memref<1x128x2x128xbf16, #tpu.memory_space<vmem>> -> memref<128x2x128xbf16, #tpu.memory_space<vmem>>
    %dma_wait3A_133 = arith.constant 0 : i32
    %dma_wait3A_134 = tpu.memref_slice %arg9[%dma_wait3A_126, %dma_wait3A_133] : memref<40x128xi32, #tpu.memory_space<vmem>> -> memref<1x128xi32, #tpu.memory_space<vmem>>
    %dma_wait3A_135 = tpu.memref_squeeze %dma_wait3A_134 : memref<1x128xi32, #tpu.memory_space<vmem>> -> memref<128xi32, #tpu.memory_space<vmem>>
    %dma_wait3A_136 = arith.constant 0 : i32
    %dma_wait3A_137 = arith.constant 0 : i32
    %dma_wait3A_138 = arith.constant 0 : i32
    %dma_wait3A_139 = tpu.memref_slice %arg13[%dma_wait3A_136, %dma_wait3A_137, %dma_wait3A_138] : memref<10240x2x128xbf16, #tpu.memory_space<vmem_shared>> -> memref<10240x2x128xbf16, #tpu.memory_space<vmem_shared>>
    %dma_wait3A_140 = tpu.memref_slice %arg12[%dma_wait3A_127] : memref<2x!tpu.dma_semaphore, #tpu.memory_space<semaphore_mem>> -> memref<1x!tpu.dma_semaphore, #tpu.memory_space<semaphore_mem>>
    %dma_wait3A_141 = tpu.memref_squeeze %dma_wait3A_140 : memref<1x!tpu.dma_semaphore, #tpu.memory_space<semaphore_mem>> -> memref<!tpu.dma_semaphore, #tpu.memory_space<semaphore_mem>>
    tpu.wait_indirect_dma semaphore(%dma_wait3A_141 : memref<!tpu.dma_semaphore, #tpu.memory_space<semaphore_mem>>) src(%dma_wait3A_132 : memref<128x2x128xbf16, #tpu.memory_space<vmem>>) dst(%dma_wait3A_139 : memref<10240x2x128xbf16, #tpu.memory_space<vmem_shared>>)
    %barrier3A_142 = arith.constant 0 : index
    tpu.barrier barrier_id(%barrier3A_142)
    %run_scoped3A = arith.constant 0 : i32
    "tpu.region"() ({
      %run_scoped3A_290 = tpu.sem_alloc : memref<!tpu.dma_semaphore, #tpu.memory_space<semaphore_mem>>
      %dma_start3A_291 = arith.constant 0 : i32
      %dma_start3A_292 = arith.constant 0 : i32
      %dma_start3A_293 = tpu.memref_slice %arg7[%arg0, %run_scoped3A, %mul3A_2, %dma_start3A_291, %dma_start3A_292] : memref<2x2x10240x2x128xbf16, #tpu.memory_space<hbm>> -> memref<1x1x640x2x128xbf16, #tpu.memory_space<hbm>>
      %dma_start3A_294 = tpu.memref_squeeze %dma_start3A_293 : memref<1x1x640x2x128xbf16, #tpu.memory_space<hbm>> -> memref<640x2x128xbf16, #tpu.memory_space<hbm>>
      %dma_start3A_295 = arith.constant 0 : i32
      %dma_start3A_296 = arith.constant 0 : i32
      %dma_start3A_297 = tpu.memref_slice %arg13[%mul3A_2, %dma_start3A_295, %dma_start3A_296] : memref<10240x2x128xbf16, #tpu.memory_space<vmem_shared>> -> memref<640x2x128xbf16, #tpu.memory_space<vmem_shared>>
      tpu.enqueue_dma source(%dma_start3A_297 : memref<640x2x128xbf16, #tpu.memory_space<vmem_shared>>) target(%dma_start3A_294 : memref<640x2x128xbf16, #tpu.memory_space<hbm>>) target_semaphore(%run_scoped3A_290 : memref<!tpu.dma_semaphore, #tpu.memory_space<semaphore_mem>>)
      %dma_wait3A_298 = arith.constant 0 : i32
      %dma_wait3A_299 = arith.constant 0 : i32
      %dma_wait3A_300 = tpu.memref_slice %arg7[%arg0, %run_scoped3A, %mul3A_2, %dma_wait3A_298, %dma_wait3A_299] : memref<2x2x10240x2x128xbf16, #tpu.memory_space<hbm>> -> memref<1x1x640x2x128xbf16, #tpu.memory_space<hbm>>
      %dma_wait3A_301 = tpu.memref_squeeze %dma_wait3A_300 : memref<1x1x640x2x128xbf16, #tpu.memory_space<hbm>> -> memref<640x2x128xbf16, #tpu.memory_space<hbm>>
      %dma_wait3A_302 = arith.constant 0 : i32
      %dma_wait3A_303 = arith.constant 0 : i32
      %dma_wait3A_304 = tpu.memref_slice %arg13[%mul3A_2, %dma_wait3A_302, %dma_wait3A_303] : memref<10240x2x128xbf16, #tpu.memory_space<vmem_shared>> -> memref<640x2x128xbf16, #tpu.memory_space<vmem_shared>>
      tpu.wait_dma2 semaphore(%run_scoped3A_290 : memref<!tpu.dma_semaphore, #tpu.memory_space<semaphore_mem>>) src(%dma_wait3A_304 : memref<640x2x128xbf16, #tpu.memory_space<vmem_shared>>) dst(%dma_wait3A_301 : memref<640x2x128xbf16, #tpu.memory_space<hbm>>)
      tpu.yield
    }) : () -> ()
    %barrier3A_143 = arith.constant 0 : index
    tpu.barrier barrier_id(%barrier3A_143)
    "tpu.region"() ({
      %run_scoped3A_290 = tpu.sem_alloc : memref<!tpu.dma_semaphore, #tpu.memory_space<semaphore_mem>>
      %dma_start3A_291 = arith.constant 0 : i32
      %dma_start3A_292 = arith.constant 0 : i32
      %dma_start3A_293 = tpu.memref_slice %arg13[%mul3A_2, %dma_start3A_291, %dma_start3A_292] : memref<10240x2x128xbf16, #tpu.memory_space<vmem_shared>> -> memref<640x2x128xbf16, #tpu.memory_space<vmem_shared>>
      %dma_start3A_294 = arith.constant 0 : i32
      %dma_start3A_295 = arith.constant 0 : i32
      %dma_start3A_296 = tpu.memref_slice %arg6[%mul3A_2, %dma_start3A_294, %dma_start3A_295] : memref<10240x2x128xbf16, #tpu.memory_space<hbm>> -> memref<640x2x128xbf16, #tpu.memory_space<hbm>>
      tpu.enqueue_dma source(%dma_start3A_296 : memref<640x2x128xbf16, #tpu.memory_space<hbm>>) target(%dma_start3A_293 : memref<640x2x128xbf16, #tpu.memory_space<vmem_shared>>) target_semaphore(%run_scoped3A_290 : memref<!tpu.dma_semaphore, #tpu.memory_space<semaphore_mem>>)
      %dma_wait3A_297 = arith.constant 0 : i32
      %dma_wait3A_298 = arith.constant 0 : i32
      %dma_wait3A_299 = tpu.memref_slice %arg13[%mul3A_2, %dma_wait3A_297, %dma_wait3A_298] : memref<10240x2x128xbf16, #tpu.memory_space<vmem_shared>> -> memref<640x2x128xbf16, #tpu.memory_space<vmem_shared>>
      %dma_wait3A_300 = arith.constant 0 : i32
      %dma_wait3A_301 = arith.constant 0 : i32
      %dma_wait3A_302 = tpu.memref_slice %arg6[%mul3A_2, %dma_wait3A_300, %dma_wait3A_301] : memref<10240x2x128xbf16, #tpu.memory_space<hbm>> -> memref<640x2x128xbf16, #tpu.memory_space<hbm>>
      tpu.wait_dma2 semaphore(%run_scoped3A_290 : memref<!tpu.dma_semaphore, #tpu.memory_space<semaphore_mem>>) src(%dma_wait3A_302 : memref<640x2x128xbf16, #tpu.memory_space<hbm>>) dst(%dma_wait3A_299 : memref<640x2x128xbf16, #tpu.memory_space<vmem_shared>>)
      tpu.yield
    }) : () -> ()
    %barrier3A_144 = arith.constant 0 : index
    tpu.barrier barrier_id(%barrier3A_144)
    "tpu.region"() ({
      %run_scoped3A_290 = tpu.sem_alloc : memref<!tpu.dma_semaphore, #tpu.memory_space<semaphore_mem>>
      %dma_start3A_291 = arith.constant 0 : i32
      %dma_start3A_292 = arith.constant 0 : i32
      %dma_start3A_293 = tpu.memref_slice %arg4[%add3A, %dma_start3A_291, %dma_start3A_292] : memref<32x40x128xi32, #tpu.memory_space<hbm>> -> memref<1x40x128xi32, #tpu.memory_space<hbm>>
      %dma_start3A_294 = tpu.memref_squeeze %dma_start3A_293 : memref<1x40x128xi32, #tpu.memory_space<hbm>> -> memref<40x128xi32, #tpu.memory_space<hbm>>
      %dma_start3A_295 = arith.constant 0 : i32
      %dma_start3A_296 = arith.constant 0 : i32
      %dma_start3A_297 = tpu.memref_slice %arg4[%add3A, %dma_start3A_295, %dma_start3A_296] : memref<32x40x128xi32, #tpu.memory_space<hbm>> -> memref<1x40x128xi32, #tpu.memory_space<hbm>>
      %dma_start3A_298 = tpu.memref_squeeze %dma_start3A_297 : memref<1x40x128xi32, #tpu.memory_space<hbm>> -> memref<40x128xi32, #tpu.memory_space<hbm>>
      tpu.enqueue_dma source(%dma_start3A_298 : memref<40x128xi32, #tpu.memory_space<hbm>>) target(%arg8 : memref<40x128xi32, #tpu.memory_space<vmem>>) target_semaphore(%run_scoped3A_290 : memref<!tpu.dma_semaphore, #tpu.memory_space<semaphore_mem>>)
      %dma_wait3A_299 = arith.constant 0 : i32
      %dma_wait3A_300 = arith.constant 0 : i32
      %dma_wait3A_301 = tpu.memref_slice %arg4[%add3A, %dma_wait3A_299, %dma_wait3A_300] : memref<32x40x128xi32, #tpu.memory_space<hbm>> -> memref<1x40x128xi32, #tpu.memory_space<hbm>>
      %dma_wait3A_302 = tpu.memref_squeeze %dma_wait3A_301 : memref<1x40x128xi32, #tpu.memory_space<hbm>> -> memref<40x128xi32, #tpu.memory_space<hbm>>
      %dma_wait3A_303 = arith.constant 0 : i32
      %dma_wait3A_304 = arith.constant 0 : i32
      %dma_wait3A_305 = tpu.memref_slice %arg4[%add3A, %dma_wait3A_303, %dma_wait3A_304] : memref<32x40x128xi32, #tpu.memory_space<hbm>> -> memref<1x40x128xi32, #tpu.memory_space<hbm>>
      %dma_wait3A_306 = tpu.memref_squeeze %dma_wait3A_305 : memref<1x40x128xi32, #tpu.memory_space<hbm>> -> memref<40x128xi32, #tpu.memory_space<hbm>>
      tpu.wait_dma2 semaphore(%run_scoped3A_290 : memref<!tpu.dma_semaphore, #tpu.memory_space<semaphore_mem>>) src(%dma_wait3A_306 : memref<40x128xi32, #tpu.memory_space<hbm>>) dst(%arg8 : memref<40x128xi32, #tpu.memory_space<vmem>>)
      tpu.yield
    }) : () -> ()
    "tpu.region"() ({
      %run_scoped3A_290 = tpu.sem_alloc : memref<!tpu.dma_semaphore, #tpu.memory_space<semaphore_mem>>
      %dma_start3A_291 = arith.constant 0 : i32
      %dma_start3A_292 = arith.constant 0 : i32
      %dma_start3A_293 = tpu.memref_slice %arg5[%add3A, %dma_start3A_291, %dma_start3A_292] : memref<32x40x128xi32, #tpu.memory_space<hbm>> -> memref<1x40x128xi32, #tpu.memory_space<hbm>>
      %dma_start3A_294 = tpu.memref_squeeze %dma_start3A_293 : memref<1x40x128xi32, #tpu.memory_space<hbm>> -> memref<40x128xi32, #tpu.memory_space<hbm>>
      %dma_start3A_295 = arith.constant 0 : i32
      %dma_start3A_296 = arith.constant 0 : i32
      %dma_start3A_297 = tpu.memref_slice %arg5[%add3A, %dma_start3A_295, %dma_start3A_296] : memref<32x40x128xi32, #tpu.memory_space<hbm>> -> memref<1x40x128xi32, #tpu.memory_space<hbm>>
      %dma_start3A_298 = tpu.memref_squeeze %dma_start3A_297 : memref<1x40x128xi32, #tpu.memory_space<hbm>> -> memref<40x128xi32, #tpu.memory_space<hbm>>
      tpu.enqueue_dma source(%dma_start3A_298 : memref<40x128xi32, #tpu.memory_space<hbm>>) target(%arg9 : memref<40x128xi32, #tpu.memory_space<vmem>>) target_semaphore(%run_scoped3A_290 : memref<!tpu.dma_semaphore, #tpu.memory_space<semaphore_mem>>)
      %dma_wait3A_299 = arith.constant 0 : i32
      %dma_wait3A_300 = arith.constant 0 : i32
      %dma_wait3A_301 = tpu.memref_slice %arg5[%add3A, %dma_wait3A_299, %dma_wait3A_300] : memref<32x40x128xi32, #tpu.memory_space<hbm>> -> memref<1x40x128xi32, #tpu.memory_space<hbm>>
      %dma_wait3A_302 = tpu.memref_squeeze %dma_wait3A_301 : memref<1x40x128xi32, #tpu.memory_space<hbm>> -> memref<40x128xi32, #tpu.memory_space<hbm>>
      %dma_wait3A_303 = arith.constant 0 : i32
      %dma_wait3A_304 = arith.constant 0 : i32
      %dma_wait3A_305 = tpu.memref_slice %arg5[%add3A, %dma_wait3A_303, %dma_wait3A_304] : memref<32x40x128xi32, #tpu.memory_space<hbm>> -> memref<1x40x128xi32, #tpu.memory_space<hbm>>
      %dma_wait3A_306 = tpu.memref_squeeze %dma_wait3A_305 : memref<1x40x128xi32, #tpu.memory_space<hbm>> -> memref<40x128xi32, #tpu.memory_space<hbm>>
      tpu.wait_dma2 semaphore(%run_scoped3A_290 : memref<!tpu.dma_semaphore, #tpu.memory_space<semaphore_mem>>) src(%dma_wait3A_306 : memref<40x128xi32, #tpu.memory_space<hbm>>) dst(%arg9 : memref<40x128xi32, #tpu.memory_space<vmem>>)
      tpu.yield
    }) : () -> ()
    %dma_start3A_145 = arith.constant 0 : i32
    %dma_start3A_146 = arith.constant 0 : i32
    %dma_start3A_147 = arith.constant 0 : i32
    %dma_start3A_148 = arith.constant 0 : i32
    %dma_start3A_149 = arith.constant 0 : i32
    %dma_start3A_150 = arith.constant 0 : i32
    %dma_start3A_151 = tpu.memref_slice %arg10[%dma_start3A_146, %dma_start3A_148, %dma_start3A_149, %dma_start3A_150] : memref<2x128x2x128xbf16, #tpu.memory_space<vmem>> -> memref<1x128x2x128xbf16, #tpu.memory_space<vmem>>
    %dma_start3A_152 = tpu.memref_squeeze %dma_start3A_151 : memref<1x128x2x128xbf16, #tpu.memory_space<vmem>> -> memref<128x2x128xbf16, #tpu.memory_space<vmem>>
    %dma_start3A_153 = arith.constant 0 : i32
    %dma_start3A_154 = tpu.memref_slice %arg8[%dma_start3A_145, %dma_start3A_153] : memref<40x128xi32, #tpu.memory_space<vmem>> -> memref<1x128xi32, #tpu.memory_space<vmem>>
    %dma_start3A_155 = tpu.memref_squeeze %dma_start3A_154 : memref<1x128xi32, #tpu.memory_space<vmem>> -> memref<128xi32, #tpu.memory_space<vmem>>
    %dma_start3A_156 = arith.constant 0 : i32
    %dma_start3A_157 = arith.constant 0 : i32
    %dma_start3A_158 = arith.constant 0 : i32
    %dma_start3A_159 = tpu.memref_slice %arg3[%dma_start3A_156, %dma_start3A_157, %dma_start3A_158] : memref<10240x2x128xbf16, #tpu.memory_space<hbm>> -> memref<10240x2x128xbf16, #tpu.memory_space<hbm>>
    %dma_start3A_160 = tpu.memref_slice %arg11[%dma_start3A_147] : memref<2x!tpu.dma_semaphore, #tpu.memory_space<semaphore_mem>> -> memref<1x!tpu.dma_semaphore, #tpu.memory_space<semaphore_mem>>
    %dma_start3A_161 = tpu.memref_squeeze %dma_start3A_160 : memref<1x!tpu.dma_semaphore, #tpu.memory_space<semaphore_mem>> -> memref<!tpu.dma_semaphore, #tpu.memory_space<semaphore_mem>>
    tpu.enqueue_indirect_dma source(%dma_start3A_159 : memref<10240x2x128xbf16, #tpu.memory_space<hbm>>) target(%dma_start3A_152 : memref<128x2x128xbf16, #tpu.memory_space<vmem>>) offsets(%dma_start3A_155 : memref<128xi32, #tpu.memory_space<vmem>>) semaphore(%dma_start3A_161 : memref<!tpu.dma_semaphore, #tpu.memory_space<semaphore_mem>>)
    %dma_start3A_162 = arith.constant 1 : i32
    %dma_start3A_163 = arith.constant 1 : i32
    %dma_start3A_164 = arith.constant 1 : i32
    %dma_start3A_165 = arith.constant 0 : i32
    %dma_start3A_166 = arith.constant 0 : i32
    %dma_start3A_167 = arith.constant 0 : i32
    %dma_start3A_168 = tpu.memref_slice %arg10[%dma_start3A_163, %dma_start3A_165, %dma_start3A_166, %dma_start3A_167] : memref<2x128x2x128xbf16, #tpu.memory_space<vmem>> -> memref<1x128x2x128xbf16, #tpu.memory_space<vmem>>
    %dma_start3A_169 = tpu.memref_squeeze %dma_start3A_168 : memref<1x128x2x128xbf16, #tpu.memory_space<vmem>> -> memref<128x2x128xbf16, #tpu.memory_space<vmem>>
    %dma_start3A_170 = arith.constant 0 : i32
    %dma_start3A_171 = tpu.memref_slice %arg8[%dma_start3A_162, %dma_start3A_170] : memref<40x128xi32, #tpu.memory_space<vmem>> -> memref<1x128xi32, #tpu.memory_space<vmem>>
    %dma_start3A_172 = tpu.memref_squeeze %dma_start3A_171 : memref<1x128xi32, #tpu.memory_space<vmem>> -> memref<128xi32, #tpu.memory_space<vmem>>
    %dma_start3A_173 = arith.constant 0 : i32
    %dma_start3A_174 = arith.constant 0 : i32
    %dma_start3A_175 = arith.constant 0 : i32
    %dma_start3A_176 = tpu.memref_slice %arg3[%dma_start3A_173, %dma_start3A_174, %dma_start3A_175] : memref<10240x2x128xbf16, #tpu.memory_space<hbm>> -> memref<10240x2x128xbf16, #tpu.memory_space<hbm>>
    %dma_start3A_177 = tpu.memref_slice %arg11[%dma_start3A_164] : memref<2x!tpu.dma_semaphore, #tpu.memory_space<semaphore_mem>> -> memref<1x!tpu.dma_semaphore, #tpu.memory_space<semaphore_mem>>
    %dma_start3A_178 = tpu.memref_squeeze %dma_start3A_177 : memref<1x!tpu.dma_semaphore, #tpu.memory_space<semaphore_mem>> -> memref<!tpu.dma_semaphore, #tpu.memory_space<semaphore_mem>>
    tpu.enqueue_indirect_dma source(%dma_start3A_176 : memref<10240x2x128xbf16, #tpu.memory_space<hbm>>) target(%dma_start3A_169 : memref<128x2x128xbf16, #tpu.memory_space<vmem>>) offsets(%dma_start3A_172 : memref<128xi32, #tpu.memory_space<vmem>>) semaphore(%dma_start3A_178 : memref<!tpu.dma_semaphore, #tpu.memory_space<semaphore_mem>>)
    %scan3A_179 = arith.constant 0 : i32
    %scan3A_180 = arith.constant 0 : i32
    %scan3A_181 = arith.constant 19 : i32
    %scan3A_182 = arith.addi %scan3A_180, %scan3A_181 : i32
    %scan3A_183 = arith.constant 1 : i32
    scf.for %scan3A_290 = %scan3A_180 to %scan3A_182 step %scan3A_183  : i32 {
      %mul3A_291 = arith.constant 2 : i32
      %mul3A_292 = arith.muli %scan3A_290, %mul3A_291 : i32
      %add3A_293 = arith.constant 0 : i32
      %add3A_294 = arith.addi %mul3A_292, %add3A_293 : i32
      %dma_wait3A_295 = arith.constant 0 : i32
      %dma_wait3A_296 = arith.constant 0 : i32
      %dma_wait3A_297 = arith.constant 0 : i32
      %dma_wait3A_298 = arith.constant 0 : i32
      %dma_wait3A_299 = arith.constant 0 : i32
      %dma_wait3A_300 = tpu.memref_slice %arg10[%dma_wait3A_295, %dma_wait3A_297, %dma_wait3A_298, %dma_wait3A_299] : memref<2x128x2x128xbf16, #tpu.memory_space<vmem>> -> memref<1x128x2x128xbf16, #tpu.memory_space<vmem>>
      %dma_wait3A_301 = tpu.memref_squeeze %dma_wait3A_300 : memref<1x128x2x128xbf16, #tpu.memory_space<vmem>> -> memref<128x2x128xbf16, #tpu.memory_space<vmem>>
      %dma_wait3A_302 = arith.constant 0 : i32
      %dma_wait3A_303 = tpu.memref_slice %arg8[%add3A_294, %dma_wait3A_302] : memref<40x128xi32, #tpu.memory_space<vmem>> -> memref<1x128xi32, #tpu.memory_space<vmem>>
      %dma_wait3A_304 = tpu.memref_squeeze %dma_wait3A_303 : memref<1x128xi32, #tpu.memory_space<vmem>> -> memref<128xi32, #tpu.memory_space<vmem>>
      %dma_wait3A_305 = arith.constant 0 : i32
      %dma_wait3A_306 = arith.constant 0 : i32
      %dma_wait3A_307 = arith.constant 0 : i32
      %dma_wait3A_308 = tpu.memref_slice %arg3[%dma_wait3A_305, %dma_wait3A_306, %dma_wait3A_307] : memref<10240x2x128xbf16, #tpu.memory_space<hbm>> -> memref<10240x2x128xbf16, #tpu.memory_space<hbm>>
      %dma_wait3A_309 = tpu.memref_slice %arg11[%dma_wait3A_296] : memref<2x!tpu.dma_semaphore, #tpu.memory_space<semaphore_mem>> -> memref<1x!tpu.dma_semaphore, #tpu.memory_space<semaphore_mem>>
      %dma_wait3A_310 = tpu.memref_squeeze %dma_wait3A_309 : memref<1x!tpu.dma_semaphore, #tpu.memory_space<semaphore_mem>> -> memref<!tpu.dma_semaphore, #tpu.memory_space<semaphore_mem>>
      tpu.wait_indirect_dma semaphore(%dma_wait3A_310 : memref<!tpu.dma_semaphore, #tpu.memory_space<semaphore_mem>>) src(%dma_wait3A_308 : memref<10240x2x128xbf16, #tpu.memory_space<hbm>>) dst(%dma_wait3A_301 : memref<128x2x128xbf16, #tpu.memory_space<vmem>>)
      %dma_start3A_311 = arith.constant 0 : i32
      %dma_start3A_312 = arith.constant 0 : i32
      %dma_start3A_313 = arith.constant 0 : i32
      %dma_start3A_314 = arith.constant 0 : i32
      %dma_start3A_315 = arith.constant 0 : i32
      %dma_start3A_316 = tpu.memref_slice %arg10[%dma_start3A_311, %dma_start3A_313, %dma_start3A_314, %dma_start3A_315] : memref<2x128x2x128xbf16, #tpu.memory_space<vmem>> -> memref<1x128x2x128xbf16, #tpu.memory_space<vmem>>
      %dma_start3A_317 = tpu.memref_squeeze %dma_start3A_316 : memref<1x128x2x128xbf16, #tpu.memory_space<vmem>> -> memref<128x2x128xbf16, #tpu.memory_space<vmem>>
      %dma_start3A_318 = arith.constant 0 : i32
      %dma_start3A_319 = tpu.memref_slice %arg9[%add3A_294, %dma_start3A_318] : memref<40x128xi32, #tpu.memory_space<vmem>> -> memref<1x128xi32, #tpu.memory_space<vmem>>
      %dma_start3A_320 = tpu.memref_squeeze %dma_start3A_319 : memref<1x128xi32, #tpu.memory_space<vmem>> -> memref<128xi32, #tpu.memory_space<vmem>>
      %dma_start3A_321 = arith.constant 0 : i32
      %dma_start3A_322 = arith.constant 0 : i32
      %dma_start3A_323 = arith.constant 0 : i32
      %dma_start3A_324 = tpu.memref_slice %arg13[%dma_start3A_321, %dma_start3A_322, %dma_start3A_323] : memref<10240x2x128xbf16, #tpu.memory_space<vmem_shared>> -> memref<10240x2x128xbf16, #tpu.memory_space<vmem_shared>>
      %dma_start3A_325 = tpu.memref_slice %arg12[%dma_start3A_312] : memref<2x!tpu.dma_semaphore, #tpu.memory_space<semaphore_mem>> -> memref<1x!tpu.dma_semaphore, #tpu.memory_space<semaphore_mem>>
      %dma_start3A_326 = tpu.memref_squeeze %dma_start3A_325 : memref<1x!tpu.dma_semaphore, #tpu.memory_space<semaphore_mem>> -> memref<!tpu.dma_semaphore, #tpu.memory_space<semaphore_mem>>
      tpu.enqueue_indirect_dma source(%dma_start3A_317 : memref<128x2x128xbf16, #tpu.memory_space<vmem>>) target(%dma_start3A_324 : memref<10240x2x128xbf16, #tpu.memory_space<vmem_shared>>) offsets(%dma_start3A_320 : memref<128xi32, #tpu.memory_space<vmem>>) semaphore(%dma_start3A_326 : memref<!tpu.dma_semaphore, #tpu.memory_space<semaphore_mem>>) {add = true}
      %mul3A_327 = arith.constant 2 : i32
      %mul3A_328 = arith.muli %scan3A_290, %mul3A_327 : i32
      %add3A_329 = arith.constant 1 : i32
      %add3A_330 = arith.addi %mul3A_328, %add3A_329 : i32
      %dma_wait3A_331 = arith.constant 1 : i32
      %dma_wait3A_332 = arith.constant 1 : i32
      %dma_wait3A_333 = arith.constant 0 : i32
      %dma_wait3A_334 = arith.constant 0 : i32
      %dma_wait3A_335 = arith.constant 0 : i32
      %dma_wait3A_336 = tpu.memref_slice %arg10[%dma_wait3A_331, %dma_wait3A_333, %dma_wait3A_334, %dma_wait3A_335] : memref<2x128x2x128xbf16, #tpu.memory_space<vmem>> -> memref<1x128x2x128xbf16, #tpu.memory_space<vmem>>
      %dma_wait3A_337 = tpu.memref_squeeze %dma_wait3A_336 : memref<1x128x2x128xbf16, #tpu.memory_space<vmem>> -> memref<128x2x128xbf16, #tpu.memory_space<vmem>>
      %dma_wait3A_338 = arith.constant 0 : i32
      %dma_wait3A_339 = tpu.memref_slice %arg8[%add3A_330, %dma_wait3A_338] : memref<40x128xi32, #tpu.memory_space<vmem>> -> memref<1x128xi32, #tpu.memory_space<vmem>>
      %dma_wait3A_340 = tpu.memref_squeeze %dma_wait3A_339 : memref<1x128xi32, #tpu.memory_space<vmem>> -> memref<128xi32, #tpu.memory_space<vmem>>
      %dma_wait3A_341 = arith.constant 0 : i32
      %dma_wait3A_342 = arith.constant 0 : i32
      %dma_wait3A_343 = arith.constant 0 : i32
      %dma_wait3A_344 = tpu.memref_slice %arg3[%dma_wait3A_341, %dma_wait3A_342, %dma_wait3A_343] : memref<10240x2x128xbf16, #tpu.memory_space<hbm>> -> memref<10240x2x128xbf16, #tpu.memory_space<hbm>>
      %dma_wait3A_345 = tpu.memref_slice %arg11[%dma_wait3A_332] : memref<2x!tpu.dma_semaphore, #tpu.memory_space<semaphore_mem>> -> memref<1x!tpu.dma_semaphore, #tpu.memory_space<semaphore_mem>>
      %dma_wait3A_346 = tpu.memref_squeeze %dma_wait3A_345 : memref<1x!tpu.dma_semaphore, #tpu.memory_space<semaphore_mem>> -> memref<!tpu.dma_semaphore, #tpu.memory_space<semaphore_mem>>
      tpu.wait_indirect_dma semaphore(%dma_wait3A_346 : memref<!tpu.dma_semaphore, #tpu.memory_space<semaphore_mem>>) src(%dma_wait3A_344 : memref<10240x2x128xbf16, #tpu.memory_space<hbm>>) dst(%dma_wait3A_337 : memref<128x2x128xbf16, #tpu.memory_space<vmem>>)
      %dma_start3A_347 = arith.constant 1 : i32
      %dma_start3A_348 = arith.constant 1 : i32
      %dma_start3A_349 = arith.constant 0 : i32
      %dma_start3A_350 = arith.constant 0 : i32
      %dma_start3A_351 = arith.constant 0 : i32
      %dma_start3A_352 = tpu.memref_slice %arg10[%dma_start3A_347, %dma_start3A_349, %dma_start3A_350, %dma_start3A_351] : memref<2x128x2x128xbf16, #tpu.memory_space<vmem>> -> memref<1x128x2x128xbf16, #tpu.memory_space<vmem>>
      %dma_start3A_353 = tpu.memref_squeeze %dma_start3A_352 : memref<1x128x2x128xbf16, #tpu.memory_space<vmem>> -> memref<128x2x128xbf16, #tpu.memory_space<vmem>>
      %dma_start3A_354 = arith.constant 0 : i32
      %dma_start3A_355 = tpu.memref_slice %arg9[%add3A_330, %dma_start3A_354] : memref<40x128xi32, #tpu.memory_space<vmem>> -> memref<1x128xi32, #tpu.memory_space<vmem>>
      %dma_start3A_356 = tpu.memref_squeeze %dma_start3A_355 : memref<1x128xi32, #tpu.memory_space<vmem>> -> memref<128xi32, #tpu.memory_space<vmem>>
      %dma_start3A_357 = arith.constant 0 : i32
      %dma_start3A_358 = arith.constant 0 : i32
      %dma_start3A_359 = arith.constant 0 : i32
      %dma_start3A_360 = tpu.memref_slice %arg13[%dma_start3A_357, %dma_start3A_358, %dma_start3A_359] : memref<10240x2x128xbf16, #tpu.memory_space<vmem_shared>> -> memref<10240x2x128xbf16, #tpu.memory_space<vmem_shared>>
      %dma_start3A_361 = tpu.memref_slice %arg12[%dma_start3A_348] : memref<2x!tpu.dma_semaphore, #tpu.memory_space<semaphore_mem>> -> memref<1x!tpu.dma_semaphore, #tpu.memory_space<semaphore_mem>>
      %dma_start3A_362 = tpu.memref_squeeze %dma_start3A_361 : memref<1x!tpu.dma_semaphore, #tpu.memory_space<semaphore_mem>> -> memref<!tpu.dma_semaphore, #tpu.memory_space<semaphore_mem>>
      tpu.enqueue_indirect_dma source(%dma_start3A_353 : memref<128x2x128xbf16, #tpu.memory_space<vmem>>) target(%dma_start3A_360 : memref<10240x2x128xbf16, #tpu.memory_space<vmem_shared>>) offsets(%dma_start3A_356 : memref<128xi32, #tpu.memory_space<vmem>>) semaphore(%dma_start3A_362 : memref<!tpu.dma_semaphore, #tpu.memory_space<semaphore_mem>>) {add = true}
      %mul3A_363 = arith.constant 2 : i32
      %mul3A_364 = arith.muli %scan3A_290, %mul3A_363 : i32
      %add3A_365 = arith.constant 0 : i32
      %add3A_366 = arith.addi %mul3A_364, %add3A_365 : i32
      %dma_wait3A_367 = arith.constant 0 : i32
      %dma_wait3A_368 = arith.constant 0 : i32
      %dma_wait3A_369 = arith.constant 0 : i32
      %dma_wait3A_370 = arith.constant 0 : i32
      %dma_wait3A_371 = arith.constant 0 : i32
      %dma_wait3A_372 = tpu.memref_slice %arg10[%dma_wait3A_367, %dma_wait3A_369, %dma_wait3A_370, %dma_wait3A_371] : memref<2x128x2x128xbf16, #tpu.memory_space<vmem>> -> memref<1x128x2x128xbf16, #tpu.memory_space<vmem>>
      %dma_wait3A_373 = tpu.memref_squeeze %dma_wait3A_372 : memref<1x128x2x128xbf16, #tpu.memory_space<vmem>> -> memref<128x2x128xbf16, #tpu.memory_space<vmem>>
      %dma_wait3A_374 = arith.constant 0 : i32
      %dma_wait3A_375 = tpu.memref_slice %arg9[%add3A_366, %dma_wait3A_374] : memref<40x128xi32, #tpu.memory_space<vmem>> -> memref<1x128xi32, #tpu.memory_space<vmem>>
      %dma_wait3A_376 = tpu.memref_squeeze %dma_wait3A_375 : memref<1x128xi32, #tpu.memory_space<vmem>> -> memref<128xi32, #tpu.memory_space<vmem>>
      %dma_wait3A_377 = arith.constant 0 : i32
      %dma_wait3A_378 = arith.constant 0 : i32
      %dma_wait3A_379 = arith.constant 0 : i32
      %dma_wait3A_380 = tpu.memref_slice %arg13[%dma_wait3A_377, %dma_wait3A_378, %dma_wait3A_379] : memref<10240x2x128xbf16, #tpu.memory_space<vmem_shared>> -> memref<10240x2x128xbf16, #tpu.memory_space<vmem_shared>>
      %dma_wait3A_381 = tpu.memref_slice %arg12[%dma_wait3A_368] : memref<2x!tpu.dma_semaphore, #tpu.memory_space<semaphore_mem>> -> memref<1x!tpu.dma_semaphore, #tpu.memory_space<semaphore_mem>>
      %dma_wait3A_382 = tpu.memref_squeeze %dma_wait3A_381 : memref<1x!tpu.dma_semaphore, #tpu.memory_space<semaphore_mem>> -> memref<!tpu.dma_semaphore, #tpu.memory_space<semaphore_mem>>
      tpu.wait_indirect_dma semaphore(%dma_wait3A_382 : memref<!tpu.dma_semaphore, #tpu.memory_space<semaphore_mem>>) src(%dma_wait3A_373 : memref<128x2x128xbf16, #tpu.memory_space<vmem>>) dst(%dma_wait3A_380 : memref<10240x2x128xbf16, #tpu.memory_space<vmem_shared>>)
      %add3A_383 = arith.constant 2 : i32
      %add3A_384 = arith.addi %add3A_366, %add3A_383 : i32
      %dma_start3A_385 = arith.constant 0 : i32
      %dma_start3A_386 = arith.constant 0 : i32
      %dma_start3A_387 = arith.constant 0 : i32
      %dma_start3A_388 = arith.constant 0 : i32
      %dma_start3A_389 = arith.constant 0 : i32
      %dma_start3A_390 = tpu.memref_slice %arg10[%dma_start3A_385, %dma_start3A_387, %dma_start3A_388, %dma_start3A_389] : memref<2x128x2x128xbf16, #tpu.memory_space<vmem>> -> memref<1x128x2x128xbf16, #tpu.memory_space<vmem>>
      %dma_start3A_391 = tpu.memref_squeeze %dma_start3A_390 : memref<1x128x2x128xbf16, #tpu.memory_space<vmem>> -> memref<128x2x128xbf16, #tpu.memory_space<vmem>>
      %dma_start3A_392 = arith.constant 0 : i32
      %dma_start3A_393 = tpu.memref_slice %arg8[%add3A_384, %dma_start3A_392] : memref<40x128xi32, #tpu.memory_space<vmem>> -> memref<1x128xi32, #tpu.memory_space<vmem>>
      %dma_start3A_394 = tpu.memref_squeeze %dma_start3A_393 : memref<1x128xi32, #tpu.memory_space<vmem>> -> memref<128xi32, #tpu.memory_space<vmem>>
      %dma_start3A_395 = arith.constant 0 : i32
      %dma_start3A_396 = arith.constant 0 : i32
      %dma_start3A_397 = arith.constant 0 : i32
      %dma_start3A_398 = tpu.memref_slice %arg3[%dma_start3A_395, %dma_start3A_396, %dma_start3A_397] : memref<10240x2x128xbf16, #tpu.memory_space<hbm>> -> memref<10240x2x128xbf16, #tpu.memory_space<hbm>>
      %dma_start3A_399 = tpu.memref_slice %arg11[%dma_start3A_386] : memref<2x!tpu.dma_semaphore, #tpu.memory_space<semaphore_mem>> -> memref<1x!tpu.dma_semaphore, #tpu.memory_space<semaphore_mem>>
      %dma_start3A_400 = tpu.memref_squeeze %dma_start3A_399 : memref<1x!tpu.dma_semaphore, #tpu.memory_space<semaphore_mem>> -> memref<!tpu.dma_semaphore, #tpu.memory_space<semaphore_mem>>
      tpu.enqueue_indirect_dma source(%dma_start3A_398 : memref<10240x2x128xbf16, #tpu.memory_space<hbm>>) target(%dma_start3A_391 : memref<128x2x128xbf16, #tpu.memory_space<vmem>>) offsets(%dma_start3A_394 : memref<128xi32, #tpu.memory_space<vmem>>) semaphore(%dma_start3A_400 : memref<!tpu.dma_semaphore, #tpu.memory_space<semaphore_mem>>)
      %mul3A_401 = arith.constant 2 : i32
      %mul3A_402 = arith.muli %scan3A_290, %mul3A_401 : i32
      %add3A_403 = arith.constant 1 : i32
      %add3A_404 = arith.addi %mul3A_402, %add3A_403 : i32
      %dma_wait3A_405 = arith.constant 1 : i32
      %dma_wait3A_406 = arith.constant 1 : i32
      %dma_wait3A_407 = arith.constant 0 : i32
      %dma_wait3A_408 = arith.constant 0 : i32
      %dma_wait3A_409 = arith.constant 0 : i32
      %dma_wait3A_410 = tpu.memref_slice %arg10[%dma_wait3A_405, %dma_wait3A_407, %dma_wait3A_408, %dma_wait3A_409] : memref<2x128x2x128xbf16, #tpu.memory_space<vmem>> -> memref<1x128x2x128xbf16, #tpu.memory_space<vmem>>
      %dma_wait3A_411 = tpu.memref_squeeze %dma_wait3A_410 : memref<1x128x2x128xbf16, #tpu.memory_space<vmem>> -> memref<128x2x128xbf16, #tpu.memory_space<vmem>>
      %dma_wait3A_412 = arith.constant 0 : i32
      %dma_wait3A_413 = tpu.memref_slice %arg9[%add3A_404, %dma_wait3A_412] : memref<40x128xi32, #tpu.memory_space<vmem>> -> memref<1x128xi32, #tpu.memory_space<vmem>>
      %dma_wait3A_414 = tpu.memref_squeeze %dma_wait3A_413 : memref<1x128xi32, #tpu.memory_space<vmem>> -> memref<128xi32, #tpu.memory_space<vmem>>
      %dma_wait3A_415 = arith.constant 0 : i32
      %dma_wait3A_416 = arith.constant 0 : i32
      %dma_wait3A_417 = arith.constant 0 : i32
      %dma_wait3A_418 = tpu.memref_slice %arg13[%dma_wait3A_415, %dma_wait3A_416, %dma_wait3A_417] : memref<10240x2x128xbf16, #tpu.memory_space<vmem_shared>> -> memref<10240x2x128xbf16, #tpu.memory_space<vmem_shared>>
      %dma_wait3A_419 = tpu.memref_slice %arg12[%dma_wait3A_406] : memref<2x!tpu.dma_semaphore, #tpu.memory_space<semaphore_mem>> -> memref<1x!tpu.dma_semaphore, #tpu.memory_space<semaphore_mem>>
      %dma_wait3A_420 = tpu.memref_squeeze %dma_wait3A_419 : memref<1x!tpu.dma_semaphore, #tpu.memory_space<semaphore_mem>> -> memref<!tpu.dma_semaphore, #tpu.memory_space<semaphore_mem>>
      tpu.wait_indirect_dma semaphore(%dma_wait3A_420 : memref<!tpu.dma_semaphore, #tpu.memory_space<semaphore_mem>>) src(%dma_wait3A_411 : memref<128x2x128xbf16, #tpu.memory_space<vmem>>) dst(%dma_wait3A_418 : memref<10240x2x128xbf16, #tpu.memory_space<vmem_shared>>)
      %add3A_421 = arith.constant 2 : i32
      %add3A_422 = arith.addi %add3A_404, %add3A_421 : i32
      %dma_start3A_423 = arith.constant 1 : i32
      %dma_start3A_424 = arith.constant 1 : i32
      %dma_start3A_425 = arith.constant 0 : i32
      %dma_start3A_426 = arith.constant 0 : i32
      %dma_start3A_427 = arith.constant 0 : i32
      %dma_start3A_428 = tpu.memref_slice %arg10[%dma_start3A_423, %dma_start3A_425, %dma_start3A_426, %dma_start3A_427] : memref<2x128x2x128xbf16, #tpu.memory_space<vmem>> -> memref<1x128x2x128xbf16, #tpu.memory_space<vmem>>
      %dma_start3A_429 = tpu.memref_squeeze %dma_start3A_428 : memref<1x128x2x128xbf16, #tpu.memory_space<vmem>> -> memref<128x2x128xbf16, #tpu.memory_space<vmem>>
      %dma_start3A_430 = arith.constant 0 : i32
      %dma_start3A_431 = tpu.memref_slice %arg8[%add3A_422, %dma_start3A_430] : memref<40x128xi32, #tpu.memory_space<vmem>> -> memref<1x128xi32, #tpu.memory_space<vmem>>
      %dma_start3A_432 = tpu.memref_squeeze %dma_start3A_431 : memref<1x128xi32, #tpu.memory_space<vmem>> -> memref<128xi32, #tpu.memory_space<vmem>>
      %dma_start3A_433 = arith.constant 0 : i32
      %dma_start3A_434 = arith.constant 0 : i32
      %dma_start3A_435 = arith.constant 0 : i32
      %dma_start3A_436 = tpu.memref_slice %arg3[%dma_start3A_433, %dma_start3A_434, %dma_start3A_435] : memref<10240x2x128xbf16, #tpu.memory_space<hbm>> -> memref<10240x2x128xbf16, #tpu.memory_space<hbm>>
      %dma_start3A_437 = tpu.memref_slice %arg11[%dma_start3A_424] : memref<2x!tpu.dma_semaphore, #tpu.memory_space<semaphore_mem>> -> memref<1x!tpu.dma_semaphore, #tpu.memory_space<semaphore_mem>>
      %dma_start3A_438 = tpu.memref_squeeze %dma_start3A_437 : memref<1x!tpu.dma_semaphore, #tpu.memory_space<semaphore_mem>> -> memref<!tpu.dma_semaphore, #tpu.memory_space<semaphore_mem>>
      tpu.enqueue_indirect_dma source(%dma_start3A_436 : memref<10240x2x128xbf16, #tpu.memory_space<hbm>>) target(%dma_start3A_429 : memref<128x2x128xbf16, #tpu.memory_space<vmem>>) offsets(%dma_start3A_432 : memref<128xi32, #tpu.memory_space<vmem>>) semaphore(%dma_start3A_438 : memref<!tpu.dma_semaphore, #tpu.memory_space<semaphore_mem>>)
    }
    %scan3A_184 = arith.constant 19 : i32
    %dma_wait3A_185 = arith.constant 38 : i32
    %dma_wait3A_186 = arith.constant 0 : i32
    %dma_wait3A_187 = arith.constant 0 : i32
    %dma_wait3A_188 = arith.constant 0 : i32
    %dma_wait3A_189 = arith.constant 0 : i32
    %dma_wait3A_190 = arith.constant 0 : i32
    %dma_wait3A_191 = tpu.memref_slice %arg10[%dma_wait3A_186, %dma_wait3A_188, %dma_wait3A_189, %dma_wait3A_190] : memref<2x128x2x128xbf16, #tpu.memory_space<vmem>> -> memref<1x128x2x128xbf16, #tpu.memory_space<vmem>>
    %dma_wait3A_192 = tpu.memref_squeeze %dma_wait3A_191 : memref<1x128x2x128xbf16, #tpu.memory_space<vmem>> -> memref<128x2x128xbf16, #tpu.memory_space<vmem>>
    %dma_wait3A_193 = arith.constant 0 : i32
    %dma_wait3A_194 = tpu.memref_slice %arg8[%dma_wait3A_185, %dma_wait3A_193] : memref<40x128xi32, #tpu.memory_space<vmem>> -> memref<1x128xi32, #tpu.memory_space<vmem>>
    %dma_wait3A_195 = tpu.memref_squeeze %dma_wait3A_194 : memref<1x128xi32, #tpu.memory_space<vmem>> -> memref<128xi32, #tpu.memory_space<vmem>>
    %dma_wait3A_196 = arith.constant 0 : i32
    %dma_wait3A_197 = arith.constant 0 : i32
    %dma_wait3A_198 = arith.constant 0 : i32
    %dma_wait3A_199 = tpu.memref_slice %arg3[%dma_wait3A_196, %dma_wait3A_197, %dma_wait3A_198] : memref<10240x2x128xbf16, #tpu.memory_space<hbm>> -> memref<10240x2x128xbf16, #tpu.memory_space<hbm>>
    %dma_wait3A_200 = tpu.memref_slice %arg11[%dma_wait3A_187] : memref<2x!tpu.dma_semaphore, #tpu.memory_space<semaphore_mem>> -> memref<1x!tpu.dma_semaphore, #tpu.memory_space<semaphore_mem>>
    %dma_wait3A_201 = tpu.memref_squeeze %dma_wait3A_200 : memref<1x!tpu.dma_semaphore, #tpu.memory_space<semaphore_mem>> -> memref<!tpu.dma_semaphore, #tpu.memory_space<semaphore_mem>>
    tpu.wait_indirect_dma semaphore(%dma_wait3A_201 : memref<!tpu.dma_semaphore, #tpu.memory_space<semaphore_mem>>) src(%dma_wait3A_199 : memref<10240x2x128xbf16, #tpu.memory_space<hbm>>) dst(%dma_wait3A_192 : memref<128x2x128xbf16, #tpu.memory_space<vmem>>)
    %dma_start3A_202 = arith.constant 0 : i32
    %dma_start3A_203 = arith.constant 38 : i32
    %dma_start3A_204 = arith.constant 0 : i32
    %dma_start3A_205 = arith.constant 0 : i32
    %dma_start3A_206 = arith.constant 0 : i32
    %dma_start3A_207 = arith.constant 0 : i32
    %dma_start3A_208 = tpu.memref_slice %arg10[%dma_start3A_202, %dma_start3A_205, %dma_start3A_206, %dma_start3A_207] : memref<2x128x2x128xbf16, #tpu.memory_space<vmem>> -> memref<1x128x2x128xbf16, #tpu.memory_space<vmem>>
    %dma_start3A_209 = tpu.memref_squeeze %dma_start3A_208 : memref<1x128x2x128xbf16, #tpu.memory_space<vmem>> -> memref<128x2x128xbf16, #tpu.memory_space<vmem>>
    %dma_start3A_210 = arith.constant 0 : i32
    %dma_start3A_211 = tpu.memref_slice %arg9[%dma_start3A_203, %dma_start3A_210] : memref<40x128xi32, #tpu.memory_space<vmem>> -> memref<1x128xi32, #tpu.memory_space<vmem>>
    %dma_start3A_212 = tpu.memref_squeeze %dma_start3A_211 : memref<1x128xi32, #tpu.memory_space<vmem>> -> memref<128xi32, #tpu.memory_space<vmem>>
    %dma_start3A_213 = arith.constant 0 : i32
    %dma_start3A_214 = arith.constant 0 : i32
    %dma_start3A_215 = arith.constant 0 : i32
    %dma_start3A_216 = tpu.memref_slice %arg13[%dma_start3A_213, %dma_start3A_214, %dma_start3A_215] : memref<10240x2x128xbf16, #tpu.memory_space<vmem_shared>> -> memref<10240x2x128xbf16, #tpu.memory_space<vmem_shared>>
    %dma_start3A_217 = tpu.memref_slice %arg12[%dma_start3A_204] : memref<2x!tpu.dma_semaphore, #tpu.memory_space<semaphore_mem>> -> memref<1x!tpu.dma_semaphore, #tpu.memory_space<semaphore_mem>>
    %dma_start3A_218 = tpu.memref_squeeze %dma_start3A_217 : memref<1x!tpu.dma_semaphore, #tpu.memory_space<semaphore_mem>> -> memref<!tpu.dma_semaphore, #tpu.memory_space<semaphore_mem>>
    tpu.enqueue_indirect_dma source(%dma_start3A_209 : memref<128x2x128xbf16, #tpu.memory_space<vmem>>) target(%dma_start3A_216 : memref<10240x2x128xbf16, #tpu.memory_space<vmem_shared>>) offsets(%dma_start3A_212 : memref<128xi32, #tpu.memory_space<vmem>>) semaphore(%dma_start3A_218 : memref<!tpu.dma_semaphore, #tpu.memory_space<semaphore_mem>>) {add = true}
    %dma_wait3A_219 = arith.constant 39 : i32
    %dma_wait3A_220 = arith.constant 1 : i32
    %dma_wait3A_221 = arith.constant 1 : i32
    %dma_wait3A_222 = arith.constant 0 : i32
    %dma_wait3A_223 = arith.constant 0 : i32
    %dma_wait3A_224 = arith.constant 0 : i32
    %dma_wait3A_225 = tpu.memref_slice %arg10[%dma_wait3A_220, %dma_wait3A_222, %dma_wait3A_223, %dma_wait3A_224] : memref<2x128x2x128xbf16, #tpu.memory_space<vmem>> -> memref<1x128x2x128xbf16, #tpu.memory_space<vmem>>
    %dma_wait3A_226 = tpu.memref_squeeze %dma_wait3A_225 : memref<1x128x2x128xbf16, #tpu.memory_space<vmem>> -> memref<128x2x128xbf16, #tpu.memory_space<vmem>>
    %dma_wait3A_227 = arith.constant 0 : i32
    %dma_wait3A_228 = tpu.memref_slice %arg8[%dma_wait3A_219, %dma_wait3A_227] : memref<40x128xi32, #tpu.memory_space<vmem>> -> memref<1x128xi32, #tpu.memory_space<vmem>>
    %dma_wait3A_229 = tpu.memref_squeeze %dma_wait3A_228 : memref<1x128xi32, #tpu.memory_space<vmem>> -> memref<128xi32, #tpu.memory_space<vmem>>
    %dma_wait3A_230 = arith.constant 0 : i32
    %dma_wait3A_231 = arith.constant 0 : i32
    %dma_wait3A_232 = arith.constant 0 : i32
    %dma_wait3A_233 = tpu.memref_slice %arg3[%dma_wait3A_230, %dma_wait3A_231, %dma_wait3A_232] : memref<10240x2x128xbf16, #tpu.memory_space<hbm>> -> memref<10240x2x128xbf16, #tpu.memory_space<hbm>>
    %dma_wait3A_234 = tpu.memref_slice %arg11[%dma_wait3A_221] : memref<2x!tpu.dma_semaphore, #tpu.memory_space<semaphore_mem>> -> memref<1x!tpu.dma_semaphore, #tpu.memory_space<semaphore_mem>>
    %dma_wait3A_235 = tpu.memref_squeeze %dma_wait3A_234 : memref<1x!tpu.dma_semaphore, #tpu.memory_space<semaphore_mem>> -> memref<!tpu.dma_semaphore, #tpu.memory_space<semaphore_mem>>
    tpu.wait_indirect_dma semaphore(%dma_wait3A_235 : memref<!tpu.dma_semaphore, #tpu.memory_space<semaphore_mem>>) src(%dma_wait3A_233 : memref<10240x2x128xbf16, #tpu.memory_space<hbm>>) dst(%dma_wait3A_226 : memref<128x2x128xbf16, #tpu.memory_space<vmem>>)
    %dma_start3A_236 = arith.constant 1 : i32
    %dma_start3A_237 = arith.constant 39 : i32
    %dma_start3A_238 = arith.constant 1 : i32
    %dma_start3A_239 = arith.constant 0 : i32
    %dma_start3A_240 = arith.constant 0 : i32
    %dma_start3A_241 = arith.constant 0 : i32
    %dma_start3A_242 = tpu.memref_slice %arg10[%dma_start3A_236, %dma_start3A_239, %dma_start3A_240, %dma_start3A_241] : memref<2x128x2x128xbf16, #tpu.memory_space<vmem>> -> memref<1x128x2x128xbf16, #tpu.memory_space<vmem>>
    %dma_start3A_243 = tpu.memref_squeeze %dma_start3A_242 : memref<1x128x2x128xbf16, #tpu.memory_space<vmem>> -> memref<128x2x128xbf16, #tpu.memory_space<vmem>>
    %dma_start3A_244 = arith.constant 0 : i32
    %dma_start3A_245 = tpu.memref_slice %arg9[%dma_start3A_237, %dma_start3A_244] : memref<40x128xi32, #tpu.memory_space<vmem>> -> memref<1x128xi32, #tpu.memory_space<vmem>>
    %dma_start3A_246 = tpu.memref_squeeze %dma_start3A_245 : memref<1x128xi32, #tpu.memory_space<vmem>> -> memref<128xi32, #tpu.memory_space<vmem>>
    %dma_start3A_247 = arith.constant 0 : i32
    %dma_start3A_248 = arith.constant 0 : i32
    %dma_start3A_249 = arith.constant 0 : i32
    %dma_start3A_250 = tpu.memref_slice %arg13[%dma_start3A_247, %dma_start3A_248, %dma_start3A_249] : memref<10240x2x128xbf16, #tpu.memory_space<vmem_shared>> -> memref<10240x2x128xbf16, #tpu.memory_space<vmem_shared>>
    %dma_start3A_251 = tpu.memref_slice %arg12[%dma_start3A_238] : memref<2x!tpu.dma_semaphore, #tpu.memory_space<semaphore_mem>> -> memref<1x!tpu.dma_semaphore, #tpu.memory_space<semaphore_mem>>
    %dma_start3A_252 = tpu.memref_squeeze %dma_start3A_251 : memref<1x!tpu.dma_semaphore, #tpu.memory_space<semaphore_mem>> -> memref<!tpu.dma_semaphore, #tpu.memory_space<semaphore_mem>>
    tpu.enqueue_indirect_dma source(%dma_start3A_243 : memref<128x2x128xbf16, #tpu.memory_space<vmem>>) target(%dma_start3A_250 : memref<10240x2x128xbf16, #tpu.memory_space<vmem_shared>>) offsets(%dma_start3A_246 : memref<128xi32, #tpu.memory_space<vmem>>) semaphore(%dma_start3A_252 : memref<!tpu.dma_semaphore, #tpu.memory_space<semaphore_mem>>) {add = true}
    %dma_wait3A_253 = arith.constant 0 : i32
    %dma_wait3A_254 = arith.constant 38 : i32
    %dma_wait3A_255 = arith.constant 0 : i32
    %dma_wait3A_256 = arith.constant 0 : i32
    %dma_wait3A_257 = arith.constant 0 : i32
    %dma_wait3A_258 = arith.constant 0 : i32
    %dma_wait3A_259 = tpu.memref_slice %arg10[%dma_wait3A_253, %dma_wait3A_256, %dma_wait3A_257, %dma_wait3A_258] : memref<2x128x2x128xbf16, #tpu.memory_space<vmem>> -> memref<1x128x2x128xbf16, #tpu.memory_space<vmem>>
    %dma_wait3A_260 = tpu.memref_squeeze %dma_wait3A_259 : memref<1x128x2x128xbf16, #tpu.memory_space<vmem>> -> memref<128x2x128xbf16, #tpu.memory_space<vmem>>
    %dma_wait3A_261 = arith.constant 0 : i32
    %dma_wait3A_262 = tpu.memref_slice %arg9[%dma_wait3A_254, %dma_wait3A_261] : memref<40x128xi32, #tpu.memory_space<vmem>> -> memref<1x128xi32, #tpu.memory_space<vmem>>
    %dma_wait3A_263 = tpu.memref_squeeze %dma_wait3A_262 : memref<1x128xi32, #tpu.memory_space<vmem>> -> memref<128xi32, #tpu.memory_space<vmem>>
    %dma_wait3A_264 = arith.constant 0 : i32
    %dma_wait3A_265 = arith.constant 0 : i32
    %dma_wait3A_266 = arith.constant 0 : i32
    %dma_wait3A_267 = tpu.memref_slice %arg13[%dma_wait3A_264, %dma_wait3A_265, %dma_wait3A_266] : memref<10240x2x128xbf16, #tpu.memory_space<vmem_shared>> -> memref<10240x2x128xbf16, #tpu.memory_space<vmem_shared>>
    %dma_wait3A_268 = tpu.memref_slice %arg12[%dma_wait3A_255] : memref<2x!tpu.dma_semaphore, #tpu.memory_space<semaphore_mem>> -> memref<1x!tpu.dma_semaphore, #tpu.memory_space<semaphore_mem>>
    %dma_wait3A_269 = tpu.memref_squeeze %dma_wait3A_268 : memref<1x!tpu.dma_semaphore, #tpu.memory_space<semaphore_mem>> -> memref<!tpu.dma_semaphore, #tpu.memory_space<semaphore_mem>>
    tpu.wait_indirect_dma semaphore(%dma_wait3A_269 : memref<!tpu.dma_semaphore, #tpu.memory_space<semaphore_mem>>) src(%dma_wait3A_260 : memref<128x2x128xbf16, #tpu.memory_space<vmem>>) dst(%dma_wait3A_267 : memref<10240x2x128xbf16, #tpu.memory_space<vmem_shared>>)
    %dma_wait3A_270 = arith.constant 1 : i32
    %dma_wait3A_271 = arith.constant 39 : i32
    %dma_wait3A_272 = arith.constant 1 : i32
    %dma_wait3A_273 = arith.constant 0 : i32
    %dma_wait3A_274 = arith.constant 0 : i32
    %dma_wait3A_275 = arith.constant 0 : i32
    %dma_wait3A_276 = tpu.memref_slice %arg10[%dma_wait3A_270, %dma_wait3A_273, %dma_wait3A_274, %dma_wait3A_275] : memref<2x128x2x128xbf16, #tpu.memory_space<vmem>> -> memref<1x128x2x128xbf16, #tpu.memory_space<vmem>>
    %dma_wait3A_277 = tpu.memref_squeeze %dma_wait3A_276 : memref<1x128x2x128xbf16, #tpu.memory_space<vmem>> -> memref<128x2x128xbf16, #tpu.memory_space<vmem>>
    %dma_wait3A_278 = arith.constant 0 : i32
    %dma_wait3A_279 = tpu.memref_slice %arg9[%dma_wait3A_271, %dma_wait3A_278] : memref<40x128xi32, #tpu.memory_space<vmem>> -> memref<1x128xi32, #tpu.memory_space<vmem>>
    %dma_wait3A_280 = tpu.memref_squeeze %dma_wait3A_279 : memref<1x128xi32, #tpu.memory_space<vmem>> -> memref<128xi32, #tpu.memory_space<vmem>>
    %dma_wait3A_281 = arith.constant 0 : i32
    %dma_wait3A_282 = arith.constant 0 : i32
    %dma_wait3A_283 = arith.constant 0 : i32
    %dma_wait3A_284 = tpu.memref_slice %arg13[%dma_wait3A_281, %dma_wait3A_282, %dma_wait3A_283] : memref<10240x2x128xbf16, #tpu.memory_space<vmem_shared>> -> memref<10240x2x128xbf16, #tpu.memory_space<vmem_shared>>
    %dma_wait3A_285 = tpu.memref_slice %arg12[%dma_wait3A_272] : memref<2x!tpu.dma_semaphore, #tpu.memory_space<semaphore_mem>> -> memref<1x!tpu.dma_semaphore, #tpu.memory_space<semaphore_mem>>
    %dma_wait3A_286 = tpu.memref_squeeze %dma_wait3A_285 : memref<1x!tpu.dma_semaphore, #tpu.memory_space<semaphore_mem>> -> memref<!tpu.dma_semaphore, #tpu.memory_space<semaphore_mem>>
    tpu.wait_indirect_dma semaphore(%dma_wait3A_286 : memref<!tpu.dma_semaphore, #tpu.memory_space<semaphore_mem>>) src(%dma_wait3A_277 : memref<128x2x128xbf16, #tpu.memory_space<vmem>>) dst(%dma_wait3A_284 : memref<10240x2x128xbf16, #tpu.memory_space<vmem_shared>>)
    %barrier3A_287 = arith.constant 0 : index
    tpu.barrier barrier_id(%barrier3A_287)
    %run_scoped3A_288 = arith.constant 1 : i32
    "tpu.region"() ({
      %run_scoped3A_290 = tpu.sem_alloc : memref<!tpu.dma_semaphore, #tpu.memory_space<semaphore_mem>>
      %dma_start3A_291 = arith.constant 0 : i32
      %dma_start3A_292 = arith.constant 0 : i32
      %dma_start3A_293 = tpu.memref_slice %arg7[%arg0, %run_scoped3A_288, %mul3A_2, %dma_start3A_291, %dma_start3A_292] : memref<2x2x10240x2x128xbf16, #tpu.memory_space<hbm>> -> memref<1x1x640x2x128xbf16, #tpu.memory_space<hbm>>
      %dma_start3A_294 = tpu.memref_squeeze %dma_start3A_293 : memref<1x1x640x2x128xbf16, #tpu.memory_space<hbm>> -> memref<640x2x128xbf16, #tpu.memory_space<hbm>>
      %dma_start3A_295 = arith.constant 0 : i32
      %dma_start3A_296 = arith.constant 0 : i32
      %dma_start3A_297 = tpu.memref_slice %arg13[%mul3A_2, %dma_start3A_295, %dma_start3A_296] : memref<10240x2x128xbf16, #tpu.memory_space<vmem_shared>> -> memref<640x2x128xbf16, #tpu.memory_space<vmem_shared>>
      tpu.enqueue_dma source(%dma_start3A_297 : memref<640x2x128xbf16, #tpu.memory_space<vmem_shared>>) target(%dma_start3A_294 : memref<640x2x128xbf16, #tpu.memory_space<hbm>>) target_semaphore(%run_scoped3A_290 : memref<!tpu.dma_semaphore, #tpu.memory_space<semaphore_mem>>)
      %dma_wait3A_298 = arith.constant 0 : i32
      %dma_wait3A_299 = arith.constant 0 : i32
      %dma_wait3A_300 = tpu.memref_slice %arg7[%arg0, %run_scoped3A_288, %mul3A_2, %dma_wait3A_298, %dma_wait3A_299] : memref<2x2x10240x2x128xbf16, #tpu.memory_space<hbm>> -> memref<1x1x640x2x128xbf16, #tpu.memory_space<hbm>>
      %dma_wait3A_301 = tpu.memref_squeeze %dma_wait3A_300 : memref<1x1x640x2x128xbf16, #tpu.memory_space<hbm>> -> memref<640x2x128xbf16, #tpu.memory_space<hbm>>
      %dma_wait3A_302 = arith.constant 0 : i32
      %dma_wait3A_303 = arith.constant 0 : i32
      %dma_wait3A_304 = tpu.memref_slice %arg13[%mul3A_2, %dma_wait3A_302, %dma_wait3A_303] : memref<10240x2x128xbf16, #tpu.memory_space<vmem_shared>> -> memref<640x2x128xbf16, #tpu.memory_space<vmem_shared>>
      tpu.wait_dma2 semaphore(%run_scoped3A_290 : memref<!tpu.dma_semaphore, #tpu.memory_space<semaphore_mem>>) src(%dma_wait3A_304 : memref<640x2x128xbf16, #tpu.memory_space<vmem_shared>>) dst(%dma_wait3A_301 : memref<640x2x128xbf16, #tpu.memory_space<hbm>>)
      tpu.yield
    }) : () -> ()
    %barrier3A_289 = arith.constant 0 : index
    tpu.barrier barrier_id(%barrier3A_289)
    return
  }
}

#map = affine_map<(d0, d1) -> (0, 0, 0)>
#map1 = affine_map<(d0, d1) -> (0, 0, 0, 0, 0)>
module attributes {stable_mosaic.version = 14 : i64} {
  func.func @_agg_body(%arg0: i32, %arg1: i32, %arg2: memref<10240x2x128xbf16, #tpu.memory_space<hbm>>, %arg3: memref<10240x2x128xbf16, #tpu.memory_space<hbm>>, %arg4: memref<32x40x128xi32, #tpu.memory_space<hbm>>, %arg5: memref<32x40x128xi32, #tpu.memory_space<hbm>>, %arg6: memref<10240x2x128xbf16, #tpu.memory_space<hbm>>, %arg7: memref<2x2x10240x2x128xbf16, #tpu.memory_space<hbm>>, %arg8: memref<40x128xi32, #tpu.memory_space<vmem>>, %arg9: memref<40x128xi32, #tpu.memory_space<vmem>>, %arg10: memref<2x128x2x128xbf16, #tpu.memory_space<vmem>>, %arg11: memref<2x!tpu.dma_semaphore, #tpu.memory_space<semaphore_mem>>, %arg12: memref<2x!tpu.dma_semaphore, #tpu.memory_space<semaphore_mem>>, %arg13: memref<10240x2x128xbf16, #tpu.memory_space<vmem_shared>>) attributes {dimension_semantics = [#tpu.dimension_semantics<core_parallel>, #tpu.dimension_semantics<subcore_parallel>], iteration_bounds = array<i64: 2, 16>, scalar_prefetch = 0 : i64, scratch_operands = 6 : i64, tpu.core_type = #tpu.core_type<sc_vector_subcore>, window_params = [{transform_indices = #map}, {transform_indices = #map}, {transform_indices = #map}, {transform_indices = #map}, {transform_indices = #map}, {transform_indices = #map1}]} {
    %mul3A = arith.constant 16 : i32
    %mul3A_0 = arith.muli %arg0, %mul3A : i32
    %add3A = arith.addi %mul3A_0, %arg1 : i32
    %mul3A_1 = arith.constant 640 : i32
    %mul3A_2 = arith.muli %arg1, %mul3A_1 : i32
    "tpu.region"() ({
      %run_scoped3A_290 = tpu.sem_alloc : memref<!tpu.dma_semaphore, #tpu.memory_space<semaphore_mem>>
      %dma_start3A_291 = arith.constant 0 : i32
      %dma_start3A_292 = arith.constant 0 : i32
      %dma_start3A_293 = tpu.memref_slice %arg13[%mul3A_2, %dma_start3A_291, %dma_start3A_292] : memref<10240x2x128xbf16, #tpu.memory_space<vmem_shared>> -> memref<640x2x128xbf16, #tpu.memory_space<vmem_shared>>
      %dma_start3A_294 = arith.constant 0 : i32
      %dma_start3A_295 = arith.constant 0 : i32
      %dma_start3A_296 = tpu.memref_slice %arg6[%mul3A_2, %dma_start3A_294, %dma_start3A_295] : memref<10240x2x128xbf16, #tpu.memory_space<hbm>> -> memref<640x2x128xbf16, #tpu.memory_space<hbm>>
      tpu.enqueue_dma source(%dma_start3A_296 : memref<640x2x128xbf16, #tpu.memory_space<hbm>>) target(%dma_start3A_293 : memref<640x2x128xbf16, #tpu.memory_space<vmem_shared>>) target_semaphore(%run_scoped3A_290 : memref<!tpu.dma_semaphore, #tpu.memory_space<semaphore_mem>>)
      %dma_wait3A_297 = arith.constant 0 : i32
      %dma_wait3A_298 = arith.constant 0 : i32
      %dma_wait3A_299 = tpu.memref_slice %arg13[%mul3A_2, %dma_wait3A_297, %dma_wait3A_298] : memref<10240x2x128xbf16, #tpu.memory_space<vmem_shared>> -> memref<640x2x128xbf16, #tpu.memory_space<vmem_shared>>
      %dma_wait3A_300 = arith.constant 0 : i32
      %dma_wait3A_301 = arith.constant 0 : i32
      %dma_wait3A_302 = tpu.memref_slice %arg6[%mul3A_2, %dma_wait3A_300, %dma_wait3A_301] : memref<10240x2x128xbf16, #tpu.memory_space<hbm>> -> memref<640x2x128xbf16, #tpu.memory_space<hbm>>
      tpu.wait_dma2 semaphore(%run_scoped3A_290 : memref<!tpu.dma_semaphore, #tpu.memory_space<semaphore_mem>>) src(%dma_wait3A_302 : memref<640x2x128xbf16, #tpu.memory_space<hbm>>) dst(%dma_wait3A_299 : memref<640x2x128xbf16, #tpu.memory_space<vmem_shared>>)
      tpu.yield
    }) : () -> ()
    %barrier3A = arith.constant 0 : index
    tpu.barrier barrier_id(%barrier3A)
    "tpu.region"() ({
      %run_scoped3A_290 = tpu.sem_alloc : memref<!tpu.dma_semaphore, #tpu.memory_space<semaphore_mem>>
      %dma_start3A_291 = arith.constant 0 : i32
      %dma_start3A_292 = arith.constant 0 : i32
      %dma_start3A_293 = tpu.memref_slice %arg4[%add3A, %dma_start3A_291, %dma_start3A_292] : memref<32x40x128xi32, #tpu.memory_space<hbm>> -> memref<1x40x128xi32, #tpu.memory_space<hbm>>
      %dma_start3A_294 = tpu.memref_squeeze %dma_start3A_293 : memref<1x40x128xi32, #tpu.memory_space<hbm>> -> memref<40x128xi32, #tpu.memory_space<hbm>>
      %dma_start3A_295 = arith.constant 0 : i32
      %dma_start3A_296 = arith.constant 0 : i32
      %dma_start3A_297 = tpu.memref_slice %arg4[%add3A, %dma_start3A_295, %dma_start3A_296] : memref<32x40x128xi32, #tpu.memory_space<hbm>> -> memref<1x40x128xi32, #tpu.memory_space<hbm>>
      %dma_start3A_298 = tpu.memref_squeeze %dma_start3A_297 : memref<1x40x128xi32, #tpu.memory_space<hbm>> -> memref<40x128xi32, #tpu.memory_space<hbm>>
      tpu.enqueue_dma source(%dma_start3A_298 : memref<40x128xi32, #tpu.memory_space<hbm>>) target(%arg8 : memref<40x128xi32, #tpu.memory_space<vmem>>) target_semaphore(%run_scoped3A_290 : memref<!tpu.dma_semaphore, #tpu.memory_space<semaphore_mem>>)
      %dma_wait3A_299 = arith.constant 0 : i32
      %dma_wait3A_300 = arith.constant 0 : i32
      %dma_wait3A_301 = tpu.memref_slice %arg4[%add3A, %dma_wait3A_299, %dma_wait3A_300] : memref<32x40x128xi32, #tpu.memory_space<hbm>> -> memref<1x40x128xi32, #tpu.memory_space<hbm>>
      %dma_wait3A_302 = tpu.memref_squeeze %dma_wait3A_301 : memref<1x40x128xi32, #tpu.memory_space<hbm>> -> memref<40x128xi32, #tpu.memory_space<hbm>>
      %dma_wait3A_303 = arith.constant 0 : i32
      %dma_wait3A_304 = arith.constant 0 : i32
      %dma_wait3A_305 = tpu.memref_slice %arg4[%add3A, %dma_wait3A_303, %dma_wait3A_304] : memref<32x40x128xi32, #tpu.memory_space<hbm>> -> memref<1x40x128xi32, #tpu.memory_space<hbm>>
      %dma_wait3A_306 = tpu.memref_squeeze %dma_wait3A_305 : memref<1x40x128xi32, #tpu.memory_space<hbm>> -> memref<40x128xi32, #tpu.memory_space<hbm>>
      tpu.wait_dma2 semaphore(%run_scoped3A_290 : memref<!tpu.dma_semaphore, #tpu.memory_space<semaphore_mem>>) src(%dma_wait3A_306 : memref<40x128xi32, #tpu.memory_space<hbm>>) dst(%arg8 : memref<40x128xi32, #tpu.memory_space<vmem>>)
      tpu.yield
    }) : () -> ()
    "tpu.region"() ({
      %run_scoped3A_290 = tpu.sem_alloc : memref<!tpu.dma_semaphore, #tpu.memory_space<semaphore_mem>>
      %dma_start3A_291 = arith.constant 0 : i32
      %dma_start3A_292 = arith.constant 0 : i32
      %dma_start3A_293 = tpu.memref_slice %arg5[%add3A, %dma_start3A_291, %dma_start3A_292] : memref<32x40x128xi32, #tpu.memory_space<hbm>> -> memref<1x40x128xi32, #tpu.memory_space<hbm>>
      %dma_start3A_294 = tpu.memref_squeeze %dma_start3A_293 : memref<1x40x128xi32, #tpu.memory_space<hbm>> -> memref<40x128xi32, #tpu.memory_space<hbm>>
      %dma_start3A_295 = arith.constant 0 : i32
      %dma_start3A_296 = arith.constant 0 : i32
      %dma_start3A_297 = tpu.memref_slice %arg5[%add3A, %dma_start3A_295, %dma_start3A_296] : memref<32x40x128xi32, #tpu.memory_space<hbm>> -> memref<1x40x128xi32, #tpu.memory_space<hbm>>
      %dma_start3A_298 = tpu.memref_squeeze %dma_start3A_297 : memref<1x40x128xi32, #tpu.memory_space<hbm>> -> memref<40x128xi32, #tpu.memory_space<hbm>>
      tpu.enqueue_dma source(%dma_start3A_298 : memref<40x128xi32, #tpu.memory_space<hbm>>) target(%arg9 : memref<40x128xi32, #tpu.memory_space<vmem>>) target_semaphore(%run_scoped3A_290 : memref<!tpu.dma_semaphore, #tpu.memory_space<semaphore_mem>>)
      %dma_wait3A_299 = arith.constant 0 : i32
      %dma_wait3A_300 = arith.constant 0 : i32
      %dma_wait3A_301 = tpu.memref_slice %arg5[%add3A, %dma_wait3A_299, %dma_wait3A_300] : memref<32x40x128xi32, #tpu.memory_space<hbm>> -> memref<1x40x128xi32, #tpu.memory_space<hbm>>
      %dma_wait3A_302 = tpu.memref_squeeze %dma_wait3A_301 : memref<1x40x128xi32, #tpu.memory_space<hbm>> -> memref<40x128xi32, #tpu.memory_space<hbm>>
      %dma_wait3A_303 = arith.constant 0 : i32
      %dma_wait3A_304 = arith.constant 0 : i32
      %dma_wait3A_305 = tpu.memref_slice %arg5[%add3A, %dma_wait3A_303, %dma_wait3A_304] : memref<32x40x128xi32, #tpu.memory_space<hbm>> -> memref<1x40x128xi32, #tpu.memory_space<hbm>>
      %dma_wait3A_306 = tpu.memref_squeeze %dma_wait3A_305 : memref<1x40x128xi32, #tpu.memory_space<hbm>> -> memref<40x128xi32, #tpu.memory_space<hbm>>
      tpu.wait_dma2 semaphore(%run_scoped3A_290 : memref<!tpu.dma_semaphore, #tpu.memory_space<semaphore_mem>>) src(%dma_wait3A_306 : memref<40x128xi32, #tpu.memory_space<hbm>>) dst(%arg9 : memref<40x128xi32, #tpu.memory_space<vmem>>)
      tpu.yield
    }) : () -> ()
    %dma_start3A = arith.constant 0 : i32
    %dma_start3A_3 = arith.constant 0 : i32
    %dma_start3A_4 = arith.constant 0 : i32
    %dma_start3A_5 = arith.constant 0 : i32
    %dma_start3A_6 = arith.constant 0 : i32
    %dma_start3A_7 = arith.constant 0 : i32
    %dma_start3A_8 = tpu.memref_slice %arg10[%dma_start3A_3, %dma_start3A_5, %dma_start3A_6, %dma_start3A_7] : memref<2x128x2x128xbf16, #tpu.memory_space<vmem>> -> memref<1x128x2x128xbf16, #tpu.memory_space<vmem>>
    %dma_start3A_9 = tpu.memref_squeeze %dma_start3A_8 : memref<1x128x2x128xbf16, #tpu.memory_space<vmem>> -> memref<128x2x128xbf16, #tpu.memory_space<vmem>>
    %dma_start3A_10 = arith.constant 0 : i32
    %dma_start3A_11 = tpu.memref_slice %arg8[%dma_start3A, %dma_start3A_10] : memref<40x128xi32, #tpu.memory_space<vmem>> -> memref<1x128xi32, #tpu.memory_space<vmem>>
    %dma_start3A_12 = tpu.memref_squeeze %dma_start3A_11 : memref<1x128xi32, #tpu.memory_space<vmem>> -> memref<128xi32, #tpu.memory_space<vmem>>
    %dma_start3A_13 = arith.constant 0 : i32
    %dma_start3A_14 = arith.constant 0 : i32
    %dma_start3A_15 = arith.constant 0 : i32
    %dma_start3A_16 = tpu.memref_slice %arg2[%dma_start3A_13, %dma_start3A_14, %dma_start3A_15] : memref<10240x2x128xbf16, #tpu.memory_space<hbm>> -> memref<10240x2x128xbf16, #tpu.memory_space<hbm>>
    %dma_start3A_17 = tpu.memref_slice %arg11[%dma_start3A_4] : memref<2x!tpu.dma_semaphore, #tpu.memory_space<semaphore_mem>> -> memref<1x!tpu.dma_semaphore, #tpu.memory_space<semaphore_mem>>
    %dma_start3A_18 = tpu.memref_squeeze %dma_start3A_17 : memref<1x!tpu.dma_semaphore, #tpu.memory_space<semaphore_mem>> -> memref<!tpu.dma_semaphore, #tpu.memory_space<semaphore_mem>>
    tpu.enqueue_indirect_dma source(%dma_start3A_16 : memref<10240x2x128xbf16, #tpu.memory_space<hbm>>) target(%dma_start3A_9 : memref<128x2x128xbf16, #tpu.memory_space<vmem>>) offsets(%dma_start3A_12 : memref<128xi32, #tpu.memory_space<vmem>>) semaphore(%dma_start3A_18 : memref<!tpu.dma_semaphore, #tpu.memory_space<semaphore_mem>>)
    %dma_start3A_19 = arith.constant 1 : i32
    %dma_start3A_20 = arith.constant 1 : i32
    %dma_start3A_21 = arith.constant 1 : i32
    %dma_start3A_22 = arith.constant 0 : i32
    %dma_start3A_23 = arith.constant 0 : i32
    %dma_start3A_24 = arith.constant 0 : i32
    %dma_start3A_25 = tpu.memref_slice %arg10[%dma_start3A_20, %dma_start3A_22, %dma_start3A_23, %dma_start3A_24] : memref<2x128x2x128xbf16, #tpu.memory_space<vmem>> -> memref<1x128x2x128xbf16, #tpu.memory_space<vmem>>
    %dma_start3A_26 = tpu.memref_squeeze %dma_start3A_25 : memref<1x128x2x128xbf16, #tpu.memory_space<vmem>> -> memref<128x2x128xbf16, #tpu.memory_space<vmem>>
    %dma_start3A_27 = arith.constant 0 : i32
    %dma_start3A_28 = tpu.memref_slice %arg8[%dma_start3A_19, %dma_start3A_27] : memref<40x128xi32, #tpu.memory_space<vmem>> -> memref<1x128xi32, #tpu.memory_space<vmem>>
    %dma_start3A_29 = tpu.memref_squeeze %dma_start3A_28 : memref<1x128xi32, #tpu.memory_space<vmem>> -> memref<128xi32, #tpu.memory_space<vmem>>
    %dma_start3A_30 = arith.constant 0 : i32
    %dma_start3A_31 = arith.constant 0 : i32
    %dma_start3A_32 = arith.constant 0 : i32
    %dma_start3A_33 = tpu.memref_slice %arg2[%dma_start3A_30, %dma_start3A_31, %dma_start3A_32] : memref<10240x2x128xbf16, #tpu.memory_space<hbm>> -> memref<10240x2x128xbf16, #tpu.memory_space<hbm>>
    %dma_start3A_34 = tpu.memref_slice %arg11[%dma_start3A_21] : memref<2x!tpu.dma_semaphore, #tpu.memory_space<semaphore_mem>> -> memref<1x!tpu.dma_semaphore, #tpu.memory_space<semaphore_mem>>
    %dma_start3A_35 = tpu.memref_squeeze %dma_start3A_34 : memref<1x!tpu.dma_semaphore, #tpu.memory_space<semaphore_mem>> -> memref<!tpu.dma_semaphore, #tpu.memory_space<semaphore_mem>>
    tpu.enqueue_indirect_dma source(%dma_start3A_33 : memref<10240x2x128xbf16, #tpu.memory_space<hbm>>) target(%dma_start3A_26 : memref<128x2x128xbf16, #tpu.memory_space<vmem>>) offsets(%dma_start3A_29 : memref<128xi32, #tpu.memory_space<vmem>>) semaphore(%dma_start3A_35 : memref<!tpu.dma_semaphore, #tpu.memory_space<semaphore_mem>>)
    %scan3A = arith.constant 0 : i32
    %scan3A_36 = arith.constant 0 : i32
    %scan3A_37 = arith.constant 19 : i32
    %scan3A_38 = arith.addi %scan3A_36, %scan3A_37 : i32
    %scan3A_39 = arith.constant 1 : i32
    scf.for %scan3A_290 = %scan3A_36 to %scan3A_38 step %scan3A_39  : i32 {
      %mul3A_291 = arith.constant 2 : i32
      %mul3A_292 = arith.muli %scan3A_290, %mul3A_291 : i32
      %add3A_293 = arith.constant 0 : i32
      %add3A_294 = arith.addi %mul3A_292, %add3A_293 : i32
      %dma_wait3A_295 = arith.constant 0 : i32
      %dma_wait3A_296 = arith.constant 0 : i32
      %dma_wait3A_297 = arith.constant 0 : i32
      %dma_wait3A_298 = arith.constant 0 : i32
      %dma_wait3A_299 = arith.constant 0 : i32
      %dma_wait3A_300 = tpu.memref_slice %arg10[%dma_wait3A_295, %dma_wait3A_297, %dma_wait3A_298, %dma_wait3A_299] : memref<2x128x2x128xbf16, #tpu.memory_space<vmem>> -> memref<1x128x2x128xbf16, #tpu.memory_space<vmem>>
      %dma_wait3A_301 = tpu.memref_squeeze %dma_wait3A_300 : memref<1x128x2x128xbf16, #tpu.memory_space<vmem>> -> memref<128x2x128xbf16, #tpu.memory_space<vmem>>
      %dma_wait3A_302 = arith.constant 0 : i32
      %dma_wait3A_303 = tpu.memref_slice %arg8[%add3A_294, %dma_wait3A_302] : memref<40x128xi32, #tpu.memory_space<vmem>> -> memref<1x128xi32, #tpu.memory_space<vmem>>
      %dma_wait3A_304 = tpu.memref_squeeze %dma_wait3A_303 : memref<1x128xi32, #tpu.memory_space<vmem>> -> memref<128xi32, #tpu.memory_space<vmem>>
      %dma_wait3A_305 = arith.constant 0 : i32
      %dma_wait3A_306 = arith.constant 0 : i32
      %dma_wait3A_307 = arith.constant 0 : i32
      %dma_wait3A_308 = tpu.memref_slice %arg2[%dma_wait3A_305, %dma_wait3A_306, %dma_wait3A_307] : memref<10240x2x128xbf16, #tpu.memory_space<hbm>> -> memref<10240x2x128xbf16, #tpu.memory_space<hbm>>
      %dma_wait3A_309 = tpu.memref_slice %arg11[%dma_wait3A_296] : memref<2x!tpu.dma_semaphore, #tpu.memory_space<semaphore_mem>> -> memref<1x!tpu.dma_semaphore, #tpu.memory_space<semaphore_mem>>
      %dma_wait3A_310 = tpu.memref_squeeze %dma_wait3A_309 : memref<1x!tpu.dma_semaphore, #tpu.memory_space<semaphore_mem>> -> memref<!tpu.dma_semaphore, #tpu.memory_space<semaphore_mem>>
      tpu.wait_indirect_dma semaphore(%dma_wait3A_310 : memref<!tpu.dma_semaphore, #tpu.memory_space<semaphore_mem>>) src(%dma_wait3A_308 : memref<10240x2x128xbf16, #tpu.memory_space<hbm>>) dst(%dma_wait3A_301 : memref<128x2x128xbf16, #tpu.memory_space<vmem>>)
      %dma_start3A_311 = arith.constant 0 : i32
      %dma_start3A_312 = arith.constant 0 : i32
      %dma_start3A_313 = arith.constant 0 : i32
      %dma_start3A_314 = arith.constant 0 : i32
      %dma_start3A_315 = arith.constant 0 : i32
      %dma_start3A_316 = tpu.memref_slice %arg10[%dma_start3A_311, %dma_start3A_313, %dma_start3A_314, %dma_start3A_315] : memref<2x128x2x128xbf16, #tpu.memory_space<vmem>> -> memref<1x128x2x128xbf16, #tpu.memory_space<vmem>>
      %dma_start3A_317 = tpu.memref_squeeze %dma_start3A_316 : memref<1x128x2x128xbf16, #tpu.memory_space<vmem>> -> memref<128x2x128xbf16, #tpu.memory_space<vmem>>
      %dma_start3A_318 = arith.constant 0 : i32
      %dma_start3A_319 = tpu.memref_slice %arg9[%add3A_294, %dma_start3A_318] : memref<40x128xi32, #tpu.memory_space<vmem>> -> memref<1x128xi32, #tpu.memory_space<vmem>>
      %dma_start3A_320 = tpu.memref_squeeze %dma_start3A_319 : memref<1x128xi32, #tpu.memory_space<vmem>> -> memref<128xi32, #tpu.memory_space<vmem>>
      %dma_start3A_321 = arith.constant 0 : i32
      %dma_start3A_322 = arith.constant 0 : i32
      %dma_start3A_323 = arith.constant 0 : i32
      %dma_start3A_324 = tpu.memref_slice %arg13[%dma_start3A_321, %dma_start3A_322, %dma_start3A_323] : memref<10240x2x128xbf16, #tpu.memory_space<vmem_shared>> -> memref<10240x2x128xbf16, #tpu.memory_space<vmem_shared>>
      %dma_start3A_325 = tpu.memref_slice %arg12[%dma_start3A_312] : memref<2x!tpu.dma_semaphore, #tpu.memory_space<semaphore_mem>> -> memref<1x!tpu.dma_semaphore, #tpu.memory_space<semaphore_mem>>
      %dma_start3A_326 = tpu.memref_squeeze %dma_start3A_325 : memref<1x!tpu.dma_semaphore, #tpu.memory_space<semaphore_mem>> -> memref<!tpu.dma_semaphore, #tpu.memory_space<semaphore_mem>>
      tpu.enqueue_indirect_dma source(%dma_start3A_317 : memref<128x2x128xbf16, #tpu.memory_space<vmem>>) target(%dma_start3A_324 : memref<10240x2x128xbf16, #tpu.memory_space<vmem_shared>>) offsets(%dma_start3A_320 : memref<128xi32, #tpu.memory_space<vmem>>) semaphore(%dma_start3A_326 : memref<!tpu.dma_semaphore, #tpu.memory_space<semaphore_mem>>) {add = true}
      %mul3A_327 = arith.constant 2 : i32
      %mul3A_328 = arith.muli %scan3A_290, %mul3A_327 : i32
      %add3A_329 = arith.constant 1 : i32
      %add3A_330 = arith.addi %mul3A_328, %add3A_329 : i32
      %dma_wait3A_331 = arith.constant 1 : i32
      %dma_wait3A_332 = arith.constant 1 : i32
      %dma_wait3A_333 = arith.constant 0 : i32
      %dma_wait3A_334 = arith.constant 0 : i32
      %dma_wait3A_335 = arith.constant 0 : i32
      %dma_wait3A_336 = tpu.memref_slice %arg10[%dma_wait3A_331, %dma_wait3A_333, %dma_wait3A_334, %dma_wait3A_335] : memref<2x128x2x128xbf16, #tpu.memory_space<vmem>> -> memref<1x128x2x128xbf16, #tpu.memory_space<vmem>>
      %dma_wait3A_337 = tpu.memref_squeeze %dma_wait3A_336 : memref<1x128x2x128xbf16, #tpu.memory_space<vmem>> -> memref<128x2x128xbf16, #tpu.memory_space<vmem>>
      %dma_wait3A_338 = arith.constant 0 : i32
      %dma_wait3A_339 = tpu.memref_slice %arg8[%add3A_330, %dma_wait3A_338] : memref<40x128xi32, #tpu.memory_space<vmem>> -> memref<1x128xi32, #tpu.memory_space<vmem>>
      %dma_wait3A_340 = tpu.memref_squeeze %dma_wait3A_339 : memref<1x128xi32, #tpu.memory_space<vmem>> -> memref<128xi32, #tpu.memory_space<vmem>>
      %dma_wait3A_341 = arith.constant 0 : i32
      %dma_wait3A_342 = arith.constant 0 : i32
      %dma_wait3A_343 = arith.constant 0 : i32
      %dma_wait3A_344 = tpu.memref_slice %arg2[%dma_wait3A_341, %dma_wait3A_342, %dma_wait3A_343] : memref<10240x2x128xbf16, #tpu.memory_space<hbm>> -> memref<10240x2x128xbf16, #tpu.memory_space<hbm>>
      %dma_wait3A_345 = tpu.memref_slice %arg11[%dma_wait3A_332] : memref<2x!tpu.dma_semaphore, #tpu.memory_space<semaphore_mem>> -> memref<1x!tpu.dma_semaphore, #tpu.memory_space<semaphore_mem>>
      %dma_wait3A_346 = tpu.memref_squeeze %dma_wait3A_345 : memref<1x!tpu.dma_semaphore, #tpu.memory_space<semaphore_mem>> -> memref<!tpu.dma_semaphore, #tpu.memory_space<semaphore_mem>>
      tpu.wait_indirect_dma semaphore(%dma_wait3A_346 : memref<!tpu.dma_semaphore, #tpu.memory_space<semaphore_mem>>) src(%dma_wait3A_344 : memref<10240x2x128xbf16, #tpu.memory_space<hbm>>) dst(%dma_wait3A_337 : memref<128x2x128xbf16, #tpu.memory_space<vmem>>)
      %dma_start3A_347 = arith.constant 1 : i32
      %dma_start3A_348 = arith.constant 1 : i32
      %dma_start3A_349 = arith.constant 0 : i32
      %dma_start3A_350 = arith.constant 0 : i32
      %dma_start3A_351 = arith.constant 0 : i32
      %dma_start3A_352 = tpu.memref_slice %arg10[%dma_start3A_347, %dma_start3A_349, %dma_start3A_350, %dma_start3A_351] : memref<2x128x2x128xbf16, #tpu.memory_space<vmem>> -> memref<1x128x2x128xbf16, #tpu.memory_space<vmem>>
      %dma_start3A_353 = tpu.memref_squeeze %dma_start3A_352 : memref<1x128x2x128xbf16, #tpu.memory_space<vmem>> -> memref<128x2x128xbf16, #tpu.memory_space<vmem>>
      %dma_start3A_354 = arith.constant 0 : i32
      %dma_start3A_355 = tpu.memref_slice %arg9[%add3A_330, %dma_start3A_354] : memref<40x128xi32, #tpu.memory_space<vmem>> -> memref<1x128xi32, #tpu.memory_space<vmem>>
      %dma_start3A_356 = tpu.memref_squeeze %dma_start3A_355 : memref<1x128xi32, #tpu.memory_space<vmem>> -> memref<128xi32, #tpu.memory_space<vmem>>
      %dma_start3A_357 = arith.constant 0 : i32
      %dma_start3A_358 = arith.constant 0 : i32
      %dma_start3A_359 = arith.constant 0 : i32
      %dma_start3A_360 = tpu.memref_slice %arg13[%dma_start3A_357, %dma_start3A_358, %dma_start3A_359] : memref<10240x2x128xbf16, #tpu.memory_space<vmem_shared>> -> memref<10240x2x128xbf16, #tpu.memory_space<vmem_shared>>
      %dma_start3A_361 = tpu.memref_slice %arg12[%dma_start3A_348] : memref<2x!tpu.dma_semaphore, #tpu.memory_space<semaphore_mem>> -> memref<1x!tpu.dma_semaphore, #tpu.memory_space<semaphore_mem>>
      %dma_start3A_362 = tpu.memref_squeeze %dma_start3A_361 : memref<1x!tpu.dma_semaphore, #tpu.memory_space<semaphore_mem>> -> memref<!tpu.dma_semaphore, #tpu.memory_space<semaphore_mem>>
      tpu.enqueue_indirect_dma source(%dma_start3A_353 : memref<128x2x128xbf16, #tpu.memory_space<vmem>>) target(%dma_start3A_360 : memref<10240x2x128xbf16, #tpu.memory_space<vmem_shared>>) offsets(%dma_start3A_356 : memref<128xi32, #tpu.memory_space<vmem>>) semaphore(%dma_start3A_362 : memref<!tpu.dma_semaphore, #tpu.memory_space<semaphore_mem>>) {add = true}
      %mul3A_363 = arith.constant 2 : i32
      %mul3A_364 = arith.muli %scan3A_290, %mul3A_363 : i32
      %add3A_365 = arith.constant 0 : i32
      %add3A_366 = arith.addi %mul3A_364, %add3A_365 : i32
      %dma_wait3A_367 = arith.constant 0 : i32
      %dma_wait3A_368 = arith.constant 0 : i32
      %dma_wait3A_369 = arith.constant 0 : i32
      %dma_wait3A_370 = arith.constant 0 : i32
      %dma_wait3A_371 = arith.constant 0 : i32
      %dma_wait3A_372 = tpu.memref_slice %arg10[%dma_wait3A_367, %dma_wait3A_369, %dma_wait3A_370, %dma_wait3A_371] : memref<2x128x2x128xbf16, #tpu.memory_space<vmem>> -> memref<1x128x2x128xbf16, #tpu.memory_space<vmem>>
      %dma_wait3A_373 = tpu.memref_squeeze %dma_wait3A_372 : memref<1x128x2x128xbf16, #tpu.memory_space<vmem>> -> memref<128x2x128xbf16, #tpu.memory_space<vmem>>
      %dma_wait3A_374 = arith.constant 0 : i32
      %dma_wait3A_375 = tpu.memref_slice %arg9[%add3A_366, %dma_wait3A_374] : memref<40x128xi32, #tpu.memory_space<vmem>> -> memref<1x128xi32, #tpu.memory_space<vmem>>
      %dma_wait3A_376 = tpu.memref_squeeze %dma_wait3A_375 : memref<1x128xi32, #tpu.memory_space<vmem>> -> memref<128xi32, #tpu.memory_space<vmem>>
      %dma_wait3A_377 = arith.constant 0 : i32
      %dma_wait3A_378 = arith.constant 0 : i32
      %dma_wait3A_379 = arith.constant 0 : i32
      %dma_wait3A_380 = tpu.memref_slice %arg13[%dma_wait3A_377, %dma_wait3A_378, %dma_wait3A_379] : memref<10240x2x128xbf16, #tpu.memory_space<vmem_shared>> -> memref<10240x2x128xbf16, #tpu.memory_space<vmem_shared>>
      %dma_wait3A_381 = tpu.memref_slice %arg12[%dma_wait3A_368] : memref<2x!tpu.dma_semaphore, #tpu.memory_space<semaphore_mem>> -> memref<1x!tpu.dma_semaphore, #tpu.memory_space<semaphore_mem>>
      %dma_wait3A_382 = tpu.memref_squeeze %dma_wait3A_381 : memref<1x!tpu.dma_semaphore, #tpu.memory_space<semaphore_mem>> -> memref<!tpu.dma_semaphore, #tpu.memory_space<semaphore_mem>>
      tpu.wait_indirect_dma semaphore(%dma_wait3A_382 : memref<!tpu.dma_semaphore, #tpu.memory_space<semaphore_mem>>) src(%dma_wait3A_373 : memref<128x2x128xbf16, #tpu.memory_space<vmem>>) dst(%dma_wait3A_380 : memref<10240x2x128xbf16, #tpu.memory_space<vmem_shared>>)
      %add3A_383 = arith.constant 2 : i32
      %add3A_384 = arith.addi %add3A_366, %add3A_383 : i32
      %dma_start3A_385 = arith.constant 0 : i32
      %dma_start3A_386 = arith.constant 0 : i32
      %dma_start3A_387 = arith.constant 0 : i32
      %dma_start3A_388 = arith.constant 0 : i32
      %dma_start3A_389 = arith.constant 0 : i32
      %dma_start3A_390 = tpu.memref_slice %arg10[%dma_start3A_385, %dma_start3A_387, %dma_start3A_388, %dma_start3A_389] : memref<2x128x2x128xbf16, #tpu.memory_space<vmem>> -> memref<1x128x2x128xbf16, #tpu.memory_space<vmem>>
      %dma_start3A_391 = tpu.memref_squeeze %dma_start3A_390 : memref<1x128x2x128xbf16, #tpu.memory_space<vmem>> -> memref<128x2x128xbf16, #tpu.memory_space<vmem>>
      %dma_start3A_392 = arith.constant 0 : i32
      %dma_start3A_393 = tpu.memref_slice %arg8[%add3A_384, %dma_start3A_392] : memref<40x128xi32, #tpu.memory_space<vmem>> -> memref<1x128xi32, #tpu.memory_space<vmem>>
      %dma_start3A_394 = tpu.memref_squeeze %dma_start3A_393 : memref<1x128xi32, #tpu.memory_space<vmem>> -> memref<128xi32, #tpu.memory_space<vmem>>
      %dma_start3A_395 = arith.constant 0 : i32
      %dma_start3A_396 = arith.constant 0 : i32
      %dma_start3A_397 = arith.constant 0 : i32
      %dma_start3A_398 = tpu.memref_slice %arg2[%dma_start3A_395, %dma_start3A_396, %dma_start3A_397] : memref<10240x2x128xbf16, #tpu.memory_space<hbm>> -> memref<10240x2x128xbf16, #tpu.memory_space<hbm>>
      %dma_start3A_399 = tpu.memref_slice %arg11[%dma_start3A_386] : memref<2x!tpu.dma_semaphore, #tpu.memory_space<semaphore_mem>> -> memref<1x!tpu.dma_semaphore, #tpu.memory_space<semaphore_mem>>
      %dma_start3A_400 = tpu.memref_squeeze %dma_start3A_399 : memref<1x!tpu.dma_semaphore, #tpu.memory_space<semaphore_mem>> -> memref<!tpu.dma_semaphore, #tpu.memory_space<semaphore_mem>>
      tpu.enqueue_indirect_dma source(%dma_start3A_398 : memref<10240x2x128xbf16, #tpu.memory_space<hbm>>) target(%dma_start3A_391 : memref<128x2x128xbf16, #tpu.memory_space<vmem>>) offsets(%dma_start3A_394 : memref<128xi32, #tpu.memory_space<vmem>>) semaphore(%dma_start3A_400 : memref<!tpu.dma_semaphore, #tpu.memory_space<semaphore_mem>>)
      %mul3A_401 = arith.constant 2 : i32
      %mul3A_402 = arith.muli %scan3A_290, %mul3A_401 : i32
      %add3A_403 = arith.constant 1 : i32
      %add3A_404 = arith.addi %mul3A_402, %add3A_403 : i32
      %dma_wait3A_405 = arith.constant 1 : i32
      %dma_wait3A_406 = arith.constant 1 : i32
      %dma_wait3A_407 = arith.constant 0 : i32
      %dma_wait3A_408 = arith.constant 0 : i32
      %dma_wait3A_409 = arith.constant 0 : i32
      %dma_wait3A_410 = tpu.memref_slice %arg10[%dma_wait3A_405, %dma_wait3A_407, %dma_wait3A_408, %dma_wait3A_409] : memref<2x128x2x128xbf16, #tpu.memory_space<vmem>> -> memref<1x128x2x128xbf16, #tpu.memory_space<vmem>>
      %dma_wait3A_411 = tpu.memref_squeeze %dma_wait3A_410 : memref<1x128x2x128xbf16, #tpu.memory_space<vmem>> -> memref<128x2x128xbf16, #tpu.memory_space<vmem>>
      %dma_wait3A_412 = arith.constant 0 : i32
      %dma_wait3A_413 = tpu.memref_slice %arg9[%add3A_404, %dma_wait3A_412] : memref<40x128xi32, #tpu.memory_space<vmem>> -> memref<1x128xi32, #tpu.memory_space<vmem>>
      %dma_wait3A_414 = tpu.memref_squeeze %dma_wait3A_413 : memref<1x128xi32, #tpu.memory_space<vmem>> -> memref<128xi32, #tpu.memory_space<vmem>>
      %dma_wait3A_415 = arith.constant 0 : i32
      %dma_wait3A_416 = arith.constant 0 : i32
      %dma_wait3A_417 = arith.constant 0 : i32
      %dma_wait3A_418 = tpu.memref_slice %arg13[%dma_wait3A_415, %dma_wait3A_416, %dma_wait3A_417] : memref<10240x2x128xbf16, #tpu.memory_space<vmem_shared>> -> memref<10240x2x128xbf16, #tpu.memory_space<vmem_shared>>
      %dma_wait3A_419 = tpu.memref_slice %arg12[%dma_wait3A_406] : memref<2x!tpu.dma_semaphore, #tpu.memory_space<semaphore_mem>> -> memref<1x!tpu.dma_semaphore, #tpu.memory_space<semaphore_mem>>
      %dma_wait3A_420 = tpu.memref_squeeze %dma_wait3A_419 : memref<1x!tpu.dma_semaphore, #tpu.memory_space<semaphore_mem>> -> memref<!tpu.dma_semaphore, #tpu.memory_space<semaphore_mem>>
      tpu.wait_indirect_dma semaphore(%dma_wait3A_420 : memref<!tpu.dma_semaphore, #tpu.memory_space<semaphore_mem>>) src(%dma_wait3A_411 : memref<128x2x128xbf16, #tpu.memory_space<vmem>>) dst(%dma_wait3A_418 : memref<10240x2x128xbf16, #tpu.memory_space<vmem_shared>>)
      %add3A_421 = arith.constant 2 : i32
      %add3A_422 = arith.addi %add3A_404, %add3A_421 : i32
      %dma_start3A_423 = arith.constant 1 : i32
      %dma_start3A_424 = arith.constant 1 : i32
      %dma_start3A_425 = arith.constant 0 : i32
      %dma_start3A_426 = arith.constant 0 : i32
      %dma_start3A_427 = arith.constant 0 : i32
      %dma_start3A_428 = tpu.memref_slice %arg10[%dma_start3A_423, %dma_start3A_425, %dma_start3A_426, %dma_start3A_427] : memref<2x128x2x128xbf16, #tpu.memory_space<vmem>> -> memref<1x128x2x128xbf16, #tpu.memory_space<vmem>>
      %dma_start3A_429 = tpu.memref_squeeze %dma_start3A_428 : memref<1x128x2x128xbf16, #tpu.memory_space<vmem>> -> memref<128x2x128xbf16, #tpu.memory_space<vmem>>
      %dma_start3A_430 = arith.constant 0 : i32
      %dma_start3A_431 = tpu.memref_slice %arg8[%add3A_422, %dma_start3A_430] : memref<40x128xi32, #tpu.memory_space<vmem>> -> memref<1x128xi32, #tpu.memory_space<vmem>>
      %dma_start3A_432 = tpu.memref_squeeze %dma_start3A_431 : memref<1x128xi32, #tpu.memory_space<vmem>> -> memref<128xi32, #tpu.memory_space<vmem>>
      %dma_start3A_433 = arith.constant 0 : i32
      %dma_start3A_434 = arith.constant 0 : i32
      %dma_start3A_435 = arith.constant 0 : i32
      %dma_start3A_436 = tpu.memref_slice %arg2[%dma_start3A_433, %dma_start3A_434, %dma_start3A_435] : memref<10240x2x128xbf16, #tpu.memory_space<hbm>> -> memref<10240x2x128xbf16, #tpu.memory_space<hbm>>
      %dma_start3A_437 = tpu.memref_slice %arg11[%dma_start3A_424] : memref<2x!tpu.dma_semaphore, #tpu.memory_space<semaphore_mem>> -> memref<1x!tpu.dma_semaphore, #tpu.memory_space<semaphore_mem>>
      %dma_start3A_438 = tpu.memref_squeeze %dma_start3A_437 : memref<1x!tpu.dma_semaphore, #tpu.memory_space<semaphore_mem>> -> memref<!tpu.dma_semaphore, #tpu.memory_space<semaphore_mem>>
      tpu.enqueue_indirect_dma source(%dma_start3A_436 : memref<10240x2x128xbf16, #tpu.memory_space<hbm>>) target(%dma_start3A_429 : memref<128x2x128xbf16, #tpu.memory_space<vmem>>) offsets(%dma_start3A_432 : memref<128xi32, #tpu.memory_space<vmem>>) semaphore(%dma_start3A_438 : memref<!tpu.dma_semaphore, #tpu.memory_space<semaphore_mem>>)
    }
    %scan3A_40 = arith.constant 19 : i32
    %dma_wait3A = arith.constant 38 : i32
    %dma_wait3A_41 = arith.constant 0 : i32
    %dma_wait3A_42 = arith.constant 0 : i32
    %dma_wait3A_43 = arith.constant 0 : i32
    %dma_wait3A_44 = arith.constant 0 : i32
    %dma_wait3A_45 = arith.constant 0 : i32
    %dma_wait3A_46 = tpu.memref_slice %arg10[%dma_wait3A_41, %dma_wait3A_43, %dma_wait3A_44, %dma_wait3A_45] : memref<2x128x2x128xbf16, #tpu.memory_space<vmem>> -> memref<1x128x2x128xbf16, #tpu.memory_space<vmem>>
    %dma_wait3A_47 = tpu.memref_squeeze %dma_wait3A_46 : memref<1x128x2x128xbf16, #tpu.memory_space<vmem>> -> memref<128x2x128xbf16, #tpu.memory_space<vmem>>
    %dma_wait3A_48 = arith.constant 0 : i32
    %dma_wait3A_49 = tpu.memref_slice %arg8[%dma_wait3A, %dma_wait3A_48] : memref<40x128xi32, #tpu.memory_space<vmem>> -> memref<1x128xi32, #tpu.memory_space<vmem>>
    %dma_wait3A_50 = tpu.memref_squeeze %dma_wait3A_49 : memref<1x128xi32, #tpu.memory_space<vmem>> -> memref<128xi32, #tpu.memory_space<vmem>>
    %dma_wait3A_51 = arith.constant 0 : i32
    %dma_wait3A_52 = arith.constant 0 : i32
    %dma_wait3A_53 = arith.constant 0 : i32
    %dma_wait3A_54 = tpu.memref_slice %arg2[%dma_wait3A_51, %dma_wait3A_52, %dma_wait3A_53] : memref<10240x2x128xbf16, #tpu.memory_space<hbm>> -> memref<10240x2x128xbf16, #tpu.memory_space<hbm>>
    %dma_wait3A_55 = tpu.memref_slice %arg11[%dma_wait3A_42] : memref<2x!tpu.dma_semaphore, #tpu.memory_space<semaphore_mem>> -> memref<1x!tpu.dma_semaphore, #tpu.memory_space<semaphore_mem>>
    %dma_wait3A_56 = tpu.memref_squeeze %dma_wait3A_55 : memref<1x!tpu.dma_semaphore, #tpu.memory_space<semaphore_mem>> -> memref<!tpu.dma_semaphore, #tpu.memory_space<semaphore_mem>>
    tpu.wait_indirect_dma semaphore(%dma_wait3A_56 : memref<!tpu.dma_semaphore, #tpu.memory_space<semaphore_mem>>) src(%dma_wait3A_54 : memref<10240x2x128xbf16, #tpu.memory_space<hbm>>) dst(%dma_wait3A_47 : memref<128x2x128xbf16, #tpu.memory_space<vmem>>)
    %dma_start3A_57 = arith.constant 0 : i32
    %dma_start3A_58 = arith.constant 38 : i32
    %dma_start3A_59 = arith.constant 0 : i32
    %dma_start3A_60 = arith.constant 0 : i32
    %dma_start3A_61 = arith.constant 0 : i32
    %dma_start3A_62 = arith.constant 0 : i32
    %dma_start3A_63 = tpu.memref_slice %arg10[%dma_start3A_57, %dma_start3A_60, %dma_start3A_61, %dma_start3A_62] : memref<2x128x2x128xbf16, #tpu.memory_space<vmem>> -> memref<1x128x2x128xbf16, #tpu.memory_space<vmem>>
    %dma_start3A_64 = tpu.memref_squeeze %dma_start3A_63 : memref<1x128x2x128xbf16, #tpu.memory_space<vmem>> -> memref<128x2x128xbf16, #tpu.memory_space<vmem>>
    %dma_start3A_65 = arith.constant 0 : i32
    %dma_start3A_66 = tpu.memref_slice %arg9[%dma_start3A_58, %dma_start3A_65] : memref<40x128xi32, #tpu.memory_space<vmem>> -> memref<1x128xi32, #tpu.memory_space<vmem>>
    %dma_start3A_67 = tpu.memref_squeeze %dma_start3A_66 : memref<1x128xi32, #tpu.memory_space<vmem>> -> memref<128xi32, #tpu.memory_space<vmem>>
    %dma_start3A_68 = arith.constant 0 : i32
    %dma_start3A_69 = arith.constant 0 : i32
    %dma_start3A_70 = arith.constant 0 : i32
    %dma_start3A_71 = tpu.memref_slice %arg13[%dma_start3A_68, %dma_start3A_69, %dma_start3A_70] : memref<10240x2x128xbf16, #tpu.memory_space<vmem_shared>> -> memref<10240x2x128xbf16, #tpu.memory_space<vmem_shared>>
    %dma_start3A_72 = tpu.memref_slice %arg12[%dma_start3A_59] : memref<2x!tpu.dma_semaphore, #tpu.memory_space<semaphore_mem>> -> memref<1x!tpu.dma_semaphore, #tpu.memory_space<semaphore_mem>>
    %dma_start3A_73 = tpu.memref_squeeze %dma_start3A_72 : memref<1x!tpu.dma_semaphore, #tpu.memory_space<semaphore_mem>> -> memref<!tpu.dma_semaphore, #tpu.memory_space<semaphore_mem>>
    tpu.enqueue_indirect_dma source(%dma_start3A_64 : memref<128x2x128xbf16, #tpu.memory_space<vmem>>) target(%dma_start3A_71 : memref<10240x2x128xbf16, #tpu.memory_space<vmem_shared>>) offsets(%dma_start3A_67 : memref<128xi32, #tpu.memory_space<vmem>>) semaphore(%dma_start3A_73 : memref<!tpu.dma_semaphore, #tpu.memory_space<semaphore_mem>>) {add = true}
    %dma_wait3A_74 = arith.constant 39 : i32
    %dma_wait3A_75 = arith.constant 1 : i32
    %dma_wait3A_76 = arith.constant 1 : i32
    %dma_wait3A_77 = arith.constant 0 : i32
    %dma_wait3A_78 = arith.constant 0 : i32
    %dma_wait3A_79 = arith.constant 0 : i32
    %dma_wait3A_80 = tpu.memref_slice %arg10[%dma_wait3A_75, %dma_wait3A_77, %dma_wait3A_78, %dma_wait3A_79] : memref<2x128x2x128xbf16, #tpu.memory_space<vmem>> -> memref<1x128x2x128xbf16, #tpu.memory_space<vmem>>
    %dma_wait3A_81 = tpu.memref_squeeze %dma_wait3A_80 : memref<1x128x2x128xbf16, #tpu.memory_space<vmem>> -> memref<128x2x128xbf16, #tpu.memory_space<vmem>>
    %dma_wait3A_82 = arith.constant 0 : i32
    %dma_wait3A_83 = tpu.memref_slice %arg8[%dma_wait3A_74, %dma_wait3A_82] : memref<40x128xi32, #tpu.memory_space<vmem>> -> memref<1x128xi32, #tpu.memory_space<vmem>>
    %dma_wait3A_84 = tpu.memref_squeeze %dma_wait3A_83 : memref<1x128xi32, #tpu.memory_space<vmem>> -> memref<128xi32, #tpu.memory_space<vmem>>
    %dma_wait3A_85 = arith.constant 0 : i32
    %dma_wait3A_86 = arith.constant 0 : i32
    %dma_wait3A_87 = arith.constant 0 : i32
    %dma_wait3A_88 = tpu.memref_slice %arg2[%dma_wait3A_85, %dma_wait3A_86, %dma_wait3A_87] : memref<10240x2x128xbf16, #tpu.memory_space<hbm>> -> memref<10240x2x128xbf16, #tpu.memory_space<hbm>>
    %dma_wait3A_89 = tpu.memref_slice %arg11[%dma_wait3A_76] : memref<2x!tpu.dma_semaphore, #tpu.memory_space<semaphore_mem>> -> memref<1x!tpu.dma_semaphore, #tpu.memory_space<semaphore_mem>>
    %dma_wait3A_90 = tpu.memref_squeeze %dma_wait3A_89 : memref<1x!tpu.dma_semaphore, #tpu.memory_space<semaphore_mem>> -> memref<!tpu.dma_semaphore, #tpu.memory_space<semaphore_mem>>
    tpu.wait_indirect_dma semaphore(%dma_wait3A_90 : memref<!tpu.dma_semaphore, #tpu.memory_space<semaphore_mem>>) src(%dma_wait3A_88 : memref<10240x2x128xbf16, #tpu.memory_space<hbm>>) dst(%dma_wait3A_81 : memref<128x2x128xbf16, #tpu.memory_space<vmem>>)
    %dma_start3A_91 = arith.constant 1 : i32
    %dma_start3A_92 = arith.constant 39 : i32
    %dma_start3A_93 = arith.constant 1 : i32
    %dma_start3A_94 = arith.constant 0 : i32
    %dma_start3A_95 = arith.constant 0 : i32
    %dma_start3A_96 = arith.constant 0 : i32
    %dma_start3A_97 = tpu.memref_slice %arg10[%dma_start3A_91, %dma_start3A_94, %dma_start3A_95, %dma_start3A_96] : memref<2x128x2x128xbf16, #tpu.memory_space<vmem>> -> memref<1x128x2x128xbf16, #tpu.memory_space<vmem>>
    %dma_start3A_98 = tpu.memref_squeeze %dma_start3A_97 : memref<1x128x2x128xbf16, #tpu.memory_space<vmem>> -> memref<128x2x128xbf16, #tpu.memory_space<vmem>>
    %dma_start3A_99 = arith.constant 0 : i32
    %dma_start3A_100 = tpu.memref_slice %arg9[%dma_start3A_92, %dma_start3A_99] : memref<40x128xi32, #tpu.memory_space<vmem>> -> memref<1x128xi32, #tpu.memory_space<vmem>>
    %dma_start3A_101 = tpu.memref_squeeze %dma_start3A_100 : memref<1x128xi32, #tpu.memory_space<vmem>> -> memref<128xi32, #tpu.memory_space<vmem>>
    %dma_start3A_102 = arith.constant 0 : i32
    %dma_start3A_103 = arith.constant 0 : i32
    %dma_start3A_104 = arith.constant 0 : i32
    %dma_start3A_105 = tpu.memref_slice %arg13[%dma_start3A_102, %dma_start3A_103, %dma_start3A_104] : memref<10240x2x128xbf16, #tpu.memory_space<vmem_shared>> -> memref<10240x2x128xbf16, #tpu.memory_space<vmem_shared>>
    %dma_start3A_106 = tpu.memref_slice %arg12[%dma_start3A_93] : memref<2x!tpu.dma_semaphore, #tpu.memory_space<semaphore_mem>> -> memref<1x!tpu.dma_semaphore, #tpu.memory_space<semaphore_mem>>
    %dma_start3A_107 = tpu.memref_squeeze %dma_start3A_106 : memref<1x!tpu.dma_semaphore, #tpu.memory_space<semaphore_mem>> -> memref<!tpu.dma_semaphore, #tpu.memory_space<semaphore_mem>>
    tpu.enqueue_indirect_dma source(%dma_start3A_98 : memref<128x2x128xbf16, #tpu.memory_space<vmem>>) target(%dma_start3A_105 : memref<10240x2x128xbf16, #tpu.memory_space<vmem_shared>>) offsets(%dma_start3A_101 : memref<128xi32, #tpu.memory_space<vmem>>) semaphore(%dma_start3A_107 : memref<!tpu.dma_semaphore, #tpu.memory_space<semaphore_mem>>) {add = true}
    %dma_wait3A_108 = arith.constant 0 : i32
    %dma_wait3A_109 = arith.constant 38 : i32
    %dma_wait3A_110 = arith.constant 0 : i32
    %dma_wait3A_111 = arith.constant 0 : i32
    %dma_wait3A_112 = arith.constant 0 : i32
    %dma_wait3A_113 = arith.constant 0 : i32
    %dma_wait3A_114 = tpu.memref_slice %arg10[%dma_wait3A_108, %dma_wait3A_111, %dma_wait3A_112, %dma_wait3A_113] : memref<2x128x2x128xbf16, #tpu.memory_space<vmem>> -> memref<1x128x2x128xbf16, #tpu.memory_space<vmem>>
    %dma_wait3A_115 = tpu.memref_squeeze %dma_wait3A_114 : memref<1x128x2x128xbf16, #tpu.memory_space<vmem>> -> memref<128x2x128xbf16, #tpu.memory_space<vmem>>
    %dma_wait3A_116 = arith.constant 0 : i32
    %dma_wait3A_117 = tpu.memref_slice %arg9[%dma_wait3A_109, %dma_wait3A_116] : memref<40x128xi32, #tpu.memory_space<vmem>> -> memref<1x128xi32, #tpu.memory_space<vmem>>
    %dma_wait3A_118 = tpu.memref_squeeze %dma_wait3A_117 : memref<1x128xi32, #tpu.memory_space<vmem>> -> memref<128xi32, #tpu.memory_space<vmem>>
    %dma_wait3A_119 = arith.constant 0 : i32
    %dma_wait3A_120 = arith.constant 0 : i32
    %dma_wait3A_121 = arith.constant 0 : i32
    %dma_wait3A_122 = tpu.memref_slice %arg13[%dma_wait3A_119, %dma_wait3A_120, %dma_wait3A_121] : memref<10240x2x128xbf16, #tpu.memory_space<vmem_shared>> -> memref<10240x2x128xbf16, #tpu.memory_space<vmem_shared>>
    %dma_wait3A_123 = tpu.memref_slice %arg12[%dma_wait3A_110] : memref<2x!tpu.dma_semaphore, #tpu.memory_space<semaphore_mem>> -> memref<1x!tpu.dma_semaphore, #tpu.memory_space<semaphore_mem>>
    %dma_wait3A_124 = tpu.memref_squeeze %dma_wait3A_123 : memref<1x!tpu.dma_semaphore, #tpu.memory_space<semaphore_mem>> -> memref<!tpu.dma_semaphore, #tpu.memory_space<semaphore_mem>>
    tpu.wait_indirect_dma semaphore(%dma_wait3A_124 : memref<!tpu.dma_semaphore, #tpu.memory_space<semaphore_mem>>) src(%dma_wait3A_115 : memref<128x2x128xbf16, #tpu.memory_space<vmem>>) dst(%dma_wait3A_122 : memref<10240x2x128xbf16, #tpu.memory_space<vmem_shared>>)
    %dma_wait3A_125 = arith.constant 1 : i32
    %dma_wait3A_126 = arith.constant 39 : i32
    %dma_wait3A_127 = arith.constant 1 : i32
    %dma_wait3A_128 = arith.constant 0 : i32
    %dma_wait3A_129 = arith.constant 0 : i32
    %dma_wait3A_130 = arith.constant 0 : i32
    %dma_wait3A_131 = tpu.memref_slice %arg10[%dma_wait3A_125, %dma_wait3A_128, %dma_wait3A_129, %dma_wait3A_130] : memref<2x128x2x128xbf16, #tpu.memory_space<vmem>> -> memref<1x128x2x128xbf16, #tpu.memory_space<vmem>>
    %dma_wait3A_132 = tpu.memref_squeeze %dma_wait3A_131 : memref<1x128x2x128xbf16, #tpu.memory_space<vmem>> -> memref<128x2x128xbf16, #tpu.memory_space<vmem>>
    %dma_wait3A_133 = arith.constant 0 : i32
    %dma_wait3A_134 = tpu.memref_slice %arg9[%dma_wait3A_126, %dma_wait3A_133] : memref<40x128xi32, #tpu.memory_space<vmem>> -> memref<1x128xi32, #tpu.memory_space<vmem>>
    %dma_wait3A_135 = tpu.memref_squeeze %dma_wait3A_134 : memref<1x128xi32, #tpu.memory_space<vmem>> -> memref<128xi32, #tpu.memory_space<vmem>>
    %dma_wait3A_136 = arith.constant 0 : i32
    %dma_wait3A_137 = arith.constant 0 : i32
    %dma_wait3A_138 = arith.constant 0 : i32
    %dma_wait3A_139 = tpu.memref_slice %arg13[%dma_wait3A_136, %dma_wait3A_137, %dma_wait3A_138] : memref<10240x2x128xbf16, #tpu.memory_space<vmem_shared>> -> memref<10240x2x128xbf16, #tpu.memory_space<vmem_shared>>
    %dma_wait3A_140 = tpu.memref_slice %arg12[%dma_wait3A_127] : memref<2x!tpu.dma_semaphore, #tpu.memory_space<semaphore_mem>> -> memref<1x!tpu.dma_semaphore, #tpu.memory_space<semaphore_mem>>
    %dma_wait3A_141 = tpu.memref_squeeze %dma_wait3A_140 : memref<1x!tpu.dma_semaphore, #tpu.memory_space<semaphore_mem>> -> memref<!tpu.dma_semaphore, #tpu.memory_space<semaphore_mem>>
    tpu.wait_indirect_dma semaphore(%dma_wait3A_141 : memref<!tpu.dma_semaphore, #tpu.memory_space<semaphore_mem>>) src(%dma_wait3A_132 : memref<128x2x128xbf16, #tpu.memory_space<vmem>>) dst(%dma_wait3A_139 : memref<10240x2x128xbf16, #tpu.memory_space<vmem_shared>>)
    %barrier3A_142 = arith.constant 0 : index
    tpu.barrier barrier_id(%barrier3A_142)
    %run_scoped3A = arith.constant 0 : i32
    "tpu.region"() ({
      %run_scoped3A_290 = tpu.sem_alloc : memref<!tpu.dma_semaphore, #tpu.memory_space<semaphore_mem>>
      %dma_start3A_291 = arith.constant 0 : i32
      %dma_start3A_292 = arith.constant 0 : i32
      %dma_start3A_293 = tpu.memref_slice %arg7[%arg0, %run_scoped3A, %mul3A_2, %dma_start3A_291, %dma_start3A_292] : memref<2x2x10240x2x128xbf16, #tpu.memory_space<hbm>> -> memref<1x1x640x2x128xbf16, #tpu.memory_space<hbm>>
      %dma_start3A_294 = tpu.memref_squeeze %dma_start3A_293 : memref<1x1x640x2x128xbf16, #tpu.memory_space<hbm>> -> memref<640x2x128xbf16, #tpu.memory_space<hbm>>
      %dma_start3A_295 = arith.constant 0 : i32
      %dma_start3A_296 = arith.constant 0 : i32
      %dma_start3A_297 = tpu.memref_slice %arg13[%mul3A_2, %dma_start3A_295, %dma_start3A_296] : memref<10240x2x128xbf16, #tpu.memory_space<vmem_shared>> -> memref<640x2x128xbf16, #tpu.memory_space<vmem_shared>>
      tpu.enqueue_dma source(%dma_start3A_297 : memref<640x2x128xbf16, #tpu.memory_space<vmem_shared>>) target(%dma_start3A_294 : memref<640x2x128xbf16, #tpu.memory_space<hbm>>) target_semaphore(%run_scoped3A_290 : memref<!tpu.dma_semaphore, #tpu.memory_space<semaphore_mem>>)
      %dma_wait3A_298 = arith.constant 0 : i32
      %dma_wait3A_299 = arith.constant 0 : i32
      %dma_wait3A_300 = tpu.memref_slice %arg7[%arg0, %run_scoped3A, %mul3A_2, %dma_wait3A_298, %dma_wait3A_299] : memref<2x2x10240x2x128xbf16, #tpu.memory_space<hbm>> -> memref<1x1x640x2x128xbf16, #tpu.memory_space<hbm>>
      %dma_wait3A_301 = tpu.memref_squeeze %dma_wait3A_300 : memref<1x1x640x2x128xbf16, #tpu.memory_space<hbm>> -> memref<640x2x128xbf16, #tpu.memory_space<hbm>>
      %dma_wait3A_302 = arith.constant 0 : i32
      %dma_wait3A_303 = arith.constant 0 : i32
      %dma_wait3A_304 = tpu.memref_slice %arg13[%mul3A_2, %dma_wait3A_302, %dma_wait3A_303] : memref<10240x2x128xbf16, #tpu.memory_space<vmem_shared>> -> memref<640x2x128xbf16, #tpu.memory_space<vmem_shared>>
      tpu.wait_dma2 semaphore(%run_scoped3A_290 : memref<!tpu.dma_semaphore, #tpu.memory_space<semaphore_mem>>) src(%dma_wait3A_304 : memref<640x2x128xbf16, #tpu.memory_space<vmem_shared>>) dst(%dma_wait3A_301 : memref<640x2x128xbf16, #tpu.memory_space<hbm>>)
      tpu.yield
    }) : () -> ()
    %barrier3A_143 = arith.constant 0 : index
    tpu.barrier barrier_id(%barrier3A_143)
    "tpu.region"() ({
      %run_scoped3A_290 = tpu.sem_alloc : memref<!tpu.dma_semaphore, #tpu.memory_space<semaphore_mem>>
      %dma_start3A_291 = arith.constant 0 : i32
      %dma_start3A_292 = arith.constant 0 : i32
      %dma_start3A_293 = tpu.memref_slice %arg13[%mul3A_2, %dma_start3A_291, %dma_start3A_292] : memref<10240x2x128xbf16, #tpu.memory_space<vmem_shared>> -> memref<640x2x128xbf16, #tpu.memory_space<vmem_shared>>
      %dma_start3A_294 = arith.constant 0 : i32
      %dma_start3A_295 = arith.constant 0 : i32
      %dma_start3A_296 = tpu.memref_slice %arg6[%mul3A_2, %dma_start3A_294, %dma_start3A_295] : memref<10240x2x128xbf16, #tpu.memory_space<hbm>> -> memref<640x2x128xbf16, #tpu.memory_space<hbm>>
      tpu.enqueue_dma source(%dma_start3A_296 : memref<640x2x128xbf16, #tpu.memory_space<hbm>>) target(%dma_start3A_293 : memref<640x2x128xbf16, #tpu.memory_space<vmem_shared>>) target_semaphore(%run_scoped3A_290 : memref<!tpu.dma_semaphore, #tpu.memory_space<semaphore_mem>>)
      %dma_wait3A_297 = arith.constant 0 : i32
      %dma_wait3A_298 = arith.constant 0 : i32
      %dma_wait3A_299 = tpu.memref_slice %arg13[%mul3A_2, %dma_wait3A_297, %dma_wait3A_298] : memref<10240x2x128xbf16, #tpu.memory_space<vmem_shared>> -> memref<640x2x128xbf16, #tpu.memory_space<vmem_shared>>
      %dma_wait3A_300 = arith.constant 0 : i32
      %dma_wait3A_301 = arith.constant 0 : i32
      %dma_wait3A_302 = tpu.memref_slice %arg6[%mul3A_2, %dma_wait3A_300, %dma_wait3A_301] : memref<10240x2x128xbf16, #tpu.memory_space<hbm>> -> memref<640x2x128xbf16, #tpu.memory_space<hbm>>
      tpu.wait_dma2 semaphore(%run_scoped3A_290 : memref<!tpu.dma_semaphore, #tpu.memory_space<semaphore_mem>>) src(%dma_wait3A_302 : memref<640x2x128xbf16, #tpu.memory_space<hbm>>) dst(%dma_wait3A_299 : memref<640x2x128xbf16, #tpu.memory_space<vmem_shared>>)
      tpu.yield
    }) : () -> ()
    %barrier3A_144 = arith.constant 0 : index
    tpu.barrier barrier_id(%barrier3A_144)
    "tpu.region"() ({
      %run_scoped3A_290 = tpu.sem_alloc : memref<!tpu.dma_semaphore, #tpu.memory_space<semaphore_mem>>
      %dma_start3A_291 = arith.constant 0 : i32
      %dma_start3A_292 = arith.constant 0 : i32
      %dma_start3A_293 = tpu.memref_slice %arg4[%add3A, %dma_start3A_291, %dma_start3A_292] : memref<32x40x128xi32, #tpu.memory_space<hbm>> -> memref<1x40x128xi32, #tpu.memory_space<hbm>>
      %dma_start3A_294 = tpu.memref_squeeze %dma_start3A_293 : memref<1x40x128xi32, #tpu.memory_space<hbm>> -> memref<40x128xi32, #tpu.memory_space<hbm>>
      %dma_start3A_295 = arith.constant 0 : i32
      %dma_start3A_296 = arith.constant 0 : i32
      %dma_start3A_297 = tpu.memref_slice %arg4[%add3A, %dma_start3A_295, %dma_start3A_296] : memref<32x40x128xi32, #tpu.memory_space<hbm>> -> memref<1x40x128xi32, #tpu.memory_space<hbm>>
      %dma_start3A_298 = tpu.memref_squeeze %dma_start3A_297 : memref<1x40x128xi32, #tpu.memory_space<hbm>> -> memref<40x128xi32, #tpu.memory_space<hbm>>
      tpu.enqueue_dma source(%dma_start3A_298 : memref<40x128xi32, #tpu.memory_space<hbm>>) target(%arg8 : memref<40x128xi32, #tpu.memory_space<vmem>>) target_semaphore(%run_scoped3A_290 : memref<!tpu.dma_semaphore, #tpu.memory_space<semaphore_mem>>)
      %dma_wait3A_299 = arith.constant 0 : i32
      %dma_wait3A_300 = arith.constant 0 : i32
      %dma_wait3A_301 = tpu.memref_slice %arg4[%add3A, %dma_wait3A_299, %dma_wait3A_300] : memref<32x40x128xi32, #tpu.memory_space<hbm>> -> memref<1x40x128xi32, #tpu.memory_space<hbm>>
      %dma_wait3A_302 = tpu.memref_squeeze %dma_wait3A_301 : memref<1x40x128xi32, #tpu.memory_space<hbm>> -> memref<40x128xi32, #tpu.memory_space<hbm>>
      %dma_wait3A_303 = arith.constant 0 : i32
      %dma_wait3A_304 = arith.constant 0 : i32
      %dma_wait3A_305 = tpu.memref_slice %arg4[%add3A, %dma_wait3A_303, %dma_wait3A_304] : memref<32x40x128xi32, #tpu.memory_space<hbm>> -> memref<1x40x128xi32, #tpu.memory_space<hbm>>
      %dma_wait3A_306 = tpu.memref_squeeze %dma_wait3A_305 : memref<1x40x128xi32, #tpu.memory_space<hbm>> -> memref<40x128xi32, #tpu.memory_space<hbm>>
      tpu.wait_dma2 semaphore(%run_scoped3A_290 : memref<!tpu.dma_semaphore, #tpu.memory_space<semaphore_mem>>) src(%dma_wait3A_306 : memref<40x128xi32, #tpu.memory_space<hbm>>) dst(%arg8 : memref<40x128xi32, #tpu.memory_space<vmem>>)
      tpu.yield
    }) : () -> ()
    "tpu.region"() ({
      %run_scoped3A_290 = tpu.sem_alloc : memref<!tpu.dma_semaphore, #tpu.memory_space<semaphore_mem>>
      %dma_start3A_291 = arith.constant 0 : i32
      %dma_start3A_292 = arith.constant 0 : i32
      %dma_start3A_293 = tpu.memref_slice %arg5[%add3A, %dma_start3A_291, %dma_start3A_292] : memref<32x40x128xi32, #tpu.memory_space<hbm>> -> memref<1x40x128xi32, #tpu.memory_space<hbm>>
      %dma_start3A_294 = tpu.memref_squeeze %dma_start3A_293 : memref<1x40x128xi32, #tpu.memory_space<hbm>> -> memref<40x128xi32, #tpu.memory_space<hbm>>
      %dma_start3A_295 = arith.constant 0 : i32
      %dma_start3A_296 = arith.constant 0 : i32
      %dma_start3A_297 = tpu.memref_slice %arg5[%add3A, %dma_start3A_295, %dma_start3A_296] : memref<32x40x128xi32, #tpu.memory_space<hbm>> -> memref<1x40x128xi32, #tpu.memory_space<hbm>>
      %dma_start3A_298 = tpu.memref_squeeze %dma_start3A_297 : memref<1x40x128xi32, #tpu.memory_space<hbm>> -> memref<40x128xi32, #tpu.memory_space<hbm>>
      tpu.enqueue_dma source(%dma_start3A_298 : memref<40x128xi32, #tpu.memory_space<hbm>>) target(%arg9 : memref<40x128xi32, #tpu.memory_space<vmem>>) target_semaphore(%run_scoped3A_290 : memref<!tpu.dma_semaphore, #tpu.memory_space<semaphore_mem>>)
      %dma_wait3A_299 = arith.constant 0 : i32
      %dma_wait3A_300 = arith.constant 0 : i32
      %dma_wait3A_301 = tpu.memref_slice %arg5[%add3A, %dma_wait3A_299, %dma_wait3A_300] : memref<32x40x128xi32, #tpu.memory_space<hbm>> -> memref<1x40x128xi32, #tpu.memory_space<hbm>>
      %dma_wait3A_302 = tpu.memref_squeeze %dma_wait3A_301 : memref<1x40x128xi32, #tpu.memory_space<hbm>> -> memref<40x128xi32, #tpu.memory_space<hbm>>
      %dma_wait3A_303 = arith.constant 0 : i32
      %dma_wait3A_304 = arith.constant 0 : i32
      %dma_wait3A_305 = tpu.memref_slice %arg5[%add3A, %dma_wait3A_303, %dma_wait3A_304] : memref<32x40x128xi32, #tpu.memory_space<hbm>> -> memref<1x40x128xi32, #tpu.memory_space<hbm>>
      %dma_wait3A_306 = tpu.memref_squeeze %dma_wait3A_305 : memref<1x40x128xi32, #tpu.memory_space<hbm>> -> memref<40x128xi32, #tpu.memory_space<hbm>>
      tpu.wait_dma2 semaphore(%run_scoped3A_290 : memref<!tpu.dma_semaphore, #tpu.memory_space<semaphore_mem>>) src(%dma_wait3A_306 : memref<40x128xi32, #tpu.memory_space<hbm>>) dst(%arg9 : memref<40x128xi32, #tpu.memory_space<vmem>>)
      tpu.yield
    }) : () -> ()
    %dma_start3A_145 = arith.constant 0 : i32
    %dma_start3A_146 = arith.constant 0 : i32
    %dma_start3A_147 = arith.constant 0 : i32
    %dma_start3A_148 = arith.constant 0 : i32
    %dma_start3A_149 = arith.constant 0 : i32
    %dma_start3A_150 = arith.constant 0 : i32
    %dma_start3A_151 = tpu.memref_slice %arg10[%dma_start3A_146, %dma_start3A_148, %dma_start3A_149, %dma_start3A_150] : memref<2x128x2x128xbf16, #tpu.memory_space<vmem>> -> memref<1x128x2x128xbf16, #tpu.memory_space<vmem>>
    %dma_start3A_152 = tpu.memref_squeeze %dma_start3A_151 : memref<1x128x2x128xbf16, #tpu.memory_space<vmem>> -> memref<128x2x128xbf16, #tpu.memory_space<vmem>>
    %dma_start3A_153 = arith.constant 0 : i32
    %dma_start3A_154 = tpu.memref_slice %arg8[%dma_start3A_145, %dma_start3A_153] : memref<40x128xi32, #tpu.memory_space<vmem>> -> memref<1x128xi32, #tpu.memory_space<vmem>>
    %dma_start3A_155 = tpu.memref_squeeze %dma_start3A_154 : memref<1x128xi32, #tpu.memory_space<vmem>> -> memref<128xi32, #tpu.memory_space<vmem>>
    %dma_start3A_156 = arith.constant 0 : i32
    %dma_start3A_157 = arith.constant 0 : i32
    %dma_start3A_158 = arith.constant 0 : i32
    %dma_start3A_159 = tpu.memref_slice %arg3[%dma_start3A_156, %dma_start3A_157, %dma_start3A_158] : memref<10240x2x128xbf16, #tpu.memory_space<hbm>> -> memref<10240x2x128xbf16, #tpu.memory_space<hbm>>
    %dma_start3A_160 = tpu.memref_slice %arg11[%dma_start3A_147] : memref<2x!tpu.dma_semaphore, #tpu.memory_space<semaphore_mem>> -> memref<1x!tpu.dma_semaphore, #tpu.memory_space<semaphore_mem>>
    %dma_start3A_161 = tpu.memref_squeeze %dma_start3A_160 : memref<1x!tpu.dma_semaphore, #tpu.memory_space<semaphore_mem>> -> memref<!tpu.dma_semaphore, #tpu.memory_space<semaphore_mem>>
    tpu.enqueue_indirect_dma source(%dma_start3A_159 : memref<10240x2x128xbf16, #tpu.memory_space<hbm>>) target(%dma_start3A_152 : memref<128x2x128xbf16, #tpu.memory_space<vmem>>) offsets(%dma_start3A_155 : memref<128xi32, #tpu.memory_space<vmem>>) semaphore(%dma_start3A_161 : memref<!tpu.dma_semaphore, #tpu.memory_space<semaphore_mem>>)
    %dma_start3A_162 = arith.constant 1 : i32
    %dma_start3A_163 = arith.constant 1 : i32
    %dma_start3A_164 = arith.constant 1 : i32
    %dma_start3A_165 = arith.constant 0 : i32
    %dma_start3A_166 = arith.constant 0 : i32
    %dma_start3A_167 = arith.constant 0 : i32
    %dma_start3A_168 = tpu.memref_slice %arg10[%dma_start3A_163, %dma_start3A_165, %dma_start3A_166, %dma_start3A_167] : memref<2x128x2x128xbf16, #tpu.memory_space<vmem>> -> memref<1x128x2x128xbf16, #tpu.memory_space<vmem>>
    %dma_start3A_169 = tpu.memref_squeeze %dma_start3A_168 : memref<1x128x2x128xbf16, #tpu.memory_space<vmem>> -> memref<128x2x128xbf16, #tpu.memory_space<vmem>>
    %dma_start3A_170 = arith.constant 0 : i32
    %dma_start3A_171 = tpu.memref_slice %arg8[%dma_start3A_162, %dma_start3A_170] : memref<40x128xi32, #tpu.memory_space<vmem>> -> memref<1x128xi32, #tpu.memory_space<vmem>>
    %dma_start3A_172 = tpu.memref_squeeze %dma_start3A_171 : memref<1x128xi32, #tpu.memory_space<vmem>> -> memref<128xi32, #tpu.memory_space<vmem>>
    %dma_start3A_173 = arith.constant 0 : i32
    %dma_start3A_174 = arith.constant 0 : i32
    %dma_start3A_175 = arith.constant 0 : i32
    %dma_start3A_176 = tpu.memref_slice %arg3[%dma_start3A_173, %dma_start3A_174, %dma_start3A_175] : memref<10240x2x128xbf16, #tpu.memory_space<hbm>> -> memref<10240x2x128xbf16, #tpu.memory_space<hbm>>
    %dma_start3A_177 = tpu.memref_slice %arg11[%dma_start3A_164] : memref<2x!tpu.dma_semaphore, #tpu.memory_space<semaphore_mem>> -> memref<1x!tpu.dma_semaphore, #tpu.memory_space<semaphore_mem>>
    %dma_start3A_178 = tpu.memref_squeeze %dma_start3A_177 : memref<1x!tpu.dma_semaphore, #tpu.memory_space<semaphore_mem>> -> memref<!tpu.dma_semaphore, #tpu.memory_space<semaphore_mem>>
    tpu.enqueue_indirect_dma source(%dma_start3A_176 : memref<10240x2x128xbf16, #tpu.memory_space<hbm>>) target(%dma_start3A_169 : memref<128x2x128xbf16, #tpu.memory_space<vmem>>) offsets(%dma_start3A_172 : memref<128xi32, #tpu.memory_space<vmem>>) semaphore(%dma_start3A_178 : memref<!tpu.dma_semaphore, #tpu.memory_space<semaphore_mem>>)
    %scan3A_179 = arith.constant 0 : i32
    %scan3A_180 = arith.constant 0 : i32
    %scan3A_181 = arith.constant 19 : i32
    %scan3A_182 = arith.addi %scan3A_180, %scan3A_181 : i32
    %scan3A_183 = arith.constant 1 : i32
    scf.for %scan3A_290 = %scan3A_180 to %scan3A_182 step %scan3A_183  : i32 {
      %mul3A_291 = arith.constant 2 : i32
      %mul3A_292 = arith.muli %scan3A_290, %mul3A_291 : i32
      %add3A_293 = arith.constant 0 : i32
      %add3A_294 = arith.addi %mul3A_292, %add3A_293 : i32
      %dma_wait3A_295 = arith.constant 0 : i32
      %dma_wait3A_296 = arith.constant 0 : i32
      %dma_wait3A_297 = arith.constant 0 : i32
      %dma_wait3A_298 = arith.constant 0 : i32
      %dma_wait3A_299 = arith.constant 0 : i32
      %dma_wait3A_300 = tpu.memref_slice %arg10[%dma_wait3A_295, %dma_wait3A_297, %dma_wait3A_298, %dma_wait3A_299] : memref<2x128x2x128xbf16, #tpu.memory_space<vmem>> -> memref<1x128x2x128xbf16, #tpu.memory_space<vmem>>
      %dma_wait3A_301 = tpu.memref_squeeze %dma_wait3A_300 : memref<1x128x2x128xbf16, #tpu.memory_space<vmem>> -> memref<128x2x128xbf16, #tpu.memory_space<vmem>>
      %dma_wait3A_302 = arith.constant 0 : i32
      %dma_wait3A_303 = tpu.memref_slice %arg8[%add3A_294, %dma_wait3A_302] : memref<40x128xi32, #tpu.memory_space<vmem>> -> memref<1x128xi32, #tpu.memory_space<vmem>>
      %dma_wait3A_304 = tpu.memref_squeeze %dma_wait3A_303 : memref<1x128xi32, #tpu.memory_space<vmem>> -> memref<128xi32, #tpu.memory_space<vmem>>
      %dma_wait3A_305 = arith.constant 0 : i32
      %dma_wait3A_306 = arith.constant 0 : i32
      %dma_wait3A_307 = arith.constant 0 : i32
      %dma_wait3A_308 = tpu.memref_slice %arg3[%dma_wait3A_305, %dma_wait3A_306, %dma_wait3A_307] : memref<10240x2x128xbf16, #tpu.memory_space<hbm>> -> memref<10240x2x128xbf16, #tpu.memory_space<hbm>>
      %dma_wait3A_309 = tpu.memref_slice %arg11[%dma_wait3A_296] : memref<2x!tpu.dma_semaphore, #tpu.memory_space<semaphore_mem>> -> memref<1x!tpu.dma_semaphore, #tpu.memory_space<semaphore_mem>>
      %dma_wait3A_310 = tpu.memref_squeeze %dma_wait3A_309 : memref<1x!tpu.dma_semaphore, #tpu.memory_space<semaphore_mem>> -> memref<!tpu.dma_semaphore, #tpu.memory_space<semaphore_mem>>
      tpu.wait_indirect_dma semaphore(%dma_wait3A_310 : memref<!tpu.dma_semaphore, #tpu.memory_space<semaphore_mem>>) src(%dma_wait3A_308 : memref<10240x2x128xbf16, #tpu.memory_space<hbm>>) dst(%dma_wait3A_301 : memref<128x2x128xbf16, #tpu.memory_space<vmem>>)
      %dma_start3A_311 = arith.constant 0 : i32
      %dma_start3A_312 = arith.constant 0 : i32
      %dma_start3A_313 = arith.constant 0 : i32
      %dma_start3A_314 = arith.constant 0 : i32
      %dma_start3A_315 = arith.constant 0 : i32
      %dma_start3A_316 = tpu.memref_slice %arg10[%dma_start3A_311, %dma_start3A_313, %dma_start3A_314, %dma_start3A_315] : memref<2x128x2x128xbf16, #tpu.memory_space<vmem>> -> memref<1x128x2x128xbf16, #tpu.memory_space<vmem>>
      %dma_start3A_317 = tpu.memref_squeeze %dma_start3A_316 : memref<1x128x2x128xbf16, #tpu.memory_space<vmem>> -> memref<128x2x128xbf16, #tpu.memory_space<vmem>>
      %dma_start3A_318 = arith.constant 0 : i32
      %dma_start3A_319 = tpu.memref_slice %arg9[%add3A_294, %dma_start3A_318] : memref<40x128xi32, #tpu.memory_space<vmem>> -> memref<1x128xi32, #tpu.memory_space<vmem>>
      %dma_start3A_320 = tpu.memref_squeeze %dma_start3A_319 : memref<1x128xi32, #tpu.memory_space<vmem>> -> memref<128xi32, #tpu.memory_space<vmem>>
      %dma_start3A_321 = arith.constant 0 : i32
      %dma_start3A_322 = arith.constant 0 : i32
      %dma_start3A_323 = arith.constant 0 : i32
      %dma_start3A_324 = tpu.memref_slice %arg13[%dma_start3A_321, %dma_start3A_322, %dma_start3A_323] : memref<10240x2x128xbf16, #tpu.memory_space<vmem_shared>> -> memref<10240x2x128xbf16, #tpu.memory_space<vmem_shared>>
      %dma_start3A_325 = tpu.memref_slice %arg12[%dma_start3A_312] : memref<2x!tpu.dma_semaphore, #tpu.memory_space<semaphore_mem>> -> memref<1x!tpu.dma_semaphore, #tpu.memory_space<semaphore_mem>>
      %dma_start3A_326 = tpu.memref_squeeze %dma_start3A_325 : memref<1x!tpu.dma_semaphore, #tpu.memory_space<semaphore_mem>> -> memref<!tpu.dma_semaphore, #tpu.memory_space<semaphore_mem>>
      tpu.enqueue_indirect_dma source(%dma_start3A_317 : memref<128x2x128xbf16, #tpu.memory_space<vmem>>) target(%dma_start3A_324 : memref<10240x2x128xbf16, #tpu.memory_space<vmem_shared>>) offsets(%dma_start3A_320 : memref<128xi32, #tpu.memory_space<vmem>>) semaphore(%dma_start3A_326 : memref<!tpu.dma_semaphore, #tpu.memory_space<semaphore_mem>>) {add = true}
      %mul3A_327 = arith.constant 2 : i32
      %mul3A_328 = arith.muli %scan3A_290, %mul3A_327 : i32
      %add3A_329 = arith.constant 1 : i32
      %add3A_330 = arith.addi %mul3A_328, %add3A_329 : i32
      %dma_wait3A_331 = arith.constant 1 : i32
      %dma_wait3A_332 = arith.constant 1 : i32
      %dma_wait3A_333 = arith.constant 0 : i32
      %dma_wait3A_334 = arith.constant 0 : i32
      %dma_wait3A_335 = arith.constant 0 : i32
      %dma_wait3A_336 = tpu.memref_slice %arg10[%dma_wait3A_331, %dma_wait3A_333, %dma_wait3A_334, %dma_wait3A_335] : memref<2x128x2x128xbf16, #tpu.memory_space<vmem>> -> memref<1x128x2x128xbf16, #tpu.memory_space<vmem>>
      %dma_wait3A_337 = tpu.memref_squeeze %dma_wait3A_336 : memref<1x128x2x128xbf16, #tpu.memory_space<vmem>> -> memref<128x2x128xbf16, #tpu.memory_space<vmem>>
      %dma_wait3A_338 = arith.constant 0 : i32
      %dma_wait3A_339 = tpu.memref_slice %arg8[%add3A_330, %dma_wait3A_338] : memref<40x128xi32, #tpu.memory_space<vmem>> -> memref<1x128xi32, #tpu.memory_space<vmem>>
      %dma_wait3A_340 = tpu.memref_squeeze %dma_wait3A_339 : memref<1x128xi32, #tpu.memory_space<vmem>> -> memref<128xi32, #tpu.memory_space<vmem>>
      %dma_wait3A_341 = arith.constant 0 : i32
      %dma_wait3A_342 = arith.constant 0 : i32
      %dma_wait3A_343 = arith.constant 0 : i32
      %dma_wait3A_344 = tpu.memref_slice %arg3[%dma_wait3A_341, %dma_wait3A_342, %dma_wait3A_343] : memref<10240x2x128xbf16, #tpu.memory_space<hbm>> -> memref<10240x2x128xbf16, #tpu.memory_space<hbm>>
      %dma_wait3A_345 = tpu.memref_slice %arg11[%dma_wait3A_332] : memref<2x!tpu.dma_semaphore, #tpu.memory_space<semaphore_mem>> -> memref<1x!tpu.dma_semaphore, #tpu.memory_space<semaphore_mem>>
      %dma_wait3A_346 = tpu.memref_squeeze %dma_wait3A_345 : memref<1x!tpu.dma_semaphore, #tpu.memory_space<semaphore_mem>> -> memref<!tpu.dma_semaphore, #tpu.memory_space<semaphore_mem>>
      tpu.wait_indirect_dma semaphore(%dma_wait3A_346 : memref<!tpu.dma_semaphore, #tpu.memory_space<semaphore_mem>>) src(%dma_wait3A_344 : memref<10240x2x128xbf16, #tpu.memory_space<hbm>>) dst(%dma_wait3A_337 : memref<128x2x128xbf16, #tpu.memory_space<vmem>>)
      %dma_start3A_347 = arith.constant 1 : i32
      %dma_start3A_348 = arith.constant 1 : i32
      %dma_start3A_349 = arith.constant 0 : i32
      %dma_start3A_350 = arith.constant 0 : i32
      %dma_start3A_351 = arith.constant 0 : i32
      %dma_start3A_352 = tpu.memref_slice %arg10[%dma_start3A_347, %dma_start3A_349, %dma_start3A_350, %dma_start3A_351] : memref<2x128x2x128xbf16, #tpu.memory_space<vmem>> -> memref<1x128x2x128xbf16, #tpu.memory_space<vmem>>
      %dma_start3A_353 = tpu.memref_squeeze %dma_start3A_352 : memref<1x128x2x128xbf16, #tpu.memory_space<vmem>> -> memref<128x2x128xbf16, #tpu.memory_space<vmem>>
      %dma_start3A_354 = arith.constant 0 : i32
      %dma_start3A_355 = tpu.memref_slice %arg9[%add3A_330, %dma_start3A_354] : memref<40x128xi32, #tpu.memory_space<vmem>> -> memref<1x128xi32, #tpu.memory_space<vmem>>
      %dma_start3A_356 = tpu.memref_squeeze %dma_start3A_355 : memref<1x128xi32, #tpu.memory_space<vmem>> -> memref<128xi32, #tpu.memory_space<vmem>>
      %dma_start3A_357 = arith.constant 0 : i32
      %dma_start3A_358 = arith.constant 0 : i32
      %dma_start3A_359 = arith.constant 0 : i32
      %dma_start3A_360 = tpu.memref_slice %arg13[%dma_start3A_357, %dma_start3A_358, %dma_start3A_359] : memref<10240x2x128xbf16, #tpu.memory_space<vmem_shared>> -> memref<10240x2x128xbf16, #tpu.memory_space<vmem_shared>>
      %dma_start3A_361 = tpu.memref_slice %arg12[%dma_start3A_348] : memref<2x!tpu.dma_semaphore, #tpu.memory_space<semaphore_mem>> -> memref<1x!tpu.dma_semaphore, #tpu.memory_space<semaphore_mem>>
      %dma_start3A_362 = tpu.memref_squeeze %dma_start3A_361 : memref<1x!tpu.dma_semaphore, #tpu.memory_space<semaphore_mem>> -> memref<!tpu.dma_semaphore, #tpu.memory_space<semaphore_mem>>
      tpu.enqueue_indirect_dma source(%dma_start3A_353 : memref<128x2x128xbf16, #tpu.memory_space<vmem>>) target(%dma_start3A_360 : memref<10240x2x128xbf16, #tpu.memory_space<vmem_shared>>) offsets(%dma_start3A_356 : memref<128xi32, #tpu.memory_space<vmem>>) semaphore(%dma_start3A_362 : memref<!tpu.dma_semaphore, #tpu.memory_space<semaphore_mem>>) {add = true}
      %mul3A_363 = arith.constant 2 : i32
      %mul3A_364 = arith.muli %scan3A_290, %mul3A_363 : i32
      %add3A_365 = arith.constant 0 : i32
      %add3A_366 = arith.addi %mul3A_364, %add3A_365 : i32
      %dma_wait3A_367 = arith.constant 0 : i32
      %dma_wait3A_368 = arith.constant 0 : i32
      %dma_wait3A_369 = arith.constant 0 : i32
      %dma_wait3A_370 = arith.constant 0 : i32
      %dma_wait3A_371 = arith.constant 0 : i32
      %dma_wait3A_372 = tpu.memref_slice %arg10[%dma_wait3A_367, %dma_wait3A_369, %dma_wait3A_370, %dma_wait3A_371] : memref<2x128x2x128xbf16, #tpu.memory_space<vmem>> -> memref<1x128x2x128xbf16, #tpu.memory_space<vmem>>
      %dma_wait3A_373 = tpu.memref_squeeze %dma_wait3A_372 : memref<1x128x2x128xbf16, #tpu.memory_space<vmem>> -> memref<128x2x128xbf16, #tpu.memory_space<vmem>>
      %dma_wait3A_374 = arith.constant 0 : i32
      %dma_wait3A_375 = tpu.memref_slice %arg9[%add3A_366, %dma_wait3A_374] : memref<40x128xi32, #tpu.memory_space<vmem>> -> memref<1x128xi32, #tpu.memory_space<vmem>>
      %dma_wait3A_376 = tpu.memref_squeeze %dma_wait3A_375 : memref<1x128xi32, #tpu.memory_space<vmem>> -> memref<128xi32, #tpu.memory_space<vmem>>
      %dma_wait3A_377 = arith.constant 0 : i32
      %dma_wait3A_378 = arith.constant 0 : i32
      %dma_wait3A_379 = arith.constant 0 : i32
      %dma_wait3A_380 = tpu.memref_slice %arg13[%dma_wait3A_377, %dma_wait3A_378, %dma_wait3A_379] : memref<10240x2x128xbf16, #tpu.memory_space<vmem_shared>> -> memref<10240x2x128xbf16, #tpu.memory_space<vmem_shared>>
      %dma_wait3A_381 = tpu.memref_slice %arg12[%dma_wait3A_368] : memref<2x!tpu.dma_semaphore, #tpu.memory_space<semaphore_mem>> -> memref<1x!tpu.dma_semaphore, #tpu.memory_space<semaphore_mem>>
      %dma_wait3A_382 = tpu.memref_squeeze %dma_wait3A_381 : memref<1x!tpu.dma_semaphore, #tpu.memory_space<semaphore_mem>> -> memref<!tpu.dma_semaphore, #tpu.memory_space<semaphore_mem>>
      tpu.wait_indirect_dma semaphore(%dma_wait3A_382 : memref<!tpu.dma_semaphore, #tpu.memory_space<semaphore_mem>>) src(%dma_wait3A_373 : memref<128x2x128xbf16, #tpu.memory_space<vmem>>) dst(%dma_wait3A_380 : memref<10240x2x128xbf16, #tpu.memory_space<vmem_shared>>)
      %add3A_383 = arith.constant 2 : i32
      %add3A_384 = arith.addi %add3A_366, %add3A_383 : i32
      %dma_start3A_385 = arith.constant 0 : i32
      %dma_start3A_386 = arith.constant 0 : i32
      %dma_start3A_387 = arith.constant 0 : i32
      %dma_start3A_388 = arith.constant 0 : i32
      %dma_start3A_389 = arith.constant 0 : i32
      %dma_start3A_390 = tpu.memref_slice %arg10[%dma_start3A_385, %dma_start3A_387, %dma_start3A_388, %dma_start3A_389] : memref<2x128x2x128xbf16, #tpu.memory_space<vmem>> -> memref<1x128x2x128xbf16, #tpu.memory_space<vmem>>
      %dma_start3A_391 = tpu.memref_squeeze %dma_start3A_390 : memref<1x128x2x128xbf16, #tpu.memory_space<vmem>> -> memref<128x2x128xbf16, #tpu.memory_space<vmem>>
      %dma_start3A_392 = arith.constant 0 : i32
      %dma_start3A_393 = tpu.memref_slice %arg8[%add3A_384, %dma_start3A_392] : memref<40x128xi32, #tpu.memory_space<vmem>> -> memref<1x128xi32, #tpu.memory_space<vmem>>
      %dma_start3A_394 = tpu.memref_squeeze %dma_start3A_393 : memref<1x128xi32, #tpu.memory_space<vmem>> -> memref<128xi32, #tpu.memory_space<vmem>>
      %dma_start3A_395 = arith.constant 0 : i32
      %dma_start3A_396 = arith.constant 0 : i32
      %dma_start3A_397 = arith.constant 0 : i32
      %dma_start3A_398 = tpu.memref_slice %arg3[%dma_start3A_395, %dma_start3A_396, %dma_start3A_397] : memref<10240x2x128xbf16, #tpu.memory_space<hbm>> -> memref<10240x2x128xbf16, #tpu.memory_space<hbm>>
      %dma_start3A_399 = tpu.memref_slice %arg11[%dma_start3A_386] : memref<2x!tpu.dma_semaphore, #tpu.memory_space<semaphore_mem>> -> memref<1x!tpu.dma_semaphore, #tpu.memory_space<semaphore_mem>>
      %dma_start3A_400 = tpu.memref_squeeze %dma_start3A_399 : memref<1x!tpu.dma_semaphore, #tpu.memory_space<semaphore_mem>> -> memref<!tpu.dma_semaphore, #tpu.memory_space<semaphore_mem>>
      tpu.enqueue_indirect_dma source(%dma_start3A_398 : memref<10240x2x128xbf16, #tpu.memory_space<hbm>>) target(%dma_start3A_391 : memref<128x2x128xbf16, #tpu.memory_space<vmem>>) offsets(%dma_start3A_394 : memref<128xi32, #tpu.memory_space<vmem>>) semaphore(%dma_start3A_400 : memref<!tpu.dma_semaphore, #tpu.memory_space<semaphore_mem>>)
      %mul3A_401 = arith.constant 2 : i32
      %mul3A_402 = arith.muli %scan3A_290, %mul3A_401 : i32
      %add3A_403 = arith.constant 1 : i32
      %add3A_404 = arith.addi %mul3A_402, %add3A_403 : i32
      %dma_wait3A_405 = arith.constant 1 : i32
      %dma_wait3A_406 = arith.constant 1 : i32
      %dma_wait3A_407 = arith.constant 0 : i32
      %dma_wait3A_408 = arith.constant 0 : i32
      %dma_wait3A_409 = arith.constant 0 : i32
      %dma_wait3A_410 = tpu.memref_slice %arg10[%dma_wait3A_405, %dma_wait3A_407, %dma_wait3A_408, %dma_wait3A_409] : memref<2x128x2x128xbf16, #tpu.memory_space<vmem>> -> memref<1x128x2x128xbf16, #tpu.memory_space<vmem>>
      %dma_wait3A_411 = tpu.memref_squeeze %dma_wait3A_410 : memref<1x128x2x128xbf16, #tpu.memory_space<vmem>> -> memref<128x2x128xbf16, #tpu.memory_space<vmem>>
      %dma_wait3A_412 = arith.constant 0 : i32
      %dma_wait3A_413 = tpu.memref_slice %arg9[%add3A_404, %dma_wait3A_412] : memref<40x128xi32, #tpu.memory_space<vmem>> -> memref<1x128xi32, #tpu.memory_space<vmem>>
      %dma_wait3A_414 = tpu.memref_squeeze %dma_wait3A_413 : memref<1x128xi32, #tpu.memory_space<vmem>> -> memref<128xi32, #tpu.memory_space<vmem>>
      %dma_wait3A_415 = arith.constant 0 : i32
      %dma_wait3A_416 = arith.constant 0 : i32
      %dma_wait3A_417 = arith.constant 0 : i32
      %dma_wait3A_418 = tpu.memref_slice %arg13[%dma_wait3A_415, %dma_wait3A_416, %dma_wait3A_417] : memref<10240x2x128xbf16, #tpu.memory_space<vmem_shared>> -> memref<10240x2x128xbf16, #tpu.memory_space<vmem_shared>>
      %dma_wait3A_419 = tpu.memref_slice %arg12[%dma_wait3A_406] : memref<2x!tpu.dma_semaphore, #tpu.memory_space<semaphore_mem>> -> memref<1x!tpu.dma_semaphore, #tpu.memory_space<semaphore_mem>>
      %dma_wait3A_420 = tpu.memref_squeeze %dma_wait3A_419 : memref<1x!tpu.dma_semaphore, #tpu.memory_space<semaphore_mem>> -> memref<!tpu.dma_semaphore, #tpu.memory_space<semaphore_mem>>
      tpu.wait_indirect_dma semaphore(%dma_wait3A_420 : memref<!tpu.dma_semaphore, #tpu.memory_space<semaphore_mem>>) src(%dma_wait3A_411 : memref<128x2x128xbf16, #tpu.memory_space<vmem>>) dst(%dma_wait3A_418 : memref<10240x2x128xbf16, #tpu.memory_space<vmem_shared>>)
      %add3A_421 = arith.constant 2 : i32
      %add3A_422 = arith.addi %add3A_404, %add3A_421 : i32
      %dma_start3A_423 = arith.constant 1 : i32
      %dma_start3A_424 = arith.constant 1 : i32
      %dma_start3A_425 = arith.constant 0 : i32
      %dma_start3A_426 = arith.constant 0 : i32
      %dma_start3A_427 = arith.constant 0 : i32
      %dma_start3A_428 = tpu.memref_slice %arg10[%dma_start3A_423, %dma_start3A_425, %dma_start3A_426, %dma_start3A_427] : memref<2x128x2x128xbf16, #tpu.memory_space<vmem>> -> memref<1x128x2x128xbf16, #tpu.memory_space<vmem>>
      %dma_start3A_429 = tpu.memref_squeeze %dma_start3A_428 : memref<1x128x2x128xbf16, #tpu.memory_space<vmem>> -> memref<128x2x128xbf16, #tpu.memory_space<vmem>>
      %dma_start3A_430 = arith.constant 0 : i32
      %dma_start3A_431 = tpu.memref_slice %arg8[%add3A_422, %dma_start3A_430] : memref<40x128xi32, #tpu.memory_space<vmem>> -> memref<1x128xi32, #tpu.memory_space<vmem>>
      %dma_start3A_432 = tpu.memref_squeeze %dma_start3A_431 : memref<1x128xi32, #tpu.memory_space<vmem>> -> memref<128xi32, #tpu.memory_space<vmem>>
      %dma_start3A_433 = arith.constant 0 : i32
      %dma_start3A_434 = arith.constant 0 : i32
      %dma_start3A_435 = arith.constant 0 : i32
      %dma_start3A_436 = tpu.memref_slice %arg3[%dma_start3A_433, %dma_start3A_434, %dma_start3A_435] : memref<10240x2x128xbf16, #tpu.memory_space<hbm>> -> memref<10240x2x128xbf16, #tpu.memory_space<hbm>>
      %dma_start3A_437 = tpu.memref_slice %arg11[%dma_start3A_424] : memref<2x!tpu.dma_semaphore, #tpu.memory_space<semaphore_mem>> -> memref<1x!tpu.dma_semaphore, #tpu.memory_space<semaphore_mem>>
      %dma_start3A_438 = tpu.memref_squeeze %dma_start3A_437 : memref<1x!tpu.dma_semaphore, #tpu.memory_space<semaphore_mem>> -> memref<!tpu.dma_semaphore, #tpu.memory_space<semaphore_mem>>
      tpu.enqueue_indirect_dma source(%dma_start3A_436 : memref<10240x2x128xbf16, #tpu.memory_space<hbm>>) target(%dma_start3A_429 : memref<128x2x128xbf16, #tpu.memory_space<vmem>>) offsets(%dma_start3A_432 : memref<128xi32, #tpu.memory_space<vmem>>) semaphore(%dma_start3A_438 : memref<!tpu.dma_semaphore, #tpu.memory_space<semaphore_mem>>)
    }
    %scan3A_184 = arith.constant 19 : i32
    %dma_wait3A_185 = arith.constant 38 : i32
    %dma_wait3A_186 = arith.constant 0 : i32
    %dma_wait3A_187 = arith.constant 0 : i32
    %dma_wait3A_188 = arith.constant 0 : i32
    %dma_wait3A_189 = arith.constant 0 : i32
    %dma_wait3A_190 = arith.constant 0 : i32
    %dma_wait3A_191 = tpu.memref_slice %arg10[%dma_wait3A_186, %dma_wait3A_188, %dma_wait3A_189, %dma_wait3A_190] : memref<2x128x2x128xbf16, #tpu.memory_space<vmem>> -> memref<1x128x2x128xbf16, #tpu.memory_space<vmem>>
    %dma_wait3A_192 = tpu.memref_squeeze %dma_wait3A_191 : memref<1x128x2x128xbf16, #tpu.memory_space<vmem>> -> memref<128x2x128xbf16, #tpu.memory_space<vmem>>
    %dma_wait3A_193 = arith.constant 0 : i32
    %dma_wait3A_194 = tpu.memref_slice %arg8[%dma_wait3A_185, %dma_wait3A_193] : memref<40x128xi32, #tpu.memory_space<vmem>> -> memref<1x128xi32, #tpu.memory_space<vmem>>
    %dma_wait3A_195 = tpu.memref_squeeze %dma_wait3A_194 : memref<1x128xi32, #tpu.memory_space<vmem>> -> memref<128xi32, #tpu.memory_space<vmem>>
    %dma_wait3A_196 = arith.constant 0 : i32
    %dma_wait3A_197 = arith.constant 0 : i32
    %dma_wait3A_198 = arith.constant 0 : i32
    %dma_wait3A_199 = tpu.memref_slice %arg3[%dma_wait3A_196, %dma_wait3A_197, %dma_wait3A_198] : memref<10240x2x128xbf16, #tpu.memory_space<hbm>> -> memref<10240x2x128xbf16, #tpu.memory_space<hbm>>
    %dma_wait3A_200 = tpu.memref_slice %arg11[%dma_wait3A_187] : memref<2x!tpu.dma_semaphore, #tpu.memory_space<semaphore_mem>> -> memref<1x!tpu.dma_semaphore, #tpu.memory_space<semaphore_mem>>
    %dma_wait3A_201 = tpu.memref_squeeze %dma_wait3A_200 : memref<1x!tpu.dma_semaphore, #tpu.memory_space<semaphore_mem>> -> memref<!tpu.dma_semaphore, #tpu.memory_space<semaphore_mem>>
    tpu.wait_indirect_dma semaphore(%dma_wait3A_201 : memref<!tpu.dma_semaphore, #tpu.memory_space<semaphore_mem>>) src(%dma_wait3A_199 : memref<10240x2x128xbf16, #tpu.memory_space<hbm>>) dst(%dma_wait3A_192 : memref<128x2x128xbf16, #tpu.memory_space<vmem>>)
    %dma_start3A_202 = arith.constant 0 : i32
    %dma_start3A_203 = arith.constant 38 : i32
    %dma_start3A_204 = arith.constant 0 : i32
    %dma_start3A_205 = arith.constant 0 : i32
    %dma_start3A_206 = arith.constant 0 : i32
    %dma_start3A_207 = arith.constant 0 : i32
    %dma_start3A_208 = tpu.memref_slice %arg10[%dma_start3A_202, %dma_start3A_205, %dma_start3A_206, %dma_start3A_207] : memref<2x128x2x128xbf16, #tpu.memory_space<vmem>> -> memref<1x128x2x128xbf16, #tpu.memory_space<vmem>>
    %dma_start3A_209 = tpu.memref_squeeze %dma_start3A_208 : memref<1x128x2x128xbf16, #tpu.memory_space<vmem>> -> memref<128x2x128xbf16, #tpu.memory_space<vmem>>
    %dma_start3A_210 = arith.constant 0 : i32
    %dma_start3A_211 = tpu.memref_slice %arg9[%dma_start3A_203, %dma_start3A_210] : memref<40x128xi32, #tpu.memory_space<vmem>> -> memref<1x128xi32, #tpu.memory_space<vmem>>
    %dma_start3A_212 = tpu.memref_squeeze %dma_start3A_211 : memref<1x128xi32, #tpu.memory_space<vmem>> -> memref<128xi32, #tpu.memory_space<vmem>>
    %dma_start3A_213 = arith.constant 0 : i32
    %dma_start3A_214 = arith.constant 0 : i32
    %dma_start3A_215 = arith.constant 0 : i32
    %dma_start3A_216 = tpu.memref_slice %arg13[%dma_start3A_213, %dma_start3A_214, %dma_start3A_215] : memref<10240x2x128xbf16, #tpu.memory_space<vmem_shared>> -> memref<10240x2x128xbf16, #tpu.memory_space<vmem_shared>>
    %dma_start3A_217 = tpu.memref_slice %arg12[%dma_start3A_204] : memref<2x!tpu.dma_semaphore, #tpu.memory_space<semaphore_mem>> -> memref<1x!tpu.dma_semaphore, #tpu.memory_space<semaphore_mem>>
    %dma_start3A_218 = tpu.memref_squeeze %dma_start3A_217 : memref<1x!tpu.dma_semaphore, #tpu.memory_space<semaphore_mem>> -> memref<!tpu.dma_semaphore, #tpu.memory_space<semaphore_mem>>
    tpu.enqueue_indirect_dma source(%dma_start3A_209 : memref<128x2x128xbf16, #tpu.memory_space<vmem>>) target(%dma_start3A_216 : memref<10240x2x128xbf16, #tpu.memory_space<vmem_shared>>) offsets(%dma_start3A_212 : memref<128xi32, #tpu.memory_space<vmem>>) semaphore(%dma_start3A_218 : memref<!tpu.dma_semaphore, #tpu.memory_space<semaphore_mem>>) {add = true}
    %dma_wait3A_219 = arith.constant 39 : i32
    %dma_wait3A_220 = arith.constant 1 : i32
    %dma_wait3A_221 = arith.constant 1 : i32
    %dma_wait3A_222 = arith.constant 0 : i32
    %dma_wait3A_223 = arith.constant 0 : i32
    %dma_wait3A_224 = arith.constant 0 : i32
    %dma_wait3A_225 = tpu.memref_slice %arg10[%dma_wait3A_220, %dma_wait3A_222, %dma_wait3A_223, %dma_wait3A_224] : memref<2x128x2x128xbf16, #tpu.memory_space<vmem>> -> memref<1x128x2x128xbf16, #tpu.memory_space<vmem>>
    %dma_wait3A_226 = tpu.memref_squeeze %dma_wait3A_225 : memref<1x128x2x128xbf16, #tpu.memory_space<vmem>> -> memref<128x2x128xbf16, #tpu.memory_space<vmem>>
    %dma_wait3A_227 = arith.constant 0 : i32
    %dma_wait3A_228 = tpu.memref_slice %arg8[%dma_wait3A_219, %dma_wait3A_227] : memref<40x128xi32, #tpu.memory_space<vmem>> -> memref<1x128xi32, #tpu.memory_space<vmem>>
    %dma_wait3A_229 = tpu.memref_squeeze %dma_wait3A_228 : memref<1x128xi32, #tpu.memory_space<vmem>> -> memref<128xi32, #tpu.memory_space<vmem>>
    %dma_wait3A_230 = arith.constant 0 : i32
    %dma_wait3A_231 = arith.constant 0 : i32
    %dma_wait3A_232 = arith.constant 0 : i32
    %dma_wait3A_233 = tpu.memref_slice %arg3[%dma_wait3A_230, %dma_wait3A_231, %dma_wait3A_232] : memref<10240x2x128xbf16, #tpu.memory_space<hbm>> -> memref<10240x2x128xbf16, #tpu.memory_space<hbm>>
    %dma_wait3A_234 = tpu.memref_slice %arg11[%dma_wait3A_221] : memref<2x!tpu.dma_semaphore, #tpu.memory_space<semaphore_mem>> -> memref<1x!tpu.dma_semaphore, #tpu.memory_space<semaphore_mem>>
    %dma_wait3A_235 = tpu.memref_squeeze %dma_wait3A_234 : memref<1x!tpu.dma_semaphore, #tpu.memory_space<semaphore_mem>> -> memref<!tpu.dma_semaphore, #tpu.memory_space<semaphore_mem>>
    tpu.wait_indirect_dma semaphore(%dma_wait3A_235 : memref<!tpu.dma_semaphore, #tpu.memory_space<semaphore_mem>>) src(%dma_wait3A_233 : memref<10240x2x128xbf16, #tpu.memory_space<hbm>>) dst(%dma_wait3A_226 : memref<128x2x128xbf16, #tpu.memory_space<vmem>>)
    %dma_start3A_236 = arith.constant 1 : i32
    %dma_start3A_237 = arith.constant 39 : i32
    %dma_start3A_238 = arith.constant 1 : i32
    %dma_start3A_239 = arith.constant 0 : i32
    %dma_start3A_240 = arith.constant 0 : i32
    %dma_start3A_241 = arith.constant 0 : i32
    %dma_start3A_242 = tpu.memref_slice %arg10[%dma_start3A_236, %dma_start3A_239, %dma_start3A_240, %dma_start3A_241] : memref<2x128x2x128xbf16, #tpu.memory_space<vmem>> -> memref<1x128x2x128xbf16, #tpu.memory_space<vmem>>
    %dma_start3A_243 = tpu.memref_squeeze %dma_start3A_242 : memref<1x128x2x128xbf16, #tpu.memory_space<vmem>> -> memref<128x2x128xbf16, #tpu.memory_space<vmem>>
    %dma_start3A_244 = arith.constant 0 : i32
    %dma_start3A_245 = tpu.memref_slice %arg9[%dma_start3A_237, %dma_start3A_244] : memref<40x128xi32, #tpu.memory_space<vmem>> -> memref<1x128xi32, #tpu.memory_space<vmem>>
    %dma_start3A_246 = tpu.memref_squeeze %dma_start3A_245 : memref<1x128xi32, #tpu.memory_space<vmem>> -> memref<128xi32, #tpu.memory_space<vmem>>
    %dma_start3A_247 = arith.constant 0 : i32
    %dma_start3A_248 = arith.constant 0 : i32
    %dma_start3A_249 = arith.constant 0 : i32
    %dma_start3A_250 = tpu.memref_slice %arg13[%dma_start3A_247, %dma_start3A_248, %dma_start3A_249] : memref<10240x2x128xbf16, #tpu.memory_space<vmem_shared>> -> memref<10240x2x128xbf16, #tpu.memory_space<vmem_shared>>
    %dma_start3A_251 = tpu.memref_slice %arg12[%dma_start3A_238] : memref<2x!tpu.dma_semaphore, #tpu.memory_space<semaphore_mem>> -> memref<1x!tpu.dma_semaphore, #tpu.memory_space<semaphore_mem>>
    %dma_start3A_252 = tpu.memref_squeeze %dma_start3A_251 : memref<1x!tpu.dma_semaphore, #tpu.memory_space<semaphore_mem>> -> memref<!tpu.dma_semaphore, #tpu.memory_space<semaphore_mem>>
    tpu.enqueue_indirect_dma source(%dma_start3A_243 : memref<128x2x128xbf16, #tpu.memory_space<vmem>>) target(%dma_start3A_250 : memref<10240x2x128xbf16, #tpu.memory_space<vmem_shared>>) offsets(%dma_start3A_246 : memref<128xi32, #tpu.memory_space<vmem>>) semaphore(%dma_start3A_252 : memref<!tpu.dma_semaphore, #tpu.memory_space<semaphore_mem>>) {add = true}
    %dma_wait3A_253 = arith.constant 0 : i32
    %dma_wait3A_254 = arith.constant 38 : i32
    %dma_wait3A_255 = arith.constant 0 : i32
    %dma_wait3A_256 = arith.constant 0 : i32
    %dma_wait3A_257 = arith.constant 0 : i32
    %dma_wait3A_258 = arith.constant 0 : i32
    %dma_wait3A_259 = tpu.memref_slice %arg10[%dma_wait3A_253, %dma_wait3A_256, %dma_wait3A_257, %dma_wait3A_258] : memref<2x128x2x128xbf16, #tpu.memory_space<vmem>> -> memref<1x128x2x128xbf16, #tpu.memory_space<vmem>>
    %dma_wait3A_260 = tpu.memref_squeeze %dma_wait3A_259 : memref<1x128x2x128xbf16, #tpu.memory_space<vmem>> -> memref<128x2x128xbf16, #tpu.memory_space<vmem>>
    %dma_wait3A_261 = arith.constant 0 : i32
    %dma_wait3A_262 = tpu.memref_slice %arg9[%dma_wait3A_254, %dma_wait3A_261] : memref<40x128xi32, #tpu.memory_space<vmem>> -> memref<1x128xi32, #tpu.memory_space<vmem>>
    %dma_wait3A_263 = tpu.memref_squeeze %dma_wait3A_262 : memref<1x128xi32, #tpu.memory_space<vmem>> -> memref<128xi32, #tpu.memory_space<vmem>>
    %dma_wait3A_264 = arith.constant 0 : i32
    %dma_wait3A_265 = arith.constant 0 : i32
    %dma_wait3A_266 = arith.constant 0 : i32
    %dma_wait3A_267 = tpu.memref_slice %arg13[%dma_wait3A_264, %dma_wait3A_265, %dma_wait3A_266] : memref<10240x2x128xbf16, #tpu.memory_space<vmem_shared>> -> memref<10240x2x128xbf16, #tpu.memory_space<vmem_shared>>
    %dma_wait3A_268 = tpu.memref_slice %arg12[%dma_wait3A_255] : memref<2x!tpu.dma_semaphore, #tpu.memory_space<semaphore_mem>> -> memref<1x!tpu.dma_semaphore, #tpu.memory_space<semaphore_mem>>
    %dma_wait3A_269 = tpu.memref_squeeze %dma_wait3A_268 : memref<1x!tpu.dma_semaphore, #tpu.memory_space<semaphore_mem>> -> memref<!tpu.dma_semaphore, #tpu.memory_space<semaphore_mem>>
    tpu.wait_indirect_dma semaphore(%dma_wait3A_269 : memref<!tpu.dma_semaphore, #tpu.memory_space<semaphore_mem>>) src(%dma_wait3A_260 : memref<128x2x128xbf16, #tpu.memory_space<vmem>>) dst(%dma_wait3A_267 : memref<10240x2x128xbf16, #tpu.memory_space<vmem_shared>>)
    %dma_wait3A_270 = arith.constant 1 : i32
    %dma_wait3A_271 = arith.constant 39 : i32
    %dma_wait3A_272 = arith.constant 1 : i32
    %dma_wait3A_273 = arith.constant 0 : i32
    %dma_wait3A_274 = arith.constant 0 : i32
    %dma_wait3A_275 = arith.constant 0 : i32
    %dma_wait3A_276 = tpu.memref_slice %arg10[%dma_wait3A_270, %dma_wait3A_273, %dma_wait3A_274, %dma_wait3A_275] : memref<2x128x2x128xbf16, #tpu.memory_space<vmem>> -> memref<1x128x2x128xbf16, #tpu.memory_space<vmem>>
    %dma_wait3A_277 = tpu.memref_squeeze %dma_wait3A_276 : memref<1x128x2x128xbf16, #tpu.memory_space<vmem>> -> memref<128x2x128xbf16, #tpu.memory_space<vmem>>
    %dma_wait3A_278 = arith.constant 0 : i32
    %dma_wait3A_279 = tpu.memref_slice %arg9[%dma_wait3A_271, %dma_wait3A_278] : memref<40x128xi32, #tpu.memory_space<vmem>> -> memref<1x128xi32, #tpu.memory_space<vmem>>
    %dma_wait3A_280 = tpu.memref_squeeze %dma_wait3A_279 : memref<1x128xi32, #tpu.memory_space<vmem>> -> memref<128xi32, #tpu.memory_space<vmem>>
    %dma_wait3A_281 = arith.constant 0 : i32
    %dma_wait3A_282 = arith.constant 0 : i32
    %dma_wait3A_283 = arith.constant 0 : i32
    %dma_wait3A_284 = tpu.memref_slice %arg13[%dma_wait3A_281, %dma_wait3A_282, %dma_wait3A_283] : memref<10240x2x128xbf16, #tpu.memory_space<vmem_shared>> -> memref<10240x2x128xbf16, #tpu.memory_space<vmem_shared>>
    %dma_wait3A_285 = tpu.memref_slice %arg12[%dma_wait3A_272] : memref<2x!tpu.dma_semaphore, #tpu.memory_space<semaphore_mem>> -> memref<1x!tpu.dma_semaphore, #tpu.memory_space<semaphore_mem>>
    %dma_wait3A_286 = tpu.memref_squeeze %dma_wait3A_285 : memref<1x!tpu.dma_semaphore, #tpu.memory_space<semaphore_mem>> -> memref<!tpu.dma_semaphore, #tpu.memory_space<semaphore_mem>>
    tpu.wait_indirect_dma semaphore(%dma_wait3A_286 : memref<!tpu.dma_semaphore, #tpu.memory_space<semaphore_mem>>) src(%dma_wait3A_277 : memref<128x2x128xbf16, #tpu.memory_space<vmem>>) dst(%dma_wait3A_284 : memref<10240x2x128xbf16, #tpu.memory_space<vmem_shared>>)
    %barrier3A_287 = arith.constant 0 : index
    tpu.barrier barrier_id(%barrier3A_287)
    %run_scoped3A_288 = arith.constant 1 : i32
    "tpu.region"() ({
      %run_scoped3A_290 = tpu.sem_alloc : memref<!tpu.dma_semaphore, #tpu.memory_space<semaphore_mem>>
      %dma_start3A_291 = arith.constant 0 : i32
      %dma_start3A_292 = arith.constant 0 : i32
      %dma_start3A_293 = tpu.memref_slice %arg7[%arg0, %run_scoped3A_288, %mul3A_2, %dma_start3A_291, %dma_start3A_292] : memref<2x2x10240x2x128xbf16, #tpu.memory_space<hbm>> -> memref<1x1x640x2x128xbf16, #tpu.memory_space<hbm>>
      %dma_start3A_294 = tpu.memref_squeeze %dma_start3A_293 : memref<1x1x640x2x128xbf16, #tpu.memory_space<hbm>> -> memref<640x2x128xbf16, #tpu.memory_space<hbm>>
      %dma_start3A_295 = arith.constant 0 : i32
      %dma_start3A_296 = arith.constant 0 : i32
      %dma_start3A_297 = tpu.memref_slice %arg13[%mul3A_2, %dma_start3A_295, %dma_start3A_296] : memref<10240x2x128xbf16, #tpu.memory_space<vmem_shared>> -> memref<640x2x128xbf16, #tpu.memory_space<vmem_shared>>
      tpu.enqueue_dma source(%dma_start3A_297 : memref<640x2x128xbf16, #tpu.memory_space<vmem_shared>>) target(%dma_start3A_294 : memref<640x2x128xbf16, #tpu.memory_space<hbm>>) target_semaphore(%run_scoped3A_290 : memref<!tpu.dma_semaphore, #tpu.memory_space<semaphore_mem>>)
      %dma_wait3A_298 = arith.constant 0 : i32
      %dma_wait3A_299 = arith.constant 0 : i32
      %dma_wait3A_300 = tpu.memref_slice %arg7[%arg0, %run_scoped3A_288, %mul3A_2, %dma_wait3A_298, %dma_wait3A_299] : memref<2x2x10240x2x128xbf16, #tpu.memory_space<hbm>> -> memref<1x1x640x2x128xbf16, #tpu.memory_space<hbm>>
      %dma_wait3A_301 = tpu.memref_squeeze %dma_wait3A_300 : memref<1x1x640x2x128xbf16, #tpu.memory_space<hbm>> -> memref<640x2x128xbf16, #tpu.memory_space<hbm>>
      %dma_wait3A_302 = arith.constant 0 : i32
      %dma_wait3A_303 = arith.constant 0 : i32
      %dma_wait3A_304 = tpu.memref_slice %arg13[%mul3A_2, %dma_wait3A_302, %dma_wait3A_303] : memref<10240x2x128xbf16, #tpu.memory_space<vmem_shared>> -> memref<640x2x128xbf16, #tpu.memory_space<vmem_shared>>
      tpu.wait_dma2 semaphore(%run_scoped3A_290 : memref<!tpu.dma_semaphore, #tpu.memory_space<semaphore_mem>>) src(%dma_wait3A_304 : memref<640x2x128xbf16, #tpu.memory_space<vmem_shared>>) dst(%dma_wait3A_301 : memref<640x2x128xbf16, #tpu.memory_space<hbm>>)
      tpu.yield
    }) : () -> ()
    %barrier3A_289 = arith.constant 0 : index
    tpu.barrier barrier_id(%barrier3A_289)
    return
  }
}

#map = affine_map<(d0, d1) -> (0, 0, 0)>
#map1 = affine_map<(d0, d1) -> (0, 0, 0, 0, 0)>
module attributes {stable_mosaic.version = 14 : i64} {
  func.func @_agg_body(%arg0: i32, %arg1: i32, %arg2: memref<10240x2x128xbf16, #tpu.memory_space<hbm>>, %arg3: memref<10240x2x128xbf16, #tpu.memory_space<hbm>>, %arg4: memref<32x40x128xi32, #tpu.memory_space<hbm>>, %arg5: memref<32x40x128xi32, #tpu.memory_space<hbm>>, %arg6: memref<10240x2x128xbf16, #tpu.memory_space<hbm>>, %arg7: memref<2x2x10240x2x128xbf16, #tpu.memory_space<hbm>>, %arg8: memref<40x128xi32, #tpu.memory_space<vmem>>, %arg9: memref<40x128xi32, #tpu.memory_space<vmem>>, %arg10: memref<2x128x2x128xbf16, #tpu.memory_space<vmem>>, %arg11: memref<2x!tpu.dma_semaphore, #tpu.memory_space<semaphore_mem>>, %arg12: memref<2x!tpu.dma_semaphore, #tpu.memory_space<semaphore_mem>>, %arg13: memref<10240x2x128xbf16, #tpu.memory_space<vmem_shared>>) attributes {dimension_semantics = [#tpu.dimension_semantics<core_parallel>, #tpu.dimension_semantics<subcore_parallel>], iteration_bounds = array<i64: 2, 16>, scalar_prefetch = 0 : i64, scratch_operands = 6 : i64, tpu.core_type = #tpu.core_type<sc_vector_subcore>, window_params = [{transform_indices = #map}, {transform_indices = #map}, {transform_indices = #map}, {transform_indices = #map}, {transform_indices = #map}, {transform_indices = #map1}]} {
    %mul3A = arith.constant 16 : i32
    %mul3A_0 = arith.muli %arg0, %mul3A : i32
    %add3A = arith.addi %mul3A_0, %arg1 : i32
    %mul3A_1 = arith.constant 640 : i32
    %mul3A_2 = arith.muli %arg1, %mul3A_1 : i32
    "tpu.region"() ({
      %run_scoped3A_290 = tpu.sem_alloc : memref<!tpu.dma_semaphore, #tpu.memory_space<semaphore_mem>>
      %dma_start3A_291 = arith.constant 0 : i32
      %dma_start3A_292 = arith.constant 0 : i32
      %dma_start3A_293 = tpu.memref_slice %arg13[%mul3A_2, %dma_start3A_291, %dma_start3A_292] : memref<10240x2x128xbf16, #tpu.memory_space<vmem_shared>> -> memref<640x2x128xbf16, #tpu.memory_space<vmem_shared>>
      %dma_start3A_294 = arith.constant 0 : i32
      %dma_start3A_295 = arith.constant 0 : i32
      %dma_start3A_296 = tpu.memref_slice %arg6[%mul3A_2, %dma_start3A_294, %dma_start3A_295] : memref<10240x2x128xbf16, #tpu.memory_space<hbm>> -> memref<640x2x128xbf16, #tpu.memory_space<hbm>>
      tpu.enqueue_dma source(%dma_start3A_296 : memref<640x2x128xbf16, #tpu.memory_space<hbm>>) target(%dma_start3A_293 : memref<640x2x128xbf16, #tpu.memory_space<vmem_shared>>) target_semaphore(%run_scoped3A_290 : memref<!tpu.dma_semaphore, #tpu.memory_space<semaphore_mem>>)
      %dma_wait3A_297 = arith.constant 0 : i32
      %dma_wait3A_298 = arith.constant 0 : i32
      %dma_wait3A_299 = tpu.memref_slice %arg13[%mul3A_2, %dma_wait3A_297, %dma_wait3A_298] : memref<10240x2x128xbf16, #tpu.memory_space<vmem_shared>> -> memref<640x2x128xbf16, #tpu.memory_space<vmem_shared>>
      %dma_wait3A_300 = arith.constant 0 : i32
      %dma_wait3A_301 = arith.constant 0 : i32
      %dma_wait3A_302 = tpu.memref_slice %arg6[%mul3A_2, %dma_wait3A_300, %dma_wait3A_301] : memref<10240x2x128xbf16, #tpu.memory_space<hbm>> -> memref<640x2x128xbf16, #tpu.memory_space<hbm>>
      tpu.wait_dma2 semaphore(%run_scoped3A_290 : memref<!tpu.dma_semaphore, #tpu.memory_space<semaphore_mem>>) src(%dma_wait3A_302 : memref<640x2x128xbf16, #tpu.memory_space<hbm>>) dst(%dma_wait3A_299 : memref<640x2x128xbf16, #tpu.memory_space<vmem_shared>>)
      tpu.yield
    }) : () -> ()
    %barrier3A = arith.constant 0 : index
    tpu.barrier barrier_id(%barrier3A)
    "tpu.region"() ({
      %run_scoped3A_290 = tpu.sem_alloc : memref<!tpu.dma_semaphore, #tpu.memory_space<semaphore_mem>>
      %dma_start3A_291 = arith.constant 0 : i32
      %dma_start3A_292 = arith.constant 0 : i32
      %dma_start3A_293 = tpu.memref_slice %arg4[%add3A, %dma_start3A_291, %dma_start3A_292] : memref<32x40x128xi32, #tpu.memory_space<hbm>> -> memref<1x40x128xi32, #tpu.memory_space<hbm>>
      %dma_start3A_294 = tpu.memref_squeeze %dma_start3A_293 : memref<1x40x128xi32, #tpu.memory_space<hbm>> -> memref<40x128xi32, #tpu.memory_space<hbm>>
      %dma_start3A_295 = arith.constant 0 : i32
      %dma_start3A_296 = arith.constant 0 : i32
      %dma_start3A_297 = tpu.memref_slice %arg4[%add3A, %dma_start3A_295, %dma_start3A_296] : memref<32x40x128xi32, #tpu.memory_space<hbm>> -> memref<1x40x128xi32, #tpu.memory_space<hbm>>
      %dma_start3A_298 = tpu.memref_squeeze %dma_start3A_297 : memref<1x40x128xi32, #tpu.memory_space<hbm>> -> memref<40x128xi32, #tpu.memory_space<hbm>>
      tpu.enqueue_dma source(%dma_start3A_298 : memref<40x128xi32, #tpu.memory_space<hbm>>) target(%arg8 : memref<40x128xi32, #tpu.memory_space<vmem>>) target_semaphore(%run_scoped3A_290 : memref<!tpu.dma_semaphore, #tpu.memory_space<semaphore_mem>>)
      %dma_wait3A_299 = arith.constant 0 : i32
      %dma_wait3A_300 = arith.constant 0 : i32
      %dma_wait3A_301 = tpu.memref_slice %arg4[%add3A, %dma_wait3A_299, %dma_wait3A_300] : memref<32x40x128xi32, #tpu.memory_space<hbm>> -> memref<1x40x128xi32, #tpu.memory_space<hbm>>
      %dma_wait3A_302 = tpu.memref_squeeze %dma_wait3A_301 : memref<1x40x128xi32, #tpu.memory_space<hbm>> -> memref<40x128xi32, #tpu.memory_space<hbm>>
      %dma_wait3A_303 = arith.constant 0 : i32
      %dma_wait3A_304 = arith.constant 0 : i32
      %dma_wait3A_305 = tpu.memref_slice %arg4[%add3A, %dma_wait3A_303, %dma_wait3A_304] : memref<32x40x128xi32, #tpu.memory_space<hbm>> -> memref<1x40x128xi32, #tpu.memory_space<hbm>>
      %dma_wait3A_306 = tpu.memref_squeeze %dma_wait3A_305 : memref<1x40x128xi32, #tpu.memory_space<hbm>> -> memref<40x128xi32, #tpu.memory_space<hbm>>
      tpu.wait_dma2 semaphore(%run_scoped3A_290 : memref<!tpu.dma_semaphore, #tpu.memory_space<semaphore_mem>>) src(%dma_wait3A_306 : memref<40x128xi32, #tpu.memory_space<hbm>>) dst(%arg8 : memref<40x128xi32, #tpu.memory_space<vmem>>)
      tpu.yield
    }) : () -> ()
    "tpu.region"() ({
      %run_scoped3A_290 = tpu.sem_alloc : memref<!tpu.dma_semaphore, #tpu.memory_space<semaphore_mem>>
      %dma_start3A_291 = arith.constant 0 : i32
      %dma_start3A_292 = arith.constant 0 : i32
      %dma_start3A_293 = tpu.memref_slice %arg5[%add3A, %dma_start3A_291, %dma_start3A_292] : memref<32x40x128xi32, #tpu.memory_space<hbm>> -> memref<1x40x128xi32, #tpu.memory_space<hbm>>
      %dma_start3A_294 = tpu.memref_squeeze %dma_start3A_293 : memref<1x40x128xi32, #tpu.memory_space<hbm>> -> memref<40x128xi32, #tpu.memory_space<hbm>>
      %dma_start3A_295 = arith.constant 0 : i32
      %dma_start3A_296 = arith.constant 0 : i32
      %dma_start3A_297 = tpu.memref_slice %arg5[%add3A, %dma_start3A_295, %dma_start3A_296] : memref<32x40x128xi32, #tpu.memory_space<hbm>> -> memref<1x40x128xi32, #tpu.memory_space<hbm>>
      %dma_start3A_298 = tpu.memref_squeeze %dma_start3A_297 : memref<1x40x128xi32, #tpu.memory_space<hbm>> -> memref<40x128xi32, #tpu.memory_space<hbm>>
      tpu.enqueue_dma source(%dma_start3A_298 : memref<40x128xi32, #tpu.memory_space<hbm>>) target(%arg9 : memref<40x128xi32, #tpu.memory_space<vmem>>) target_semaphore(%run_scoped3A_290 : memref<!tpu.dma_semaphore, #tpu.memory_space<semaphore_mem>>)
      %dma_wait3A_299 = arith.constant 0 : i32
      %dma_wait3A_300 = arith.constant 0 : i32
      %dma_wait3A_301 = tpu.memref_slice %arg5[%add3A, %dma_wait3A_299, %dma_wait3A_300] : memref<32x40x128xi32, #tpu.memory_space<hbm>> -> memref<1x40x128xi32, #tpu.memory_space<hbm>>
      %dma_wait3A_302 = tpu.memref_squeeze %dma_wait3A_301 : memref<1x40x128xi32, #tpu.memory_space<hbm>> -> memref<40x128xi32, #tpu.memory_space<hbm>>
      %dma_wait3A_303 = arith.constant 0 : i32
      %dma_wait3A_304 = arith.constant 0 : i32
      %dma_wait3A_305 = tpu.memref_slice %arg5[%add3A, %dma_wait3A_303, %dma_wait3A_304] : memref<32x40x128xi32, #tpu.memory_space<hbm>> -> memref<1x40x128xi32, #tpu.memory_space<hbm>>
      %dma_wait3A_306 = tpu.memref_squeeze %dma_wait3A_305 : memref<1x40x128xi32, #tpu.memory_space<hbm>> -> memref<40x128xi32, #tpu.memory_space<hbm>>
      tpu.wait_dma2 semaphore(%run_scoped3A_290 : memref<!tpu.dma_semaphore, #tpu.memory_space<semaphore_mem>>) src(%dma_wait3A_306 : memref<40x128xi32, #tpu.memory_space<hbm>>) dst(%arg9 : memref<40x128xi32, #tpu.memory_space<vmem>>)
      tpu.yield
    }) : () -> ()
    %dma_start3A = arith.constant 0 : i32
    %dma_start3A_3 = arith.constant 0 : i32
    %dma_start3A_4 = arith.constant 0 : i32
    %dma_start3A_5 = arith.constant 0 : i32
    %dma_start3A_6 = arith.constant 0 : i32
    %dma_start3A_7 = arith.constant 0 : i32
    %dma_start3A_8 = tpu.memref_slice %arg10[%dma_start3A_3, %dma_start3A_5, %dma_start3A_6, %dma_start3A_7] : memref<2x128x2x128xbf16, #tpu.memory_space<vmem>> -> memref<1x128x2x128xbf16, #tpu.memory_space<vmem>>
    %dma_start3A_9 = tpu.memref_squeeze %dma_start3A_8 : memref<1x128x2x128xbf16, #tpu.memory_space<vmem>> -> memref<128x2x128xbf16, #tpu.memory_space<vmem>>
    %dma_start3A_10 = arith.constant 0 : i32
    %dma_start3A_11 = tpu.memref_slice %arg8[%dma_start3A, %dma_start3A_10] : memref<40x128xi32, #tpu.memory_space<vmem>> -> memref<1x128xi32, #tpu.memory_space<vmem>>
    %dma_start3A_12 = tpu.memref_squeeze %dma_start3A_11 : memref<1x128xi32, #tpu.memory_space<vmem>> -> memref<128xi32, #tpu.memory_space<vmem>>
    %dma_start3A_13 = arith.constant 0 : i32
    %dma_start3A_14 = arith.constant 0 : i32
    %dma_start3A_15 = arith.constant 0 : i32
    %dma_start3A_16 = tpu.memref_slice %arg2[%dma_start3A_13, %dma_start3A_14, %dma_start3A_15] : memref<10240x2x128xbf16, #tpu.memory_space<hbm>> -> memref<10240x2x128xbf16, #tpu.memory_space<hbm>>
    %dma_start3A_17 = tpu.memref_slice %arg11[%dma_start3A_4] : memref<2x!tpu.dma_semaphore, #tpu.memory_space<semaphore_mem>> -> memref<1x!tpu.dma_semaphore, #tpu.memory_space<semaphore_mem>>
    %dma_start3A_18 = tpu.memref_squeeze %dma_start3A_17 : memref<1x!tpu.dma_semaphore, #tpu.memory_space<semaphore_mem>> -> memref<!tpu.dma_semaphore, #tpu.memory_space<semaphore_mem>>
    tpu.enqueue_indirect_dma source(%dma_start3A_16 : memref<10240x2x128xbf16, #tpu.memory_space<hbm>>) target(%dma_start3A_9 : memref<128x2x128xbf16, #tpu.memory_space<vmem>>) offsets(%dma_start3A_12 : memref<128xi32, #tpu.memory_space<vmem>>) semaphore(%dma_start3A_18 : memref<!tpu.dma_semaphore, #tpu.memory_space<semaphore_mem>>)
    %dma_start3A_19 = arith.constant 1 : i32
    %dma_start3A_20 = arith.constant 1 : i32
    %dma_start3A_21 = arith.constant 1 : i32
    %dma_start3A_22 = arith.constant 0 : i32
    %dma_start3A_23 = arith.constant 0 : i32
    %dma_start3A_24 = arith.constant 0 : i32
    %dma_start3A_25 = tpu.memref_slice %arg10[%dma_start3A_20, %dma_start3A_22, %dma_start3A_23, %dma_start3A_24] : memref<2x128x2x128xbf16, #tpu.memory_space<vmem>> -> memref<1x128x2x128xbf16, #tpu.memory_space<vmem>>
    %dma_start3A_26 = tpu.memref_squeeze %dma_start3A_25 : memref<1x128x2x128xbf16, #tpu.memory_space<vmem>> -> memref<128x2x128xbf16, #tpu.memory_space<vmem>>
    %dma_start3A_27 = arith.constant 0 : i32
    %dma_start3A_28 = tpu.memref_slice %arg8[%dma_start3A_19, %dma_start3A_27] : memref<40x128xi32, #tpu.memory_space<vmem>> -> memref<1x128xi32, #tpu.memory_space<vmem>>
    %dma_start3A_29 = tpu.memref_squeeze %dma_start3A_28 : memref<1x128xi32, #tpu.memory_space<vmem>> -> memref<128xi32, #tpu.memory_space<vmem>>
    %dma_start3A_30 = arith.constant 0 : i32
    %dma_start3A_31 = arith.constant 0 : i32
    %dma_start3A_32 = arith.constant 0 : i32
    %dma_start3A_33 = tpu.memref_slice %arg2[%dma_start3A_30, %dma_start3A_31, %dma_start3A_32] : memref<10240x2x128xbf16, #tpu.memory_space<hbm>> -> memref<10240x2x128xbf16, #tpu.memory_space<hbm>>
    %dma_start3A_34 = tpu.memref_slice %arg11[%dma_start3A_21] : memref<2x!tpu.dma_semaphore, #tpu.memory_space<semaphore_mem>> -> memref<1x!tpu.dma_semaphore, #tpu.memory_space<semaphore_mem>>
    %dma_start3A_35 = tpu.memref_squeeze %dma_start3A_34 : memref<1x!tpu.dma_semaphore, #tpu.memory_space<semaphore_mem>> -> memref<!tpu.dma_semaphore, #tpu.memory_space<semaphore_mem>>
    tpu.enqueue_indirect_dma source(%dma_start3A_33 : memref<10240x2x128xbf16, #tpu.memory_space<hbm>>) target(%dma_start3A_26 : memref<128x2x128xbf16, #tpu.memory_space<vmem>>) offsets(%dma_start3A_29 : memref<128xi32, #tpu.memory_space<vmem>>) semaphore(%dma_start3A_35 : memref<!tpu.dma_semaphore, #tpu.memory_space<semaphore_mem>>)
    %scan3A = arith.constant 0 : i32
    %scan3A_36 = arith.constant 0 : i32
    %scan3A_37 = arith.constant 19 : i32
    %scan3A_38 = arith.addi %scan3A_36, %scan3A_37 : i32
    %scan3A_39 = arith.constant 1 : i32
    scf.for %scan3A_290 = %scan3A_36 to %scan3A_38 step %scan3A_39  : i32 {
      %mul3A_291 = arith.constant 2 : i32
      %mul3A_292 = arith.muli %scan3A_290, %mul3A_291 : i32
      %add3A_293 = arith.constant 0 : i32
      %add3A_294 = arith.addi %mul3A_292, %add3A_293 : i32
      %dma_wait3A_295 = arith.constant 0 : i32
      %dma_wait3A_296 = arith.constant 0 : i32
      %dma_wait3A_297 = arith.constant 0 : i32
      %dma_wait3A_298 = arith.constant 0 : i32
      %dma_wait3A_299 = arith.constant 0 : i32
      %dma_wait3A_300 = tpu.memref_slice %arg10[%dma_wait3A_295, %dma_wait3A_297, %dma_wait3A_298, %dma_wait3A_299] : memref<2x128x2x128xbf16, #tpu.memory_space<vmem>> -> memref<1x128x2x128xbf16, #tpu.memory_space<vmem>>
      %dma_wait3A_301 = tpu.memref_squeeze %dma_wait3A_300 : memref<1x128x2x128xbf16, #tpu.memory_space<vmem>> -> memref<128x2x128xbf16, #tpu.memory_space<vmem>>
      %dma_wait3A_302 = arith.constant 0 : i32
      %dma_wait3A_303 = tpu.memref_slice %arg8[%add3A_294, %dma_wait3A_302] : memref<40x128xi32, #tpu.memory_space<vmem>> -> memref<1x128xi32, #tpu.memory_space<vmem>>
      %dma_wait3A_304 = tpu.memref_squeeze %dma_wait3A_303 : memref<1x128xi32, #tpu.memory_space<vmem>> -> memref<128xi32, #tpu.memory_space<vmem>>
      %dma_wait3A_305 = arith.constant 0 : i32
      %dma_wait3A_306 = arith.constant 0 : i32
      %dma_wait3A_307 = arith.constant 0 : i32
      %dma_wait3A_308 = tpu.memref_slice %arg2[%dma_wait3A_305, %dma_wait3A_306, %dma_wait3A_307] : memref<10240x2x128xbf16, #tpu.memory_space<hbm>> -> memref<10240x2x128xbf16, #tpu.memory_space<hbm>>
      %dma_wait3A_309 = tpu.memref_slice %arg11[%dma_wait3A_296] : memref<2x!tpu.dma_semaphore, #tpu.memory_space<semaphore_mem>> -> memref<1x!tpu.dma_semaphore, #tpu.memory_space<semaphore_mem>>
      %dma_wait3A_310 = tpu.memref_squeeze %dma_wait3A_309 : memref<1x!tpu.dma_semaphore, #tpu.memory_space<semaphore_mem>> -> memref<!tpu.dma_semaphore, #tpu.memory_space<semaphore_mem>>
      tpu.wait_indirect_dma semaphore(%dma_wait3A_310 : memref<!tpu.dma_semaphore, #tpu.memory_space<semaphore_mem>>) src(%dma_wait3A_308 : memref<10240x2x128xbf16, #tpu.memory_space<hbm>>) dst(%dma_wait3A_301 : memref<128x2x128xbf16, #tpu.memory_space<vmem>>)
      %dma_start3A_311 = arith.constant 0 : i32
      %dma_start3A_312 = arith.constant 0 : i32
      %dma_start3A_313 = arith.constant 0 : i32
      %dma_start3A_314 = arith.constant 0 : i32
      %dma_start3A_315 = arith.constant 0 : i32
      %dma_start3A_316 = tpu.memref_slice %arg10[%dma_start3A_311, %dma_start3A_313, %dma_start3A_314, %dma_start3A_315] : memref<2x128x2x128xbf16, #tpu.memory_space<vmem>> -> memref<1x128x2x128xbf16, #tpu.memory_space<vmem>>
      %dma_start3A_317 = tpu.memref_squeeze %dma_start3A_316 : memref<1x128x2x128xbf16, #tpu.memory_space<vmem>> -> memref<128x2x128xbf16, #tpu.memory_space<vmem>>
      %dma_start3A_318 = arith.constant 0 : i32
      %dma_start3A_319 = tpu.memref_slice %arg9[%add3A_294, %dma_start3A_318] : memref<40x128xi32, #tpu.memory_space<vmem>> -> memref<1x128xi32, #tpu.memory_space<vmem>>
      %dma_start3A_320 = tpu.memref_squeeze %dma_start3A_319 : memref<1x128xi32, #tpu.memory_space<vmem>> -> memref<128xi32, #tpu.memory_space<vmem>>
      %dma_start3A_321 = arith.constant 0 : i32
      %dma_start3A_322 = arith.constant 0 : i32
      %dma_start3A_323 = arith.constant 0 : i32
      %dma_start3A_324 = tpu.memref_slice %arg13[%dma_start3A_321, %dma_start3A_322, %dma_start3A_323] : memref<10240x2x128xbf16, #tpu.memory_space<vmem_shared>> -> memref<10240x2x128xbf16, #tpu.memory_space<vmem_shared>>
      %dma_start3A_325 = tpu.memref_slice %arg12[%dma_start3A_312] : memref<2x!tpu.dma_semaphore, #tpu.memory_space<semaphore_mem>> -> memref<1x!tpu.dma_semaphore, #tpu.memory_space<semaphore_mem>>
      %dma_start3A_326 = tpu.memref_squeeze %dma_start3A_325 : memref<1x!tpu.dma_semaphore, #tpu.memory_space<semaphore_mem>> -> memref<!tpu.dma_semaphore, #tpu.memory_space<semaphore_mem>>
      tpu.enqueue_indirect_dma source(%dma_start3A_317 : memref<128x2x128xbf16, #tpu.memory_space<vmem>>) target(%dma_start3A_324 : memref<10240x2x128xbf16, #tpu.memory_space<vmem_shared>>) offsets(%dma_start3A_320 : memref<128xi32, #tpu.memory_space<vmem>>) semaphore(%dma_start3A_326 : memref<!tpu.dma_semaphore, #tpu.memory_space<semaphore_mem>>) {add = true}
      %mul3A_327 = arith.constant 2 : i32
      %mul3A_328 = arith.muli %scan3A_290, %mul3A_327 : i32
      %add3A_329 = arith.constant 1 : i32
      %add3A_330 = arith.addi %mul3A_328, %add3A_329 : i32
      %dma_wait3A_331 = arith.constant 1 : i32
      %dma_wait3A_332 = arith.constant 1 : i32
      %dma_wait3A_333 = arith.constant 0 : i32
      %dma_wait3A_334 = arith.constant 0 : i32
      %dma_wait3A_335 = arith.constant 0 : i32
      %dma_wait3A_336 = tpu.memref_slice %arg10[%dma_wait3A_331, %dma_wait3A_333, %dma_wait3A_334, %dma_wait3A_335] : memref<2x128x2x128xbf16, #tpu.memory_space<vmem>> -> memref<1x128x2x128xbf16, #tpu.memory_space<vmem>>
      %dma_wait3A_337 = tpu.memref_squeeze %dma_wait3A_336 : memref<1x128x2x128xbf16, #tpu.memory_space<vmem>> -> memref<128x2x128xbf16, #tpu.memory_space<vmem>>
      %dma_wait3A_338 = arith.constant 0 : i32
      %dma_wait3A_339 = tpu.memref_slice %arg8[%add3A_330, %dma_wait3A_338] : memref<40x128xi32, #tpu.memory_space<vmem>> -> memref<1x128xi32, #tpu.memory_space<vmem>>
      %dma_wait3A_340 = tpu.memref_squeeze %dma_wait3A_339 : memref<1x128xi32, #tpu.memory_space<vmem>> -> memref<128xi32, #tpu.memory_space<vmem>>
      %dma_wait3A_341 = arith.constant 0 : i32
      %dma_wait3A_342 = arith.constant 0 : i32
      %dma_wait3A_343 = arith.constant 0 : i32
      %dma_wait3A_344 = tpu.memref_slice %arg2[%dma_wait3A_341, %dma_wait3A_342, %dma_wait3A_343] : memref<10240x2x128xbf16, #tpu.memory_space<hbm>> -> memref<10240x2x128xbf16, #tpu.memory_space<hbm>>
      %dma_wait3A_345 = tpu.memref_slice %arg11[%dma_wait3A_332] : memref<2x!tpu.dma_semaphore, #tpu.memory_space<semaphore_mem>> -> memref<1x!tpu.dma_semaphore, #tpu.memory_space<semaphore_mem>>
      %dma_wait3A_346 = tpu.memref_squeeze %dma_wait3A_345 : memref<1x!tpu.dma_semaphore, #tpu.memory_space<semaphore_mem>> -> memref<!tpu.dma_semaphore, #tpu.memory_space<semaphore_mem>>
      tpu.wait_indirect_dma semaphore(%dma_wait3A_346 : memref<!tpu.dma_semaphore, #tpu.memory_space<semaphore_mem>>) src(%dma_wait3A_344 : memref<10240x2x128xbf16, #tpu.memory_space<hbm>>) dst(%dma_wait3A_337 : memref<128x2x128xbf16, #tpu.memory_space<vmem>>)
      %dma_start3A_347 = arith.constant 1 : i32
      %dma_start3A_348 = arith.constant 1 : i32
      %dma_start3A_349 = arith.constant 0 : i32
      %dma_start3A_350 = arith.constant 0 : i32
      %dma_start3A_351 = arith.constant 0 : i32
      %dma_start3A_352 = tpu.memref_slice %arg10[%dma_start3A_347, %dma_start3A_349, %dma_start3A_350, %dma_start3A_351] : memref<2x128x2x128xbf16, #tpu.memory_space<vmem>> -> memref<1x128x2x128xbf16, #tpu.memory_space<vmem>>
      %dma_start3A_353 = tpu.memref_squeeze %dma_start3A_352 : memref<1x128x2x128xbf16, #tpu.memory_space<vmem>> -> memref<128x2x128xbf16, #tpu.memory_space<vmem>>
      %dma_start3A_354 = arith.constant 0 : i32
      %dma_start3A_355 = tpu.memref_slice %arg9[%add3A_330, %dma_start3A_354] : memref<40x128xi32, #tpu.memory_space<vmem>> -> memref<1x128xi32, #tpu.memory_space<vmem>>
      %dma_start3A_356 = tpu.memref_squeeze %dma_start3A_355 : memref<1x128xi32, #tpu.memory_space<vmem>> -> memref<128xi32, #tpu.memory_space<vmem>>
      %dma_start3A_357 = arith.constant 0 : i32
      %dma_start3A_358 = arith.constant 0 : i32
      %dma_start3A_359 = arith.constant 0 : i32
      %dma_start3A_360 = tpu.memref_slice %arg13[%dma_start3A_357, %dma_start3A_358, %dma_start3A_359] : memref<10240x2x128xbf16, #tpu.memory_space<vmem_shared>> -> memref<10240x2x128xbf16, #tpu.memory_space<vmem_shared>>
      %dma_start3A_361 = tpu.memref_slice %arg12[%dma_start3A_348] : memref<2x!tpu.dma_semaphore, #tpu.memory_space<semaphore_mem>> -> memref<1x!tpu.dma_semaphore, #tpu.memory_space<semaphore_mem>>
      %dma_start3A_362 = tpu.memref_squeeze %dma_start3A_361 : memref<1x!tpu.dma_semaphore, #tpu.memory_space<semaphore_mem>> -> memref<!tpu.dma_semaphore, #tpu.memory_space<semaphore_mem>>
      tpu.enqueue_indirect_dma source(%dma_start3A_353 : memref<128x2x128xbf16, #tpu.memory_space<vmem>>) target(%dma_start3A_360 : memref<10240x2x128xbf16, #tpu.memory_space<vmem_shared>>) offsets(%dma_start3A_356 : memref<128xi32, #tpu.memory_space<vmem>>) semaphore(%dma_start3A_362 : memref<!tpu.dma_semaphore, #tpu.memory_space<semaphore_mem>>) {add = true}
      %mul3A_363 = arith.constant 2 : i32
      %mul3A_364 = arith.muli %scan3A_290, %mul3A_363 : i32
      %add3A_365 = arith.constant 0 : i32
      %add3A_366 = arith.addi %mul3A_364, %add3A_365 : i32
      %dma_wait3A_367 = arith.constant 0 : i32
      %dma_wait3A_368 = arith.constant 0 : i32
      %dma_wait3A_369 = arith.constant 0 : i32
      %dma_wait3A_370 = arith.constant 0 : i32
      %dma_wait3A_371 = arith.constant 0 : i32
      %dma_wait3A_372 = tpu.memref_slice %arg10[%dma_wait3A_367, %dma_wait3A_369, %dma_wait3A_370, %dma_wait3A_371] : memref<2x128x2x128xbf16, #tpu.memory_space<vmem>> -> memref<1x128x2x128xbf16, #tpu.memory_space<vmem>>
      %dma_wait3A_373 = tpu.memref_squeeze %dma_wait3A_372 : memref<1x128x2x128xbf16, #tpu.memory_space<vmem>> -> memref<128x2x128xbf16, #tpu.memory_space<vmem>>
      %dma_wait3A_374 = arith.constant 0 : i32
      %dma_wait3A_375 = tpu.memref_slice %arg9[%add3A_366, %dma_wait3A_374] : memref<40x128xi32, #tpu.memory_space<vmem>> -> memref<1x128xi32, #tpu.memory_space<vmem>>
      %dma_wait3A_376 = tpu.memref_squeeze %dma_wait3A_375 : memref<1x128xi32, #tpu.memory_space<vmem>> -> memref<128xi32, #tpu.memory_space<vmem>>
      %dma_wait3A_377 = arith.constant 0 : i32
      %dma_wait3A_378 = arith.constant 0 : i32
      %dma_wait3A_379 = arith.constant 0 : i32
      %dma_wait3A_380 = tpu.memref_slice %arg13[%dma_wait3A_377, %dma_wait3A_378, %dma_wait3A_379] : memref<10240x2x128xbf16, #tpu.memory_space<vmem_shared>> -> memref<10240x2x128xbf16, #tpu.memory_space<vmem_shared>>
      %dma_wait3A_381 = tpu.memref_slice %arg12[%dma_wait3A_368] : memref<2x!tpu.dma_semaphore, #tpu.memory_space<semaphore_mem>> -> memref<1x!tpu.dma_semaphore, #tpu.memory_space<semaphore_mem>>
      %dma_wait3A_382 = tpu.memref_squeeze %dma_wait3A_381 : memref<1x!tpu.dma_semaphore, #tpu.memory_space<semaphore_mem>> -> memref<!tpu.dma_semaphore, #tpu.memory_space<semaphore_mem>>
      tpu.wait_indirect_dma semaphore(%dma_wait3A_382 : memref<!tpu.dma_semaphore, #tpu.memory_space<semaphore_mem>>) src(%dma_wait3A_373 : memref<128x2x128xbf16, #tpu.memory_space<vmem>>) dst(%dma_wait3A_380 : memref<10240x2x128xbf16, #tpu.memory_space<vmem_shared>>)
      %add3A_383 = arith.constant 2 : i32
      %add3A_384 = arith.addi %add3A_366, %add3A_383 : i32
      %dma_start3A_385 = arith.constant 0 : i32
      %dma_start3A_386 = arith.constant 0 : i32
      %dma_start3A_387 = arith.constant 0 : i32
      %dma_start3A_388 = arith.constant 0 : i32
      %dma_start3A_389 = arith.constant 0 : i32
      %dma_start3A_390 = tpu.memref_slice %arg10[%dma_start3A_385, %dma_start3A_387, %dma_start3A_388, %dma_start3A_389] : memref<2x128x2x128xbf16, #tpu.memory_space<vmem>> -> memref<1x128x2x128xbf16, #tpu.memory_space<vmem>>
      %dma_start3A_391 = tpu.memref_squeeze %dma_start3A_390 : memref<1x128x2x128xbf16, #tpu.memory_space<vmem>> -> memref<128x2x128xbf16, #tpu.memory_space<vmem>>
      %dma_start3A_392 = arith.constant 0 : i32
      %dma_start3A_393 = tpu.memref_slice %arg8[%add3A_384, %dma_start3A_392] : memref<40x128xi32, #tpu.memory_space<vmem>> -> memref<1x128xi32, #tpu.memory_space<vmem>>
      %dma_start3A_394 = tpu.memref_squeeze %dma_start3A_393 : memref<1x128xi32, #tpu.memory_space<vmem>> -> memref<128xi32, #tpu.memory_space<vmem>>
      %dma_start3A_395 = arith.constant 0 : i32
      %dma_start3A_396 = arith.constant 0 : i32
      %dma_start3A_397 = arith.constant 0 : i32
      %dma_start3A_398 = tpu.memref_slice %arg2[%dma_start3A_395, %dma_start3A_396, %dma_start3A_397] : memref<10240x2x128xbf16, #tpu.memory_space<hbm>> -> memref<10240x2x128xbf16, #tpu.memory_space<hbm>>
      %dma_start3A_399 = tpu.memref_slice %arg11[%dma_start3A_386] : memref<2x!tpu.dma_semaphore, #tpu.memory_space<semaphore_mem>> -> memref<1x!tpu.dma_semaphore, #tpu.memory_space<semaphore_mem>>
      %dma_start3A_400 = tpu.memref_squeeze %dma_start3A_399 : memref<1x!tpu.dma_semaphore, #tpu.memory_space<semaphore_mem>> -> memref<!tpu.dma_semaphore, #tpu.memory_space<semaphore_mem>>
      tpu.enqueue_indirect_dma source(%dma_start3A_398 : memref<10240x2x128xbf16, #tpu.memory_space<hbm>>) target(%dma_start3A_391 : memref<128x2x128xbf16, #tpu.memory_space<vmem>>) offsets(%dma_start3A_394 : memref<128xi32, #tpu.memory_space<vmem>>) semaphore(%dma_start3A_400 : memref<!tpu.dma_semaphore, #tpu.memory_space<semaphore_mem>>)
      %mul3A_401 = arith.constant 2 : i32
      %mul3A_402 = arith.muli %scan3A_290, %mul3A_401 : i32
      %add3A_403 = arith.constant 1 : i32
      %add3A_404 = arith.addi %mul3A_402, %add3A_403 : i32
      %dma_wait3A_405 = arith.constant 1 : i32
      %dma_wait3A_406 = arith.constant 1 : i32
      %dma_wait3A_407 = arith.constant 0 : i32
      %dma_wait3A_408 = arith.constant 0 : i32
      %dma_wait3A_409 = arith.constant 0 : i32
      %dma_wait3A_410 = tpu.memref_slice %arg10[%dma_wait3A_405, %dma_wait3A_407, %dma_wait3A_408, %dma_wait3A_409] : memref<2x128x2x128xbf16, #tpu.memory_space<vmem>> -> memref<1x128x2x128xbf16, #tpu.memory_space<vmem>>
      %dma_wait3A_411 = tpu.memref_squeeze %dma_wait3A_410 : memref<1x128x2x128xbf16, #tpu.memory_space<vmem>> -> memref<128x2x128xbf16, #tpu.memory_space<vmem>>
      %dma_wait3A_412 = arith.constant 0 : i32
      %dma_wait3A_413 = tpu.memref_slice %arg9[%add3A_404, %dma_wait3A_412] : memref<40x128xi32, #tpu.memory_space<vmem>> -> memref<1x128xi32, #tpu.memory_space<vmem>>
      %dma_wait3A_414 = tpu.memref_squeeze %dma_wait3A_413 : memref<1x128xi32, #tpu.memory_space<vmem>> -> memref<128xi32, #tpu.memory_space<vmem>>
      %dma_wait3A_415 = arith.constant 0 : i32
      %dma_wait3A_416 = arith.constant 0 : i32
      %dma_wait3A_417 = arith.constant 0 : i32
      %dma_wait3A_418 = tpu.memref_slice %arg13[%dma_wait3A_415, %dma_wait3A_416, %dma_wait3A_417] : memref<10240x2x128xbf16, #tpu.memory_space<vmem_shared>> -> memref<10240x2x128xbf16, #tpu.memory_space<vmem_shared>>
      %dma_wait3A_419 = tpu.memref_slice %arg12[%dma_wait3A_406] : memref<2x!tpu.dma_semaphore, #tpu.memory_space<semaphore_mem>> -> memref<1x!tpu.dma_semaphore, #tpu.memory_space<semaphore_mem>>
      %dma_wait3A_420 = tpu.memref_squeeze %dma_wait3A_419 : memref<1x!tpu.dma_semaphore, #tpu.memory_space<semaphore_mem>> -> memref<!tpu.dma_semaphore, #tpu.memory_space<semaphore_mem>>
      tpu.wait_indirect_dma semaphore(%dma_wait3A_420 : memref<!tpu.dma_semaphore, #tpu.memory_space<semaphore_mem>>) src(%dma_wait3A_411 : memref<128x2x128xbf16, #tpu.memory_space<vmem>>) dst(%dma_wait3A_418 : memref<10240x2x128xbf16, #tpu.memory_space<vmem_shared>>)
      %add3A_421 = arith.constant 2 : i32
      %add3A_422 = arith.addi %add3A_404, %add3A_421 : i32
      %dma_start3A_423 = arith.constant 1 : i32
      %dma_start3A_424 = arith.constant 1 : i32
      %dma_start3A_425 = arith.constant 0 : i32
      %dma_start3A_426 = arith.constant 0 : i32
      %dma_start3A_427 = arith.constant 0 : i32
      %dma_start3A_428 = tpu.memref_slice %arg10[%dma_start3A_423, %dma_start3A_425, %dma_start3A_426, %dma_start3A_427] : memref<2x128x2x128xbf16, #tpu.memory_space<vmem>> -> memref<1x128x2x128xbf16, #tpu.memory_space<vmem>>
      %dma_start3A_429 = tpu.memref_squeeze %dma_start3A_428 : memref<1x128x2x128xbf16, #tpu.memory_space<vmem>> -> memref<128x2x128xbf16, #tpu.memory_space<vmem>>
      %dma_start3A_430 = arith.constant 0 : i32
      %dma_start3A_431 = tpu.memref_slice %arg8[%add3A_422, %dma_start3A_430] : memref<40x128xi32, #tpu.memory_space<vmem>> -> memref<1x128xi32, #tpu.memory_space<vmem>>
      %dma_start3A_432 = tpu.memref_squeeze %dma_start3A_431 : memref<1x128xi32, #tpu.memory_space<vmem>> -> memref<128xi32, #tpu.memory_space<vmem>>
      %dma_start3A_433 = arith.constant 0 : i32
      %dma_start3A_434 = arith.constant 0 : i32
      %dma_start3A_435 = arith.constant 0 : i32
      %dma_start3A_436 = tpu.memref_slice %arg2[%dma_start3A_433, %dma_start3A_434, %dma_start3A_435] : memref<10240x2x128xbf16, #tpu.memory_space<hbm>> -> memref<10240x2x128xbf16, #tpu.memory_space<hbm>>
      %dma_start3A_437 = tpu.memref_slice %arg11[%dma_start3A_424] : memref<2x!tpu.dma_semaphore, #tpu.memory_space<semaphore_mem>> -> memref<1x!tpu.dma_semaphore, #tpu.memory_space<semaphore_mem>>
      %dma_start3A_438 = tpu.memref_squeeze %dma_start3A_437 : memref<1x!tpu.dma_semaphore, #tpu.memory_space<semaphore_mem>> -> memref<!tpu.dma_semaphore, #tpu.memory_space<semaphore_mem>>
      tpu.enqueue_indirect_dma source(%dma_start3A_436 : memref<10240x2x128xbf16, #tpu.memory_space<hbm>>) target(%dma_start3A_429 : memref<128x2x128xbf16, #tpu.memory_space<vmem>>) offsets(%dma_start3A_432 : memref<128xi32, #tpu.memory_space<vmem>>) semaphore(%dma_start3A_438 : memref<!tpu.dma_semaphore, #tpu.memory_space<semaphore_mem>>)
    }
    %scan3A_40 = arith.constant 19 : i32
    %dma_wait3A = arith.constant 38 : i32
    %dma_wait3A_41 = arith.constant 0 : i32
    %dma_wait3A_42 = arith.constant 0 : i32
    %dma_wait3A_43 = arith.constant 0 : i32
    %dma_wait3A_44 = arith.constant 0 : i32
    %dma_wait3A_45 = arith.constant 0 : i32
    %dma_wait3A_46 = tpu.memref_slice %arg10[%dma_wait3A_41, %dma_wait3A_43, %dma_wait3A_44, %dma_wait3A_45] : memref<2x128x2x128xbf16, #tpu.memory_space<vmem>> -> memref<1x128x2x128xbf16, #tpu.memory_space<vmem>>
    %dma_wait3A_47 = tpu.memref_squeeze %dma_wait3A_46 : memref<1x128x2x128xbf16, #tpu.memory_space<vmem>> -> memref<128x2x128xbf16, #tpu.memory_space<vmem>>
    %dma_wait3A_48 = arith.constant 0 : i32
    %dma_wait3A_49 = tpu.memref_slice %arg8[%dma_wait3A, %dma_wait3A_48] : memref<40x128xi32, #tpu.memory_space<vmem>> -> memref<1x128xi32, #tpu.memory_space<vmem>>
    %dma_wait3A_50 = tpu.memref_squeeze %dma_wait3A_49 : memref<1x128xi32, #tpu.memory_space<vmem>> -> memref<128xi32, #tpu.memory_space<vmem>>
    %dma_wait3A_51 = arith.constant 0 : i32
    %dma_wait3A_52 = arith.constant 0 : i32
    %dma_wait3A_53 = arith.constant 0 : i32
    %dma_wait3A_54 = tpu.memref_slice %arg2[%dma_wait3A_51, %dma_wait3A_52, %dma_wait3A_53] : memref<10240x2x128xbf16, #tpu.memory_space<hbm>> -> memref<10240x2x128xbf16, #tpu.memory_space<hbm>>
    %dma_wait3A_55 = tpu.memref_slice %arg11[%dma_wait3A_42] : memref<2x!tpu.dma_semaphore, #tpu.memory_space<semaphore_mem>> -> memref<1x!tpu.dma_semaphore, #tpu.memory_space<semaphore_mem>>
    %dma_wait3A_56 = tpu.memref_squeeze %dma_wait3A_55 : memref<1x!tpu.dma_semaphore, #tpu.memory_space<semaphore_mem>> -> memref<!tpu.dma_semaphore, #tpu.memory_space<semaphore_mem>>
    tpu.wait_indirect_dma semaphore(%dma_wait3A_56 : memref<!tpu.dma_semaphore, #tpu.memory_space<semaphore_mem>>) src(%dma_wait3A_54 : memref<10240x2x128xbf16, #tpu.memory_space<hbm>>) dst(%dma_wait3A_47 : memref<128x2x128xbf16, #tpu.memory_space<vmem>>)
    %dma_start3A_57 = arith.constant 0 : i32
    %dma_start3A_58 = arith.constant 38 : i32
    %dma_start3A_59 = arith.constant 0 : i32
    %dma_start3A_60 = arith.constant 0 : i32
    %dma_start3A_61 = arith.constant 0 : i32
    %dma_start3A_62 = arith.constant 0 : i32
    %dma_start3A_63 = tpu.memref_slice %arg10[%dma_start3A_57, %dma_start3A_60, %dma_start3A_61, %dma_start3A_62] : memref<2x128x2x128xbf16, #tpu.memory_space<vmem>> -> memref<1x128x2x128xbf16, #tpu.memory_space<vmem>>
    %dma_start3A_64 = tpu.memref_squeeze %dma_start3A_63 : memref<1x128x2x128xbf16, #tpu.memory_space<vmem>> -> memref<128x2x128xbf16, #tpu.memory_space<vmem>>
    %dma_start3A_65 = arith.constant 0 : i32
    %dma_start3A_66 = tpu.memref_slice %arg9[%dma_start3A_58, %dma_start3A_65] : memref<40x128xi32, #tpu.memory_space<vmem>> -> memref<1x128xi32, #tpu.memory_space<vmem>>
    %dma_start3A_67 = tpu.memref_squeeze %dma_start3A_66 : memref<1x128xi32, #tpu.memory_space<vmem>> -> memref<128xi32, #tpu.memory_space<vmem>>
    %dma_start3A_68 = arith.constant 0 : i32
    %dma_start3A_69 = arith.constant 0 : i32
    %dma_start3A_70 = arith.constant 0 : i32
    %dma_start3A_71 = tpu.memref_slice %arg13[%dma_start3A_68, %dma_start3A_69, %dma_start3A_70] : memref<10240x2x128xbf16, #tpu.memory_space<vmem_shared>> -> memref<10240x2x128xbf16, #tpu.memory_space<vmem_shared>>
    %dma_start3A_72 = tpu.memref_slice %arg12[%dma_start3A_59] : memref<2x!tpu.dma_semaphore, #tpu.memory_space<semaphore_mem>> -> memref<1x!tpu.dma_semaphore, #tpu.memory_space<semaphore_mem>>
    %dma_start3A_73 = tpu.memref_squeeze %dma_start3A_72 : memref<1x!tpu.dma_semaphore, #tpu.memory_space<semaphore_mem>> -> memref<!tpu.dma_semaphore, #tpu.memory_space<semaphore_mem>>
    tpu.enqueue_indirect_dma source(%dma_start3A_64 : memref<128x2x128xbf16, #tpu.memory_space<vmem>>) target(%dma_start3A_71 : memref<10240x2x128xbf16, #tpu.memory_space<vmem_shared>>) offsets(%dma_start3A_67 : memref<128xi32, #tpu.memory_space<vmem>>) semaphore(%dma_start3A_73 : memref<!tpu.dma_semaphore, #tpu.memory_space<semaphore_mem>>) {add = true}
    %dma_wait3A_74 = arith.constant 39 : i32
    %dma_wait3A_75 = arith.constant 1 : i32
    %dma_wait3A_76 = arith.constant 1 : i32
    %dma_wait3A_77 = arith.constant 0 : i32
    %dma_wait3A_78 = arith.constant 0 : i32
    %dma_wait3A_79 = arith.constant 0 : i32
    %dma_wait3A_80 = tpu.memref_slice %arg10[%dma_wait3A_75, %dma_wait3A_77, %dma_wait3A_78, %dma_wait3A_79] : memref<2x128x2x128xbf16, #tpu.memory_space<vmem>> -> memref<1x128x2x128xbf16, #tpu.memory_space<vmem>>
    %dma_wait3A_81 = tpu.memref_squeeze %dma_wait3A_80 : memref<1x128x2x128xbf16, #tpu.memory_space<vmem>> -> memref<128x2x128xbf16, #tpu.memory_space<vmem>>
    %dma_wait3A_82 = arith.constant 0 : i32
    %dma_wait3A_83 = tpu.memref_slice %arg8[%dma_wait3A_74, %dma_wait3A_82] : memref<40x128xi32, #tpu.memory_space<vmem>> -> memref<1x128xi32, #tpu.memory_space<vmem>>
    %dma_wait3A_84 = tpu.memref_squeeze %dma_wait3A_83 : memref<1x128xi32, #tpu.memory_space<vmem>> -> memref<128xi32, #tpu.memory_space<vmem>>
    %dma_wait3A_85 = arith.constant 0 : i32
    %dma_wait3A_86 = arith.constant 0 : i32
    %dma_wait3A_87 = arith.constant 0 : i32
    %dma_wait3A_88 = tpu.memref_slice %arg2[%dma_wait3A_85, %dma_wait3A_86, %dma_wait3A_87] : memref<10240x2x128xbf16, #tpu.memory_space<hbm>> -> memref<10240x2x128xbf16, #tpu.memory_space<hbm>>
    %dma_wait3A_89 = tpu.memref_slice %arg11[%dma_wait3A_76] : memref<2x!tpu.dma_semaphore, #tpu.memory_space<semaphore_mem>> -> memref<1x!tpu.dma_semaphore, #tpu.memory_space<semaphore_mem>>
    %dma_wait3A_90 = tpu.memref_squeeze %dma_wait3A_89 : memref<1x!tpu.dma_semaphore, #tpu.memory_space<semaphore_mem>> -> memref<!tpu.dma_semaphore, #tpu.memory_space<semaphore_mem>>
    tpu.wait_indirect_dma semaphore(%dma_wait3A_90 : memref<!tpu.dma_semaphore, #tpu.memory_space<semaphore_mem>>) src(%dma_wait3A_88 : memref<10240x2x128xbf16, #tpu.memory_space<hbm>>) dst(%dma_wait3A_81 : memref<128x2x128xbf16, #tpu.memory_space<vmem>>)
    %dma_start3A_91 = arith.constant 1 : i32
    %dma_start3A_92 = arith.constant 39 : i32
    %dma_start3A_93 = arith.constant 1 : i32
    %dma_start3A_94 = arith.constant 0 : i32
    %dma_start3A_95 = arith.constant 0 : i32
    %dma_start3A_96 = arith.constant 0 : i32
    %dma_start3A_97 = tpu.memref_slice %arg10[%dma_start3A_91, %dma_start3A_94, %dma_start3A_95, %dma_start3A_96] : memref<2x128x2x128xbf16, #tpu.memory_space<vmem>> -> memref<1x128x2x128xbf16, #tpu.memory_space<vmem>>
    %dma_start3A_98 = tpu.memref_squeeze %dma_start3A_97 : memref<1x128x2x128xbf16, #tpu.memory_space<vmem>> -> memref<128x2x128xbf16, #tpu.memory_space<vmem>>
    %dma_start3A_99 = arith.constant 0 : i32
    %dma_start3A_100 = tpu.memref_slice %arg9[%dma_start3A_92, %dma_start3A_99] : memref<40x128xi32, #tpu.memory_space<vmem>> -> memref<1x128xi32, #tpu.memory_space<vmem>>
    %dma_start3A_101 = tpu.memref_squeeze %dma_start3A_100 : memref<1x128xi32, #tpu.memory_space<vmem>> -> memref<128xi32, #tpu.memory_space<vmem>>
    %dma_start3A_102 = arith.constant 0 : i32
    %dma_start3A_103 = arith.constant 0 : i32
    %dma_start3A_104 = arith.constant 0 : i32
    %dma_start3A_105 = tpu.memref_slice %arg13[%dma_start3A_102, %dma_start3A_103, %dma_start3A_104] : memref<10240x2x128xbf16, #tpu.memory_space<vmem_shared>> -> memref<10240x2x128xbf16, #tpu.memory_space<vmem_shared>>
    %dma_start3A_106 = tpu.memref_slice %arg12[%dma_start3A_93] : memref<2x!tpu.dma_semaphore, #tpu.memory_space<semaphore_mem>> -> memref<1x!tpu.dma_semaphore, #tpu.memory_space<semaphore_mem>>
    %dma_start3A_107 = tpu.memref_squeeze %dma_start3A_106 : memref<1x!tpu.dma_semaphore, #tpu.memory_space<semaphore_mem>> -> memref<!tpu.dma_semaphore, #tpu.memory_space<semaphore_mem>>
    tpu.enqueue_indirect_dma source(%dma_start3A_98 : memref<128x2x128xbf16, #tpu.memory_space<vmem>>) target(%dma_start3A_105 : memref<10240x2x128xbf16, #tpu.memory_space<vmem_shared>>) offsets(%dma_start3A_101 : memref<128xi32, #tpu.memory_space<vmem>>) semaphore(%dma_start3A_107 : memref<!tpu.dma_semaphore, #tpu.memory_space<semaphore_mem>>) {add = true}
    %dma_wait3A_108 = arith.constant 0 : i32
    %dma_wait3A_109 = arith.constant 38 : i32
    %dma_wait3A_110 = arith.constant 0 : i32
    %dma_wait3A_111 = arith.constant 0 : i32
    %dma_wait3A_112 = arith.constant 0 : i32
    %dma_wait3A_113 = arith.constant 0 : i32
    %dma_wait3A_114 = tpu.memref_slice %arg10[%dma_wait3A_108, %dma_wait3A_111, %dma_wait3A_112, %dma_wait3A_113] : memref<2x128x2x128xbf16, #tpu.memory_space<vmem>> -> memref<1x128x2x128xbf16, #tpu.memory_space<vmem>>
    %dma_wait3A_115 = tpu.memref_squeeze %dma_wait3A_114 : memref<1x128x2x128xbf16, #tpu.memory_space<vmem>> -> memref<128x2x128xbf16, #tpu.memory_space<vmem>>
    %dma_wait3A_116 = arith.constant 0 : i32
    %dma_wait3A_117 = tpu.memref_slice %arg9[%dma_wait3A_109, %dma_wait3A_116] : memref<40x128xi32, #tpu.memory_space<vmem>> -> memref<1x128xi32, #tpu.memory_space<vmem>>
    %dma_wait3A_118 = tpu.memref_squeeze %dma_wait3A_117 : memref<1x128xi32, #tpu.memory_space<vmem>> -> memref<128xi32, #tpu.memory_space<vmem>>
    %dma_wait3A_119 = arith.constant 0 : i32
    %dma_wait3A_120 = arith.constant 0 : i32
    %dma_wait3A_121 = arith.constant 0 : i32
    %dma_wait3A_122 = tpu.memref_slice %arg13[%dma_wait3A_119, %dma_wait3A_120, %dma_wait3A_121] : memref<10240x2x128xbf16, #tpu.memory_space<vmem_shared>> -> memref<10240x2x128xbf16, #tpu.memory_space<vmem_shared>>
    %dma_wait3A_123 = tpu.memref_slice %arg12[%dma_wait3A_110] : memref<2x!tpu.dma_semaphore, #tpu.memory_space<semaphore_mem>> -> memref<1x!tpu.dma_semaphore, #tpu.memory_space<semaphore_mem>>
    %dma_wait3A_124 = tpu.memref_squeeze %dma_wait3A_123 : memref<1x!tpu.dma_semaphore, #tpu.memory_space<semaphore_mem>> -> memref<!tpu.dma_semaphore, #tpu.memory_space<semaphore_mem>>
    tpu.wait_indirect_dma semaphore(%dma_wait3A_124 : memref<!tpu.dma_semaphore, #tpu.memory_space<semaphore_mem>>) src(%dma_wait3A_115 : memref<128x2x128xbf16, #tpu.memory_space<vmem>>) dst(%dma_wait3A_122 : memref<10240x2x128xbf16, #tpu.memory_space<vmem_shared>>)
    %dma_wait3A_125 = arith.constant 1 : i32
    %dma_wait3A_126 = arith.constant 39 : i32
    %dma_wait3A_127 = arith.constant 1 : i32
    %dma_wait3A_128 = arith.constant 0 : i32
    %dma_wait3A_129 = arith.constant 0 : i32
    %dma_wait3A_130 = arith.constant 0 : i32
    %dma_wait3A_131 = tpu.memref_slice %arg10[%dma_wait3A_125, %dma_wait3A_128, %dma_wait3A_129, %dma_wait3A_130] : memref<2x128x2x128xbf16, #tpu.memory_space<vmem>> -> memref<1x128x2x128xbf16, #tpu.memory_space<vmem>>
    %dma_wait3A_132 = tpu.memref_squeeze %dma_wait3A_131 : memref<1x128x2x128xbf16, #tpu.memory_space<vmem>> -> memref<128x2x128xbf16, #tpu.memory_space<vmem>>
    %dma_wait3A_133 = arith.constant 0 : i32
    %dma_wait3A_134 = tpu.memref_slice %arg9[%dma_wait3A_126, %dma_wait3A_133] : memref<40x128xi32, #tpu.memory_space<vmem>> -> memref<1x128xi32, #tpu.memory_space<vmem>>
    %dma_wait3A_135 = tpu.memref_squeeze %dma_wait3A_134 : memref<1x128xi32, #tpu.memory_space<vmem>> -> memref<128xi32, #tpu.memory_space<vmem>>
    %dma_wait3A_136 = arith.constant 0 : i32
    %dma_wait3A_137 = arith.constant 0 : i32
    %dma_wait3A_138 = arith.constant 0 : i32
    %dma_wait3A_139 = tpu.memref_slice %arg13[%dma_wait3A_136, %dma_wait3A_137, %dma_wait3A_138] : memref<10240x2x128xbf16, #tpu.memory_space<vmem_shared>> -> memref<10240x2x128xbf16, #tpu.memory_space<vmem_shared>>
    %dma_wait3A_140 = tpu.memref_slice %arg12[%dma_wait3A_127] : memref<2x!tpu.dma_semaphore, #tpu.memory_space<semaphore_mem>> -> memref<1x!tpu.dma_semaphore, #tpu.memory_space<semaphore_mem>>
    %dma_wait3A_141 = tpu.memref_squeeze %dma_wait3A_140 : memref<1x!tpu.dma_semaphore, #tpu.memory_space<semaphore_mem>> -> memref<!tpu.dma_semaphore, #tpu.memory_space<semaphore_mem>>
    tpu.wait_indirect_dma semaphore(%dma_wait3A_141 : memref<!tpu.dma_semaphore, #tpu.memory_space<semaphore_mem>>) src(%dma_wait3A_132 : memref<128x2x128xbf16, #tpu.memory_space<vmem>>) dst(%dma_wait3A_139 : memref<10240x2x128xbf16, #tpu.memory_space<vmem_shared>>)
    %barrier3A_142 = arith.constant 0 : index
    tpu.barrier barrier_id(%barrier3A_142)
    %run_scoped3A = arith.constant 0 : i32
    "tpu.region"() ({
      %run_scoped3A_290 = tpu.sem_alloc : memref<!tpu.dma_semaphore, #tpu.memory_space<semaphore_mem>>
      %dma_start3A_291 = arith.constant 0 : i32
      %dma_start3A_292 = arith.constant 0 : i32
      %dma_start3A_293 = tpu.memref_slice %arg7[%arg0, %run_scoped3A, %mul3A_2, %dma_start3A_291, %dma_start3A_292] : memref<2x2x10240x2x128xbf16, #tpu.memory_space<hbm>> -> memref<1x1x640x2x128xbf16, #tpu.memory_space<hbm>>
      %dma_start3A_294 = tpu.memref_squeeze %dma_start3A_293 : memref<1x1x640x2x128xbf16, #tpu.memory_space<hbm>> -> memref<640x2x128xbf16, #tpu.memory_space<hbm>>
      %dma_start3A_295 = arith.constant 0 : i32
      %dma_start3A_296 = arith.constant 0 : i32
      %dma_start3A_297 = tpu.memref_slice %arg13[%mul3A_2, %dma_start3A_295, %dma_start3A_296] : memref<10240x2x128xbf16, #tpu.memory_space<vmem_shared>> -> memref<640x2x128xbf16, #tpu.memory_space<vmem_shared>>
      tpu.enqueue_dma source(%dma_start3A_297 : memref<640x2x128xbf16, #tpu.memory_space<vmem_shared>>) target(%dma_start3A_294 : memref<640x2x128xbf16, #tpu.memory_space<hbm>>) target_semaphore(%run_scoped3A_290 : memref<!tpu.dma_semaphore, #tpu.memory_space<semaphore_mem>>)
      %dma_wait3A_298 = arith.constant 0 : i32
      %dma_wait3A_299 = arith.constant 0 : i32
      %dma_wait3A_300 = tpu.memref_slice %arg7[%arg0, %run_scoped3A, %mul3A_2, %dma_wait3A_298, %dma_wait3A_299] : memref<2x2x10240x2x128xbf16, #tpu.memory_space<hbm>> -> memref<1x1x640x2x128xbf16, #tpu.memory_space<hbm>>
      %dma_wait3A_301 = tpu.memref_squeeze %dma_wait3A_300 : memref<1x1x640x2x128xbf16, #tpu.memory_space<hbm>> -> memref<640x2x128xbf16, #tpu.memory_space<hbm>>
      %dma_wait3A_302 = arith.constant 0 : i32
      %dma_wait3A_303 = arith.constant 0 : i32
      %dma_wait3A_304 = tpu.memref_slice %arg13[%mul3A_2, %dma_wait3A_302, %dma_wait3A_303] : memref<10240x2x128xbf16, #tpu.memory_space<vmem_shared>> -> memref<640x2x128xbf16, #tpu.memory_space<vmem_shared>>
      tpu.wait_dma2 semaphore(%run_scoped3A_290 : memref<!tpu.dma_semaphore, #tpu.memory_space<semaphore_mem>>) src(%dma_wait3A_304 : memref<640x2x128xbf16, #tpu.memory_space<vmem_shared>>) dst(%dma_wait3A_301 : memref<640x2x128xbf16, #tpu.memory_space<hbm>>)
      tpu.yield
    }) : () -> ()
    %barrier3A_143 = arith.constant 0 : index
    tpu.barrier barrier_id(%barrier3A_143)
    "tpu.region"() ({
      %run_scoped3A_290 = tpu.sem_alloc : memref<!tpu.dma_semaphore, #tpu.memory_space<semaphore_mem>>
      %dma_start3A_291 = arith.constant 0 : i32
      %dma_start3A_292 = arith.constant 0 : i32
      %dma_start3A_293 = tpu.memref_slice %arg13[%mul3A_2, %dma_start3A_291, %dma_start3A_292] : memref<10240x2x128xbf16, #tpu.memory_space<vmem_shared>> -> memref<640x2x128xbf16, #tpu.memory_space<vmem_shared>>
      %dma_start3A_294 = arith.constant 0 : i32
      %dma_start3A_295 = arith.constant 0 : i32
      %dma_start3A_296 = tpu.memref_slice %arg6[%mul3A_2, %dma_start3A_294, %dma_start3A_295] : memref<10240x2x128xbf16, #tpu.memory_space<hbm>> -> memref<640x2x128xbf16, #tpu.memory_space<hbm>>
      tpu.enqueue_dma source(%dma_start3A_296 : memref<640x2x128xbf16, #tpu.memory_space<hbm>>) target(%dma_start3A_293 : memref<640x2x128xbf16, #tpu.memory_space<vmem_shared>>) target_semaphore(%run_scoped3A_290 : memref<!tpu.dma_semaphore, #tpu.memory_space<semaphore_mem>>)
      %dma_wait3A_297 = arith.constant 0 : i32
      %dma_wait3A_298 = arith.constant 0 : i32
      %dma_wait3A_299 = tpu.memref_slice %arg13[%mul3A_2, %dma_wait3A_297, %dma_wait3A_298] : memref<10240x2x128xbf16, #tpu.memory_space<vmem_shared>> -> memref<640x2x128xbf16, #tpu.memory_space<vmem_shared>>
      %dma_wait3A_300 = arith.constant 0 : i32
      %dma_wait3A_301 = arith.constant 0 : i32
      %dma_wait3A_302 = tpu.memref_slice %arg6[%mul3A_2, %dma_wait3A_300, %dma_wait3A_301] : memref<10240x2x128xbf16, #tpu.memory_space<hbm>> -> memref<640x2x128xbf16, #tpu.memory_space<hbm>>
      tpu.wait_dma2 semaphore(%run_scoped3A_290 : memref<!tpu.dma_semaphore, #tpu.memory_space<semaphore_mem>>) src(%dma_wait3A_302 : memref<640x2x128xbf16, #tpu.memory_space<hbm>>) dst(%dma_wait3A_299 : memref<640x2x128xbf16, #tpu.memory_space<vmem_shared>>)
      tpu.yield
    }) : () -> ()
    %barrier3A_144 = arith.constant 0 : index
    tpu.barrier barrier_id(%barrier3A_144)
    "tpu.region"() ({
      %run_scoped3A_290 = tpu.sem_alloc : memref<!tpu.dma_semaphore, #tpu.memory_space<semaphore_mem>>
      %dma_start3A_291 = arith.constant 0 : i32
      %dma_start3A_292 = arith.constant 0 : i32
      %dma_start3A_293 = tpu.memref_slice %arg4[%add3A, %dma_start3A_291, %dma_start3A_292] : memref<32x40x128xi32, #tpu.memory_space<hbm>> -> memref<1x40x128xi32, #tpu.memory_space<hbm>>
      %dma_start3A_294 = tpu.memref_squeeze %dma_start3A_293 : memref<1x40x128xi32, #tpu.memory_space<hbm>> -> memref<40x128xi32, #tpu.memory_space<hbm>>
      %dma_start3A_295 = arith.constant 0 : i32
      %dma_start3A_296 = arith.constant 0 : i32
      %dma_start3A_297 = tpu.memref_slice %arg4[%add3A, %dma_start3A_295, %dma_start3A_296] : memref<32x40x128xi32, #tpu.memory_space<hbm>> -> memref<1x40x128xi32, #tpu.memory_space<hbm>>
      %dma_start3A_298 = tpu.memref_squeeze %dma_start3A_297 : memref<1x40x128xi32, #tpu.memory_space<hbm>> -> memref<40x128xi32, #tpu.memory_space<hbm>>
      tpu.enqueue_dma source(%dma_start3A_298 : memref<40x128xi32, #tpu.memory_space<hbm>>) target(%arg8 : memref<40x128xi32, #tpu.memory_space<vmem>>) target_semaphore(%run_scoped3A_290 : memref<!tpu.dma_semaphore, #tpu.memory_space<semaphore_mem>>)
      %dma_wait3A_299 = arith.constant 0 : i32
      %dma_wait3A_300 = arith.constant 0 : i32
      %dma_wait3A_301 = tpu.memref_slice %arg4[%add3A, %dma_wait3A_299, %dma_wait3A_300] : memref<32x40x128xi32, #tpu.memory_space<hbm>> -> memref<1x40x128xi32, #tpu.memory_space<hbm>>
      %dma_wait3A_302 = tpu.memref_squeeze %dma_wait3A_301 : memref<1x40x128xi32, #tpu.memory_space<hbm>> -> memref<40x128xi32, #tpu.memory_space<hbm>>
      %dma_wait3A_303 = arith.constant 0 : i32
      %dma_wait3A_304 = arith.constant 0 : i32
      %dma_wait3A_305 = tpu.memref_slice %arg4[%add3A, %dma_wait3A_303, %dma_wait3A_304] : memref<32x40x128xi32, #tpu.memory_space<hbm>> -> memref<1x40x128xi32, #tpu.memory_space<hbm>>
      %dma_wait3A_306 = tpu.memref_squeeze %dma_wait3A_305 : memref<1x40x128xi32, #tpu.memory_space<hbm>> -> memref<40x128xi32, #tpu.memory_space<hbm>>
      tpu.wait_dma2 semaphore(%run_scoped3A_290 : memref<!tpu.dma_semaphore, #tpu.memory_space<semaphore_mem>>) src(%dma_wait3A_306 : memref<40x128xi32, #tpu.memory_space<hbm>>) dst(%arg8 : memref<40x128xi32, #tpu.memory_space<vmem>>)
      tpu.yield
    }) : () -> ()
    "tpu.region"() ({
      %run_scoped3A_290 = tpu.sem_alloc : memref<!tpu.dma_semaphore, #tpu.memory_space<semaphore_mem>>
      %dma_start3A_291 = arith.constant 0 : i32
      %dma_start3A_292 = arith.constant 0 : i32
      %dma_start3A_293 = tpu.memref_slice %arg5[%add3A, %dma_start3A_291, %dma_start3A_292] : memref<32x40x128xi32, #tpu.memory_space<hbm>> -> memref<1x40x128xi32, #tpu.memory_space<hbm>>
      %dma_start3A_294 = tpu.memref_squeeze %dma_start3A_293 : memref<1x40x128xi32, #tpu.memory_space<hbm>> -> memref<40x128xi32, #tpu.memory_space<hbm>>
      %dma_start3A_295 = arith.constant 0 : i32
      %dma_start3A_296 = arith.constant 0 : i32
      %dma_start3A_297 = tpu.memref_slice %arg5[%add3A, %dma_start3A_295, %dma_start3A_296] : memref<32x40x128xi32, #tpu.memory_space<hbm>> -> memref<1x40x128xi32, #tpu.memory_space<hbm>>
      %dma_start3A_298 = tpu.memref_squeeze %dma_start3A_297 : memref<1x40x128xi32, #tpu.memory_space<hbm>> -> memref<40x128xi32, #tpu.memory_space<hbm>>
      tpu.enqueue_dma source(%dma_start3A_298 : memref<40x128xi32, #tpu.memory_space<hbm>>) target(%arg9 : memref<40x128xi32, #tpu.memory_space<vmem>>) target_semaphore(%run_scoped3A_290 : memref<!tpu.dma_semaphore, #tpu.memory_space<semaphore_mem>>)
      %dma_wait3A_299 = arith.constant 0 : i32
      %dma_wait3A_300 = arith.constant 0 : i32
      %dma_wait3A_301 = tpu.memref_slice %arg5[%add3A, %dma_wait3A_299, %dma_wait3A_300] : memref<32x40x128xi32, #tpu.memory_space<hbm>> -> memref<1x40x128xi32, #tpu.memory_space<hbm>>
      %dma_wait3A_302 = tpu.memref_squeeze %dma_wait3A_301 : memref<1x40x128xi32, #tpu.memory_space<hbm>> -> memref<40x128xi32, #tpu.memory_space<hbm>>
      %dma_wait3A_303 = arith.constant 0 : i32
      %dma_wait3A_304 = arith.constant 0 : i32
      %dma_wait3A_305 = tpu.memref_slice %arg5[%add3A, %dma_wait3A_303, %dma_wait3A_304] : memref<32x40x128xi32, #tpu.memory_space<hbm>> -> memref<1x40x128xi32, #tpu.memory_space<hbm>>
      %dma_wait3A_306 = tpu.memref_squeeze %dma_wait3A_305 : memref<1x40x128xi32, #tpu.memory_space<hbm>> -> memref<40x128xi32, #tpu.memory_space<hbm>>
      tpu.wait_dma2 semaphore(%run_scoped3A_290 : memref<!tpu.dma_semaphore, #tpu.memory_space<semaphore_mem>>) src(%dma_wait3A_306 : memref<40x128xi32, #tpu.memory_space<hbm>>) dst(%arg9 : memref<40x128xi32, #tpu.memory_space<vmem>>)
      tpu.yield
    }) : () -> ()
    %dma_start3A_145 = arith.constant 0 : i32
    %dma_start3A_146 = arith.constant 0 : i32
    %dma_start3A_147 = arith.constant 0 : i32
    %dma_start3A_148 = arith.constant 0 : i32
    %dma_start3A_149 = arith.constant 0 : i32
    %dma_start3A_150 = arith.constant 0 : i32
    %dma_start3A_151 = tpu.memref_slice %arg10[%dma_start3A_146, %dma_start3A_148, %dma_start3A_149, %dma_start3A_150] : memref<2x128x2x128xbf16, #tpu.memory_space<vmem>> -> memref<1x128x2x128xbf16, #tpu.memory_space<vmem>>
    %dma_start3A_152 = tpu.memref_squeeze %dma_start3A_151 : memref<1x128x2x128xbf16, #tpu.memory_space<vmem>> -> memref<128x2x128xbf16, #tpu.memory_space<vmem>>
    %dma_start3A_153 = arith.constant 0 : i32
    %dma_start3A_154 = tpu.memref_slice %arg8[%dma_start3A_145, %dma_start3A_153] : memref<40x128xi32, #tpu.memory_space<vmem>> -> memref<1x128xi32, #tpu.memory_space<vmem>>
    %dma_start3A_155 = tpu.memref_squeeze %dma_start3A_154 : memref<1x128xi32, #tpu.memory_space<vmem>> -> memref<128xi32, #tpu.memory_space<vmem>>
    %dma_start3A_156 = arith.constant 0 : i32
    %dma_start3A_157 = arith.constant 0 : i32
    %dma_start3A_158 = arith.constant 0 : i32
    %dma_start3A_159 = tpu.memref_slice %arg3[%dma_start3A_156, %dma_start3A_157, %dma_start3A_158] : memref<10240x2x128xbf16, #tpu.memory_space<hbm>> -> memref<10240x2x128xbf16, #tpu.memory_space<hbm>>
    %dma_start3A_160 = tpu.memref_slice %arg11[%dma_start3A_147] : memref<2x!tpu.dma_semaphore, #tpu.memory_space<semaphore_mem>> -> memref<1x!tpu.dma_semaphore, #tpu.memory_space<semaphore_mem>>
    %dma_start3A_161 = tpu.memref_squeeze %dma_start3A_160 : memref<1x!tpu.dma_semaphore, #tpu.memory_space<semaphore_mem>> -> memref<!tpu.dma_semaphore, #tpu.memory_space<semaphore_mem>>
    tpu.enqueue_indirect_dma source(%dma_start3A_159 : memref<10240x2x128xbf16, #tpu.memory_space<hbm>>) target(%dma_start3A_152 : memref<128x2x128xbf16, #tpu.memory_space<vmem>>) offsets(%dma_start3A_155 : memref<128xi32, #tpu.memory_space<vmem>>) semaphore(%dma_start3A_161 : memref<!tpu.dma_semaphore, #tpu.memory_space<semaphore_mem>>)
    %dma_start3A_162 = arith.constant 1 : i32
    %dma_start3A_163 = arith.constant 1 : i32
    %dma_start3A_164 = arith.constant 1 : i32
    %dma_start3A_165 = arith.constant 0 : i32
    %dma_start3A_166 = arith.constant 0 : i32
    %dma_start3A_167 = arith.constant 0 : i32
    %dma_start3A_168 = tpu.memref_slice %arg10[%dma_start3A_163, %dma_start3A_165, %dma_start3A_166, %dma_start3A_167] : memref<2x128x2x128xbf16, #tpu.memory_space<vmem>> -> memref<1x128x2x128xbf16, #tpu.memory_space<vmem>>
    %dma_start3A_169 = tpu.memref_squeeze %dma_start3A_168 : memref<1x128x2x128xbf16, #tpu.memory_space<vmem>> -> memref<128x2x128xbf16, #tpu.memory_space<vmem>>
    %dma_start3A_170 = arith.constant 0 : i32
    %dma_start3A_171 = tpu.memref_slice %arg8[%dma_start3A_162, %dma_start3A_170] : memref<40x128xi32, #tpu.memory_space<vmem>> -> memref<1x128xi32, #tpu.memory_space<vmem>>
    %dma_start3A_172 = tpu.memref_squeeze %dma_start3A_171 : memref<1x128xi32, #tpu.memory_space<vmem>> -> memref<128xi32, #tpu.memory_space<vmem>>
    %dma_start3A_173 = arith.constant 0 : i32
    %dma_start3A_174 = arith.constant 0 : i32
    %dma_start3A_175 = arith.constant 0 : i32
    %dma_start3A_176 = tpu.memref_slice %arg3[%dma_start3A_173, %dma_start3A_174, %dma_start3A_175] : memref<10240x2x128xbf16, #tpu.memory_space<hbm>> -> memref<10240x2x128xbf16, #tpu.memory_space<hbm>>
    %dma_start3A_177 = tpu.memref_slice %arg11[%dma_start3A_164] : memref<2x!tpu.dma_semaphore, #tpu.memory_space<semaphore_mem>> -> memref<1x!tpu.dma_semaphore, #tpu.memory_space<semaphore_mem>>
    %dma_start3A_178 = tpu.memref_squeeze %dma_start3A_177 : memref<1x!tpu.dma_semaphore, #tpu.memory_space<semaphore_mem>> -> memref<!tpu.dma_semaphore, #tpu.memory_space<semaphore_mem>>
    tpu.enqueue_indirect_dma source(%dma_start3A_176 : memref<10240x2x128xbf16, #tpu.memory_space<hbm>>) target(%dma_start3A_169 : memref<128x2x128xbf16, #tpu.memory_space<vmem>>) offsets(%dma_start3A_172 : memref<128xi32, #tpu.memory_space<vmem>>) semaphore(%dma_start3A_178 : memref<!tpu.dma_semaphore, #tpu.memory_space<semaphore_mem>>)
    %scan3A_179 = arith.constant 0 : i32
    %scan3A_180 = arith.constant 0 : i32
    %scan3A_181 = arith.constant 19 : i32
    %scan3A_182 = arith.addi %scan3A_180, %scan3A_181 : i32
    %scan3A_183 = arith.constant 1 : i32
    scf.for %scan3A_290 = %scan3A_180 to %scan3A_182 step %scan3A_183  : i32 {
      %mul3A_291 = arith.constant 2 : i32
      %mul3A_292 = arith.muli %scan3A_290, %mul3A_291 : i32
      %add3A_293 = arith.constant 0 : i32
      %add3A_294 = arith.addi %mul3A_292, %add3A_293 : i32
      %dma_wait3A_295 = arith.constant 0 : i32
      %dma_wait3A_296 = arith.constant 0 : i32
      %dma_wait3A_297 = arith.constant 0 : i32
      %dma_wait3A_298 = arith.constant 0 : i32
      %dma_wait3A_299 = arith.constant 0 : i32
      %dma_wait3A_300 = tpu.memref_slice %arg10[%dma_wait3A_295, %dma_wait3A_297, %dma_wait3A_298, %dma_wait3A_299] : memref<2x128x2x128xbf16, #tpu.memory_space<vmem>> -> memref<1x128x2x128xbf16, #tpu.memory_space<vmem>>
      %dma_wait3A_301 = tpu.memref_squeeze %dma_wait3A_300 : memref<1x128x2x128xbf16, #tpu.memory_space<vmem>> -> memref<128x2x128xbf16, #tpu.memory_space<vmem>>
      %dma_wait3A_302 = arith.constant 0 : i32
      %dma_wait3A_303 = tpu.memref_slice %arg8[%add3A_294, %dma_wait3A_302] : memref<40x128xi32, #tpu.memory_space<vmem>> -> memref<1x128xi32, #tpu.memory_space<vmem>>
      %dma_wait3A_304 = tpu.memref_squeeze %dma_wait3A_303 : memref<1x128xi32, #tpu.memory_space<vmem>> -> memref<128xi32, #tpu.memory_space<vmem>>
      %dma_wait3A_305 = arith.constant 0 : i32
      %dma_wait3A_306 = arith.constant 0 : i32
      %dma_wait3A_307 = arith.constant 0 : i32
      %dma_wait3A_308 = tpu.memref_slice %arg3[%dma_wait3A_305, %dma_wait3A_306, %dma_wait3A_307] : memref<10240x2x128xbf16, #tpu.memory_space<hbm>> -> memref<10240x2x128xbf16, #tpu.memory_space<hbm>>
      %dma_wait3A_309 = tpu.memref_slice %arg11[%dma_wait3A_296] : memref<2x!tpu.dma_semaphore, #tpu.memory_space<semaphore_mem>> -> memref<1x!tpu.dma_semaphore, #tpu.memory_space<semaphore_mem>>
      %dma_wait3A_310 = tpu.memref_squeeze %dma_wait3A_309 : memref<1x!tpu.dma_semaphore, #tpu.memory_space<semaphore_mem>> -> memref<!tpu.dma_semaphore, #tpu.memory_space<semaphore_mem>>
      tpu.wait_indirect_dma semaphore(%dma_wait3A_310 : memref<!tpu.dma_semaphore, #tpu.memory_space<semaphore_mem>>) src(%dma_wait3A_308 : memref<10240x2x128xbf16, #tpu.memory_space<hbm>>) dst(%dma_wait3A_301 : memref<128x2x128xbf16, #tpu.memory_space<vmem>>)
      %dma_start3A_311 = arith.constant 0 : i32
      %dma_start3A_312 = arith.constant 0 : i32
      %dma_start3A_313 = arith.constant 0 : i32
      %dma_start3A_314 = arith.constant 0 : i32
      %dma_start3A_315 = arith.constant 0 : i32
      %dma_start3A_316 = tpu.memref_slice %arg10[%dma_start3A_311, %dma_start3A_313, %dma_start3A_314, %dma_start3A_315] : memref<2x128x2x128xbf16, #tpu.memory_space<vmem>> -> memref<1x128x2x128xbf16, #tpu.memory_space<vmem>>
      %dma_start3A_317 = tpu.memref_squeeze %dma_start3A_316 : memref<1x128x2x128xbf16, #tpu.memory_space<vmem>> -> memref<128x2x128xbf16, #tpu.memory_space<vmem>>
      %dma_start3A_318 = arith.constant 0 : i32
      %dma_start3A_319 = tpu.memref_slice %arg9[%add3A_294, %dma_start3A_318] : memref<40x128xi32, #tpu.memory_space<vmem>> -> memref<1x128xi32, #tpu.memory_space<vmem>>
      %dma_start3A_320 = tpu.memref_squeeze %dma_start3A_319 : memref<1x128xi32, #tpu.memory_space<vmem>> -> memref<128xi32, #tpu.memory_space<vmem>>
      %dma_start3A_321 = arith.constant 0 : i32
      %dma_start3A_322 = arith.constant 0 : i32
      %dma_start3A_323 = arith.constant 0 : i32
      %dma_start3A_324 = tpu.memref_slice %arg13[%dma_start3A_321, %dma_start3A_322, %dma_start3A_323] : memref<10240x2x128xbf16, #tpu.memory_space<vmem_shared>> -> memref<10240x2x128xbf16, #tpu.memory_space<vmem_shared>>
      %dma_start3A_325 = tpu.memref_slice %arg12[%dma_start3A_312] : memref<2x!tpu.dma_semaphore, #tpu.memory_space<semaphore_mem>> -> memref<1x!tpu.dma_semaphore, #tpu.memory_space<semaphore_mem>>
      %dma_start3A_326 = tpu.memref_squeeze %dma_start3A_325 : memref<1x!tpu.dma_semaphore, #tpu.memory_space<semaphore_mem>> -> memref<!tpu.dma_semaphore, #tpu.memory_space<semaphore_mem>>
      tpu.enqueue_indirect_dma source(%dma_start3A_317 : memref<128x2x128xbf16, #tpu.memory_space<vmem>>) target(%dma_start3A_324 : memref<10240x2x128xbf16, #tpu.memory_space<vmem_shared>>) offsets(%dma_start3A_320 : memref<128xi32, #tpu.memory_space<vmem>>) semaphore(%dma_start3A_326 : memref<!tpu.dma_semaphore, #tpu.memory_space<semaphore_mem>>) {add = true}
      %mul3A_327 = arith.constant 2 : i32
      %mul3A_328 = arith.muli %scan3A_290, %mul3A_327 : i32
      %add3A_329 = arith.constant 1 : i32
      %add3A_330 = arith.addi %mul3A_328, %add3A_329 : i32
      %dma_wait3A_331 = arith.constant 1 : i32
      %dma_wait3A_332 = arith.constant 1 : i32
      %dma_wait3A_333 = arith.constant 0 : i32
      %dma_wait3A_334 = arith.constant 0 : i32
      %dma_wait3A_335 = arith.constant 0 : i32
      %dma_wait3A_336 = tpu.memref_slice %arg10[%dma_wait3A_331, %dma_wait3A_333, %dma_wait3A_334, %dma_wait3A_335] : memref<2x128x2x128xbf16, #tpu.memory_space<vmem>> -> memref<1x128x2x128xbf16, #tpu.memory_space<vmem>>
      %dma_wait3A_337 = tpu.memref_squeeze %dma_wait3A_336 : memref<1x128x2x128xbf16, #tpu.memory_space<vmem>> -> memref<128x2x128xbf16, #tpu.memory_space<vmem>>
      %dma_wait3A_338 = arith.constant 0 : i32
      %dma_wait3A_339 = tpu.memref_slice %arg8[%add3A_330, %dma_wait3A_338] : memref<40x128xi32, #tpu.memory_space<vmem>> -> memref<1x128xi32, #tpu.memory_space<vmem>>
      %dma_wait3A_340 = tpu.memref_squeeze %dma_wait3A_339 : memref<1x128xi32, #tpu.memory_space<vmem>> -> memref<128xi32, #tpu.memory_space<vmem>>
      %dma_wait3A_341 = arith.constant 0 : i32
      %dma_wait3A_342 = arith.constant 0 : i32
      %dma_wait3A_343 = arith.constant 0 : i32
      %dma_wait3A_344 = tpu.memref_slice %arg3[%dma_wait3A_341, %dma_wait3A_342, %dma_wait3A_343] : memref<10240x2x128xbf16, #tpu.memory_space<hbm>> -> memref<10240x2x128xbf16, #tpu.memory_space<hbm>>
      %dma_wait3A_345 = tpu.memref_slice %arg11[%dma_wait3A_332] : memref<2x!tpu.dma_semaphore, #tpu.memory_space<semaphore_mem>> -> memref<1x!tpu.dma_semaphore, #tpu.memory_space<semaphore_mem>>
      %dma_wait3A_346 = tpu.memref_squeeze %dma_wait3A_345 : memref<1x!tpu.dma_semaphore, #tpu.memory_space<semaphore_mem>> -> memref<!tpu.dma_semaphore, #tpu.memory_space<semaphore_mem>>
      tpu.wait_indirect_dma semaphore(%dma_wait3A_346 : memref<!tpu.dma_semaphore, #tpu.memory_space<semaphore_mem>>) src(%dma_wait3A_344 : memref<10240x2x128xbf16, #tpu.memory_space<hbm>>) dst(%dma_wait3A_337 : memref<128x2x128xbf16, #tpu.memory_space<vmem>>)
      %dma_start3A_347 = arith.constant 1 : i32
      %dma_start3A_348 = arith.constant 1 : i32
      %dma_start3A_349 = arith.constant 0 : i32
      %dma_start3A_350 = arith.constant 0 : i32
      %dma_start3A_351 = arith.constant 0 : i32
      %dma_start3A_352 = tpu.memref_slice %arg10[%dma_start3A_347, %dma_start3A_349, %dma_start3A_350, %dma_start3A_351] : memref<2x128x2x128xbf16, #tpu.memory_space<vmem>> -> memref<1x128x2x128xbf16, #tpu.memory_space<vmem>>
      %dma_start3A_353 = tpu.memref_squeeze %dma_start3A_352 : memref<1x128x2x128xbf16, #tpu.memory_space<vmem>> -> memref<128x2x128xbf16, #tpu.memory_space<vmem>>
      %dma_start3A_354 = arith.constant 0 : i32
      %dma_start3A_355 = tpu.memref_slice %arg9[%add3A_330, %dma_start3A_354] : memref<40x128xi32, #tpu.memory_space<vmem>> -> memref<1x128xi32, #tpu.memory_space<vmem>>
      %dma_start3A_356 = tpu.memref_squeeze %dma_start3A_355 : memref<1x128xi32, #tpu.memory_space<vmem>> -> memref<128xi32, #tpu.memory_space<vmem>>
      %dma_start3A_357 = arith.constant 0 : i32
      %dma_start3A_358 = arith.constant 0 : i32
      %dma_start3A_359 = arith.constant 0 : i32
      %dma_start3A_360 = tpu.memref_slice %arg13[%dma_start3A_357, %dma_start3A_358, %dma_start3A_359] : memref<10240x2x128xbf16, #tpu.memory_space<vmem_shared>> -> memref<10240x2x128xbf16, #tpu.memory_space<vmem_shared>>
      %dma_start3A_361 = tpu.memref_slice %arg12[%dma_start3A_348] : memref<2x!tpu.dma_semaphore, #tpu.memory_space<semaphore_mem>> -> memref<1x!tpu.dma_semaphore, #tpu.memory_space<semaphore_mem>>
      %dma_start3A_362 = tpu.memref_squeeze %dma_start3A_361 : memref<1x!tpu.dma_semaphore, #tpu.memory_space<semaphore_mem>> -> memref<!tpu.dma_semaphore, #tpu.memory_space<semaphore_mem>>
      tpu.enqueue_indirect_dma source(%dma_start3A_353 : memref<128x2x128xbf16, #tpu.memory_space<vmem>>) target(%dma_start3A_360 : memref<10240x2x128xbf16, #tpu.memory_space<vmem_shared>>) offsets(%dma_start3A_356 : memref<128xi32, #tpu.memory_space<vmem>>) semaphore(%dma_start3A_362 : memref<!tpu.dma_semaphore, #tpu.memory_space<semaphore_mem>>) {add = true}
      %mul3A_363 = arith.constant 2 : i32
      %mul3A_364 = arith.muli %scan3A_290, %mul3A_363 : i32
      %add3A_365 = arith.constant 0 : i32
      %add3A_366 = arith.addi %mul3A_364, %add3A_365 : i32
      %dma_wait3A_367 = arith.constant 0 : i32
      %dma_wait3A_368 = arith.constant 0 : i32
      %dma_wait3A_369 = arith.constant 0 : i32
      %dma_wait3A_370 = arith.constant 0 : i32
      %dma_wait3A_371 = arith.constant 0 : i32
      %dma_wait3A_372 = tpu.memref_slice %arg10[%dma_wait3A_367, %dma_wait3A_369, %dma_wait3A_370, %dma_wait3A_371] : memref<2x128x2x128xbf16, #tpu.memory_space<vmem>> -> memref<1x128x2x128xbf16, #tpu.memory_space<vmem>>
      %dma_wait3A_373 = tpu.memref_squeeze %dma_wait3A_372 : memref<1x128x2x128xbf16, #tpu.memory_space<vmem>> -> memref<128x2x128xbf16, #tpu.memory_space<vmem>>
      %dma_wait3A_374 = arith.constant 0 : i32
      %dma_wait3A_375 = tpu.memref_slice %arg9[%add3A_366, %dma_wait3A_374] : memref<40x128xi32, #tpu.memory_space<vmem>> -> memref<1x128xi32, #tpu.memory_space<vmem>>
      %dma_wait3A_376 = tpu.memref_squeeze %dma_wait3A_375 : memref<1x128xi32, #tpu.memory_space<vmem>> -> memref<128xi32, #tpu.memory_space<vmem>>
      %dma_wait3A_377 = arith.constant 0 : i32
      %dma_wait3A_378 = arith.constant 0 : i32
      %dma_wait3A_379 = arith.constant 0 : i32
      %dma_wait3A_380 = tpu.memref_slice %arg13[%dma_wait3A_377, %dma_wait3A_378, %dma_wait3A_379] : memref<10240x2x128xbf16, #tpu.memory_space<vmem_shared>> -> memref<10240x2x128xbf16, #tpu.memory_space<vmem_shared>>
      %dma_wait3A_381 = tpu.memref_slice %arg12[%dma_wait3A_368] : memref<2x!tpu.dma_semaphore, #tpu.memory_space<semaphore_mem>> -> memref<1x!tpu.dma_semaphore, #tpu.memory_space<semaphore_mem>>
      %dma_wait3A_382 = tpu.memref_squeeze %dma_wait3A_381 : memref<1x!tpu.dma_semaphore, #tpu.memory_space<semaphore_mem>> -> memref<!tpu.dma_semaphore, #tpu.memory_space<semaphore_mem>>
      tpu.wait_indirect_dma semaphore(%dma_wait3A_382 : memref<!tpu.dma_semaphore, #tpu.memory_space<semaphore_mem>>) src(%dma_wait3A_373 : memref<128x2x128xbf16, #tpu.memory_space<vmem>>) dst(%dma_wait3A_380 : memref<10240x2x128xbf16, #tpu.memory_space<vmem_shared>>)
      %add3A_383 = arith.constant 2 : i32
      %add3A_384 = arith.addi %add3A_366, %add3A_383 : i32
      %dma_start3A_385 = arith.constant 0 : i32
      %dma_start3A_386 = arith.constant 0 : i32
      %dma_start3A_387 = arith.constant 0 : i32
      %dma_start3A_388 = arith.constant 0 : i32
      %dma_start3A_389 = arith.constant 0 : i32
      %dma_start3A_390 = tpu.memref_slice %arg10[%dma_start3A_385, %dma_start3A_387, %dma_start3A_388, %dma_start3A_389] : memref<2x128x2x128xbf16, #tpu.memory_space<vmem>> -> memref<1x128x2x128xbf16, #tpu.memory_space<vmem>>
      %dma_start3A_391 = tpu.memref_squeeze %dma_start3A_390 : memref<1x128x2x128xbf16, #tpu.memory_space<vmem>> -> memref<128x2x128xbf16, #tpu.memory_space<vmem>>
      %dma_start3A_392 = arith.constant 0 : i32
      %dma_start3A_393 = tpu.memref_slice %arg8[%add3A_384, %dma_start3A_392] : memref<40x128xi32, #tpu.memory_space<vmem>> -> memref<1x128xi32, #tpu.memory_space<vmem>>
      %dma_start3A_394 = tpu.memref_squeeze %dma_start3A_393 : memref<1x128xi32, #tpu.memory_space<vmem>> -> memref<128xi32, #tpu.memory_space<vmem>>
      %dma_start3A_395 = arith.constant 0 : i32
      %dma_start3A_396 = arith.constant 0 : i32
      %dma_start3A_397 = arith.constant 0 : i32
      %dma_start3A_398 = tpu.memref_slice %arg3[%dma_start3A_395, %dma_start3A_396, %dma_start3A_397] : memref<10240x2x128xbf16, #tpu.memory_space<hbm>> -> memref<10240x2x128xbf16, #tpu.memory_space<hbm>>
      %dma_start3A_399 = tpu.memref_slice %arg11[%dma_start3A_386] : memref<2x!tpu.dma_semaphore, #tpu.memory_space<semaphore_mem>> -> memref<1x!tpu.dma_semaphore, #tpu.memory_space<semaphore_mem>>
      %dma_start3A_400 = tpu.memref_squeeze %dma_start3A_399 : memref<1x!tpu.dma_semaphore, #tpu.memory_space<semaphore_mem>> -> memref<!tpu.dma_semaphore, #tpu.memory_space<semaphore_mem>>
      tpu.enqueue_indirect_dma source(%dma_start3A_398 : memref<10240x2x128xbf16, #tpu.memory_space<hbm>>) target(%dma_start3A_391 : memref<128x2x128xbf16, #tpu.memory_space<vmem>>) offsets(%dma_start3A_394 : memref<128xi32, #tpu.memory_space<vmem>>) semaphore(%dma_start3A_400 : memref<!tpu.dma_semaphore, #tpu.memory_space<semaphore_mem>>)
      %mul3A_401 = arith.constant 2 : i32
      %mul3A_402 = arith.muli %scan3A_290, %mul3A_401 : i32
      %add3A_403 = arith.constant 1 : i32
      %add3A_404 = arith.addi %mul3A_402, %add3A_403 : i32
      %dma_wait3A_405 = arith.constant 1 : i32
      %dma_wait3A_406 = arith.constant 1 : i32
      %dma_wait3A_407 = arith.constant 0 : i32
      %dma_wait3A_408 = arith.constant 0 : i32
      %dma_wait3A_409 = arith.constant 0 : i32
      %dma_wait3A_410 = tpu.memref_slice %arg10[%dma_wait3A_405, %dma_wait3A_407, %dma_wait3A_408, %dma_wait3A_409] : memref<2x128x2x128xbf16, #tpu.memory_space<vmem>> -> memref<1x128x2x128xbf16, #tpu.memory_space<vmem>>
      %dma_wait3A_411 = tpu.memref_squeeze %dma_wait3A_410 : memref<1x128x2x128xbf16, #tpu.memory_space<vmem>> -> memref<128x2x128xbf16, #tpu.memory_space<vmem>>
      %dma_wait3A_412 = arith.constant 0 : i32
      %dma_wait3A_413 = tpu.memref_slice %arg9[%add3A_404, %dma_wait3A_412] : memref<40x128xi32, #tpu.memory_space<vmem>> -> memref<1x128xi32, #tpu.memory_space<vmem>>
      %dma_wait3A_414 = tpu.memref_squeeze %dma_wait3A_413 : memref<1x128xi32, #tpu.memory_space<vmem>> -> memref<128xi32, #tpu.memory_space<vmem>>
      %dma_wait3A_415 = arith.constant 0 : i32
      %dma_wait3A_416 = arith.constant 0 : i32
      %dma_wait3A_417 = arith.constant 0 : i32
      %dma_wait3A_418 = tpu.memref_slice %arg13[%dma_wait3A_415, %dma_wait3A_416, %dma_wait3A_417] : memref<10240x2x128xbf16, #tpu.memory_space<vmem_shared>> -> memref<10240x2x128xbf16, #tpu.memory_space<vmem_shared>>
      %dma_wait3A_419 = tpu.memref_slice %arg12[%dma_wait3A_406] : memref<2x!tpu.dma_semaphore, #tpu.memory_space<semaphore_mem>> -> memref<1x!tpu.dma_semaphore, #tpu.memory_space<semaphore_mem>>
      %dma_wait3A_420 = tpu.memref_squeeze %dma_wait3A_419 : memref<1x!tpu.dma_semaphore, #tpu.memory_space<semaphore_mem>> -> memref<!tpu.dma_semaphore, #tpu.memory_space<semaphore_mem>>
      tpu.wait_indirect_dma semaphore(%dma_wait3A_420 : memref<!tpu.dma_semaphore, #tpu.memory_space<semaphore_mem>>) src(%dma_wait3A_411 : memref<128x2x128xbf16, #tpu.memory_space<vmem>>) dst(%dma_wait3A_418 : memref<10240x2x128xbf16, #tpu.memory_space<vmem_shared>>)
      %add3A_421 = arith.constant 2 : i32
      %add3A_422 = arith.addi %add3A_404, %add3A_421 : i32
      %dma_start3A_423 = arith.constant 1 : i32
      %dma_start3A_424 = arith.constant 1 : i32
      %dma_start3A_425 = arith.constant 0 : i32
      %dma_start3A_426 = arith.constant 0 : i32
      %dma_start3A_427 = arith.constant 0 : i32
      %dma_start3A_428 = tpu.memref_slice %arg10[%dma_start3A_423, %dma_start3A_425, %dma_start3A_426, %dma_start3A_427] : memref<2x128x2x128xbf16, #tpu.memory_space<vmem>> -> memref<1x128x2x128xbf16, #tpu.memory_space<vmem>>
      %dma_start3A_429 = tpu.memref_squeeze %dma_start3A_428 : memref<1x128x2x128xbf16, #tpu.memory_space<vmem>> -> memref<128x2x128xbf16, #tpu.memory_space<vmem>>
      %dma_start3A_430 = arith.constant 0 : i32
      %dma_start3A_431 = tpu.memref_slice %arg8[%add3A_422, %dma_start3A_430] : memref<40x128xi32, #tpu.memory_space<vmem>> -> memref<1x128xi32, #tpu.memory_space<vmem>>
      %dma_start3A_432 = tpu.memref_squeeze %dma_start3A_431 : memref<1x128xi32, #tpu.memory_space<vmem>> -> memref<128xi32, #tpu.memory_space<vmem>>
      %dma_start3A_433 = arith.constant 0 : i32
      %dma_start3A_434 = arith.constant 0 : i32
      %dma_start3A_435 = arith.constant 0 : i32
      %dma_start3A_436 = tpu.memref_slice %arg3[%dma_start3A_433, %dma_start3A_434, %dma_start3A_435] : memref<10240x2x128xbf16, #tpu.memory_space<hbm>> -> memref<10240x2x128xbf16, #tpu.memory_space<hbm>>
      %dma_start3A_437 = tpu.memref_slice %arg11[%dma_start3A_424] : memref<2x!tpu.dma_semaphore, #tpu.memory_space<semaphore_mem>> -> memref<1x!tpu.dma_semaphore, #tpu.memory_space<semaphore_mem>>
      %dma_start3A_438 = tpu.memref_squeeze %dma_start3A_437 : memref<1x!tpu.dma_semaphore, #tpu.memory_space<semaphore_mem>> -> memref<!tpu.dma_semaphore, #tpu.memory_space<semaphore_mem>>
      tpu.enqueue_indirect_dma source(%dma_start3A_436 : memref<10240x2x128xbf16, #tpu.memory_space<hbm>>) target(%dma_start3A_429 : memref<128x2x128xbf16, #tpu.memory_space<vmem>>) offsets(%dma_start3A_432 : memref<128xi32, #tpu.memory_space<vmem>>) semaphore(%dma_start3A_438 : memref<!tpu.dma_semaphore, #tpu.memory_space<semaphore_mem>>)
    }
    %scan3A_184 = arith.constant 19 : i32
    %dma_wait3A_185 = arith.constant 38 : i32
    %dma_wait3A_186 = arith.constant 0 : i32
    %dma_wait3A_187 = arith.constant 0 : i32
    %dma_wait3A_188 = arith.constant 0 : i32
    %dma_wait3A_189 = arith.constant 0 : i32
    %dma_wait3A_190 = arith.constant 0 : i32
    %dma_wait3A_191 = tpu.memref_slice %arg10[%dma_wait3A_186, %dma_wait3A_188, %dma_wait3A_189, %dma_wait3A_190] : memref<2x128x2x128xbf16, #tpu.memory_space<vmem>> -> memref<1x128x2x128xbf16, #tpu.memory_space<vmem>>
    %dma_wait3A_192 = tpu.memref_squeeze %dma_wait3A_191 : memref<1x128x2x128xbf16, #tpu.memory_space<vmem>> -> memref<128x2x128xbf16, #tpu.memory_space<vmem>>
    %dma_wait3A_193 = arith.constant 0 : i32
    %dma_wait3A_194 = tpu.memref_slice %arg8[%dma_wait3A_185, %dma_wait3A_193] : memref<40x128xi32, #tpu.memory_space<vmem>> -> memref<1x128xi32, #tpu.memory_space<vmem>>
    %dma_wait3A_195 = tpu.memref_squeeze %dma_wait3A_194 : memref<1x128xi32, #tpu.memory_space<vmem>> -> memref<128xi32, #tpu.memory_space<vmem>>
    %dma_wait3A_196 = arith.constant 0 : i32
    %dma_wait3A_197 = arith.constant 0 : i32
    %dma_wait3A_198 = arith.constant 0 : i32
    %dma_wait3A_199 = tpu.memref_slice %arg3[%dma_wait3A_196, %dma_wait3A_197, %dma_wait3A_198] : memref<10240x2x128xbf16, #tpu.memory_space<hbm>> -> memref<10240x2x128xbf16, #tpu.memory_space<hbm>>
    %dma_wait3A_200 = tpu.memref_slice %arg11[%dma_wait3A_187] : memref<2x!tpu.dma_semaphore, #tpu.memory_space<semaphore_mem>> -> memref<1x!tpu.dma_semaphore, #tpu.memory_space<semaphore_mem>>
    %dma_wait3A_201 = tpu.memref_squeeze %dma_wait3A_200 : memref<1x!tpu.dma_semaphore, #tpu.memory_space<semaphore_mem>> -> memref<!tpu.dma_semaphore, #tpu.memory_space<semaphore_mem>>
    tpu.wait_indirect_dma semaphore(%dma_wait3A_201 : memref<!tpu.dma_semaphore, #tpu.memory_space<semaphore_mem>>) src(%dma_wait3A_199 : memref<10240x2x128xbf16, #tpu.memory_space<hbm>>) dst(%dma_wait3A_192 : memref<128x2x128xbf16, #tpu.memory_space<vmem>>)
    %dma_start3A_202 = arith.constant 0 : i32
    %dma_start3A_203 = arith.constant 38 : i32
    %dma_start3A_204 = arith.constant 0 : i32
    %dma_start3A_205 = arith.constant 0 : i32
    %dma_start3A_206 = arith.constant 0 : i32
    %dma_start3A_207 = arith.constant 0 : i32
    %dma_start3A_208 = tpu.memref_slice %arg10[%dma_start3A_202, %dma_start3A_205, %dma_start3A_206, %dma_start3A_207] : memref<2x128x2x128xbf16, #tpu.memory_space<vmem>> -> memref<1x128x2x128xbf16, #tpu.memory_space<vmem>>
    %dma_start3A_209 = tpu.memref_squeeze %dma_start3A_208 : memref<1x128x2x128xbf16, #tpu.memory_space<vmem>> -> memref<128x2x128xbf16, #tpu.memory_space<vmem>>
    %dma_start3A_210 = arith.constant 0 : i32
    %dma_start3A_211 = tpu.memref_slice %arg9[%dma_start3A_203, %dma_start3A_210] : memref<40x128xi32, #tpu.memory_space<vmem>> -> memref<1x128xi32, #tpu.memory_space<vmem>>
    %dma_start3A_212 = tpu.memref_squeeze %dma_start3A_211 : memref<1x128xi32, #tpu.memory_space<vmem>> -> memref<128xi32, #tpu.memory_space<vmem>>
    %dma_start3A_213 = arith.constant 0 : i32
    %dma_start3A_214 = arith.constant 0 : i32
    %dma_start3A_215 = arith.constant 0 : i32
    %dma_start3A_216 = tpu.memref_slice %arg13[%dma_start3A_213, %dma_start3A_214, %dma_start3A_215] : memref<10240x2x128xbf16, #tpu.memory_space<vmem_shared>> -> memref<10240x2x128xbf16, #tpu.memory_space<vmem_shared>>
    %dma_start3A_217 = tpu.memref_slice %arg12[%dma_start3A_204] : memref<2x!tpu.dma_semaphore, #tpu.memory_space<semaphore_mem>> -> memref<1x!tpu.dma_semaphore, #tpu.memory_space<semaphore_mem>>
    %dma_start3A_218 = tpu.memref_squeeze %dma_start3A_217 : memref<1x!tpu.dma_semaphore, #tpu.memory_space<semaphore_mem>> -> memref<!tpu.dma_semaphore, #tpu.memory_space<semaphore_mem>>
    tpu.enqueue_indirect_dma source(%dma_start3A_209 : memref<128x2x128xbf16, #tpu.memory_space<vmem>>) target(%dma_start3A_216 : memref<10240x2x128xbf16, #tpu.memory_space<vmem_shared>>) offsets(%dma_start3A_212 : memref<128xi32, #tpu.memory_space<vmem>>) semaphore(%dma_start3A_218 : memref<!tpu.dma_semaphore, #tpu.memory_space<semaphore_mem>>) {add = true}
    %dma_wait3A_219 = arith.constant 39 : i32
    %dma_wait3A_220 = arith.constant 1 : i32
    %dma_wait3A_221 = arith.constant 1 : i32
    %dma_wait3A_222 = arith.constant 0 : i32
    %dma_wait3A_223 = arith.constant 0 : i32
    %dma_wait3A_224 = arith.constant 0 : i32
    %dma_wait3A_225 = tpu.memref_slice %arg10[%dma_wait3A_220, %dma_wait3A_222, %dma_wait3A_223, %dma_wait3A_224] : memref<2x128x2x128xbf16, #tpu.memory_space<vmem>> -> memref<1x128x2x128xbf16, #tpu.memory_space<vmem>>
    %dma_wait3A_226 = tpu.memref_squeeze %dma_wait3A_225 : memref<1x128x2x128xbf16, #tpu.memory_space<vmem>> -> memref<128x2x128xbf16, #tpu.memory_space<vmem>>
    %dma_wait3A_227 = arith.constant 0 : i32
    %dma_wait3A_228 = tpu.memref_slice %arg8[%dma_wait3A_219, %dma_wait3A_227] : memref<40x128xi32, #tpu.memory_space<vmem>> -> memref<1x128xi32, #tpu.memory_space<vmem>>
    %dma_wait3A_229 = tpu.memref_squeeze %dma_wait3A_228 : memref<1x128xi32, #tpu.memory_space<vmem>> -> memref<128xi32, #tpu.memory_space<vmem>>
    %dma_wait3A_230 = arith.constant 0 : i32
    %dma_wait3A_231 = arith.constant 0 : i32
    %dma_wait3A_232 = arith.constant 0 : i32
    %dma_wait3A_233 = tpu.memref_slice %arg3[%dma_wait3A_230, %dma_wait3A_231, %dma_wait3A_232] : memref<10240x2x128xbf16, #tpu.memory_space<hbm>> -> memref<10240x2x128xbf16, #tpu.memory_space<hbm>>
    %dma_wait3A_234 = tpu.memref_slice %arg11[%dma_wait3A_221] : memref<2x!tpu.dma_semaphore, #tpu.memory_space<semaphore_mem>> -> memref<1x!tpu.dma_semaphore, #tpu.memory_space<semaphore_mem>>
    %dma_wait3A_235 = tpu.memref_squeeze %dma_wait3A_234 : memref<1x!tpu.dma_semaphore, #tpu.memory_space<semaphore_mem>> -> memref<!tpu.dma_semaphore, #tpu.memory_space<semaphore_mem>>
    tpu.wait_indirect_dma semaphore(%dma_wait3A_235 : memref<!tpu.dma_semaphore, #tpu.memory_space<semaphore_mem>>) src(%dma_wait3A_233 : memref<10240x2x128xbf16, #tpu.memory_space<hbm>>) dst(%dma_wait3A_226 : memref<128x2x128xbf16, #tpu.memory_space<vmem>>)
    %dma_start3A_236 = arith.constant 1 : i32
    %dma_start3A_237 = arith.constant 39 : i32
    %dma_start3A_238 = arith.constant 1 : i32
    %dma_start3A_239 = arith.constant 0 : i32
    %dma_start3A_240 = arith.constant 0 : i32
    %dma_start3A_241 = arith.constant 0 : i32
    %dma_start3A_242 = tpu.memref_slice %arg10[%dma_start3A_236, %dma_start3A_239, %dma_start3A_240, %dma_start3A_241] : memref<2x128x2x128xbf16, #tpu.memory_space<vmem>> -> memref<1x128x2x128xbf16, #tpu.memory_space<vmem>>
    %dma_start3A_243 = tpu.memref_squeeze %dma_start3A_242 : memref<1x128x2x128xbf16, #tpu.memory_space<vmem>> -> memref<128x2x128xbf16, #tpu.memory_space<vmem>>
    %dma_start3A_244 = arith.constant 0 : i32
    %dma_start3A_245 = tpu.memref_slice %arg9[%dma_start3A_237, %dma_start3A_244] : memref<40x128xi32, #tpu.memory_space<vmem>> -> memref<1x128xi32, #tpu.memory_space<vmem>>
    %dma_start3A_246 = tpu.memref_squeeze %dma_start3A_245 : memref<1x128xi32, #tpu.memory_space<vmem>> -> memref<128xi32, #tpu.memory_space<vmem>>
    %dma_start3A_247 = arith.constant 0 : i32
    %dma_start3A_248 = arith.constant 0 : i32
    %dma_start3A_249 = arith.constant 0 : i32
    %dma_start3A_250 = tpu.memref_slice %arg13[%dma_start3A_247, %dma_start3A_248, %dma_start3A_249] : memref<10240x2x128xbf16, #tpu.memory_space<vmem_shared>> -> memref<10240x2x128xbf16, #tpu.memory_space<vmem_shared>>
    %dma_start3A_251 = tpu.memref_slice %arg12[%dma_start3A_238] : memref<2x!tpu.dma_semaphore, #tpu.memory_space<semaphore_mem>> -> memref<1x!tpu.dma_semaphore, #tpu.memory_space<semaphore_mem>>
    %dma_start3A_252 = tpu.memref_squeeze %dma_start3A_251 : memref<1x!tpu.dma_semaphore, #tpu.memory_space<semaphore_mem>> -> memref<!tpu.dma_semaphore, #tpu.memory_space<semaphore_mem>>
    tpu.enqueue_indirect_dma source(%dma_start3A_243 : memref<128x2x128xbf16, #tpu.memory_space<vmem>>) target(%dma_start3A_250 : memref<10240x2x128xbf16, #tpu.memory_space<vmem_shared>>) offsets(%dma_start3A_246 : memref<128xi32, #tpu.memory_space<vmem>>) semaphore(%dma_start3A_252 : memref<!tpu.dma_semaphore, #tpu.memory_space<semaphore_mem>>) {add = true}
    %dma_wait3A_253 = arith.constant 0 : i32
    %dma_wait3A_254 = arith.constant 38 : i32
    %dma_wait3A_255 = arith.constant 0 : i32
    %dma_wait3A_256 = arith.constant 0 : i32
    %dma_wait3A_257 = arith.constant 0 : i32
    %dma_wait3A_258 = arith.constant 0 : i32
    %dma_wait3A_259 = tpu.memref_slice %arg10[%dma_wait3A_253, %dma_wait3A_256, %dma_wait3A_257, %dma_wait3A_258] : memref<2x128x2x128xbf16, #tpu.memory_space<vmem>> -> memref<1x128x2x128xbf16, #tpu.memory_space<vmem>>
    %dma_wait3A_260 = tpu.memref_squeeze %dma_wait3A_259 : memref<1x128x2x128xbf16, #tpu.memory_space<vmem>> -> memref<128x2x128xbf16, #tpu.memory_space<vmem>>
    %dma_wait3A_261 = arith.constant 0 : i32
    %dma_wait3A_262 = tpu.memref_slice %arg9[%dma_wait3A_254, %dma_wait3A_261] : memref<40x128xi32, #tpu.memory_space<vmem>> -> memref<1x128xi32, #tpu.memory_space<vmem>>
    %dma_wait3A_263 = tpu.memref_squeeze %dma_wait3A_262 : memref<1x128xi32, #tpu.memory_space<vmem>> -> memref<128xi32, #tpu.memory_space<vmem>>
    %dma_wait3A_264 = arith.constant 0 : i32
    %dma_wait3A_265 = arith.constant 0 : i32
    %dma_wait3A_266 = arith.constant 0 : i32
    %dma_wait3A_267 = tpu.memref_slice %arg13[%dma_wait3A_264, %dma_wait3A_265, %dma_wait3A_266] : memref<10240x2x128xbf16, #tpu.memory_space<vmem_shared>> -> memref<10240x2x128xbf16, #tpu.memory_space<vmem_shared>>
    %dma_wait3A_268 = tpu.memref_slice %arg12[%dma_wait3A_255] : memref<2x!tpu.dma_semaphore, #tpu.memory_space<semaphore_mem>> -> memref<1x!tpu.dma_semaphore, #tpu.memory_space<semaphore_mem>>
    %dma_wait3A_269 = tpu.memref_squeeze %dma_wait3A_268 : memref<1x!tpu.dma_semaphore, #tpu.memory_space<semaphore_mem>> -> memref<!tpu.dma_semaphore, #tpu.memory_space<semaphore_mem>>
    tpu.wait_indirect_dma semaphore(%dma_wait3A_269 : memref<!tpu.dma_semaphore, #tpu.memory_space<semaphore_mem>>) src(%dma_wait3A_260 : memref<128x2x128xbf16, #tpu.memory_space<vmem>>) dst(%dma_wait3A_267 : memref<10240x2x128xbf16, #tpu.memory_space<vmem_shared>>)
    %dma_wait3A_270 = arith.constant 1 : i32
    %dma_wait3A_271 = arith.constant 39 : i32
    %dma_wait3A_272 = arith.constant 1 : i32
    %dma_wait3A_273 = arith.constant 0 : i32
    %dma_wait3A_274 = arith.constant 0 : i32
    %dma_wait3A_275 = arith.constant 0 : i32
    %dma_wait3A_276 = tpu.memref_slice %arg10[%dma_wait3A_270, %dma_wait3A_273, %dma_wait3A_274, %dma_wait3A_275] : memref<2x128x2x128xbf16, #tpu.memory_space<vmem>> -> memref<1x128x2x128xbf16, #tpu.memory_space<vmem>>
    %dma_wait3A_277 = tpu.memref_squeeze %dma_wait3A_276 : memref<1x128x2x128xbf16, #tpu.memory_space<vmem>> -> memref<128x2x128xbf16, #tpu.memory_space<vmem>>
    %dma_wait3A_278 = arith.constant 0 : i32
    %dma_wait3A_279 = tpu.memref_slice %arg9[%dma_wait3A_271, %dma_wait3A_278] : memref<40x128xi32, #tpu.memory_space<vmem>> -> memref<1x128xi32, #tpu.memory_space<vmem>>
    %dma_wait3A_280 = tpu.memref_squeeze %dma_wait3A_279 : memref<1x128xi32, #tpu.memory_space<vmem>> -> memref<128xi32, #tpu.memory_space<vmem>>
    %dma_wait3A_281 = arith.constant 0 : i32
    %dma_wait3A_282 = arith.constant 0 : i32
    %dma_wait3A_283 = arith.constant 0 : i32
    %dma_wait3A_284 = tpu.memref_slice %arg13[%dma_wait3A_281, %dma_wait3A_282, %dma_wait3A_283] : memref<10240x2x128xbf16, #tpu.memory_space<vmem_shared>> -> memref<10240x2x128xbf16, #tpu.memory_space<vmem_shared>>
    %dma_wait3A_285 = tpu.memref_slice %arg12[%dma_wait3A_272] : memref<2x!tpu.dma_semaphore, #tpu.memory_space<semaphore_mem>> -> memref<1x!tpu.dma_semaphore, #tpu.memory_space<semaphore_mem>>
    %dma_wait3A_286 = tpu.memref_squeeze %dma_wait3A_285 : memref<1x!tpu.dma_semaphore, #tpu.memory_space<semaphore_mem>> -> memref<!tpu.dma_semaphore, #tpu.memory_space<semaphore_mem>>
    tpu.wait_indirect_dma semaphore(%dma_wait3A_286 : memref<!tpu.dma_semaphore, #tpu.memory_space<semaphore_mem>>) src(%dma_wait3A_277 : memref<128x2x128xbf16, #tpu.memory_space<vmem>>) dst(%dma_wait3A_284 : memref<10240x2x128xbf16, #tpu.memory_space<vmem_shared>>)
    %barrier3A_287 = arith.constant 0 : index
    tpu.barrier barrier_id(%barrier3A_287)
    %run_scoped3A_288 = arith.constant 1 : i32
    "tpu.region"() ({
      %run_scoped3A_290 = tpu.sem_alloc : memref<!tpu.dma_semaphore, #tpu.memory_space<semaphore_mem>>
      %dma_start3A_291 = arith.constant 0 : i32
      %dma_start3A_292 = arith.constant 0 : i32
      %dma_start3A_293 = tpu.memref_slice %arg7[%arg0, %run_scoped3A_288, %mul3A_2, %dma_start3A_291, %dma_start3A_292] : memref<2x2x10240x2x128xbf16, #tpu.memory_space<hbm>> -> memref<1x1x640x2x128xbf16, #tpu.memory_space<hbm>>
      %dma_start3A_294 = tpu.memref_squeeze %dma_start3A_293 : memref<1x1x640x2x128xbf16, #tpu.memory_space<hbm>> -> memref<640x2x128xbf16, #tpu.memory_space<hbm>>
      %dma_start3A_295 = arith.constant 0 : i32
      %dma_start3A_296 = arith.constant 0 : i32
      %dma_start3A_297 = tpu.memref_slice %arg13[%mul3A_2, %dma_start3A_295, %dma_start3A_296] : memref<10240x2x128xbf16, #tpu.memory_space<vmem_shared>> -> memref<640x2x128xbf16, #tpu.memory_space<vmem_shared>>
      tpu.enqueue_dma source(%dma_start3A_297 : memref<640x2x128xbf16, #tpu.memory_space<vmem_shared>>) target(%dma_start3A_294 : memref<640x2x128xbf16, #tpu.memory_space<hbm>>) target_semaphore(%run_scoped3A_290 : memref<!tpu.dma_semaphore, #tpu.memory_space<semaphore_mem>>)
      %dma_wait3A_298 = arith.constant 0 : i32
      %dma_wait3A_299 = arith.constant 0 : i32
      %dma_wait3A_300 = tpu.memref_slice %arg7[%arg0, %run_scoped3A_288, %mul3A_2, %dma_wait3A_298, %dma_wait3A_299] : memref<2x2x10240x2x128xbf16, #tpu.memory_space<hbm>> -> memref<1x1x640x2x128xbf16, #tpu.memory_space<hbm>>
      %dma_wait3A_301 = tpu.memref_squeeze %dma_wait3A_300 : memref<1x1x640x2x128xbf16, #tpu.memory_space<hbm>> -> memref<640x2x128xbf16, #tpu.memory_space<hbm>>
      %dma_wait3A_302 = arith.constant 0 : i32
      %dma_wait3A_303 = arith.constant 0 : i32
      %dma_wait3A_304 = tpu.memref_slice %arg13[%mul3A_2, %dma_wait3A_302, %dma_wait3A_303] : memref<10240x2x128xbf16, #tpu.memory_space<vmem_shared>> -> memref<640x2x128xbf16, #tpu.memory_space<vmem_shared>>
      tpu.wait_dma2 semaphore(%run_scoped3A_290 : memref<!tpu.dma_semaphore, #tpu.memory_space<semaphore_mem>>) src(%dma_wait3A_304 : memref<640x2x128xbf16, #tpu.memory_space<vmem_shared>>) dst(%dma_wait3A_301 : memref<640x2x128xbf16, #tpu.memory_space<hbm>>)
      tpu.yield
    }) : () -> ()
    %barrier3A_289 = arith.constant 0 : index
    tpu.barrier barrier_id(%barrier3A_289)
    return
  }
}

module attributes {stable_mosaic.version = 14 : i64} {
  func.func @_stats_kernel(%arg0: i32, %arg1: memref<1024x128xf32, #tpu.memory_space<vmem>>, %arg2: memref<1024x128xf32, #tpu.memory_space<vmem>>, %arg3: memref<1024x128xf32, #tpu.memory_space<vmem>>) attributes {dimension_semantics = [#tpu.dimension_semantics<arbitrary>], iteration_bounds = array<i64: 10>, scalar_prefetch = 0 : i64, scratch_operands = 0 : i64, tpu.core_type = #tpu.core_type<tc>, window_params = [{transform_indices = @transform_0, window_bounds = array<i64: 1024, 128>}, {transform_indices = @transform_1, window_bounds = array<i64: 1024, 128>}, {transform_indices = @transform_2, window_bounds = array<i64: 1024, 128>}]} {
    %get3A = arith.constant 0 : index
    %get3A_0 = arith.constant 0 : index
    %get3A_1 = vector.load %arg1[%get3A, %get3A_0] : memref<1024x128xf32, #tpu.memory_space<vmem>>, vector<1024x1xf32>
    %add3A = arith.constant 1.000000e+00 : f32
    %add3A_2 = vector.broadcast %add3A : f32 to vector<1024x1xf32>
    %add3A_3 = arith.addf %add3A_2, %get3A_1 : vector<1024x1xf32>
    %get3A_4 = arith.constant 0 : index
    %get3A_5 = arith.constant 0 : index
    %get3A_6 = vector.load %arg2[%get3A_4, %get3A_5] : memref<1024x128xf32, #tpu.memory_space<vmem>>, vector<1024x1xf32>
    %add3A_7 = arith.addf %add3A_3, %get3A_6 : vector<1024x1xf32>
    %rsqrt3A = math.rsqrt %add3A_7 : vector<1024x1xf32>
    %broadcast_in_dim3A = vector.shape_cast %rsqrt3A : vector<1024x1xf32> to vector<1024x1xf32>
    %broadcast_in_dim3A_8 = vector.broadcast %broadcast_in_dim3A : vector<1024x1xf32> to vector<1024x128xf32>
    %swap3A = arith.constant 0 : index
    %swap3A_9 = arith.constant 0 : index
    %swap3A_10 = vector.load %arg3[%swap3A, %swap3A_9] : memref<1024x128xf32, #tpu.memory_space<vmem>>, vector<1024x128xf32>
    tpu.vector_store %arg3[%swap3A, %swap3A_9], %broadcast_in_dim3A_8 {strides = array<i32>} : memref<1024x128xf32, #tpu.memory_space<vmem>>, vector<1024x128xf32>,
    return
  }
  func.func @transform_0(%arg0: i32) -> (i32, i32) {
    %c0_i32 = arith.constant 0 : i32
    %c0_i32_0 = arith.constant 0 : i32
    return %arg0, %c0_i32 : i32, i32
  }
  func.func @transform_1(%arg0: i32) -> (i32, i32) {
    %c0_i32 = arith.constant 0 : i32
    %c0_i32_0 = arith.constant 0 : i32
    return %arg0, %c0_i32 : i32, i32
  }
  func.func @transform_2(%arg0: i32) -> (i32, i32) {
    %c0_i32 = arith.constant 0 : i32
    %c0_i32_0 = arith.constant 0 : i32
    return %arg0, %c0_i32 : i32, i32
  }
}

module attributes {stable_mosaic.version = 14 : i64} {
  func.func @_mm1_kernel(%arg0: i32, %arg1: memref<512x256xf32, #tpu.memory_space<vmem>>, %arg2: memref<256x512xf32, #tpu.memory_space<vmem>>, %arg3: memref<512x128xf32, #tpu.memory_space<vmem>>, %arg4: memref<2x512x256xbf16, #tpu.memory_space<vmem>>) attributes {dimension_semantics = [#tpu.dimension_semantics<arbitrary>], iteration_bounds = array<i64: 20>, scalar_prefetch = 0 : i64, scratch_operands = 0 : i64, tpu.core_type = #tpu.core_type<tc>, window_params = [{transform_indices = @transform_0, window_bounds = array<i64: 512, 256>}, {pipeline_mode = #tpu.pipeline_mode<synchronous>, transform_indices = @transform_1, window_bounds = array<i64: 256, 512>}, {transform_indices = @transform_2, window_bounds = array<i64: 512, 128>}, {transform_indices = @transform_3, window_bounds = array<i64: 2, 512, 256>}]} {
    %get3A = arith.constant 0 : index
    %get3A_0 = arith.constant 0 : index
    %get3A_1 = vector.load %arg1[%get3A, %get3A_0] : memref<512x256xf32, #tpu.memory_space<vmem>>, vector<512x256xf32>
    %get3A_2 = arith.constant 0 : index
    %get3A_3 = arith.constant 0 : index
    %get3A_4 = vector.load %arg2[%get3A_2, %get3A_3] : memref<256x512xf32, #tpu.memory_space<vmem>>, vector<256x512xf32>
    %dot_general3A = arith.constant dense<0.000000e+00> : vector<512x512xf32>
    %dot_general3A_5 = tpu.matmul %get3A_1, %get3A_4, %dot_general3A {dimension_numbers = #tpu.dot_dimension_numbers<[1], [0], [0], [1], [0, 0, 1, 1], [], []>, transpose_lhs_hint = false} : vector<512x256xf32>, vector<256x512xf32>, vector<512x512xf32> -> vector<512x512xf32>
    %get3A_6 = arith.constant 0 : index
    %get3A_7 = arith.constant 0 : index
    %get3A_8 = vector.load %arg3[%get3A_6, %get3A_7] : memref<512x128xf32, #tpu.memory_space<vmem>>, vector<512x128xf32>
    %slice3A = vector.extract_strided_slice %get3A_8 {offsets = [0, 0], sizes = [512, 1], strides = [1, 1]} : vector<512x128xf32> to vector<512x1xf32>
    %broadcast_in_dim3A = vector.shape_cast %slice3A : vector<512x1xf32> to vector<512x1xf32>
    %broadcast_in_dim3A_9 = vector.broadcast %broadcast_in_dim3A : vector<512x1xf32> to vector<512x256xf32>
    %slice3A_10 = vector.extract_strided_slice %dot_general3A_5 {offsets = [0, 0], sizes = [512, 256], strides = [1, 1]} : vector<512x512xf32> to vector<512x256xf32>
    %mul3A = arith.mulf %broadcast_in_dim3A_9, %slice3A_10 : vector<512x256xf32>
    %convert_element_type3A = arith.truncf %mul3A : vector<512x256xf32> to vector<512x256xbf16>
    %swap3A = arith.constant 0 : index
    %swap3A_11 = arith.constant 0 : index
    %swap3A_12 = arith.constant 0 : index
    %swap3A_13 = vector.load %arg4[%swap3A, %swap3A_11, %swap3A_12] : memref<2x512x256xbf16, #tpu.memory_space<vmem>>, vector<1x512x256xbf16>
    %swap3A_14 = vector.shape_cast %swap3A_13 : vector<1x512x256xbf16> to vector<512x256xbf16>
    %swap3A_15 = vector.shape_cast %convert_element_type3A : vector<512x256xbf16> to vector<1x512x256xbf16>
    tpu.vector_store %arg4[%swap3A, %swap3A_11, %swap3A_12], %swap3A_15 {strides = array<i32>} : memref<2x512x256xbf16, #tpu.memory_space<vmem>>, vector<1x512x256xbf16>,
    %slice3A_16 = vector.extract_strided_slice %dot_general3A_5 {offsets = [0, 256], sizes = [512, 256], strides = [1, 1]} : vector<512x512xf32> to vector<512x256xf32>
    %mul3A_17 = arith.mulf %broadcast_in_dim3A_9, %slice3A_16 : vector<512x256xf32>
    %convert_element_type3A_18 = arith.truncf %mul3A_17 : vector<512x256xf32> to vector<512x256xbf16>
    %swap3A_19 = arith.constant 1 : index
    %swap3A_20 = arith.constant 0 : index
    %swap3A_21 = arith.constant 0 : index
    %swap3A_22 = vector.load %arg4[%swap3A_19, %swap3A_20, %swap3A_21] : memref<2x512x256xbf16, #tpu.memory_space<vmem>>, vector<1x512x256xbf16>
    %swap3A_23 = vector.shape_cast %swap3A_22 : vector<1x512x256xbf16> to vector<512x256xbf16>
    %swap3A_24 = vector.shape_cast %convert_element_type3A_18 : vector<512x256xbf16> to vector<1x512x256xbf16>
    tpu.vector_store %arg4[%swap3A_19, %swap3A_20, %swap3A_21], %swap3A_24 {strides = array<i32>} : memref<2x512x256xbf16, #tpu.memory_space<vmem>>, vector<1x512x256xbf16>,
    return
  }
  func.func @transform_0(%arg0: i32) -> (i32, i32) {
    %c0_i32 = arith.constant 0 : i32
    %c0_i32_0 = arith.constant 0 : i32
    return %arg0, %c0_i32 : i32, i32
  }
  func.func @transform_1(%arg0: i32) -> (i32, i32) {
    %c0_i32 = arith.constant 0 : i32
    %c0_i32_0 = arith.constant 0 : i32
    %c0_i32_1 = arith.constant 0 : i32
    return %c0_i32, %c0_i32_0 : i32, i32
  }
  func.func @transform_2(%arg0: i32) -> (i32, i32) {
    %c0_i32 = arith.constant 0 : i32
    %c0_i32_0 = arith.constant 0 : i32
    return %arg0, %c0_i32 : i32, i32
  }
  func.func @transform_3(%arg0: i32) -> (i32, i32, i32) {
    %c0_i32 = arith.constant 0 : i32
    %c0_i32_0 = arith.constant 0 : i32
    %c0_i32_1 = arith.constant 0 : i32
    return %c0_i32, %arg0, %c0_i32_0 : i32, i32, i32
  }
}

module attributes {stable_mosaic.version = 14 : i64} {
  func.func @_combine_mm_kernel(%arg0: i32, %arg1: memref<2x2x512x256xbf16, #tpu.memory_space<vmem>>, %arg2: memref<2x512x256xbf16, #tpu.memory_space<vmem>>, %arg3: memref<512x128xf32, #tpu.memory_space<vmem>>, %arg4: memref<2x1x256xf32, #tpu.memory_space<vmem>>, %arg5: memref<512x512xf32, #tpu.memory_space<vmem>>, %arg6: memref<2x512x256xbf16, #tpu.memory_space<vmem>>) attributes {dimension_semantics = [#tpu.dimension_semantics<arbitrary>], iteration_bounds = array<i64: 20>, scalar_prefetch = 0 : i64, scratch_operands = 0 : i64, tpu.core_type = #tpu.core_type<tc>, window_params = [{transform_indices = @transform_0, window_bounds = array<i64: 2, 2, 512, 256>}, {transform_indices = @transform_1, window_bounds = array<i64: 2, 512, 256>}, {transform_indices = @transform_2, window_bounds = array<i64: 512, 128>}, {pipeline_mode = #tpu.pipeline_mode<synchronous>, transform_indices = @transform_3, window_bounds = array<i64: 2, 1, 256>}, {pipeline_mode = #tpu.pipeline_mode<synchronous>, transform_indices = @transform_4, window_bounds = array<i64: 512, 512>}, {transform_indices = @transform_5, window_bounds = array<i64: 2, 512, 256>}]} {
    %get3A = arith.constant 0 : index
    %get3A_0 = arith.constant 0 : index
    %get3A_1 = vector.load %arg3[%get3A, %get3A_0] : memref<512x128xf32, #tpu.memory_space<vmem>>, vector<512x128xf32>
    %slice3A = vector.extract_strided_slice %get3A_1 {offsets = [0, 0], sizes = [512, 1], strides = [1, 1]} : vector<512x128xf32> to vector<512x1xf32>
    %broadcast_in_dim3A = vector.shape_cast %slice3A : vector<512x1xf32> to vector<512x1xf32>
    %broadcast_in_dim3A_2 = vector.broadcast %broadcast_in_dim3A : vector<512x1xf32> to vector<512x256xf32>
    %get3A_3 = arith.constant 0 : index
    %get3A_4 = arith.constant 0 : index
    %get3A_5 = arith.constant 0 : index
    %get3A_6 = arith.constant 0 : index
    %get3A_7 = vector.load %arg1[%get3A_3, %get3A_4, %get3A_5, %get3A_6] : memref<2x2x512x256xbf16, #tpu.memory_space<vmem>>, vector<1x1x512x256xbf16>
    %get3A_8 = vector.shape_cast %get3A_7 : vector<1x1x512x256xbf16> to vector<512x256xbf16>
    %convert_element_type3A = arith.extf %get3A_8 : vector<512x256xbf16> to vector<512x256xf32>
    %get3A_9 = arith.constant 1 : index
    %get3A_10 = arith.constant 0 : index
    %get3A_11 = arith.constant 0 : index
    %get3A_12 = arith.constant 0 : index
    %get3A_13 = vector.load %arg1[%get3A_9, %get3A_10, %get3A_11, %get3A_12] : memref<2x2x512x256xbf16, #tpu.memory_space<vmem>>, vector<1x1x512x256xbf16>
    %get3A_14 = vector.shape_cast %get3A_13 : vector<1x1x512x256xbf16> to vector<512x256xbf16>
    %convert_element_type3A_15 = arith.extf %get3A_14 : vector<512x256xbf16> to vector<512x256xf32>
    %add3A = arith.addf %convert_element_type3A, %convert_element_type3A_15 : vector<512x256xf32>
    %get3A_16 = arith.constant 0 : index
    %get3A_17 = arith.constant 0 : index
    %get3A_18 = arith.constant 0 : index
    %get3A_19 = vector.load %arg2[%get3A_16, %get3A_17, %get3A_18] : memref<2x512x256xbf16, #tpu.memory_space<vmem>>, vector<1x512x256xbf16>
    %get3A_20 = vector.shape_cast %get3A_19 : vector<1x512x256xbf16> to vector<512x256xbf16>
    %convert_element_type3A_21 = arith.extf %get3A_20 : vector<512x256xbf16> to vector<512x256xf32>
    %add3A_22 = arith.addf %add3A, %convert_element_type3A_21 : vector<512x256xf32>
    %mul3A = arith.mulf %broadcast_in_dim3A_2, %add3A_22 : vector<512x256xf32>
    %get3A_23 = arith.constant 0 : index
    %get3A_24 = arith.constant 0 : index
    %get3A_25 = arith.constant 0 : index
    %get3A_26 = vector.load %arg4[%get3A_23, %get3A_24, %get3A_25] : memref<2x1x256xf32, #tpu.memory_space<vmem>>, vector<1x1x256xf32>
    %get3A_27 = vector.shape_cast %get3A_26 : vector<1x1x256xf32> to vector<1x256xf32>
    %add3A_28 = vector.broadcast %get3A_27 : vector<1x256xf32> to vector<512x256xf32>
    %add3A_29 = arith.addf %mul3A, %add3A_28 : vector<512x256xf32>
    %max3A = arith.constant 0.000000e+00 : f32
    %max3A_30 = vector.broadcast %max3A : f32 to vector<512x256xf32>
    %max3A_31 = arith.maximumf %add3A_29, %max3A_30 : vector<512x256xf32>
    %get3A_32 = arith.constant 0 : index
    %get3A_33 = arith.constant 1 : index
    %get3A_34 = arith.constant 0 : index
    %get3A_35 = arith.constant 0 : index
    %get3A_36 = vector.load %arg1[%get3A_32, %get3A_33, %get3A_34, %get3A_35] : memref<2x2x512x256xbf16, #tpu.memory_space<vmem>>, vector<1x1x512x256xbf16>
    %get3A_37 = vector.shape_cast %get3A_36 : vector<1x1x512x256xbf16> to vector<512x256xbf16>
    %convert_element_type3A_38 = arith.extf %get3A_37 : vector<512x256xbf16> to vector<512x256xf32>
    %get3A_39 = arith.constant 1 : index
    %get3A_40 = arith.constant 1 : index
    %get3A_41 = arith.constant 0 : index
    %get3A_42 = arith.constant 0 : index
    %get3A_43 = vector.load %arg1[%get3A_39, %get3A_40, %get3A_41, %get3A_42] : memref<2x2x512x256xbf16, #tpu.memory_space<vmem>>, vector<1x1x512x256xbf16>
    %get3A_44 = vector.shape_cast %get3A_43 : vector<1x1x512x256xbf16> to vector<512x256xbf16>
    %convert_element_type3A_45 = arith.extf %get3A_44 : vector<512x256xbf16> to vector<512x256xf32>
    %add3A_46 = arith.addf %convert_element_type3A_38, %convert_element_type3A_45 : vector<512x256xf32>
    %get3A_47 = arith.constant 1 : index
    %get3A_48 = arith.constant 0 : index
    %get3A_49 = arith.constant 0 : index
    %get3A_50 = vector.load %arg2[%get3A_47, %get3A_48, %get3A_49] : memref<2x512x256xbf16, #tpu.memory_space<vmem>>, vector<1x512x256xbf16>
    %get3A_51 = vector.shape_cast %get3A_50 : vector<1x512x256xbf16> to vector<512x256xbf16>
    %convert_element_type3A_52 = arith.extf %get3A_51 : vector<512x256xbf16> to vector<512x256xf32>
    %add3A_53 = arith.addf %add3A_46, %convert_element_type3A_52 : vector<512x256xf32>
    %mul3A_54 = arith.mulf %broadcast_in_dim3A_2, %add3A_53 : vector<512x256xf32>
    %get3A_55 = arith.constant 1 : index
    %get3A_56 = arith.constant 0 : index
    %get3A_57 = arith.constant 0 : index
    %get3A_58 = vector.load %arg4[%get3A_55, %get3A_56, %get3A_57] : memref<2x1x256xf32, #tpu.memory_space<vmem>>, vector<1x1x256xf32>
    %get3A_59 = vector.shape_cast %get3A_58 : vector<1x1x256xf32> to vector<1x256xf32>
    %add3A_60 = vector.broadcast %get3A_59 : vector<1x256xf32> to vector<512x256xf32>
    %add3A_61 = arith.addf %mul3A_54, %add3A_60 : vector<512x256xf32>
    %max3A_62 = arith.constant 0.000000e+00 : f32
    %max3A_63 = vector.broadcast %max3A_62 : f32 to vector<512x256xf32>
    %max3A_64 = arith.maximumf %add3A_61, %max3A_63 : vector<512x256xf32>
    %concatenate3A = tpu.concatenate %max3A_31, %max3A_64 in 1 : vector<512x256xf32>, vector<512x256xf32> -> vector<512x512xf32>
    %get3A_65 = arith.constant 0 : index
    %get3A_66 = arith.constant 0 : index
    %get3A_67 = vector.load %arg5[%get3A_65, %get3A_66] : memref<512x512xf32, #tpu.memory_space<vmem>>, vector<512x512xf32>
    %dot_general3A = arith.constant dense<0.000000e+00> : vector<512x512xf32>
    %dot_general3A_68 = tpu.matmul %concatenate3A, %get3A_67, %dot_general3A {dimension_numbers = #tpu.dot_dimension_numbers<[1], [0], [0], [1], [0, 0, 1, 1], [], []>, transpose_lhs_hint = false} : vector<512x512xf32>, vector<512x512xf32>, vector<512x512xf32> -> vector<512x512xf32>
    %get3A_69 = arith.constant 0 : index
    %get3A_70 = arith.constant 0 : index
    %get3A_71 = vector.load %arg3[%get3A_69, %get3A_70] : memref<512x128xf32, #tpu.memory_space<vmem>>, vector<512x128xf32>
    %slice3A_72 = vector.extract_strided_slice %get3A_71 {offsets = [0, 0], sizes = [512, 1], strides = [1, 1]} : vector<512x128xf32> to vector<512x1xf32>
    %broadcast_in_dim3A_73 = vector.shape_cast %slice3A_72 : vector<512x1xf32> to vector<512x1xf32>
    %broadcast_in_dim3A_74 = vector.broadcast %broadcast_in_dim3A_73 : vector<512x1xf32> to vector<512x256xf32>
    %slice3A_75 = vector.extract_strided_slice %dot_general3A_68 {offsets = [0, 0], sizes = [512, 256], strides = [1, 1]} : vector<512x512xf32> to vector<512x256xf32>
    %mul3A_76 = arith.mulf %broadcast_in_dim3A_74, %slice3A_75 : vector<512x256xf32>
    %convert_element_type3A_77 = arith.truncf %mul3A_76 : vector<512x256xf32> to vector<512x256xbf16>
    %swap3A = arith.constant 0 : index
    %swap3A_78 = arith.constant 0 : index
    %swap3A_79 = arith.constant 0 : index
    %swap3A_80 = vector.load %arg6[%swap3A, %swap3A_78, %swap3A_79] : memref<2x512x256xbf16, #tpu.memory_space<vmem>>, vector<1x512x256xbf16>
    %swap3A_81 = vector.shape_cast %swap3A_80 : vector<1x512x256xbf16> to vector<512x256xbf16>
    %swap3A_82 = vector.shape_cast %convert_element_type3A_77 : vector<512x256xbf16> to vector<1x512x256xbf16>
    tpu.vector_store %arg6[%swap3A, %swap3A_78, %swap3A_79], %swap3A_82 {strides = array<i32>} : memref<2x512x256xbf16, #tpu.memory_space<vmem>>, vector<1x512x256xbf16>,
    %slice3A_83 = vector.extract_strided_slice %dot_general3A_68 {offsets = [0, 256], sizes = [512, 256], strides = [1, 1]} : vector<512x512xf32> to vector<512x256xf32>
    %mul3A_84 = arith.mulf %broadcast_in_dim3A_74, %slice3A_83 : vector<512x256xf32>
    %convert_element_type3A_85 = arith.truncf %mul3A_84 : vector<512x256xf32> to vector<512x256xbf16>
    %swap3A_86 = arith.constant 1 : index
    %swap3A_87 = arith.constant 0 : index
    %swap3A_88 = arith.constant 0 : index
    %swap3A_89 = vector.load %arg6[%swap3A_86, %swap3A_87, %swap3A_88] : memref<2x512x256xbf16, #tpu.memory_space<vmem>>, vector<1x512x256xbf16>
    %swap3A_90 = vector.shape_cast %swap3A_89 : vector<1x512x256xbf16> to vector<512x256xbf16>
    %swap3A_91 = vector.shape_cast %convert_element_type3A_85 : vector<512x256xbf16> to vector<1x512x256xbf16>
    tpu.vector_store %arg6[%swap3A_86, %swap3A_87, %swap3A_88], %swap3A_91 {strides = array<i32>} : memref<2x512x256xbf16, #tpu.memory_space<vmem>>, vector<1x512x256xbf16>,
    return
  }
  func.func @transform_0(%arg0: i32) -> (i32, i32, i32, i32) {
    %c0_i32 = arith.constant 0 : i32
    %c0_i32_0 = arith.constant 0 : i32
    %c0_i32_1 = arith.constant 0 : i32
    %c0_i32_2 = arith.constant 0 : i32
    return %c0_i32, %c0_i32_0, %arg0, %c0_i32_1 : i32, i32, i32, i32
  }
  func.func @transform_1(%arg0: i32) -> (i32, i32, i32) {
    %c0_i32 = arith.constant 0 : i32
    %c0_i32_0 = arith.constant 0 : i32
    %c0_i32_1 = arith.constant 0 : i32
    return %c0_i32, %arg0, %c0_i32_0 : i32, i32, i32
  }
  func.func @transform_2(%arg0: i32) -> (i32, i32) {
    %c0_i32 = arith.constant 0 : i32
    %c0_i32_0 = arith.constant 0 : i32
    return %arg0, %c0_i32 : i32, i32
  }
  func.func @transform_3(%arg0: i32) -> (i32, i32, i32) {
    %c0_i32 = arith.constant 0 : i32
    %c0_i32_0 = arith.constant 0 : i32
    %c0_i32_1 = arith.constant 0 : i32
    %c0_i32_2 = arith.constant 0 : i32
    return %c0_i32, %c0_i32_0, %c0_i32_1 : i32, i32, i32
  }
  func.func @transform_4(%arg0: i32) -> (i32, i32) {
    %c0_i32 = arith.constant 0 : i32
    %c0_i32_0 = arith.constant 0 : i32
    %c0_i32_1 = arith.constant 0 : i32
    return %c0_i32, %c0_i32_0 : i32, i32
  }
  func.func @transform_5(%arg0: i32) -> (i32, i32, i32) {
    %c0_i32 = arith.constant 0 : i32
    %c0_i32_0 = arith.constant 0 : i32
    %c0_i32_1 = arith.constant 0 : i32
    return %c0_i32, %arg0, %c0_i32_0 : i32, i32, i32
  }
}

module attributes {stable_mosaic.version = 14 : i64} {
  func.func @_pool_kernel(%arg0: i32, %arg1: memref<2x2x512x256xbf16, #tpu.memory_space<vmem>>, %arg2: memref<2x512x256xbf16, #tpu.memory_space<vmem>>, %arg3: memref<512x128xf32, #tpu.memory_space<vmem>>, %arg4: memref<2x1x256xf32, #tpu.memory_space<vmem>>, %arg5: memref<512x1xi32, #tpu.memory_space<vmem>>, %arg6: memref<4x128x128xf32, #tpu.memory_space<vmem>>, %arg7: memref<8x128xf32, #tpu.memory_space<vmem>>) attributes {dimension_semantics = [#tpu.dimension_semantics<arbitrary>], iteration_bounds = array<i64: 20>, scalar_prefetch = 0 : i64, scratch_operands = 0 : i64, tpu.core_type = #tpu.core_type<tc>, window_params = [{transform_indices = @transform_0, window_bounds = array<i64: 2, 2, 512, 256>}, {transform_indices = @transform_1, window_bounds = array<i64: 2, 512, 256>}, {transform_indices = @transform_2, window_bounds = array<i64: 512, 128>}, {pipeline_mode = #tpu.pipeline_mode<synchronous>, transform_indices = @transform_3, window_bounds = array<i64: 2, 1, 256>}, {transform_indices = @transform_4, window_bounds = array<i64: 512, 1>}, {pipeline_mode = #tpu.pipeline_mode<synchronous>, transform_indices = @transform_5, window_bounds = array<i64: 4, 128, 128>}, {pipeline_mode = #tpu.pipeline_mode<synchronous>, transform_indices = @transform_6, window_bounds = array<i64: 8, 128>}]} {
    %get3A = arith.constant 0 : index
    %get3A_0 = arith.constant 0 : index
    %get3A_1 = vector.load %arg3[%get3A, %get3A_0] : memref<512x128xf32, #tpu.memory_space<vmem>>, vector<512x128xf32>
    %slice3A = vector.extract_strided_slice %get3A_1 {offsets = [0, 0], sizes = [512, 1], strides = [1, 1]} : vector<512x128xf32> to vector<512x1xf32>
    %broadcast_in_dim3A = vector.shape_cast %slice3A : vector<512x1xf32> to vector<512x1xf32>
    %broadcast_in_dim3A_2 = vector.broadcast %broadcast_in_dim3A : vector<512x1xf32> to vector<512x256xf32>
    %get3A_3 = arith.constant 0 : index
    %get3A_4 = arith.constant 0 : index
    %get3A_5 = arith.constant 0 : index
    %get3A_6 = arith.constant 0 : index
    %get3A_7 = vector.load %arg1[%get3A_3, %get3A_4, %get3A_5, %get3A_6] : memref<2x2x512x256xbf16, #tpu.memory_space<vmem>>, vector<1x1x512x256xbf16>
    %get3A_8 = vector.shape_cast %get3A_7 : vector<1x1x512x256xbf16> to vector<512x256xbf16>
    %convert_element_type3A = arith.extf %get3A_8 : vector<512x256xbf16> to vector<512x256xf32>
    %get3A_9 = arith.constant 1 : index
    %get3A_10 = arith.constant 0 : index
    %get3A_11 = arith.constant 0 : index
    %get3A_12 = arith.constant 0 : index
    %get3A_13 = vector.load %arg1[%get3A_9, %get3A_10, %get3A_11, %get3A_12] : memref<2x2x512x256xbf16, #tpu.memory_space<vmem>>, vector<1x1x512x256xbf16>
    %get3A_14 = vector.shape_cast %get3A_13 : vector<1x1x512x256xbf16> to vector<512x256xbf16>
    %convert_element_type3A_15 = arith.extf %get3A_14 : vector<512x256xbf16> to vector<512x256xf32>
    %add3A = arith.addf %convert_element_type3A, %convert_element_type3A_15 : vector<512x256xf32>
    %get3A_16 = arith.constant 0 : index
    %get3A_17 = arith.constant 0 : index
    %get3A_18 = arith.constant 0 : index
    %get3A_19 = vector.load %arg2[%get3A_16, %get3A_17, %get3A_18] : memref<2x512x256xbf16, #tpu.memory_space<vmem>>, vector<1x512x256xbf16>
    %get3A_20 = vector.shape_cast %get3A_19 : vector<1x512x256xbf16> to vector<512x256xbf16>
    %convert_element_type3A_21 = arith.extf %get3A_20 : vector<512x256xbf16> to vector<512x256xf32>
    %add3A_22 = arith.addf %add3A, %convert_element_type3A_21 : vector<512x256xf32>
    %mul3A = arith.mulf %broadcast_in_dim3A_2, %add3A_22 : vector<512x256xf32>
    %get3A_23 = arith.constant 0 : index
    %get3A_24 = arith.constant 0 : index
    %get3A_25 = arith.constant 0 : index
    %get3A_26 = vector.load %arg4[%get3A_23, %get3A_24, %get3A_25] : memref<2x1x256xf32, #tpu.memory_space<vmem>>, vector<1x1x256xf32>
    %get3A_27 = vector.shape_cast %get3A_26 : vector<1x1x256xf32> to vector<1x256xf32>
    %add3A_28 = vector.broadcast %get3A_27 : vector<1x256xf32> to vector<512x256xf32>
    %add3A_29 = arith.addf %mul3A, %add3A_28 : vector<512x256xf32>
    %max3A = arith.constant 0.000000e+00 : f32
    %max3A_30 = vector.broadcast %max3A : f32 to vector<512x256xf32>
    %max3A_31 = arith.maximumf %add3A_29, %max3A_30 : vector<512x256xf32>
    %get3A_32 = arith.constant 0 : index
    %get3A_33 = arith.constant 1 : index
    %get3A_34 = arith.constant 0 : index
    %get3A_35 = arith.constant 0 : index
    %get3A_36 = vector.load %arg1[%get3A_32, %get3A_33, %get3A_34, %get3A_35] : memref<2x2x512x256xbf16, #tpu.memory_space<vmem>>, vector<1x1x512x256xbf16>
    %get3A_37 = vector.shape_cast %get3A_36 : vector<1x1x512x256xbf16> to vector<512x256xbf16>
    %convert_element_type3A_38 = arith.extf %get3A_37 : vector<512x256xbf16> to vector<512x256xf32>
    %get3A_39 = arith.constant 1 : index
    %get3A_40 = arith.constant 1 : index
    %get3A_41 = arith.constant 0 : index
    %get3A_42 = arith.constant 0 : index
    %get3A_43 = vector.load %arg1[%get3A_39, %get3A_40, %get3A_41, %get3A_42] : memref<2x2x512x256xbf16, #tpu.memory_space<vmem>>, vector<1x1x512x256xbf16>
    %get3A_44 = vector.shape_cast %get3A_43 : vector<1x1x512x256xbf16> to vector<512x256xbf16>
    %convert_element_type3A_45 = arith.extf %get3A_44 : vector<512x256xbf16> to vector<512x256xf32>
    %add3A_46 = arith.addf %convert_element_type3A_38, %convert_element_type3A_45 : vector<512x256xf32>
    %get3A_47 = arith.constant 1 : index
    %get3A_48 = arith.constant 0 : index
    %get3A_49 = arith.constant 0 : index
    %get3A_50 = vector.load %arg2[%get3A_47, %get3A_48, %get3A_49] : memref<2x512x256xbf16, #tpu.memory_space<vmem>>, vector<1x512x256xbf16>
    %get3A_51 = vector.shape_cast %get3A_50 : vector<1x512x256xbf16> to vector<512x256xbf16>
    %convert_element_type3A_52 = arith.extf %get3A_51 : vector<512x256xbf16> to vector<512x256xf32>
    %add3A_53 = arith.addf %add3A_46, %convert_element_type3A_52 : vector<512x256xf32>
    %mul3A_54 = arith.mulf %broadcast_in_dim3A_2, %add3A_53 : vector<512x256xf32>
    %get3A_55 = arith.constant 1 : index
    %get3A_56 = arith.constant 0 : index
    %get3A_57 = arith.constant 0 : index
    %get3A_58 = vector.load %arg4[%get3A_55, %get3A_56, %get3A_57] : memref<2x1x256xf32, #tpu.memory_space<vmem>>, vector<1x1x256xf32>
    %get3A_59 = vector.shape_cast %get3A_58 : vector<1x1x256xf32> to vector<1x256xf32>
    %add3A_60 = vector.broadcast %get3A_59 : vector<1x256xf32> to vector<512x256xf32>
    %add3A_61 = arith.addf %mul3A_54, %add3A_60 : vector<512x256xf32>
    %max3A_62 = arith.constant 0.000000e+00 : f32
    %max3A_63 = vector.broadcast %max3A_62 : f32 to vector<512x256xf32>
    %max3A_64 = arith.maximumf %add3A_61, %max3A_63 : vector<512x256xf32>
    %concatenate3A = tpu.concatenate %max3A_31, %max3A_64 in 1 : vector<512x256xf32>, vector<512x256xf32> -> vector<512x512xf32>
    %iota3A = tpu.iota {dimensions = array<i32: 1>} : vector<512x128xi32>
    %get3A_65 = arith.constant 0 : index
    %get3A_66 = arith.constant 0 : index
    %get3A_67 = vector.load %arg5[%get3A_65, %get3A_66] : memref<512x1xi32, #tpu.memory_space<vmem>>, vector<512x1xi32>
    %eq3A = vector.broadcast %get3A_67 : vector<512x1xi32> to vector<512x128xi32>
    %eq3A_68 = arith.cmpi eq, %eq3A, %iota3A : vector<512x128xi32>
    %convert_element_type3A_69 = arith.extui %eq3A_68 : vector<512x128xi1> to vector<512x128xi32>
    %convert_element_type3A_70 = arith.sitofp %convert_element_type3A_69 : vector<512x128xi32> to vector<512x128xf32>
    %eq3A_71 = arith.constant 0 : i32
    %eq3A_72 = arith.cmpi eq, %arg0, %eq3A_71 : i32
    %convert_element_type3A_73 = arith.extui %eq3A_72 : i1 to i32
    %cond3A = arith.constant 0 : i32
    %cond3A_74 = arith.cmpi ne, %convert_element_type3A_73, %cond3A : i32
    scf.if %cond3A_74 {
      %broadcast_in_dim3A_136 = arith.constant 0.000000e+00 : f32
      %broadcast_in_dim3A_137 = vector.broadcast %broadcast_in_dim3A_136 : f32 to vector<4x128x128xf32>
      %swap3A_138 = arith.constant 0 : index
      %swap3A_139 = arith.constant 0 : index
      %swap3A_140 = arith.constant 0 : index
      %swap3A_141 = vector.load %arg6[%swap3A_138, %swap3A_139, %swap3A_140] : memref<4x128x128xf32, #tpu.memory_space<vmem>>, vector<4x128x128xf32>
      tpu.vector_store %arg6[%swap3A_138, %swap3A_139, %swap3A_140], %broadcast_in_dim3A_137 {strides = array<i32>} : memref<4x128x128xf32, #tpu.memory_space<vmem>>, vector<4x128x128xf32>,
      %broadcast_in_dim3A_142 = arith.constant 0.000000e+00 : f32
      %broadcast_in_dim3A_143 = vector.broadcast %broadcast_in_dim3A_142 : f32 to vector<8x128xf32>
      %swap3A_144 = arith.constant 0 : index
      %swap3A_145 = arith.constant 0 : index
      %swap3A_146 = vector.load %arg7[%swap3A_144, %swap3A_145] : memref<8x128xf32, #tpu.memory_space<vmem>>, vector<8x128xf32>
      tpu.vector_store %arg7[%swap3A_144, %swap3A_145], %broadcast_in_dim3A_143 {strides = array<i32>} : memref<8x128xf32, #tpu.memory_space<vmem>>, vector<8x128xf32>,
    } else {
    }
    %dot_general3A = arith.constant dense<0.000000e+00> : vector<512x128xf32>
    %dot_general3A_75 = tpu.matmul %concatenate3A, %convert_element_type3A_70, %dot_general3A {dimension_numbers = #tpu.dot_dimension_numbers<[0], [0], [1], [1], [0, 1, 1, 1], [], []>, transpose_lhs_hint = false} : vector<512x512xf32>, vector<512x128xf32>, vector<512x128xf32> -> vector<512x128xf32>
    %get3A_76 = arith.constant 0 : index
    %get3A_77 = arith.constant 0 : index
    %get3A_78 = arith.constant 0 : index
    %get3A_79 = vector.load %arg6[%get3A_76, %get3A_77, %get3A_78] : memref<4x128x128xf32, #tpu.memory_space<vmem>>, vector<1x128x128xf32>
    %get3A_80 = vector.shape_cast %get3A_79 : vector<1x128x128xf32> to vector<128x128xf32>
    %slice3A_81 = vector.extract_strided_slice %dot_general3A_75 {offsets = [0, 0], sizes = [128, 128], strides = [1, 1]} : vector<512x128xf32> to vector<128x128xf32>
    %add3A_82 = arith.addf %get3A_80, %slice3A_81 : vector<128x128xf32>
    %swap3A = arith.constant 0 : index
    %swap3A_83 = arith.constant 0 : index
    %swap3A_84 = arith.constant 0 : index
    %swap3A_85 = vector.load %arg6[%swap3A, %swap3A_83, %swap3A_84] : memref<4x128x128xf32, #tpu.memory_space<vmem>>, vector<1x128x128xf32>
    %swap3A_86 = vector.shape_cast %swap3A_85 : vector<1x128x128xf32> to vector<128x128xf32>
    %swap3A_87 = vector.shape_cast %add3A_82 : vector<128x128xf32> to vector<1x128x128xf32>
    tpu.vector_store %arg6[%swap3A, %swap3A_83, %swap3A_84], %swap3A_87 {strides = array<i32>} : memref<4x128x128xf32, #tpu.memory_space<vmem>>, vector<1x128x128xf32>,
    %get3A_88 = arith.constant 1 : index
    %get3A_89 = arith.constant 0 : index
    %get3A_90 = arith.constant 0 : index
    %get3A_91 = vector.load %arg6[%get3A_88, %get3A_89, %get3A_90] : memref<4x128x128xf32, #tpu.memory_space<vmem>>, vector<1x128x128xf32>
    %get3A_92 = vector.shape_cast %get3A_91 : vector<1x128x128xf32> to vector<128x128xf32>
    %slice3A_93 = vector.extract_strided_slice %dot_general3A_75 {offsets = [128, 0], sizes = [128, 128], strides = [1, 1]} : vector<512x128xf32> to vector<128x128xf32>
    %add3A_94 = arith.addf %get3A_92, %slice3A_93 : vector<128x128xf32>
    %swap3A_95 = arith.constant 1 : index
    %swap3A_96 = arith.constant 0 : index
    %swap3A_97 = arith.constant 0 : index
    %swap3A_98 = vector.load %arg6[%swap3A_95, %swap3A_96, %swap3A_97] : memref<4x128x128xf32, #tpu.memory_space<vmem>>, vector<1x128x128xf32>
    %swap3A_99 = vector.shape_cast %swap3A_98 : vector<1x128x128xf32> to vector<128x128xf32>
    %swap3A_100 = vector.shape_cast %add3A_94 : vector<128x128xf32> to vector<1x128x128xf32>
    tpu.vector_store %arg6[%swap3A_95, %swap3A_96, %swap3A_97], %swap3A_100 {strides = array<i32>} : memref<4x128x128xf32, #tpu.memory_space<vmem>>, vector<1x128x128xf32>,
    %get3A_101 = arith.constant 2 : index
    %get3A_102 = arith.constant 0 : index
    %get3A_103 = arith.constant 0 : index
    %get3A_104 = vector.load %arg6[%get3A_101, %get3A_102, %get3A_103] : memref<4x128x128xf32, #tpu.memory_space<vmem>>, vector<1x128x128xf32>
    %get3A_105 = vector.shape_cast %get3A_104 : vector<1x128x128xf32> to vector<128x128xf32>
    %slice3A_106 = vector.extract_strided_slice %dot_general3A_75 {offsets = [256, 0], sizes = [128, 128], strides = [1, 1]} : vector<512x128xf32> to vector<128x128xf32>
    %add3A_107 = arith.addf %get3A_105, %slice3A_106 : vector<128x128xf32>
    %swap3A_108 = arith.constant 2 : index
    %swap3A_109 = arith.constant 0 : index
    %swap3A_110 = arith.constant 0 : index
    %swap3A_111 = vector.load %arg6[%swap3A_108, %swap3A_109, %swap3A_110] : memref<4x128x128xf32, #tpu.memory_space<vmem>>, vector<1x128x128xf32>
    %swap3A_112 = vector.shape_cast %swap3A_111 : vector<1x128x128xf32> to vector<128x128xf32>
    %swap3A_113 = vector.shape_cast %add3A_107 : vector<128x128xf32> to vector<1x128x128xf32>
    tpu.vector_store %arg6[%swap3A_108, %swap3A_109, %swap3A_110], %swap3A_113 {strides = array<i32>} : memref<4x128x128xf32, #tpu.memory_space<vmem>>, vector<1x128x128xf32>,
    %get3A_114 = arith.constant 3 : index
    %get3A_115 = arith.constant 0 : index
    %get3A_116 = arith.constant 0 : index
    %get3A_117 = vector.load %arg6[%get3A_114, %get3A_115, %get3A_116] : memref<4x128x128xf32, #tpu.memory_space<vmem>>, vector<1x128x128xf32>
    %get3A_118 = vector.shape_cast %get3A_117 : vector<1x128x128xf32> to vector<128x128xf32>
    %slice3A_119 = vector.extract_strided_slice %dot_general3A_75 {offsets = [384, 0], sizes = [128, 128], strides = [1, 1]} : vector<512x128xf32> to vector<128x128xf32>
    %add3A_120 = arith.addf %get3A_118, %slice3A_119 : vector<128x128xf32>
    %swap3A_121 = arith.constant 3 : index
    %swap3A_122 = arith.constant 0 : index
    %swap3A_123 = arith.constant 0 : index
    %swap3A_124 = vector.load %arg6[%swap3A_121, %swap3A_122, %swap3A_123] : memref<4x128x128xf32, #tpu.memory_space<vmem>>, vector<1x128x128xf32>
    %swap3A_125 = vector.shape_cast %swap3A_124 : vector<1x128x128xf32> to vector<128x128xf32>
    %swap3A_126 = vector.shape_cast %add3A_120 : vector<128x128xf32> to vector<1x128x128xf32>
    tpu.vector_store %arg6[%swap3A_121, %swap3A_122, %swap3A_123], %swap3A_126 {strides = array<i32>} : memref<4x128x128xf32, #tpu.memory_space<vmem>>, vector<1x128x128xf32>,
    %get3A_127 = arith.constant 0 : index
    %get3A_128 = arith.constant 0 : index
    %get3A_129 = vector.load %arg7[%get3A_127, %get3A_128] : memref<8x128xf32, #tpu.memory_space<vmem>>, vector<1x128xf32>
    %reduce_sum3A = arith.constant dense<0.000000e+00> : vector<128xf32>
    %reduce_sum3A_130 = vector.multi_reduction <add>, %convert_element_type3A_70, %reduce_sum3A [0] : vector<512x128xf32> to vector<128xf32>
    %broadcast_in_dim3A_131 = vector.shape_cast %reduce_sum3A_130 : vector<128xf32> to vector<1x128xf32>
    %add3A_132 = arith.addf %get3A_129, %broadcast_in_dim3A_131 : vector<1x128xf32>
    %swap3A_133 = arith.constant 0 : index
    %swap3A_134 = arith.constant 0 : index
    %swap3A_135 = vector.load %arg7[%swap3A_133, %swap3A_134] : memref<8x128xf32, #tpu.memory_space<vmem>>, vector<1x128xf32>
    tpu.vector_store %arg7[%swap3A_133, %swap3A_134], %add3A_132 {strides = array<i32>} : memref<8x128xf32, #tpu.memory_space<vmem>>, vector<1x128xf32>,
    return
  }
  func.func @transform_0(%arg0: i32) -> (i32, i32, i32, i32) {
    %c0_i32 = arith.constant 0 : i32
    %c0_i32_0 = arith.constant 0 : i32
    %c0_i32_1 = arith.constant 0 : i32
    %c0_i32_2 = arith.constant 0 : i32
    return %c0_i32, %c0_i32_0, %arg0, %c0_i32_1 : i32, i32, i32, i32
  }
  func.func @transform_1(%arg0: i32) -> (i32, i32, i32) {
    %c0_i32 = arith.constant 0 : i32
    %c0_i32_0 = arith.constant 0 : i32
    %c0_i32_1 = arith.constant 0 : i32
    return %c0_i32, %arg0, %c0_i32_0 : i32, i32, i32
  }
  func.func @transform_2(%arg0: i32) -> (i32, i32) {
    %c0_i32 = arith.constant 0 : i32
    %c0_i32_0 = arith.constant 0 : i32
    return %arg0, %c0_i32 : i32, i32
  }
  func.func @transform_3(%arg0: i32) -> (i32, i32, i32) {
    %c0_i32 = arith.constant 0 : i32
    %c0_i32_0 = arith.constant 0 : i32
    %c0_i32_1 = arith.constant 0 : i32
    %c0_i32_2 = arith.constant 0 : i32
    return %c0_i32, %c0_i32_0, %c0_i32_1 : i32, i32, i32
  }
  func.func @transform_4(%arg0: i32) -> (i32, i32) {
    %c0_i32 = arith.constant 0 : i32
    %c0_i32_0 = arith.constant 0 : i32
    return %arg0, %c0_i32 : i32, i32
  }
  func.func @transform_5(%arg0: i32) -> (i32, i32, i32) {
    %c0_i32 = arith.constant 0 : i32
    %c0_i32_0 = arith.constant 0 : i32
    %c0_i32_1 = arith.constant 0 : i32
    %c0_i32_2 = arith.constant 0 : i32
    return %c0_i32, %c0_i32_0, %c0_i32_1 : i32, i32, i32
  }
  func.func @transform_6(%arg0: i32) -> (i32, i32) {
    %c0_i32 = arith.constant 0 : i32
    %c0_i32_0 = arith.constant 0 : i32
    %c0_i32_1 = arith.constant 0 : i32
    return %c0_i32, %c0_i32_0 : i32, i32
  }
}

module attributes {stable_mosaic.version = 14 : i64} {
  func.func @_final_kernel(%arg0: i32, %arg1: memref<4x128x128xf32, #tpu.memory_space<vmem>>, %arg2: memref<4x128x64xf32, #tpu.memory_space<vmem>>, %arg3: memref<128x1xf32, #tpu.memory_space<vmem>>, %arg4: memref<1x64xf32, #tpu.memory_space<vmem>>, %arg5: memref<128x64xf32, #tpu.memory_space<vmem>>) attributes {dimension_semantics = [#tpu.dimension_semantics<arbitrary>], iteration_bounds = array<i64: 1>, scalar_prefetch = 0 : i64, scratch_operands = 0 : i64, tpu.core_type = #tpu.core_type<tc>, window_params = [{pipeline_mode = #tpu.pipeline_mode<synchronous>, transform_indices = @transform_0, window_bounds = array<i64: 4, 128, 128>}, {pipeline_mode = #tpu.pipeline_mode<synchronous>, transform_indices = @transform_1, window_bounds = array<i64: 4, 128, 64>}, {pipeline_mode = #tpu.pipeline_mode<synchronous>, transform_indices = @transform_2, window_bounds = array<i64: 128, 1>}, {pipeline_mode = #tpu.pipeline_mode<synchronous>, transform_indices = @transform_3, window_bounds = array<i64: 1, 64>}, {pipeline_mode = #tpu.pipeline_mode<synchronous>, transform_indices = @transform_4, window_bounds = array<i64: 128, 64>}]} {
    %broadcast_in_dim3A = arith.constant 0.000000e+00 : f32
    %broadcast_in_dim3A_0 = vector.broadcast %broadcast_in_dim3A : f32 to vector<128x64xf32>
    %get3A = arith.constant 0 : index
    %get3A_1 = arith.constant 0 : index
    %get3A_2 = arith.constant 0 : index
    %get3A_3 = vector.load %arg1[%get3A, %get3A_1, %get3A_2] : memref<4x128x128xf32, #tpu.memory_space<vmem>>, vector<1x128x128xf32>
    %get3A_4 = vector.shape_cast %get3A_3 : vector<1x128x128xf32> to vector<128x128xf32>
    %get3A_5 = arith.constant 0 : index
    %get3A_6 = arith.constant 0 : index
    %get3A_7 = arith.constant 0 : index
    %get3A_8 = vector.load %arg2[%get3A_5, %get3A_6, %get3A_7] : memref<4x128x64xf32, #tpu.memory_space<vmem>>, vector<1x128x64xf32>
    %get3A_9 = vector.shape_cast %get3A_8 : vector<1x128x64xf32> to vector<128x64xf32>
    %dot_general3A = arith.constant dense<0.000000e+00> : vector<128x64xf32>
    %dot_general3A_10 = tpu.matmul %get3A_4, %get3A_9, %dot_general3A {dimension_numbers = #tpu.dot_dimension_numbers<[0], [0], [1], [1], [0, 1, 1, 1], [], []>, transpose_lhs_hint = false} : vector<128x128xf32>, vector<128x64xf32>, vector<128x64xf32> -> vector<128x64xf32>
    %add3A = arith.addf %broadcast_in_dim3A_0, %dot_general3A_10 : vector<128x64xf32>
    %get3A_11 = arith.constant 1 : index
    %get3A_12 = arith.constant 0 : index
    %get3A_13 = arith.constant 0 : index
    %get3A_14 = vector.load %arg1[%get3A_11, %get3A_12, %get3A_13] : memref<4x128x128xf32, #tpu.memory_space<vmem>>, vector<1x128x128xf32>
    %get3A_15 = vector.shape_cast %get3A_14 : vector<1x128x128xf32> to vector<128x128xf32>
    %get3A_16 = arith.constant 1 : index
    %get3A_17 = arith.constant 0 : index
    %get3A_18 = arith.constant 0 : index
    %get3A_19 = vector.load %arg2[%get3A_16, %get3A_17, %get3A_18] : memref<4x128x64xf32, #tpu.memory_space<vmem>>, vector<1x128x64xf32>
    %get3A_20 = vector.shape_cast %get3A_19 : vector<1x128x64xf32> to vector<128x64xf32>
    %dot_general3A_21 = arith.constant dense<0.000000e+00> : vector<128x64xf32>
    %dot_general3A_22 = tpu.matmul %get3A_15, %get3A_20, %dot_general3A_21 {dimension_numbers = #tpu.dot_dimension_numbers<[0], [0], [1], [1], [0, 1, 1, 1], [], []>, transpose_lhs_hint = false} : vector<128x128xf32>, vector<128x64xf32>, vector<128x64xf32> -> vector<128x64xf32>
    %add3A_23 = arith.addf %add3A, %dot_general3A_22 : vector<128x64xf32>
    %get3A_24 = arith.constant 2 : index
    %get3A_25 = arith.constant 0 : index
    %get3A_26 = arith.constant 0 : index
    %get3A_27 = vector.load %arg1[%get3A_24, %get3A_25, %get3A_26] : memref<4x128x128xf32, #tpu.memory_space<vmem>>, vector<1x128x128xf32>
    %get3A_28 = vector.shape_cast %get3A_27 : vector<1x128x128xf32> to vector<128x128xf32>
    %get3A_29 = arith.constant 2 : index
    %get3A_30 = arith.constant 0 : index
    %get3A_31 = arith.constant 0 : index
    %get3A_32 = vector.load %arg2[%get3A_29, %get3A_30, %get3A_31] : memref<4x128x64xf32, #tpu.memory_space<vmem>>, vector<1x128x64xf32>
    %get3A_33 = vector.shape_cast %get3A_32 : vector<1x128x64xf32> to vector<128x64xf32>
    %dot_general3A_34 = arith.constant dense<0.000000e+00> : vector<128x64xf32>
    %dot_general3A_35 = tpu.matmul %get3A_28, %get3A_33, %dot_general3A_34 {dimension_numbers = #tpu.dot_dimension_numbers<[0], [0], [1], [1], [0, 1, 1, 1], [], []>, transpose_lhs_hint = false} : vector<128x128xf32>, vector<128x64xf32>, vector<128x64xf32> -> vector<128x64xf32>
    %add3A_36 = arith.addf %add3A_23, %dot_general3A_35 : vector<128x64xf32>
    %get3A_37 = arith.constant 3 : index
    %get3A_38 = arith.constant 0 : index
    %get3A_39 = arith.constant 0 : index
    %get3A_40 = vector.load %arg1[%get3A_37, %get3A_38, %get3A_39] : memref<4x128x128xf32, #tpu.memory_space<vmem>>, vector<1x128x128xf32>
    %get3A_41 = vector.shape_cast %get3A_40 : vector<1x128x128xf32> to vector<128x128xf32>
    %get3A_42 = arith.constant 3 : index
    %get3A_43 = arith.constant 0 : index
    %get3A_44 = arith.constant 0 : index
    %get3A_45 = vector.load %arg2[%get3A_42, %get3A_43, %get3A_44] : memref<4x128x64xf32, #tpu.memory_space<vmem>>, vector<1x128x64xf32>
    %get3A_46 = vector.shape_cast %get3A_45 : vector<1x128x64xf32> to vector<128x64xf32>
    %dot_general3A_47 = arith.constant dense<0.000000e+00> : vector<128x64xf32>
    %dot_general3A_48 = tpu.matmul %get3A_41, %get3A_46, %dot_general3A_47 {dimension_numbers = #tpu.dot_dimension_numbers<[0], [0], [1], [1], [0, 1, 1, 1], [], []>, transpose_lhs_hint = false} : vector<128x128xf32>, vector<128x64xf32>, vector<128x64xf32> -> vector<128x64xf32>
    %add3A_49 = arith.addf %add3A_36, %dot_general3A_48 : vector<128x64xf32>
    %get3A_50 = arith.constant 0 : index
    %get3A_51 = arith.constant 0 : index
    %get3A_52 = vector.load %arg3[%get3A_50, %get3A_51] : memref<128x1xf32, #tpu.memory_space<vmem>>, vector<128x1xf32>
    %max3A = arith.constant 1.000000e+00 : f32
    %max3A_53 = vector.broadcast %max3A : f32 to vector<128x1xf32>
    %max3A_54 = arith.maximumf %get3A_52, %max3A_53 : vector<128x1xf32>
    %div3A = arith.constant 1.000000e+00 : f32
    %div3A_55 = vector.broadcast %div3A : f32 to vector<128x1xf32>
    %div3A_56 = arith.divf %div3A_55, %max3A_54 : vector<128x1xf32>
    %mul3A = vector.broadcast %div3A_56 : vector<128x1xf32> to vector<128x64xf32>
    %mul3A_57 = arith.mulf %add3A_49, %mul3A : vector<128x64xf32>
    %get3A_58 = arith.constant 0 : index
    %get3A_59 = arith.constant 0 : index
    %get3A_60 = vector.load %arg4[%get3A_58, %get3A_59] : memref<1x64xf32, #tpu.memory_space<vmem>>, vector<1x64xf32>
    %add3A_61 = vector.broadcast %get3A_60 : vector<1x64xf32> to vector<128x64xf32>
    %add3A_62 = arith.addf %mul3A_57, %add3A_61 : vector<128x64xf32>
    %swap3A = arith.constant 0 : index
    %swap3A_63 = arith.constant 0 : index
    %swap3A_64 = vector.load %arg5[%swap3A, %swap3A_63] : memref<128x64xf32, #tpu.memory_space<vmem>>, vector<128x64xf32>
    tpu.vector_store %arg5[%swap3A, %swap3A_63], %add3A_62 {strides = array<i32>} : memref<128x64xf32, #tpu.memory_space<vmem>>, vector<128x64xf32>,
    return
  }
  func.func @transform_0(%arg0: i32) -> (i32, i32, i32) {
    %c0_i32 = arith.constant 0 : i32
    %c0_i32_0 = arith.constant 0 : i32
    %c0_i32_1 = arith.constant 0 : i32
    %c0_i32_2 = arith.constant 0 : i32
    return %c0_i32, %c0_i32_0, %c0_i32_1 : i32, i32, i32
  }
  func.func @transform_1(%arg0: i32) -> (i32, i32, i32) {
    %c0_i32 = arith.constant 0 : i32
    %c0_i32_0 = arith.constant 0 : i32
    %c0_i32_1 = arith.constant 0 : i32
    %c0_i32_2 = arith.constant 0 : i32
    return %c0_i32, %c0_i32_0, %c0_i32_1 : i32, i32, i32
  }
  func.func @transform_2(%arg0: i32) -> (i32, i32) {
    %c0_i32 = arith.constant 0 : i32
    %c0_i32_0 = arith.constant 0 : i32
    %c0_i32_1 = arith.constant 0 : i32
    return %c0_i32, %c0_i32_0 : i32, i32
  }
  func.func @transform_3(%arg0: i32) -> (i32, i32) {
    %c0_i32 = arith.constant 0 : i32
    %c0_i32_0 = arith.constant 0 : i32
    %c0_i32_1 = arith.constant 0 : i32
    return %c0_i32, %c0_i32_0 : i32, i32
  }
  func.func @transform_4(%arg0: i32) -> (i32, i32) {
    %c0_i32 = arith.constant 0 : i32
    %c0_i32_0 = arith.constant 0 : i32
    %c0_i32_1 = arith.constant 0 : i32
    return %c0_i32, %c0_i32_0 : i32, i32
  }
}

</mosaic_0001>

<sc_bundles>
// kernel: kernel.12.cloned.1.call-start
scs
__scs_entry_jumppad:
0x0: {  	(pc) =	sbr.rel $0x88, $3  }
0x1: {  	(tag) =	ssettag $0x0;
	lr =	simm.s32 $0x1  }
0x2: {  	[smem:$0x3F96] =	sst lr;
	_ =	strace $0xD0000000  }
0x3: {  	_ = 	snop  }
0x4: {  	_ = 	snop  }
0x5: {  	_ = 	snop  }
0x6: {  	_ = 	snop  }
0x7: {  	_ = 	snop  }
__scs_overlays_trampoline_lowered:
0x8: {  	[smem:$0x3FA5] =	sst s0  }
0x9: {  	[smem:$0x3FA6] =	sst s1  }
0xa: {  	[smem:$0x3FA7] =	sst s2  }
0xb: {  	[smem:$0x3FA8] =	sst s3  }
0xc: {  	[smem:$0x3FA9] =	sst s4  }
0xd: {  	[smem:$0x3FAA] =	sst s5  }
0xe: {  	[smem:$0x3FAB] =	sst s6  }
0xf: {  	[smem:$0x3FAC] =	sst s7  }
0x10: {  	[smem:$0x3FAD] =	sst s8  }
0x11: {  	[smem:$0x3FAE] =	sst s9;
	s0 =	simm.s32 @!p0 $0x0  }
0x12: {  	s1 =	sld [smem:$0x3F94];
	s0 =	simm.s32 @p0 $0x1  }
0x13: {  	[smem:$0x3FAF] =	sst s0;
	s0 =	simm.s32 @!p1 $0x0  }
0x14: {  	s2 =	sld [smem:$0x3F93];
	s0 =	simm.s32 @p1 $0x1  }
0x15: {  	[smem:$0x3FB0] =	sst s0;
	s0 =	simm.s32 @!p2 $0x0  }
0x16: {  	s3 =	sld [smem:$0x3FDB];
	s0 =	simm.s32 @p2 $0x1  }
0x17: {  	s4 =	simm.s32 $0x1BF5;
	[smem:$0x3FB2] =	sst s0  }
0x18: {  	s0 =	sld [smem:$0x3F95];
	_ =	swait.ge [sflag:s4], $0x0  }
0x19: {  	s7 =	sld [smem:$0x3F96]  }
0x1a: {  	s8 =	sadd.s32 $0xFFFFE003, lr  }
0x1b: {  	s9 =	sadd.s32 $0xFFFFFEF7, lr;
	s5 =	simm.s32 $0xFFFFFFFF;
	p2 =	slt.u32 s8, $0xFFFFF086  }
0x1c: {  	p1 =	slt.u32 s9, $0xF7A;
	s5 =	simm.s32 @!p2 $0x0  }
0x1d: {  	s5 =	simm.s32 @p1 $0x1;
	p0 =	seq.s32 s7, s2  }
0x1e: {  	s7 =	smul.u32 @!p0 $0xF7A, s2;
	p2 =	seq.s32 @!p0 s5, $0x0  }
0x1f: {  	s9 =	smul.u32 $0xF7A, s1;
	s8 =	simm.s32 @!p0 $0x1BF5;
	p2 =	por !p2, p0  }
0x20: {  	[sflag:s8] =	ssyncset.s32 @!p0 $0xFFFFF086;
	s6 =	sadd.s32 @!p0 s3, s7;
	s7 =	simm.s32 @!p0 $0x108  }
0x21: {  	s3 =	sadd.s32 s3, s9;
	s6 =	sadd.s32 @!p0 $0x88, s6;
	s7 =	simm.s32 @p2 $0x1082  }
0x22: {  	[simem:s7], [sflag:s8] =	dma.local @!p0 [hbm:s6], $0xF7A  }
0x23: {  	s9 =	sor.u32 $0xD0000000, s2;
	s6 =	simm.s32 $0x108;
	_ =	swait.ge @!p0 [sflag:s8], $0x0  }
0x24: {  	s3 =	sadd.s32 $0x88, s3;
	s6 =	simm.s32 @!p1 $0x1082;
	[sflag:s4] =	ssyncset.s32 $0xFFFFF086  }
0x25: {  	[simem:s6], [sflag:s4] =	dma.local [hbm:s3], $0xF7A  }
0x26: {  	[smem:$0x3F96] =	sst s1;
	(tag) =	ssettag s2;
	_ =	strace s9  }
0x27: {  	s1 =	sld [smem:$0x3FA6]  }
0x28: {  	s2 =	sld [smem:$0x3FA7]  }
0x29: {  	s4 =	sld [smem:$0x3FA9]  }
0x2a: {  	p0 =	seq.s32 s5, $0x0;
	s5 =	sld [smem:$0x3FAA]  }
0x2b: {  	s6 =	sld [smem:$0x3FAB]  }
0x2c: {  	s7 =	sld [smem:$0x3FAC]  }
0x2d: {  	s3 =	simm.s32 $0x108;
	s8 =	sld [smem:$0x3FAD]  }
0x2e: {  	s3 =	simm.s32 @!p0 $0x1082;
	s9 =	sld [smem:$0x3FAE]  }
0x2f: {  	lr =	sadd.s32 s0, s3;
	s0 =	sld [smem:$0x3FA5]  }
0x30: {  	s3 =	sld [smem:$0x3FA8]  }
0x31: {  	[smem:$0x3FB1] =	sst s10  }
0x32: {  	s10 =	sld [smem:$0x3FAF];
	_ =	sdelay $0x3  }
0x33: {  	p0 =	seq.s32 s10, $0x1;
	s10 =	sld [smem:$0x3FB1];
	_ =	sdelay $0x3  }
0x34: {  	[smem:$0x3FB1] =	sst s10  }
0x35: {  	s10 =	sld [smem:$0x3FB0];
	_ =	sdelay $0x3  }
0x36: {  	p1 =	seq.s32 s10, $0x1;
	s10 =	sld [smem:$0x3FB1];
	_ =	sdelay $0x3  }
0x37: {  	[smem:$0x3FB1] =	sst s10  }
0x38: {  	s10 =	sld [smem:$0x3FB2]  }
0x39: {  	_ = 	snop;
	(pc) =	sbr.ind lr, $3  }
0x3a: {  	_ = 	snop  }
0x3b: {  	_ = 	snop  }
0x3c: {  	p2 =	seq.s32 s10, $0x1;
	s10 =	sld [smem:$0x3FB1]  }
0x3d: {  	_ =	shalt  }
0x3e: {  	_ =	shalt  }
0x3f: {  	_ =	shalt  }
0x40: {  	_ =	shalt  }
0x41: {  	_ =	shalt  }
0x42: {  	_ =	shalt  }
0x43: {  	_ =	shalt  }
0x44: {  	_ =	shalt  }
0x45: {  	_ =	shalt  }
0x46: {  	_ =	shalt  }
0x47: {  	_ =	shalt  }
0x48: {  	_ =	shalt  }
0x49: {  	_ =	shalt  }
0x4a: {  	_ =	shalt  }
0x4b: {  	_ =	shalt  }
0x4c: {  	_ =	shalt  }
0x4d: {  	_ =	shalt  }
0x4e: {  	_ =	shalt  }
0x4f: {  	_ =	shalt  }
0x50: {  	_ =	shalt  }
0x51: {  	_ =	shalt  }
0x52: {  	_ =	shalt  }
0x53: {  	_ =	shalt  }
0x54: {  	_ =	shalt  }
0x55: {  	_ =	shalt  }
0x56: {  	_ =	shalt  }
0x57: {  	_ =	shalt  }
0x58: {  	_ =	shalt  }
0x59: {  	_ =	shalt  }
0x5a: {  	_ =	shalt  }
0x5b: {  	_ =	shalt  }
0x5c: {  	_ =	shalt  }
0x5d: {  	_ =	shalt  }
0x5e: {  	_ =	shalt  }
0x5f: {  	_ =	shalt  }
0x60: {  	_ =	shalt  }
0x61: {  	_ =	shalt  }
0x62: {  	_ =	shalt  }
0x63: {  	_ =	shalt  }
0x64: {  	_ =	shalt  }
0x65: {  	_ =	shalt  }
0x66: {  	_ =	shalt  }
0x67: {  	_ =	shalt  }
0x68: {  	_ =	shalt  }
0x69: {  	_ =	shalt  }
0x6a: {  	_ =	shalt  }
0x6b: {  	_ =	shalt  }
0x6c: {  	_ =	shalt  }
0x6d: {  	_ =	shalt  }
0x6e: {  	_ =	shalt  }
0x6f: {  	_ =	shalt  }
0x70: {  	_ =	shalt  }
0x71: {  	_ =	shalt  }
0x72: {  	_ =	shalt  }
0x73: {  	_ =	shalt  }
0x74: {  	_ =	shalt  }
0x75: {  	_ =	shalt  }
0x76: {  	_ =	shalt  }
0x77: {  	_ =	shalt  }
0x78: {  	_ =	shalt  }
0x79: {  	_ =	shalt  }
0x7a: {  	_ =	shalt  }
0x7b: {  	_ =	shalt  }
0x7c: {  	_ =	shalt  }
0x7d: {  	_ =	shalt  }
0x7e: {  	_ =	shalt  }
0x7f: {  	_ =	shalt  }
0x80: {  	_ =	shalt  }
0x81: {  	_ =	shalt  }
0x82: {  	_ =	shalt  }
0x83: {  	_ =	shalt  }
0x84: {  	_ =	shalt  }
0x85: {  	_ =	shalt  }
0x86: {  	_ =	shalt  }
0x87: {  	_ =	shalt  }
.Lfunc_end0:
.L_simem_size_0:
called_computation_lowered:
.L_overlay_start_0:
0x88: {  	s2 =	sld [smem:$0x3FD9]  }
0x89: {  	s3 =	sld [smem:$0x3FFE];
	_ =	sdelay $0x1  }
0x8a: {  	s1 =	srdreg.scid  }
0x8b: {  	s0 =	sand.u32 $0x1, s1  }
0x8c: {  	s16 =	sshll.u32 s0, $0xA;
	s2 =	sadd.s32 s3, s2  }
0x8d: {  	s2 =	sadd.s32 s2, s16  }
0x8e: {  	[smem:$0x3FBD] =	sst s2  }
0x8f: {  	_ = 	snop  }
0x90: {  	(tm) =	ssettm $0x1  }
0x91: {  	s17 =	sld [smem:$0x3FFB];
	_ =	sdelay $0x3  }
0x92: {  	_ =	strace s17  }
0x93: {  	s2 =	sld [smem:$0x3FFC];
	_ =	sdelay $0x3  }
0x94: {  	_ =	strace s2  }
0x95: {  	s2 =	sld [smem:$0x3FFD];
	_ =	sdelay $0x3  }
0x96: {  	_ =	strace s2  }
0x97: {  	_ =	strace $0x8FFFFFFF  }
0x98: {  	s18 =	sld [smem:$0x3FDB];
	_ =	sdelay $0x1  }
0x99: {  	s19 =	simm.s32 $_scs_section_size  }
0x9a: {  	s4 =	simm.s32 $_size__tile_overlayer_lowered;
	s5 =	simm.s32 $_tile_overlayer_lowered  }
0x9b: {  	s22 =	simm.s32 $0x1BFF;
	s21 =	sshll.u32 s5, $0x1;
	s2 =	sadd.s32 s19, s18  }
0x9c: {  	s6 =	simm.s32 $0x0;
	s20 =	sshll.u32 s4, $0x1;
	s4 =	sadd.s32 s21, s2  }
0x9d: {  	[timem:s6], [sflag:s22] =	dma.local [hbm:s4], s20  }
0x9e: {  	_ =	swait.ge [sflag:s22], s20  }
0x9f: {  	s3 =	ssub.s32 $0x0, s20;
	[sflag:s22] =	ssyncset.done $0x0  }
0xa0: {  	[sflag:s22] =	ssyncadd.s32 s3;
	_ =	sdelay $0x1  }
0xa1: {  	s23 =	simm.s32 $0x1B8B  }
0xa2: {  	_ =	swait.ge [sflag:s23], $0x1  }
0xa3: {  	[sflag:s23] =	ssyncset.done $0x0  }
0xa4: {  	s25 =	simm.s32 $0x1B8E;
	s24 =	sld [smem:$0x3FFE];
	[sflag:s23] =	ssyncadd.s32 $0xFFFFFFFF  }
0xa5: {  	s26 =	simm.s32 $execute0_lowered;
	[smem:$0x3FD2] =	sst s25  }
0xa6: {  	s4 =	sshll.u32 s26, $0x1;
	_ =	strace $0x80000046;
	[dreg:$0x1] =	wrdreg $0xFFFFFFFF  }
0xa7: {  	s28 =	simm.s32 $_size_execute0_lowered;
	s2 =	sadd.s32 s2, s4;
	[dreg:$0x0] =	wrdreg $0x0  }
0xa8: {  	s4 =	sshll.u32 s28, $0x1;
	[dreg:$0x2] =	wrdreg s2  }
0xa9: {  	[dreg:$0x3] =	wrdreg s4  }
0xaa: {  	[dreg:$0x4] =	wrdreg $0xC0  }
0xab: {  	_ =	task [dreg:s6], $0x5FFFF  }
0xac: {  	[dreg:$0x1] =	wrdreg $0xFFFFFFFF  }
0xad: {  	[dreg:$0x0] =	wrdreg $0x60  }
0xae: {  	[dreg:$0x2] =	wrdreg s24  }
0xaf: {  	[dreg:$0x3] =	wrdreg $0x54000  }
0xb0: {  	[dreg:$0x4] =	wrdreg $0x9  }
0xb1: {  	_ =	task.clear_ibuf [dreg:s6], $0x5FFFF;
	_ =	strace $0x90000046  }
0xb2: {  	s29 =	simm.s32 $0x9;
	_ =	strace $0x80000048  }
0xb3: {  	_ =	swait.ge [sflag:s29], $0x1  }
0xb4: {  	[sflag:s29] =	ssyncadd.s32 $0xFFFFFFFF  }
0xb5: {  	_ =	strace $0x90000048  }
0xb6: {  	_ =	sfence  }
0xb7: {  	s30 =	sld [smem:$0x0];
	_ =	sdelay $0x2  }
0xb8: {  	s31 =	sshll.u32 s1, $0xD;
	s1 =	sshrl.u32 s1, $0x2  }
0xb9: {  	s3 =	sand.u32 $0x4000, s31;
	s1 =	sadd.s32 s1, s30  }
0xba: {  	s0 =	sor.u32 s3, s0;
	s1 =	sshll.u32 s1, $0x11  }
0xbb: {  	s0 =	sor.u32 s1, s0  }
0xbc: {  	s0 =	sadd.s32 $0x8F2B, s0  }
0xbd: {  	[sflag:s0] =	ssyncadd.remote.s32 $0x1  }
0xbe: {  	_ =	sfence.sel $0xFFFF  }
0xbf: {  	[dreg:$0x0] =	wrdreg $0xFFFFFFFF;
	(pc) =	sbr.abs _section_cstart, $3  }
0xc0: {  	[dreg:$0x1] =	wrdreg $0xFFFFFFFF  }
0xc1: {  	_ =	task.clear_ibuf [dreg:s6], $0x2FFFF;
	_ =	strace $0x9FFFFFFF  }
0xc2: {  	(tm) =	ssettm $0x7FFFFFFF  }
0xc3: {  	_ =	shalt  }
tec
execute0_lowered:
.L_overlay_start_1:
0x0: {  	(tag) =	ssettag $0x1  }
0x1: {  	s0 =	srdreg.scid;
	s6 =	rddreg [dreg:$0x0]  }
0x2: {  	s2 =	rddreg [dreg:$0x1];
	s5 =	sand.u32 $0x1, s0;
	s0 =	stileid.u32  }
0x3: {  	s3 =	simm.s32 $0x0;
	s13 =	simm.s32 $0x80;
	s7 =	smul.u32 $0x14000, s0  }
0x4: {  	s14 =	simm.s32 $0x0;
	[smem:$0x7FF] =	sst s3;
	s8 =	smul.u32 $0x140000, s5  }
0x5: {  	s1 =	sshll.u32 s5, $0x4;
	s5 =	ssub.s32 $0x2, s5;
	s29 =	smul.u32 $0x50000, s0  }
0x6: {  	s31 =	sshll.u32 s0, $0x6;
	s4 =	sor.u32 s0, s1;
	s1 =	rddreg [dreg:$0x2]  }
0x7: {  	_ =	strace $0x80000047;
	s11 =	sshrl.u32 s5, $0x1;
	s4 =	smul.u32 $0x280, s4  }
0x8: {  	s10 =	sshrl.u32 s7, $0x3;
	s7 =	sadd.s32 s7, s8;
	s11 =	ssub.s32 s5, s11  }
0x9: {  	s30 =	sshrl.u32 s29, $0x2;
	s10 =	sadd.s32 s10, s6;
	s7 =	sshrl.u32 s7, $0x3  }
0xa: {  	s12 =	sadd.s32 s30, s2;
	s8 =	smax.u32 s11, $0x1;
	s11 =	sor.u32 $0x1C01, s31  }
0xb: {  	s9 =	sadd.s32 s4, s6;
	s4 =	sadd.s32 $0x35E00, s6;
	s7 =	sadd.s32 s7, s6  }
0xc: {  	s6 =	sadd.s32 $0xDE00, s10;
	s10 =	simm.s32 $0x1400;
	s12 =	sshrl.u32 s12, $0x3  }
0xd: {  	s5 =	sadd.s32 $0x8E00, s9;
	s7 =	sadd.s32 $0x36600, s7;
	s9 =	simm.s32 $0x1  }
.LBB2_1:
0xe: {  	[tilespmem:s3], [sflag:$0x1] =	stream.linear.gather [hbm4b:s5+s3], $0x1400, $0x38;
	[tilespmem:$0x19400] =	vst v63  }
0xf: {  	_ =	swait.ge [sflag:s9], $0x1400  }
0x10: {  	[sflag:s9] =	ssyncset.done $0x0  }
0x11: {  	[sflag:s9] =	ssyncadd.s32 $0xFFFFEC00  }
0x12: {  	[tilespmem:s10], [sflag:$0x1] =	stream.linear.gather [hbm4b:s4+s3], $0x4000, $0x38;
	[tilespmem:$0x19400] =	vst v63  }
0x13: {  	_ =	swait.ge [sflag:s9], $0x4000  }
0x14: {  	[sflag:s9] =	ssyncset.done $0x0  }
0x15: {  	[sflag:s9] =	ssyncadd.s32 $0xFFFFC000  }
0x16: {  	[spmem:s12], [sflag:s11] =	dma.local [hbm:s6], $0x2800  }
0x17: {  	_ =	swait.ge [sflag:s9], $0x2800  }
0x18: {  	[sflag:s9] =	ssyncset.done $0x0  }
0x19: {  	[sflag:s9] =	ssyncadd.s32 $0xFFFFD800  }
0x1a: {  	s15 =	simm.s32 $0x0;
	[bflag:$0x0] =	sbarrier.arrive $0xFFFF  }
0x1b: {  	[spmem:s2] =	stream.indirect.scatter.add.f32 [tilespmem:s10], [sflag:$0x1], $0x80, s15, s13, $0xb8;
	[tilespmem:$0x19400] =	vst v63  }
0x1c: {  	_ =	swait.ge [sflag:s9], $0x4000  }
0x1d: {  	s15 =	simm.s32 $0x200;
	[sflag:s9] =	ssyncset.done $0x0  }
.LBB2_2:
0x1e: {  	s16 =	sshra.s32 s15, $0x2;
	[sflag:s9] =	ssyncadd.s32 $0xFFFFC000;
	p0 =	sne.s32 s15, $0x4E00  }
0x1f: {  	[spmem:s2] =	stream.indirect.scatter.add.f32 [tilespmem:s10], [sflag:$0x1], $0x80, s16, s13, $0xb8;
	[tilespmem:$0x19400] =	vst v63  }
.Ltmp0:
0x20: {  	_ = 	snop;
	(pc) =	sbr.rel @p0 .LBB2_2-.Ltmp0, $4  }
0x21: {  	_ = 	snop  }
0x22: {  	s15 =	sadd.s32 $0x200, s15  }
0x23: {  	_ =	swait.ge [sflag:s9], $0x4000  }
0x24: {  	[sflag:s9] =	ssyncset.done $0x0  }
0x25: {  	s14 =	sadd.s32 $0x1, s14  }
0x26: {  	[sflag:s9] =	ssyncadd.s32 $0xFFFFC000;
	p0 =	sne.s32 s14, s8  }
.Ltmp1:
0x27: {  	[bflag:$0x0] =	sbarrier.arrive $0xFFFF;
	(pc) =	sbr.rel @p0 .LBB2_1-.Ltmp1, $4  }
0x28: {  	[hbm:s7], [sflag:s11] =	dma.local [spmem:s12], $0x2800  }
0x29: {  	_ =	swait.ge [sflag:s9], $0x2800  }
0x2a: {  	[sflag:s9] =	ssyncset.done $0x0  }
0x2b: {  	[sflag:s9] =	ssyncadd.s32 $0xFFFFD800  }
0x2c: {  	_ =	sfence.sel $0x180000  }
0x2d: {  	[bflag:$0x0] =	sbarrier.arrive $0xFFFF  }
0x2e: {  	p0 =	sne.s32 s0, $0x0;
	_ =	strace $0x90000047  }
0x2f: {  	s0 =	sadd.s32 @!p0 $0x100000, s1;
	[bflag:$0x2] =	sbarrier.arrive $0xFFFF  }
0x30: {  	[sflag:s0] =	ssyncadd.tile.s32 @!p0 $0x1;
	_ =	shalt  }
.Lfunc_end2:
_tile_overlayer_lowered:
.L_overlay_start_2:
0x31: {  	(tag) =	ssettag $0x2  }
0x32: {  	s0 =	rddreg [dreg:$0x0];
	s2 =	stileid.u32  }
0x33: {  	s1 =	rddreg [dreg:$0x1];
	p0 =	sne.s32 s2, $0x0  }
0x34: {  	s3 =	rddreg [dreg:$0x2];
	[bflag:$0x3] =	sbarrier.arrive $0xFFFF;
	s2 =	simm.s32 @!p0 $0x1C01  }
0x35: {  	[timem:s3], [sflag:s2] =	dma.local @!p0 [hbm:s0], s1  }
0x36: {  	s0 =	simm.s32 @!p0 $0x1  }
0x37: {  	_ =	swait.ge @!p0 [sflag:s0], s1  }
0x38: {  	s1 =	ssub.s32 @!p0 $0x0, s1;
	[sflag:s0] =	ssyncset.done @!p0 $0x0  }
0x39: {  	[sflag:s0] =	ssyncadd.s32 @!p0 s1  }
0x3a: {  	[bflag:$0x3] =	sbarrier.arrive $0xFFFF  }
0x3b: {  	_ =	shalt  }

// kernel: kernel.15.cloned.1.call-start
scs
__scs_entry_jumppad:
0x0: {  	(pc) =	sbr.rel $0x88, $3  }
0x1: {  	(tag) =	ssettag $0x0;
	lr =	simm.s32 $0x1  }
0x2: {  	[smem:$0x3F96] =	sst lr;
	_ =	strace $0xD0000000  }
0x3: {  	_ = 	snop  }
0x4: {  	_ = 	snop  }
0x5: {  	_ = 	snop  }
0x6: {  	_ = 	snop  }
0x7: {  	_ = 	snop  }
__scs_overlays_trampoline_lowered:
0x8: {  	[smem:$0x3FA5] =	sst s0  }
0x9: {  	[smem:$0x3FA6] =	sst s1  }
0xa: {  	[smem:$0x3FA7] =	sst s2  }
0xb: {  	[smem:$0x3FA8] =	sst s3  }
0xc: {  	[smem:$0x3FA9] =	sst s4  }
0xd: {  	[smem:$0x3FAA] =	sst s5  }
0xe: {  	[smem:$0x3FAB] =	sst s6  }
0xf: {  	[smem:$0x3FAC] =	sst s7  }
0x10: {  	[smem:$0x3FAD] =	sst s8  }
0x11: {  	[smem:$0x3FAE] =	sst s9;
	s0 =	simm.s32 @!p0 $0x0  }
0x12: {  	s1 =	sld [smem:$0x3F94];
	s0 =	simm.s32 @p0 $0x1  }
0x13: {  	[smem:$0x3FAF] =	sst s0;
	s0 =	simm.s32 @!p1 $0x0  }
0x14: {  	s2 =	sld [smem:$0x3F93];
	s0 =	simm.s32 @p1 $0x1  }
0x15: {  	[smem:$0x3FB0] =	sst s0;
	s0 =	simm.s32 @!p2 $0x0  }
0x16: {  	s3 =	sld [smem:$0x3FDB];
	s0 =	simm.s32 @p2 $0x1  }
0x17: {  	s4 =	simm.s32 $0x1BF5;
	[smem:$0x3FB2] =	sst s0  }
0x18: {  	s0 =	sld [smem:$0x3F95];
	_ =	swait.ge [sflag:s4], $0x0  }
0x19: {  	s7 =	sld [smem:$0x3F96]  }
0x1a: {  	s8 =	sadd.s32 $0xFFFFE003, lr  }
0x1b: {  	s9 =	sadd.s32 $0xFFFFFEF7, lr;
	s5 =	simm.s32 $0xFFFFFFFF;
	p2 =	slt.u32 s8, $0xFFFFF086  }
0x1c: {  	p1 =	slt.u32 s9, $0xF7A;
	s5 =	simm.s32 @!p2 $0x0  }
0x1d: {  	s5 =	simm.s32 @p1 $0x1;
	p0 =	seq.s32 s7, s2  }
0x1e: {  	s7 =	smul.u32 @!p0 $0xF7A, s2;
	p2 =	seq.s32 @!p0 s5, $0x0  }
0x1f: {  	s9 =	smul.u32 $0xF7A, s1;
	s8 =	simm.s32 @!p0 $0x1BF5;
	p2 =	por !p2, p0  }
0x20: {  	[sflag:s8] =	ssyncset.s32 @!p0 $0xFFFFF086;
	s6 =	sadd.s32 @!p0 s3, s7;
	s7 =	simm.s32 @!p0 $0x108  }
0x21: {  	s3 =	sadd.s32 s3, s9;
	s6 =	sadd.s32 @!p0 $0x88, s6;
	s7 =	simm.s32 @p2 $0x1082  }
0x22: {  	[simem:s7], [sflag:s8] =	dma.local @!p0 [hbm:s6], $0xF7A  }
0x23: {  	s9 =	sor.u32 $0xD0000000, s2;
	s6 =	simm.s32 $0x108;
	_ =	swait.ge @!p0 [sflag:s8], $0x0  }
0x24: {  	s3 =	sadd.s32 $0x88, s3;
	s6 =	simm.s32 @!p1 $0x1082;
	[sflag:s4] =	ssyncset.s32 $0xFFFFF086  }
0x25: {  	[simem:s6], [sflag:s4] =	dma.local [hbm:s3], $0xF7A  }
0x26: {  	[smem:$0x3F96] =	sst s1;
	(tag) =	ssettag s2;
	_ =	strace s9  }
0x27: {  	s1 =	sld [smem:$0x3FA6]  }
0x28: {  	s2 =	sld [smem:$0x3FA7]  }
0x29: {  	s4 =	sld [smem:$0x3FA9]  }
0x2a: {  	p0 =	seq.s32 s5, $0x0;
	s5 =	sld [smem:$0x3FAA]  }
0x2b: {  	s6 =	sld [smem:$0x3FAB]  }
0x2c: {  	s7 =	sld [smem:$0x3FAC]  }
0x2d: {  	s3 =	simm.s32 $0x108;
	s8 =	sld [smem:$0x3FAD]  }
0x2e: {  	s3 =	simm.s32 @!p0 $0x1082;
	s9 =	sld [smem:$0x3FAE]  }
0x2f: {  	lr =	sadd.s32 s0, s3;
	s0 =	sld [smem:$0x3FA5]  }
0x30: {  	s3 =	sld [smem:$0x3FA8]  }
0x31: {  	[smem:$0x3FB1] =	sst s10  }
0x32: {  	s10 =	sld [smem:$0x3FAF];
	_ =	sdelay $0x3  }
0x33: {  	p0 =	seq.s32 s10, $0x1;
	s10 =	sld [smem:$0x3FB1];
	_ =	sdelay $0x3  }
0x34: {  	[smem:$0x3FB1] =	sst s10  }
0x35: {  	s10 =	sld [smem:$0x3FB0];
	_ =	sdelay $0x3  }
0x36: {  	p1 =	seq.s32 s10, $0x1;
	s10 =	sld [smem:$0x3FB1];
	_ =	sdelay $0x3  }
0x37: {  	[smem:$0x3FB1] =	sst s10  }
0x38: {  	s10 =	sld [smem:$0x3FB2]  }
0x39: {  	_ = 	snop;
	(pc) =	sbr.ind lr, $3  }
0x3a: {  	_ = 	snop  }
0x3b: {  	_ = 	snop  }
0x3c: {  	p2 =	seq.s32 s10, $0x1;
	s10 =	sld [smem:$0x3FB1]  }
0x3d: {  	_ =	shalt  }
0x3e: {  	_ =	shalt  }
0x3f: {  	_ =	shalt  }
0x40: {  	_ =	shalt  }
0x41: {  	_ =	shalt  }
0x42: {  	_ =	shalt  }
0x43: {  	_ =	shalt  }
0x44: {  	_ =	shalt  }
0x45: {  	_ =	shalt  }
0x46: {  	_ =	shalt  }
0x47: {  	_ =	shalt  }
0x48: {  	_ =	shalt  }
0x49: {  	_ =	shalt  }
0x4a: {  	_ =	shalt  }
0x4b: {  	_ =	shalt  }
0x4c: {  	_ =	shalt  }
0x4d: {  	_ =	shalt  }
0x4e: {  	_ =	shalt  }
0x4f: {  	_ =	shalt  }
0x50: {  	_ =	shalt  }
0x51: {  	_ =	shalt  }
0x52: {  	_ =	shalt  }
0x53: {  	_ =	shalt  }
0x54: {  	_ =	shalt  }
0x55: {  	_ =	shalt  }
0x56: {  	_ =	shalt  }
0x57: {  	_ =	shalt  }
0x58: {  	_ =	shalt  }
0x59: {  	_ =	shalt  }
0x5a: {  	_ =	shalt  }
0x5b: {  	_ =	shalt  }
0x5c: {  	_ =	shalt  }
0x5d: {  	_ =	shalt  }
0x5e: {  	_ =	shalt  }
0x5f: {  	_ =	shalt  }
0x60: {  	_ =	shalt  }
0x61: {  	_ =	shalt  }
0x62: {  	_ =	shalt  }
0x63: {  	_ =	shalt  }
0x64: {  	_ =	shalt  }
0x65: {  	_ =	shalt  }
0x66: {  	_ =	shalt  }
0x67: {  	_ =	shalt  }
0x68: {  	_ =	shalt  }
0x69: {  	_ =	shalt  }
0x6a: {  	_ =	shalt  }
0x6b: {  	_ =	shalt  }
0x6c: {  	_ =	shalt  }
0x6d: {  	_ =	shalt  }
0x6e: {  	_ =	shalt  }
0x6f: {  	_ =	shalt  }
0x70: {  	_ =	shalt  }
0x71: {  	_ =	shalt  }
0x72: {  	_ =	shalt  }
0x73: {  	_ =	shalt  }
0x74: {  	_ =	shalt  }
0x75: {  	_ =	shalt  }
0x76: {  	_ =	shalt  }
0x77: {  	_ =	shalt  }
0x78: {  	_ =	shalt  }
0x79: {  	_ =	shalt  }
0x7a: {  	_ =	shalt  }
0x7b: {  	_ =	shalt  }
0x7c: {  	_ =	shalt  }
0x7d: {  	_ =	shalt  }
0x7e: {  	_ =	shalt  }
0x7f: {  	_ =	shalt  }
0x80: {  	_ =	shalt  }
0x81: {  	_ =	shalt  }
0x82: {  	_ =	shalt  }
0x83: {  	_ =	shalt  }
0x84: {  	_ =	shalt  }
0x85: {  	_ =	shalt  }
0x86: {  	_ =	shalt  }
0x87: {  	_ =	shalt  }
.Lfunc_end0:
.L_simem_size_0:
called_computation.1_lowered:
.L_overlay_start_0:
0x88: {  	s2 =	sld [smem:$0x3FD9]  }
0x89: {  	s3 =	sld [smem:$0x3FFE];
	_ =	sdelay $0x1  }
0x8a: {  	s1 =	srdreg.scid  }
0x8b: {  	s0 =	sand.u32 $0x1, s1  }
0x8c: {  	s16 =	sshll.u32 s0, $0xA;
	s2 =	sadd.s32 s3, s2  }
0x8d: {  	s2 =	sadd.s32 s2, s16  }
0x8e: {  	[smem:$0x3FBD] =	sst s2  }
0x8f: {  	_ = 	snop  }
0x90: {  	(tm) =	ssettm $0x1  }
0x91: {  	s17 =	sld [smem:$0x3FFB];
	_ =	sdelay $0x3  }
0x92: {  	_ =	strace s17  }
0x93: {  	s2 =	sld [smem:$0x3FFC];
	_ =	sdelay $0x3  }
0x94: {  	_ =	strace s2  }
0x95: {  	s2 =	sld [smem:$0x3FFD];
	_ =	sdelay $0x3  }
0x96: {  	_ =	strace s2  }
0x97: {  	_ =	strace $0x8FFFFFFF  }
0x98: {  	s18 =	sld [smem:$0x3FDB];
	_ =	sdelay $0x1  }
0x99: {  	s19 =	simm.s32 $_scs_section_size  }
0x9a: {  	s4 =	simm.s32 $_size__tile_overlayer_lowered;
	s5 =	simm.s32 $_tile_overlayer_lowered  }
0x9b: {  	s22 =	simm.s32 $0x1BFF;
	s21 =	sshll.u32 s5, $0x1;
	s2 =	sadd.s32 s19, s18  }
0x9c: {  	s6 =	simm.s32 $0x0;
	s20 =	sshll.u32 s4, $0x1;
	s4 =	sadd.s32 s21, s2  }
0x9d: {  	[timem:s6], [sflag:s22] =	dma.local [hbm:s4], s20  }
0x9e: {  	_ =	swait.ge [sflag:s22], s20  }
0x9f: {  	s3 =	ssub.s32 $0x0, s20;
	[sflag:s22] =	ssyncset.done $0x0  }
0xa0: {  	[sflag:s22] =	ssyncadd.s32 s3;
	_ =	sdelay $0x1  }
0xa1: {  	s23 =	simm.s32 $0x1B8B  }
0xa2: {  	_ =	swait.ge [sflag:s23], $0x1  }
0xa3: {  	[sflag:s23] =	ssyncset.done $0x0  }
0xa4: {  	s25 =	simm.s32 $0x1B8E;
	s24 =	sld [smem:$0x3FFE];
	[sflag:s23] =	ssyncadd.s32 $0xFFFFFFFF  }
0xa5: {  	s26 =	simm.s32 $execute0_lowered;
	[smem:$0x3FD2] =	sst s25  }
0xa6: {  	s4 =	sshll.u32 s26, $0x1;
	_ =	strace $0x80000049;
	[dreg:$0x1] =	wrdreg $0xFFFFFFFF  }
0xa7: {  	s28 =	simm.s32 $_size_execute0_lowered;
	s2 =	sadd.s32 s2, s4;
	[dreg:$0x0] =	wrdreg $0x0  }
0xa8: {  	s4 =	sshll.u32 s28, $0x1;
	[dreg:$0x2] =	wrdreg s2  }
0xa9: {  	[dreg:$0x3] =	wrdreg s4  }
0xaa: {  	[dreg:$0x4] =	wrdreg $0xC0  }
0xab: {  	_ =	task [dreg:s6], $0x5FFFF  }
0xac: {  	[dreg:$0x1] =	wrdreg $0xFFFFFFFF  }
0xad: {  	[dreg:$0x0] =	wrdreg $0x60  }
0xae: {  	[dreg:$0x2] =	wrdreg s24  }
0xaf: {  	[dreg:$0x3] =	wrdreg $0xA8000  }
0xb0: {  	[dreg:$0x4] =	wrdreg $0x9  }
0xb1: {  	_ =	task.clear_ibuf [dreg:s6], $0x5FFFF;
	_ =	strace $0x90000049  }
0xb2: {  	s29 =	simm.s32 $0x9;
	_ =	strace $0x8000004B  }
0xb3: {  	_ =	swait.ge [sflag:s29], $0x1  }
0xb4: {  	[sflag:s29] =	ssyncadd.s32 $0xFFFFFFFF  }
0xb5: {  	_ =	strace $0x9000004B  }
0xb6: {  	_ =	sfence  }
0xb7: {  	s30 =	sld [smem:$0x0];
	_ =	sdelay $0x2  }
0xb8: {  	s31 =	sshll.u32 s1, $0xD;
	s1 =	sshrl.u32 s1, $0x2  }
0xb9: {  	s3 =	sand.u32 $0x4000, s31;
	s1 =	sadd.s32 s1, s30  }
0xba: {  	s0 =	sor.u32 s3, s0;
	s1 =	sshll.u32 s1, $0x11  }
0xbb: {  	s0 =	sor.u32 s1, s0  }
0xbc: {  	s0 =	sadd.s32 $0x8F2B, s0  }
0xbd: {  	[sflag:s0] =	ssyncadd.remote.s32 $0x1  }
0xbe: {  	_ =	sfence.sel $0xFFFF  }
0xbf: {  	[dreg:$0x0] =	wrdreg $0xFFFFFFFF;
	(pc) =	sbr.abs _section_cstart, $3  }
0xc0: {  	[dreg:$0x1] =	wrdreg $0xFFFFFFFF  }
0xc1: {  	_ =	task.clear_ibuf [dreg:s6], $0x2FFFF;
	_ =	strace $0x9FFFFFFF  }
0xc2: {  	(tm) =	ssettm $0x7FFFFFFF  }
0xc3: {  	_ =	shalt  }
tec
execute0_lowered:
.L_overlay_start_1:
0x0: {  	(tag) =	ssettag $0x1  }
0x1: {  	s7 =	rddreg [dreg:$0x0]  }
0x2: {  	s0 =	srdreg.scid;
	s2 =	rddreg [dreg:$0x1]  }
0x3: {  	s3 =	simm.s32 $0x0;
	s15 =	simm.s32 $0x1400;
	s16 =	simm.s32 $0x80  }
0x4: {  	s17 =	simm.s32 $0x2800;
	s18 =	simm.s32 $0x6800;
	s19 =	simm.s32 $0x1  }
0x5: {  	s20 =	simm.s32 $0x2;
	s21 =	simm.s32 $0x3;
	s22 =	simm.s32 $0x4  }
0x6: {  	s23 =	simm.s32 $0x2700;
	s24 =	simm.s32 $0x2780;
	s25 =	simm.s32 $0x0  }
0x7: {  	s6 =	sand.u32 $0x1, s0;
	s0 =	stileid.u32;
	[smem:$0x7FF] =	sst s3  }
0x8: {  	s4 =	sadd.s32 $0x85E00, s7;
	s5 =	sadd.s32 $0x5DE00, s7;
	s9 =	smul.u32 $0x28000, s0  }
0x9: {  	s1 =	sshll.u32 s6, $0x4;
	s10 =	smul.u32 $0x500000, s6;
	s6 =	ssub.s32 $0x2, s6  }
0xa: {  	s31 =	sshll.u32 s0, $0x6;
	s1 =	sor.u32 s0, s1;
	s29 =	sshrl.u32 s6, $0x1  }
0xb: {  	s8 =	smul.u32 $0x280, s1;
	s1 =	rddreg [dreg:$0x2];
	_ =	strace $0x8000004A  }
0xc: {  	s26 =	sadd.s32 s9, s10;
	s28 =	sshrl.u32 s9, $0x4;
	s30 =	sshrl.u32 s9, $0x1  }
0xd: {  	s13 =	ssub.s32 s6, s29;
	s10 =	sadd.s32 s28, s7;
	s14 =	sadd.s32 s30, s2  }
0xe: {  	s11 =	sadd.s32 s8, s7;
	s8 =	sshrl.u32 s26, $0x4;
	s6 =	sadd.s32 $0xD6600, s10  }
0xf: {  	s12 =	sadd.s32 s8, s7;
	s7 =	sor.u32 $0x1C05, s31;
	s8 =	sadd.s32 $0x3E00, s11  }
0x10: {  	s9 =	sadd.s32 $0x8E00, s11;
	s10 =	sadd.s32 $0xFE600, s12;
	s11 =	sadd.s32 $0x126600, s12  }
0x11: {  	s12 =	smax.u32 s13, $0x1;
	s13 =	sshrl.u32 s14, $0x3;
	s14 =	simm.s32 $0x5  }
.LBB2_1:
0x12: {  	[spmem:s13], [sflag:s7] =	dma.local [hbm:s6], $0x2800  }
0x13: {  	_ =	swait.ge [sflag:s14], $0x2800  }
0x14: {  	[sflag:s14] =	ssyncset.done $0x0  }
0x15: {  	[sflag:s14] =	ssyncadd.s32 $0xFFFFD800  }
0x16: {  	[bflag:$0x0] =	sbarrier.arrive $0xFFFF  }
0x17: {  	[tilespmem:s3], [sflag:$0x5] =	stream.linear.gather [hbm4b:s8+s3], $0x1400, $0x38;
	[tilespmem:$0x1E800] =	vst v63  }
0x18: {  	_ =	swait.ge [sflag:s14], $0x1400  }
0x19: {  	[sflag:s14] =	ssyncset.done $0x0  }
0x1a: {  	[sflag:s14] =	ssyncadd.s32 $0xFFFFEC00  }
0x1b: {  	[tilespmem:s15], [sflag:$0x5] =	stream.linear.gather [hbm4b:s9+s3], $0x1400, $0x38;
	[tilespmem:$0x1E800] =	vst v63  }
0x1c: {  	_ =	swait.ge [sflag:s14], $0x1400  }
0x1d: {  	[sflag:s14] =	ssyncset.done $0x0  }
0x1e: {  	[sflag:s14] =	ssyncadd.s32 $0xFFFFEC00  }
0x1f: {  	[tilespmem:s17], [sflag:$0x1] =	stream.indirect.gather [hbm4b:s4+s16], $0x80, s3, s16, $0xb8;
	[tilespmem:$0x1E800] =	vst v63  }
0x20: {  	_ = 	snop  }
0x21: {  	[tilespmem:s18], [sflag:$0x2] =	stream.indirect.gather [hbm4b:s4+s16], $0x80, s16, s16, $0xb8;
	[tilespmem:$0x1E800] =	vst v63  }
0x22: {  	_ =	swait.ge [sflag:s19], $0x4000  }
0x23: {  	[sflag:s19] =	ssyncset.done $0x0  }
0x24: {  	s26 =	simm.s32 $0x1400;
	[sflag:s19] =	ssyncadd.s32 $0xFFFFC000  }
0x25: {  	[spmem:s2] =	stream.indirect.scatter.add.bf16 [tilespmem:s17], [sflag:$0x3], $0x80, s26, s16, $0xb8;
	[tilespmem:$0x1E800] =	vst v63  }
0x26: {  	_ =	swait.ge [sflag:s20], $0x4000  }
0x27: {  	[sflag:s20] =	ssyncset.done $0x0  }
0x28: {  	s30 =	simm.s32 $0x1480;
	[sflag:s20] =	ssyncadd.s32 $0xFFFFC000  }
0x29: {  	[spmem:s2] =	stream.indirect.scatter.add.bf16 [tilespmem:s18], [sflag:$0x4], $0x80, s30, s16, $0xb8;
	[tilespmem:$0x1E800] =	vst v63  }
0x2a: {  	_ =	swait.ge [sflag:s21], $0x4000  }
0x2b: {  	[sflag:s21] =	ssyncset.done $0x0  }
0x2c: {  	s31 =	simm.s32 $0x100;
	[sflag:s21] =	ssyncadd.s32 $0xFFFFC000  }
0x2d: {  	[tilespmem:s17], [sflag:$0x1] =	stream.indirect.gather [hbm4b:s4+s16], $0x80, s31, s16, $0xb8;
	[tilespmem:$0x1E800] =	vst v63  }
0x2e: {  	_ =	swait.ge [sflag:s22], $0x4000  }
0x2f: {  	[sflag:s22] =	ssyncset.done $0x0  }
0x30: {  	s28 =	simm.s32 $0x180;
	s26 =	simm.s32 $0x400;
	[sflag:s22] =	ssyncadd.s32 $0xFFFFC000  }
.LBB2_2:
0x31: {  	[tilespmem:s18], [sflag:$0x2] =	stream.indirect.gather [hbm4b:s4+s16], $0x80, s28, s16, $0xb8;
	[tilespmem:$0x1E800] =	vst v63  }
0x32: {  	s28 =	smov.u32 s26  }
0x33: {  	p0 =	sne.s32 s26, $0x4800;
	s26 =	sadd.s32 $0x400, s26;
	_ =	swait.ge [sflag:s19], $0x4000  }
0x34: {  	s28 =	sshra.s32 s28, $0x2;
	[sflag:s19] =	ssyncset.done $0x0  }
0x35: {  	s29 =	sadd.s32 $0x1400, s28;
	[sflag:s19] =	ssyncadd.s32 $0xFFFFC000  }
0x36: {  	[spmem:s2] =	stream.indirect.scatter.add.bf16 [tilespmem:s17], [sflag:$0x3], $0x80, s29, s16, $0xb8;
	[tilespmem:$0x1E800] =	vst v63  }
0x37: {  	_ =	swait.ge [sflag:s20], $0x4000  }
0x38: {  	[sflag:s20] =	ssyncset.done $0x0  }
0x39: {  	s29 =	sadd.s32 $0x1480, s28;
	[sflag:s20] =	ssyncadd.s32 $0xFFFFC000  }
0x3a: {  	[spmem:s2] =	stream.indirect.scatter.add.bf16 [tilespmem:s18], [sflag:$0x4], $0x80, s29, s16, $0xb8;
	[tilespmem:$0x1E800] =	vst v63  }
0x3b: {  	_ =	swait.ge [sflag:s21], $0x4000  }
0x3c: {  	[sflag:s21] =	ssyncset.done $0x0  }
.Ltmp0:
0x3d: {  	s29 =	sadd.s32 $0x100, s28;
	[sflag:s21] =	ssyncadd.s32 $0xFFFFC000;
	(pc) =	sbr.rel @p0 .LBB2_2-.Ltmp0, $4  }
0x3e: {  	[tilespmem:s17], [sflag:$0x1] =	stream.indirect.gather [hbm4b:s4+s16], $0x80, s29, s16, $0xb8;
	[tilespmem:$0x1E800] =	vst v63  }
0x3f: {  	_ =	swait.ge [sflag:s22], $0x4000  }
0x40: {  	[sflag:s22] =	ssyncset.done $0x0  }
0x41: {  	s28 =	sadd.s32 $0x180, s28;
	[sflag:s22] =	ssyncadd.s32 $0xFFFFC000  }
0x42: {  	[tilespmem:s18], [sflag:$0x2] =	stream.indirect.gather [hbm4b:s4+s16], $0x80, s28, s16, $0xb8;
	[tilespmem:$0x1E800] =	vst v63  }
0x43: {  	_ =	swait.ge [sflag:s19], $0x4000  }
0x44: {  	[sflag:s19] =	ssyncset.done $0x0  }
0x45: {  	[sflag:s19] =	ssyncadd.s32 $0xFFFFC000  }
0x46: {  	[spmem:s2] =	stream.indirect.scatter.add.bf16 [tilespmem:s17], [sflag:$0x3], $0x80, s23, s16, $0xb8;
	[tilespmem:$0x1E800] =	vst v63  }
0x47: {  	_ =	swait.ge [sflag:s20], $0x4000  }
0x48: {  	[sflag:s20] =	ssyncset.done $0x0  }
0x49: {  	[sflag:s20] =	ssyncadd.s32 $0xFFFFC000  }
0x4a: {  	[spmem:s2] =	stream.indirect.scatter.add.bf16 [tilespmem:s18], [sflag:$0x4], $0x80, s24, s16, $0xb8;
	[tilespmem:$0x1E800] =	vst v63  }
0x4b: {  	_ =	swait.ge [sflag:s21], $0x4000  }
0x4c: {  	[sflag:s21] =	ssyncset.done $0x0  }
0x4d: {  	[sflag:s21] =	ssyncadd.s32 $0xFFFFC000  }
0x4e: {  	_ =	swait.ge [sflag:s22], $0x4000  }
0x4f: {  	[sflag:s22] =	ssyncset.done $0x0  }
0x50: {  	[sflag:s22] =	ssyncadd.s32 $0xFFFFC000  }
0x51: {  	[bflag:$0x0] =	sbarrier.arrive $0xFFFF  }
0x52: {  	[hbm:s10], [sflag:s7] =	dma.local [spmem:s13], $0x2800  }
0x53: {  	_ =	swait.ge [sflag:s14], $0x2800  }
0x54: {  	[sflag:s14] =	ssyncset.done $0x0  }
0x55: {  	[sflag:s14] =	ssyncadd.s32 $0xFFFFD800  }
0x56: {  	[bflag:$0x0] =	sbarrier.arrive $0xFFFF  }
0x57: {  	[spmem:s13], [sflag:s7] =	dma.local [hbm:s6], $0x2800  }
0x58: {  	_ =	swait.ge [sflag:s14], $0x2800  }
0x59: {  	[sflag:s14] =	ssyncset.done $0x0  }
0x5a: {  	[sflag:s14] =	ssyncadd.s32 $0xFFFFD800  }
0x5b: {  	s26 =	simm.s32 $0x0;
	[bflag:$0x0] =	sbarrier.arrive $0xFFFF  }
0x5c: {  	[tilespmem:s26], [sflag:$0x5] =	stream.linear.gather [hbm4b:s8+s26], $0x1400, $0x38;
	[tilespmem:$0x1E800] =	vst v63  }
0x5d: {  	_ =	swait.ge [sflag:s14], $0x1400  }
0x5e: {  	[sflag:s14] =	ssyncset.done $0x0  }
0x5f: {  	[sflag:s14] =	ssyncadd.s32 $0xFFFFEC00  }
0x60: {  	[tilespmem:s15], [sflag:$0x5] =	stream.linear.gather [hbm4b:s9+s26], $0x1400, $0x38;
	[tilespmem:$0x1E800] =	vst v63  }
0x61: {  	_ =	swait.ge [sflag:s14], $0x1400  }
0x62: {  	[sflag:s14] =	ssyncset.done $0x0  }
0x63: {  	[sflag:s14] =	ssyncadd.s32 $0xFFFFEC00  }
0x64: {  	[tilespmem:s17], [sflag:$0x1] =	stream.indirect.gather [hbm4b:s5+s16], $0x80, s26, s16, $0xb8;
	[tilespmem:$0x1E800] =	vst v63  }
0x65: {  	_ = 	snop  }
0x66: {  	[tilespmem:s18], [sflag:$0x2] =	stream.indirect.gather [hbm4b:s5+s16], $0x80, s16, s16, $0xb8;
	[tilespmem:$0x1E800] =	vst v63  }
0x67: {  	_ =	swait.ge [sflag:s19], $0x4000  }
0x68: {  	[sflag:s19] =	ssyncset.done $0x0  }
0x69: {  	s29 =	simm.s32 $0x1400;
	[sflag:s19] =	ssyncadd.s32 $0xFFFFC000  }
0x6a: {  	[spmem:s2] =	stream.indirect.scatter.add.bf16 [tilespmem:s17], [sflag:$0x3], $0x80, s29, s16, $0xb8;
	[tilespmem:$0x1E800] =	vst v63  }
0x6b: {  	_ =	swait.ge [sflag:s20], $0x4000  }
0x6c: {  	[sflag:s20] =	ssyncset.done $0x0  }
0x6d: {  	s30 =	simm.s32 $0x1480;
	[sflag:s20] =	ssyncadd.s32 $0xFFFFC000  }
0x6e: {  	[spmem:s2] =	stream.indirect.scatter.add.bf16 [tilespmem:s18], [sflag:$0x4], $0x80, s30, s16, $0xb8;
	[tilespmem:$0x1E800] =	vst v63  }
0x6f: {  	_ =	swait.ge [sflag:s21], $0x4000  }
0x70: {  	[sflag:s21] =	ssyncset.done $0x0  }
0x71: {  	s31 =	simm.s32 $0x100;
	[sflag:s21] =	ssyncadd.s32 $0xFFFFC000  }
0x72: {  	[tilespmem:s17], [sflag:$0x1] =	stream.indirect.gather [hbm4b:s5+s16], $0x80, s31, s16, $0xb8;
	[tilespmem:$0x1E800] =	vst v63  }
0x73: {  	_ =	swait.ge [sflag:s22], $0x4000  }
0x74: {  	[sflag:s22] =	ssyncset.done $0x0  }
0x75: {  	s28 =	simm.s32 $0x180;
	s26 =	simm.s32 $0x400;
	[sflag:s22] =	ssyncadd.s32 $0xFFFFC000  }
.LBB2_4:
0x76: {  	[tilespmem:s18], [sflag:$0x2] =	stream.indirect.gather [hbm4b:s5+s16], $0x80, s28, s16, $0xb8;
	[tilespmem:$0x1E800] =	vst v63  }
0x77: {  	s28 =	smov.u32 s26  }
0x78: {  	p0 =	sne.s32 s26, $0x4800;
	s26 =	sadd.s32 $0x400, s26;
	_ =	swait.ge [sflag:s19], $0x4000  }
0x79: {  	s28 =	sshra.s32 s28, $0x2;
	[sflag:s19] =	ssyncset.done $0x0  }
0x7a: {  	s29 =	sadd.s32 $0x1400, s28;
	[sflag:s19] =	ssyncadd.s32 $0xFFFFC000  }
0x7b: {  	[spmem:s2] =	stream.indirect.scatter.add.bf16 [tilespmem:s17], [sflag:$0x3], $0x80, s29, s16, $0xb8;
	[tilespmem:$0x1E800] =	vst v63  }
0x7c: {  	_ =	swait.ge [sflag:s20], $0x4000  }
0x7d: {  	[sflag:s20] =	ssyncset.done $0x0  }
0x7e: {  	s29 =	sadd.s32 $0x1480, s28;
	[sflag:s20] =	ssyncadd.s32 $0xFFFFC000  }
0x7f: {  	[spmem:s2] =	stream.indirect.scatter.add.bf16 [tilespmem:s18], [sflag:$0x4], $0x80, s29, s16, $0xb8;
	[tilespmem:$0x1E800] =	vst v63  }
0x80: {  	_ =	swait.ge [sflag:s21], $0x4000  }
0x81: {  	[sflag:s21] =	ssyncset.done $0x0  }
.Ltmp1:
0x82: {  	s29 =	sadd.s32 $0x100, s28;
	[sflag:s21] =	ssyncadd.s32 $0xFFFFC000;
	(pc) =	sbr.rel @p0 .LBB2_4-.Ltmp1, $4  }
0x83: {  	[tilespmem:s17], [sflag:$0x1] =	stream.indirect.gather [hbm4b:s5+s16], $0x80, s29, s16, $0xb8;
	[tilespmem:$0x1E800] =	vst v63  }
0x84: {  	_ =	swait.ge [sflag:s22], $0x4000  }
0x85: {  	[sflag:s22] =	ssyncset.done $0x0  }
0x86: {  	s28 =	sadd.s32 $0x180, s28;
	[sflag:s22] =	ssyncadd.s32 $0xFFFFC000  }
0x87: {  	[tilespmem:s18], [sflag:$0x2] =	stream.indirect.gather [hbm4b:s5+s16], $0x80, s28, s16, $0xb8;
	[tilespmem:$0x1E800] =	vst v63  }
0x88: {  	_ =	swait.ge [sflag:s19], $0x4000  }
0x89: {  	[sflag:s19] =	ssyncset.done $0x0  }
0x8a: {  	[sflag:s19] =	ssyncadd.s32 $0xFFFFC000  }
0x8b: {  	[spmem:s2] =	stream.indirect.scatter.add.bf16 [tilespmem:s17], [sflag:$0x3], $0x80, s23, s16, $0xb8;
	[tilespmem:$0x1E800] =	vst v63  }
0x8c: {  	_ =	swait.ge [sflag:s20], $0x4000  }
0x8d: {  	[sflag:s20] =	ssyncset.done $0x0  }
0x8e: {  	[sflag:s20] =	ssyncadd.s32 $0xFFFFC000  }
0x8f: {  	[spmem:s2] =	stream.indirect.scatter.add.bf16 [tilespmem:s18], [sflag:$0x4], $0x80, s24, s16, $0xb8;
	[tilespmem:$0x1E800] =	vst v63  }
0x90: {  	_ =	swait.ge [sflag:s21], $0x4000  }
0x91: {  	[sflag:s21] =	ssyncset.done $0x0  }
0x92: {  	[sflag:s21] =	ssyncadd.s32 $0xFFFFC000  }
0x93: {  	_ =	swait.ge [sflag:s22], $0x4000  }
0x94: {  	[sflag:s22] =	ssyncset.done $0x0  }
0x95: {  	s25 =	sadd.s32 $0x1, s25;
	[sflag:s22] =	ssyncadd.s32 $0xFFFFC000  }
0x96: {  	p0 =	sne.s32 s25, s12;
	[bflag:$0x0] =	sbarrier.arrive $0xFFFF  }
0x97: {  	[hbm:s11], [sflag:s7] =	dma.local [spmem:s13], $0x2800  }
.Ltmp2:
0x98: {  	_ =	swait.ge [sflag:s14], $0x2800;
	(pc) =	sbr.rel @p0 .LBB2_1-.Ltmp2, $3  }
0x99: {  	[sflag:s14] =	ssyncset.done $0x0  }
0x9a: {  	[sflag:s14] =	ssyncadd.s32 $0xFFFFD800  }
0x9b: {  	[bflag:$0x0] =	sbarrier.arrive $0xFFFF;
	_ =	sdelay $0x1  }
0x9c: {  	_ =	sfence.sel $0x180000  }
0x9d: {  	[bflag:$0x0] =	sbarrier.arrive $0xFFFF  }
0x9e: {  	p0 =	sne.s32 s0, $0x0;
	_ =	strace $0x9000004A  }
0x9f: {  	s0 =	sadd.s32 @!p0 $0x100000, s1;
	[bflag:$0x2] =	sbarrier.arrive $0xFFFF  }
0xa0: {  	[sflag:s0] =	ssyncadd.tile.s32 @!p0 $0x1;
	_ =	shalt  }
.Lfunc_end2:
_tile_overlayer_lowered:
.L_overlay_start_2:
0xa1: {  	(tag) =	ssettag $0x2  }
0xa2: {  	s0 =	rddreg [dreg:$0x0];
	s2 =	stileid.u32  }
0xa3: {  	s1 =	rddreg [dreg:$0x1];
	p0 =	sne.s32 s2, $0x0  }
0xa4: {  	s3 =	rddreg [dreg:$0x2];
	[bflag:$0x3] =	sbarrier.arrive $0xFFFF;
	s2 =	simm.s32 @!p0 $0x1C05  }
0xa5: {  	[timem:s3], [sflag:s2] =	dma.local @!p0 [hbm:s0], s1  }
0xa6: {  	s0 =	simm.s32 @!p0 $0x5  }
0xa7: {  	_ =	swait.ge @!p0 [sflag:s0], s1  }
0xa8: {  	s1 =	ssub.s32 @!p0 $0x0, s1;
	[sflag:s0] =	ssyncset.done @!p0 $0x0  }
0xa9: {  	[sflag:s0] =	ssyncadd.s32 @!p0 s1  }
0xaa: {  	[bflag:$0x3] =	sbarrier.arrive $0xFFFF  }
0xab: {  	_ =	shalt  }

// kernel: kernel.18.cloned.1.call-start
scs
__scs_entry_jumppad:
0x0: {  	(pc) =	sbr.rel $0x88, $3  }
0x1: {  	(tag) =	ssettag $0x0;
	lr =	simm.s32 $0x1  }
0x2: {  	[smem:$0x3F96] =	sst lr;
	_ =	strace $0xD0000000  }
0x3: {  	_ = 	snop  }
0x4: {  	_ = 	snop  }
0x5: {  	_ = 	snop  }
0x6: {  	_ = 	snop  }
0x7: {  	_ = 	snop  }
__scs_overlays_trampoline_lowered:
0x8: {  	[smem:$0x3FA5] =	sst s0  }
0x9: {  	[smem:$0x3FA6] =	sst s1  }
0xa: {  	[smem:$0x3FA7] =	sst s2  }
0xb: {  	[smem:$0x3FA8] =	sst s3  }
0xc: {  	[smem:$0x3FA9] =	sst s4  }
0xd: {  	[smem:$0x3FAA] =	sst s5  }
0xe: {  	[smem:$0x3FAB] =	sst s6  }
0xf: {  	[smem:$0x3FAC] =	sst s7  }
0x10: {  	[smem:$0x3FAD] =	sst s8  }
0x11: {  	[smem:$0x3FAE] =	sst s9;
	s0 =	simm.s32 @!p0 $0x0  }
0x12: {  	s1 =	sld [smem:$0x3F94];
	s0 =	simm.s32 @p0 $0x1  }
0x13: {  	[smem:$0x3FAF] =	sst s0;
	s0 =	simm.s32 @!p1 $0x0  }
0x14: {  	s2 =	sld [smem:$0x3F93];
	s0 =	simm.s32 @p1 $0x1  }
0x15: {  	[smem:$0x3FB0] =	sst s0;
	s0 =	simm.s32 @!p2 $0x0  }
0x16: {  	s3 =	sld [smem:$0x3FDB];
	s0 =	simm.s32 @p2 $0x1  }
0x17: {  	s4 =	simm.s32 $0x1BF5;
	[smem:$0x3FB2] =	sst s0  }
0x18: {  	s0 =	sld [smem:$0x3F95];
	_ =	swait.ge [sflag:s4], $0x0  }
0x19: {  	s7 =	sld [smem:$0x3F96]  }
0x1a: {  	s8 =	sadd.s32 $0xFFFFE003, lr  }
0x1b: {  	s9 =	sadd.s32 $0xFFFFFEF7, lr;
	s5 =	simm.s32 $0xFFFFFFFF;
	p2 =	slt.u32 s8, $0xFFFFF086  }
0x1c: {  	p1 =	slt.u32 s9, $0xF7A;
	s5 =	simm.s32 @!p2 $0x0  }
0x1d: {  	s5 =	simm.s32 @p1 $0x1;
	p0 =	seq.s32 s7, s2  }
0x1e: {  	s7 =	smul.u32 @!p0 $0xF7A, s2;
	p2 =	seq.s32 @!p0 s5, $0x0  }
0x1f: {  	s9 =	smul.u32 $0xF7A, s1;
	s8 =	simm.s32 @!p0 $0x1BF5;
	p2 =	por !p2, p0  }
0x20: {  	[sflag:s8] =	ssyncset.s32 @!p0 $0xFFFFF086;
	s6 =	sadd.s32 @!p0 s3, s7;
	s7 =	simm.s32 @!p0 $0x108  }
0x21: {  	s3 =	sadd.s32 s3, s9;
	s6 =	sadd.s32 @!p0 $0x88, s6;
	s7 =	simm.s32 @p2 $0x1082  }
0x22: {  	[simem:s7], [sflag:s8] =	dma.local @!p0 [hbm:s6], $0xF7A  }
0x23: {  	s9 =	sor.u32 $0xD0000000, s2;
	s6 =	simm.s32 $0x108;
	_ =	swait.ge @!p0 [sflag:s8], $0x0  }
0x24: {  	s3 =	sadd.s32 $0x88, s3;
	s6 =	simm.s32 @!p1 $0x1082;
	[sflag:s4] =	ssyncset.s32 $0xFFFFF086  }
0x25: {  	[simem:s6], [sflag:s4] =	dma.local [hbm:s3], $0xF7A  }
0x26: {  	[smem:$0x3F96] =	sst s1;
	(tag) =	ssettag s2;
	_ =	strace s9  }
0x27: {  	s1 =	sld [smem:$0x3FA6]  }
0x28: {  	s2 =	sld [smem:$0x3FA7]  }
0x29: {  	s4 =	sld [smem:$0x3FA9]  }
0x2a: {  	p0 =	seq.s32 s5, $0x0;
	s5 =	sld [smem:$0x3FAA]  }
0x2b: {  	s6 =	sld [smem:$0x3FAB]  }
0x2c: {  	s7 =	sld [smem:$0x3FAC]  }
0x2d: {  	s3 =	simm.s32 $0x108;
	s8 =	sld [smem:$0x3FAD]  }
0x2e: {  	s3 =	simm.s32 @!p0 $0x1082;
	s9 =	sld [smem:$0x3FAE]  }
0x2f: {  	lr =	sadd.s32 s0, s3;
	s0 =	sld [smem:$0x3FA5]  }
0x30: {  	s3 =	sld [smem:$0x3FA8]  }
0x31: {  	[smem:$0x3FB1] =	sst s10  }
0x32: {  	s10 =	sld [smem:$0x3FAF];
	_ =	sdelay $0x3  }
0x33: {  	p0 =	seq.s32 s10, $0x1;
	s10 =	sld [smem:$0x3FB1];
	_ =	sdelay $0x3  }
0x34: {  	[smem:$0x3FB1] =	sst s10  }
0x35: {  	s10 =	sld [smem:$0x3FB0];
	_ =	sdelay $0x3  }
0x36: {  	p1 =	seq.s32 s10, $0x1;
	s10 =	sld [smem:$0x3FB1];
	_ =	sdelay $0x3  }
0x37: {  	[smem:$0x3FB1] =	sst s10  }
0x38: {  	s10 =	sld [smem:$0x3FB2]  }
0x39: {  	_ = 	snop;
	(pc) =	sbr.ind lr, $3  }
0x3a: {  	_ = 	snop  }
0x3b: {  	_ = 	snop  }
0x3c: {  	p2 =	seq.s32 s10, $0x1;
	s10 =	sld [smem:$0x3FB1]  }
0x3d: {  	_ =	shalt  }
0x3e: {  	_ =	shalt  }
0x3f: {  	_ =	shalt  }
0x40: {  	_ =	shalt  }
0x41: {  	_ =	shalt  }
0x42: {  	_ =	shalt  }
0x43: {  	_ =	shalt  }
0x44: {  	_ =	shalt  }
0x45: {  	_ =	shalt  }
0x46: {  	_ =	shalt  }
0x47: {  	_ =	shalt  }
0x48: {  	_ =	shalt  }
0x49: {  	_ =	shalt  }
0x4a: {  	_ =	shalt  }
0x4b: {  	_ =	shalt  }
0x4c: {  	_ =	shalt  }
0x4d: {  	_ =	shalt  }
0x4e: {  	_ =	shalt  }
0x4f: {  	_ =	shalt  }
0x50: {  	_ =	shalt  }
0x51: {  	_ =	shalt  }
0x52: {  	_ =	shalt  }
0x53: {  	_ =	shalt  }
0x54: {  	_ =	shalt  }
0x55: {  	_ =	shalt  }
0x56: {  	_ =	shalt  }
0x57: {  	_ =	shalt  }
0x58: {  	_ =	shalt  }
0x59: {  	_ =	shalt  }
0x5a: {  	_ =	shalt  }
0x5b: {  	_ =	shalt  }
0x5c: {  	_ =	shalt  }
0x5d: {  	_ =	shalt  }
0x5e: {  	_ =	shalt  }
0x5f: {  	_ =	shalt  }
0x60: {  	_ =	shalt  }
0x61: {  	_ =	shalt  }
0x62: {  	_ =	shalt  }
0x63: {  	_ =	shalt  }
0x64: {  	_ =	shalt  }
0x65: {  	_ =	shalt  }
0x66: {  	_ =	shalt  }
0x67: {  	_ =	shalt  }
0x68: {  	_ =	shalt  }
0x69: {  	_ =	shalt  }
0x6a: {  	_ =	shalt  }
0x6b: {  	_ =	shalt  }
0x6c: {  	_ =	shalt  }
0x6d: {  	_ =	shalt  }
0x6e: {  	_ =	shalt  }
0x6f: {  	_ =	shalt  }
0x70: {  	_ =	shalt  }
0x71: {  	_ =	shalt  }
0x72: {  	_ =	shalt  }
0x73: {  	_ =	shalt  }
0x74: {  	_ =	shalt  }
0x75: {  	_ =	shalt  }
0x76: {  	_ =	shalt  }
0x77: {  	_ =	shalt  }
0x78: {  	_ =	shalt  }
0x79: {  	_ =	shalt  }
0x7a: {  	_ =	shalt  }
0x7b: {  	_ =	shalt  }
0x7c: {  	_ =	shalt  }
0x7d: {  	_ =	shalt  }
0x7e: {  	_ =	shalt  }
0x7f: {  	_ =	shalt  }
0x80: {  	_ =	shalt  }
0x81: {  	_ =	shalt  }
0x82: {  	_ =	shalt  }
0x83: {  	_ =	shalt  }
0x84: {  	_ =	shalt  }
0x85: {  	_ =	shalt  }
0x86: {  	_ =	shalt  }
0x87: {  	_ =	shalt  }
.Lfunc_end0:
.L_simem_size_0:
called_computation.2_lowered:
.L_overlay_start_0:
0x88: {  	s2 =	sld [smem:$0x3FD9]  }
0x89: {  	s3 =	sld [smem:$0x3FFE];
	_ =	sdelay $0x1  }
0x8a: {  	s1 =	srdreg.scid  }
0x8b: {  	s0 =	sand.u32 $0x1, s1  }
0x8c: {  	s16 =	sshll.u32 s0, $0xA;
	s2 =	sadd.s32 s3, s2  }
0x8d: {  	s2 =	sadd.s32 s2, s16  }
0x8e: {  	[smem:$0x3FBD] =	sst s2  }
0x8f: {  	_ = 	snop  }
0x90: {  	(tm) =	ssettm $0x1  }
0x91: {  	s17 =	sld [smem:$0x3FFB];
	_ =	sdelay $0x3  }
0x92: {  	_ =	strace s17  }
0x93: {  	s2 =	sld [smem:$0x3FFC];
	_ =	sdelay $0x3  }
0x94: {  	_ =	strace s2  }
0x95: {  	s2 =	sld [smem:$0x3FFD];
	_ =	sdelay $0x3  }
0x96: {  	_ =	strace s2  }
0x97: {  	_ =	strace $0x8FFFFFFF  }
0x98: {  	s18 =	sld [smem:$0x3FDB];
	_ =	sdelay $0x1  }
0x99: {  	s19 =	simm.s32 $_scs_section_size  }
0x9a: {  	s4 =	simm.s32 $_size__tile_overlayer_lowered;
	s5 =	simm.s32 $_tile_overlayer_lowered  }
0x9b: {  	s22 =	simm.s32 $0x1BFF;
	s21 =	sshll.u32 s5, $0x1;
	s2 =	sadd.s32 s19, s18  }
0x9c: {  	s6 =	simm.s32 $0x0;
	s20 =	sshll.u32 s4, $0x1;
	s4 =	sadd.s32 s21, s2  }
0x9d: {  	[timem:s6], [sflag:s22] =	dma.local [hbm:s4], s20  }
0x9e: {  	_ =	swait.ge [sflag:s22], s20  }
0x9f: {  	s3 =	ssub.s32 $0x0, s20;
	[sflag:s22] =	ssyncset.done $0x0  }
0xa0: {  	[sflag:s22] =	ssyncadd.s32 s3;
	_ =	sdelay $0x1  }
0xa1: {  	s23 =	simm.s32 $0x1B8B  }
0xa2: {  	_ =	swait.ge [sflag:s23], $0x1  }
0xa3: {  	[sflag:s23] =	ssyncset.done $0x0  }
0xa4: {  	s25 =	simm.s32 $0x1B8E;
	s24 =	sld [smem:$0x3FFE];
	[sflag:s23] =	ssyncadd.s32 $0xFFFFFFFF  }
0xa5: {  	s26 =	simm.s32 $execute0_lowered;
	[smem:$0x3FD2] =	sst s25  }
0xa6: {  	s4 =	sshll.u32 s26, $0x1;
	_ =	strace $0x8000004C;
	[dreg:$0x1] =	wrdreg $0xFFFFFFFF  }
0xa7: {  	s28 =	simm.s32 $_size_execute0_lowered;
	s2 =	sadd.s32 s2, s4;
	[dreg:$0x0] =	wrdreg $0x0  }
0xa8: {  	s4 =	sshll.u32 s28, $0x1;
	[dreg:$0x2] =	wrdreg s2  }
0xa9: {  	[dreg:$0x3] =	wrdreg s4  }
0xaa: {  	[dreg:$0x4] =	wrdreg $0xC0  }
0xab: {  	_ =	task [dreg:s6], $0x5FFFF  }
0xac: {  	[dreg:$0x1] =	wrdreg $0xFFFFFFFF  }
0xad: {  	[dreg:$0x0] =	wrdreg $0x60  }
0xae: {  	[dreg:$0x2] =	wrdreg s24  }
0xaf: {  	[dreg:$0x3] =	wrdreg $0xA8000  }
0xb0: {  	[dreg:$0x4] =	wrdreg $0x9  }
0xb1: {  	_ =	task.clear_ibuf [dreg:s6], $0x5FFFF;
	_ =	strace $0x9000004C  }
0xb2: {  	s29 =	simm.s32 $0x9;
	_ =	strace $0x8000004E  }
0xb3: {  	_ =	swait.ge [sflag:s29], $0x1  }
0xb4: {  	[sflag:s29] =	ssyncadd.s32 $0xFFFFFFFF  }
0xb5: {  	_ =	strace $0x9000004E  }
0xb6: {  	_ =	sfence  }
0xb7: {  	s30 =	sld [smem:$0x0];
	_ =	sdelay $0x2  }
0xb8: {  	s31 =	sshll.u32 s1, $0xD;
	s1 =	sshrl.u32 s1, $0x2  }
0xb9: {  	s3 =	sand.u32 $0x4000, s31;
	s1 =	sadd.s32 s1, s30  }
0xba: {  	s0 =	sor.u32 s3, s0;
	s1 =	sshll.u32 s1, $0x11  }
0xbb: {  	s0 =	sor.u32 s1, s0  }
0xbc: {  	s0 =	sadd.s32 $0x8F2B, s0  }
0xbd: {  	[sflag:s0] =	ssyncadd.remote.s32 $0x1  }
0xbe: {  	_ =	sfence.sel $0xFFFF  }
0xbf: {  	[dreg:$0x0] =	wrdreg $0xFFFFFFFF;
	(pc) =	sbr.abs _section_cstart, $3  }
0xc0: {  	[dreg:$0x1] =	wrdreg $0xFFFFFFFF  }
0xc1: {  	_ =	task.clear_ibuf [dreg:s6], $0x2FFFF;
	_ =	strace $0x9FFFFFFF  }
0xc2: {  	(tm) =	ssettm $0x7FFFFFFF  }
0xc3: {  	_ =	shalt  }
tec
execute0_lowered:
.L_overlay_start_1:
0x0: {  	(tag) =	ssettag $0x1  }
0x1: {  	s7 =	rddreg [dreg:$0x0]  }
0x2: {  	s0 =	srdreg.scid;
	s2 =	rddreg [dreg:$0x1]  }
0x3: {  	s3 =	simm.s32 $0x0;
	s15 =	simm.s32 $0x1400;
	s16 =	simm.s32 $0x80  }
0x4: {  	s17 =	simm.s32 $0x2800;
	s18 =	simm.s32 $0x6800;
	s19 =	simm.s32 $0x1  }
0x5: {  	s20 =	simm.s32 $0x2;
	s21 =	simm.s32 $0x3;
	s22 =	simm.s32 $0x4  }
0x6: {  	s23 =	simm.s32 $0x2700;
	s24 =	simm.s32 $0x2780;
	s25 =	simm.s32 $0x0  }
0x7: {  	s6 =	sand.u32 $0x1, s0;
	s0 =	stileid.u32;
	[smem:$0x7FF] =	sst s3  }
0x8: {  	s4 =	sadd.s32 $0x85E00, s7;
	s5 =	sadd.s32 $0x5DE00, s7;
	s9 =	smul.u32 $0x28000, s0  }
0x9: {  	s1 =	sshll.u32 s6, $0x4;
	s10 =	smul.u32 $0x500000, s6;
	s6 =	ssub.s32 $0x2, s6  }
0xa: {  	s31 =	sshll.u32 s0, $0x6;
	s1 =	sor.u32 s0, s1;
	s29 =	sshrl.u32 s6, $0x1  }
0xb: {  	s8 =	smul.u32 $0x280, s1;
	s1 =	rddreg [dreg:$0x2];
	_ =	strace $0x8000004D  }
0xc: {  	s26 =	sadd.s32 s9, s10;
	s28 =	sshrl.u32 s9, $0x4;
	s30 =	sshrl.u32 s9, $0x1  }
0xd: {  	s13 =	ssub.s32 s6, s29;
	s10 =	sadd.s32 s28, s7;
	s14 =	sadd.s32 s30, s2  }
0xe: {  	s11 =	sadd.s32 s8, s7;
	s8 =	sshrl.u32 s26, $0x4;
	s6 =	sadd.s32 $0xD6600, s10  }
0xf: {  	s12 =	sadd.s32 s8, s7;
	s7 =	sor.u32 $0x1C05, s31;
	s8 =	sadd.s32 $0x3E00, s11  }
0x10: {  	s9 =	sadd.s32 $0x8E00, s11;
	s10 =	sadd.s32 $0xFE600, s12;
	s11 =	sadd.s32 $0x126600, s12  }
0x11: {  	s12 =	smax.u32 s13, $0x1;
	s13 =	sshrl.u32 s14, $0x3;
	s14 =	simm.s32 $0x5  }
.LBB2_1:
0x12: {  	[spmem:s13], [sflag:s7] =	dma.local [hbm:s6], $0x2800  }
0x13: {  	_ =	swait.ge [sflag:s14], $0x2800  }
0x14: {  	[sflag:s14] =	ssyncset.done $0x0  }
0x15: {  	[sflag:s14] =	ssyncadd.s32 $0xFFFFD800  }
0x16: {  	[bflag:$0x0] =	sbarrier.arrive $0xFFFF  }
0x17: {  	[tilespmem:s3], [sflag:$0x5] =	stream.linear.gather [hbm4b:s8+s3], $0x1400, $0x38;
	[tilespmem:$0x1E800] =	vst v63  }
0x18: {  	_ =	swait.ge [sflag:s14], $0x1400  }
0x19: {  	[sflag:s14] =	ssyncset.done $0x0  }
0x1a: {  	[sflag:s14] =	ssyncadd.s32 $0xFFFFEC00  }
0x1b: {  	[tilespmem:s15], [sflag:$0x5] =	stream.linear.gather [hbm4b:s9+s3], $0x1400, $0x38;
	[tilespmem:$0x1E800] =	vst v63  }
0x1c: {  	_ =	swait.ge [sflag:s14], $0x1400  }
0x1d: {  	[sflag:s14] =	ssyncset.done $0x0  }
0x1e: {  	[sflag:s14] =	ssyncadd.s32 $0xFFFFEC00  }
0x1f: {  	[tilespmem:s17], [sflag:$0x1] =	stream.indirect.gather [hbm4b:s4+s16], $0x80, s3, s16, $0xb8;
	[tilespmem:$0x1E800] =	vst v63  }
0x20: {  	_ = 	snop  }
0x21: {  	[tilespmem:s18], [sflag:$0x2] =	stream.indirect.gather [hbm4b:s4+s16], $0x80, s16, s16, $0xb8;
	[tilespmem:$0x1E800] =	vst v63  }
0x22: {  	_ =	swait.ge [sflag:s19], $0x4000  }
0x23: {  	[sflag:s19] =	ssyncset.done $0x0  }
0x24: {  	s26 =	simm.s32 $0x1400;
	[sflag:s19] =	ssyncadd.s32 $0xFFFFC000  }
0x25: {  	[spmem:s2] =	stream.indirect.scatter.add.bf16 [tilespmem:s17], [sflag:$0x3], $0x80, s26, s16, $0xb8;
	[tilespmem:$0x1E800] =	vst v63  }
0x26: {  	_ =	swait.ge [sflag:s20], $0x4000  }
0x27: {  	[sflag:s20] =	ssyncset.done $0x0  }
0x28: {  	s30 =	simm.s32 $0x1480;
	[sflag:s20] =	ssyncadd.s32 $0xFFFFC000  }
0x29: {  	[spmem:s2] =	stream.indirect.scatter.add.bf16 [tilespmem:s18], [sflag:$0x4], $0x80, s30, s16, $0xb8;
	[tilespmem:$0x1E800] =	vst v63  }
0x2a: {  	_ =	swait.ge [sflag:s21], $0x4000  }
0x2b: {  	[sflag:s21] =	ssyncset.done $0x0  }
0x2c: {  	s31 =	simm.s32 $0x100;
	[sflag:s21] =	ssyncadd.s32 $0xFFFFC000  }
0x2d: {  	[tilespmem:s17], [sflag:$0x1] =	stream.indirect.gather [hbm4b:s4+s16], $0x80, s31, s16, $0xb8;
	[tilespmem:$0x1E800] =	vst v63  }
0x2e: {  	_ =	swait.ge [sflag:s22], $0x4000  }
0x2f: {  	[sflag:s22] =	ssyncset.done $0x0  }
0x30: {  	s28 =	simm.s32 $0x180;
	s26 =	simm.s32 $0x400;
	[sflag:s22] =	ssyncadd.s32 $0xFFFFC000  }
.LBB2_2:
0x31: {  	[tilespmem:s18], [sflag:$0x2] =	stream.indirect.gather [hbm4b:s4+s16], $0x80, s28, s16, $0xb8;
	[tilespmem:$0x1E800] =	vst v63  }
0x32: {  	s28 =	smov.u32 s26  }
0x33: {  	p0 =	sne.s32 s26, $0x4800;
	s26 =	sadd.s32 $0x400, s26;
	_ =	swait.ge [sflag:s19], $0x4000  }
0x34: {  	s28 =	sshra.s32 s28, $0x2;
	[sflag:s19] =	ssyncset.done $0x0  }
0x35: {  	s29 =	sadd.s32 $0x1400, s28;
	[sflag:s19] =	ssyncadd.s32 $0xFFFFC000  }
0x36: {  	[spmem:s2] =	stream.indirect.scatter.add.bf16 [tilespmem:s17], [sflag:$0x3], $0x80, s29, s16, $0xb8;
	[tilespmem:$0x1E800] =	vst v63  }
0x37: {  	_ =	swait.ge [sflag:s20], $0x4000  }
0x38: {  	[sflag:s20] =	ssyncset.done $0x0  }
0x39: {  	s29 =	sadd.s32 $0x1480, s28;
	[sflag:s20] =	ssyncadd.s32 $0xFFFFC000  }
0x3a: {  	[spmem:s2] =	stream.indirect.scatter.add.bf16 [tilespmem:s18], [sflag:$0x4], $0x80, s29, s16, $0xb8;
	[tilespmem:$0x1E800] =	vst v63  }
0x3b: {  	_ =	swait.ge [sflag:s21], $0x4000  }
0x3c: {  	[sflag:s21] =	ssyncset.done $0x0  }
.Ltmp0:
0x3d: {  	s29 =	sadd.s32 $0x100, s28;
	[sflag:s21] =	ssyncadd.s32 $0xFFFFC000;
	(pc) =	sbr.rel @p0 .LBB2_2-.Ltmp0, $4  }
0x3e: {  	[tilespmem:s17], [sflag:$0x1] =	stream.indirect.gather [hbm4b:s4+s16], $0x80, s29, s16, $0xb8;
	[tilespmem:$0x1E800] =	vst v63  }
0x3f: {  	_ =	swait.ge [sflag:s22], $0x4000  }
0x40: {  	[sflag:s22] =	ssyncset.done $0x0  }
0x41: {  	s28 =	sadd.s32 $0x180, s28;
	[sflag:s22] =	ssyncadd.s32 $0xFFFFC000  }
0x42: {  	[tilespmem:s18], [sflag:$0x2] =	stream.indirect.gather [hbm4b:s4+s16], $0x80, s28, s16, $0xb8;
	[tilespmem:$0x1E800] =	vst v63  }
0x43: {  	_ =	swait.ge [sflag:s19], $0x4000  }
0x44: {  	[sflag:s19] =	ssyncset.done $0x0  }
0x45: {  	[sflag:s19] =	ssyncadd.s32 $0xFFFFC000  }
0x46: {  	[spmem:s2] =	stream.indirect.scatter.add.bf16 [tilespmem:s17], [sflag:$0x3], $0x80, s23, s16, $0xb8;
	[tilespmem:$0x1E800] =	vst v63  }
0x47: {  	_ =	swait.ge [sflag:s20], $0x4000  }
0x48: {  	[sflag:s20] =	ssyncset.done $0x0  }
0x49: {  	[sflag:s20] =	ssyncadd.s32 $0xFFFFC000  }
0x4a: {  	[spmem:s2] =	stream.indirect.scatter.add.bf16 [tilespmem:s18], [sflag:$0x4], $0x80, s24, s16, $0xb8;
	[tilespmem:$0x1E800] =	vst v63  }
0x4b: {  	_ =	swait.ge [sflag:s21], $0x4000  }
0x4c: {  	[sflag:s21] =	ssyncset.done $0x0  }
0x4d: {  	[sflag:s21] =	ssyncadd.s32 $0xFFFFC000  }
0x4e: {  	_ =	swait.ge [sflag:s22], $0x4000  }
0x4f: {  	[sflag:s22] =	ssyncset.done $0x0  }
0x50: {  	[sflag:s22] =	ssyncadd.s32 $0xFFFFC000  }
0x51: {  	[bflag:$0x0] =	sbarrier.arrive $0xFFFF  }
0x52: {  	[hbm:s10], [sflag:s7] =	dma.local [spmem:s13], $0x2800  }
0x53: {  	_ =	swait.ge [sflag:s14], $0x2800  }
0x54: {  	[sflag:s14] =	ssyncset.done $0x0  }
0x55: {  	[sflag:s14] =	ssyncadd.s32 $0xFFFFD800  }
0x56: {  	[bflag:$0x0] =	sbarrier.arrive $0xFFFF  }
0x57: {  	[spmem:s13], [sflag:s7] =	dma.local [hbm:s6], $0x2800  }
0x58: {  	_ =	swait.ge [sflag:s14], $0x2800  }
0x59: {  	[sflag:s14] =	ssyncset.done $0x0  }
0x5a: {  	[sflag:s14] =	ssyncadd.s32 $0xFFFFD800  }
0x5b: {  	s26 =	simm.s32 $0x0;
	[bflag:$0x0] =	sbarrier.arrive $0xFFFF  }
0x5c: {  	[tilespmem:s26], [sflag:$0x5] =	stream.linear.gather [hbm4b:s8+s26], $0x1400, $0x38;
	[tilespmem:$0x1E800] =	vst v63  }
0x5d: {  	_ =	swait.ge [sflag:s14], $0x1400  }
0x5e: {  	[sflag:s14] =	ssyncset.done $0x0  }
0x5f: {  	[sflag:s14] =	ssyncadd.s32 $0xFFFFEC00  }
0x60: {  	[tilespmem:s15], [sflag:$0x5] =	stream.linear.gather [hbm4b:s9+s26], $0x1400, $0x38;
	[tilespmem:$0x1E800] =	vst v63  }
0x61: {  	_ =	swait.ge [sflag:s14], $0x1400  }
0x62: {  	[sflag:s14] =	ssyncset.done $0x0  }
0x63: {  	[sflag:s14] =	ssyncadd.s32 $0xFFFFEC00  }
0x64: {  	[tilespmem:s17], [sflag:$0x1] =	stream.indirect.gather [hbm4b:s5+s16], $0x80, s26, s16, $0xb8;
	[tilespmem:$0x1E800] =	vst v63  }
0x65: {  	_ = 	snop  }
0x66: {  	[tilespmem:s18], [sflag:$0x2] =	stream.indirect.gather [hbm4b:s5+s16], $0x80, s16, s16, $0xb8;
	[tilespmem:$0x1E800] =	vst v63  }
0x67: {  	_ =	swait.ge [sflag:s19], $0x4000  }
0x68: {  	[sflag:s19] =	ssyncset.done $0x0  }
0x69: {  	s29 =	simm.s32 $0x1400;
	[sflag:s19] =	ssyncadd.s32 $0xFFFFC000  }
0x6a: {  	[spmem:s2] =	stream.indirect.scatter.add.bf16 [tilespmem:s17], [sflag:$0x3], $0x80, s29, s16, $0xb8;
	[tilespmem:$0x1E800] =	vst v63  }
0x6b: {  	_ =	swait.ge [sflag:s20], $0x4000  }
0x6c: {  	[sflag:s20] =	ssyncset.done $0x0  }
0x6d: {  	s30 =	simm.s32 $0x1480;
	[sflag:s20] =	ssyncadd.s32 $0xFFFFC000  }
0x6e: {  	[spmem:s2] =	stream.indirect.scatter.add.bf16 [tilespmem:s18], [sflag:$0x4], $0x80, s30, s16, $0xb8;
	[tilespmem:$0x1E800] =	vst v63  }
0x6f: {  	_ =	swait.ge [sflag:s21], $0x4000  }
0x70: {  	[sflag:s21] =	ssyncset.done $0x0  }
0x71: {  	s31 =	simm.s32 $0x100;
	[sflag:s21] =	ssyncadd.s32 $0xFFFFC000  }
0x72: {  	[tilespmem:s17], [sflag:$0x1] =	stream.indirect.gather [hbm4b:s5+s16], $0x80, s31, s16, $0xb8;
	[tilespmem:$0x1E800] =	vst v63  }
0x73: {  	_ =	swait.ge [sflag:s22], $0x4000  }
0x74: {  	[sflag:s22] =	ssyncset.done $0x0  }
0x75: {  	s28 =	simm.s32 $0x180;
	s26 =	simm.s32 $0x400;
	[sflag:s22] =	ssyncadd.s32 $0xFFFFC000  }
.LBB2_4:
0x76: {  	[tilespmem:s18], [sflag:$0x2] =	stream.indirect.gather [hbm4b:s5+s16], $0x80, s28, s16, $0xb8;
	[tilespmem:$0x1E800] =	vst v63  }
0x77: {  	s28 =	smov.u32 s26  }
0x78: {  	p0 =	sne.s32 s26, $0x4800;
	s26 =	sadd.s32 $0x400, s26;
	_ =	swait.ge [sflag:s19], $0x4000  }
0x79: {  	s28 =	sshra.s32 s28, $0x2;
	[sflag:s19] =	ssyncset.done $0x0  }
0x7a: {  	s29 =	sadd.s32 $0x1400, s28;
	[sflag:s19] =	ssyncadd.s32 $0xFFFFC000  }
0x7b: {  	[spmem:s2] =	stream.indirect.scatter.add.bf16 [tilespmem:s17], [sflag:$0x3], $0x80, s29, s16, $0xb8;
	[tilespmem:$0x1E800] =	vst v63  }
0x7c: {  	_ =	swait.ge [sflag:s20], $0x4000  }
0x7d: {  	[sflag:s20] =	ssyncset.done $0x0  }
0x7e: {  	s29 =	sadd.s32 $0x1480, s28;
	[sflag:s20] =	ssyncadd.s32 $0xFFFFC000  }
0x7f: {  	[spmem:s2] =	stream.indirect.scatter.add.bf16 [tilespmem:s18], [sflag:$0x4], $0x80, s29, s16, $0xb8;
	[tilespmem:$0x1E800] =	vst v63  }
0x80: {  	_ =	swait.ge [sflag:s21], $0x4000  }
0x81: {  	[sflag:s21] =	ssyncset.done $0x0  }
.Ltmp1:
0x82: {  	s29 =	sadd.s32 $0x100, s28;
	[sflag:s21] =	ssyncadd.s32 $0xFFFFC000;
	(pc) =	sbr.rel @p0 .LBB2_4-.Ltmp1, $4  }
0x83: {  	[tilespmem:s17], [sflag:$0x1] =	stream.indirect.gather [hbm4b:s5+s16], $0x80, s29, s16, $0xb8;
	[tilespmem:$0x1E800] =	vst v63  }
0x84: {  	_ =	swait.ge [sflag:s22], $0x4000  }
0x85: {  	[sflag:s22] =	ssyncset.done $0x0  }
0x86: {  	s28 =	sadd.s32 $0x180, s28;
	[sflag:s22] =	ssyncadd.s32 $0xFFFFC000  }
0x87: {  	[tilespmem:s18], [sflag:$0x2] =	stream.indirect.gather [hbm4b:s5+s16], $0x80, s28, s16, $0xb8;
	[tilespmem:$0x1E800] =	vst v63  }
0x88: {  	_ =	swait.ge [sflag:s19], $0x4000  }
0x89: {  	[sflag:s19] =	ssyncset.done $0x0  }
0x8a: {  	[sflag:s19] =	ssyncadd.s32 $0xFFFFC000  }
0x8b: {  	[spmem:s2] =	stream.indirect.scatter.add.bf16 [tilespmem:s17], [sflag:$0x3], $0x80, s23, s16, $0xb8;
	[tilespmem:$0x1E800] =	vst v63  }
0x8c: {  	_ =	swait.ge [sflag:s20], $0x4000  }
0x8d: {  	[sflag:s20] =	ssyncset.done $0x0  }
0x8e: {  	[sflag:s20] =	ssyncadd.s32 $0xFFFFC000  }
0x8f: {  	[spmem:s2] =	stream.indirect.scatter.add.bf16 [tilespmem:s18], [sflag:$0x4], $0x80, s24, s16, $0xb8;
	[tilespmem:$0x1E800] =	vst v63  }
0x90: {  	_ =	swait.ge [sflag:s21], $0x4000  }
0x91: {  	[sflag:s21] =	ssyncset.done $0x0  }
0x92: {  	[sflag:s21] =	ssyncadd.s32 $0xFFFFC000  }
0x93: {  	_ =	swait.ge [sflag:s22], $0x4000  }
0x94: {  	[sflag:s22] =	ssyncset.done $0x0  }
0x95: {  	s25 =	sadd.s32 $0x1, s25;
	[sflag:s22] =	ssyncadd.s32 $0xFFFFC000  }
0x96: {  	p0 =	sne.s32 s25, s12;
	[bflag:$0x0] =	sbarrier.arrive $0xFFFF  }
0x97: {  	[hbm:s11], [sflag:s7] =	dma.local [spmem:s13], $0x2800  }
.Ltmp2:
0x98: {  	_ =	swait.ge [sflag:s14], $0x2800;
	(pc) =	sbr.rel @p0 .LBB2_1-.Ltmp2, $3  }
0x99: {  	[sflag:s14] =	ssyncset.done $0x0  }
0x9a: {  	[sflag:s14] =	ssyncadd.s32 $0xFFFFD800  }
0x9b: {  	[bflag:$0x0] =	sbarrier.arrive $0xFFFF;
	_ =	sdelay $0x1  }
0x9c: {  	_ =	sfence.sel $0x180000  }
0x9d: {  	[bflag:$0x0] =	sbarrier.arrive $0xFFFF  }
0x9e: {  	p0 =	sne.s32 s0, $0x0;
	_ =	strace $0x9000004D  }
0x9f: {  	s0 =	sadd.s32 @!p0 $0x100000, s1;
	[bflag:$0x2] =	sbarrier.arrive $0xFFFF  }
0xa0: {  	[sflag:s0] =	ssyncadd.tile.s32 @!p0 $0x1;
	_ =	shalt  }
.Lfunc_end2:
_tile_overlayer_lowered:
.L_overlay_start_2:
0xa1: {  	(tag) =	ssettag $0x2  }
0xa2: {  	s0 =	rddreg [dreg:$0x0];
	s2 =	stileid.u32  }
0xa3: {  	s1 =	rddreg [dreg:$0x1];
	p0 =	sne.s32 s2, $0x0  }
0xa4: {  	s3 =	rddreg [dreg:$0x2];
	[bflag:$0x3] =	sbarrier.arrive $0xFFFF;
	s2 =	simm.s32 @!p0 $0x1C05  }
0xa5: {  	[timem:s3], [sflag:s2] =	dma.local @!p0 [hbm:s0], s1  }
0xa6: {  	s0 =	simm.s32 @!p0 $0x5  }
0xa7: {  	_ =	swait.ge @!p0 [sflag:s0], s1  }
0xa8: {  	s1 =	ssub.s32 @!p0 $0x0, s1;
	[sflag:s0] =	ssyncset.done @!p0 $0x0  }
0xa9: {  	[sflag:s0] =	ssyncadd.s32 @!p0 s1  }
0xaa: {  	[bflag:$0x3] =	sbarrier.arrive $0xFFFF  }
0xab: {  	_ =	shalt  }

// kernel: kernel.21.cloned.1.call-start
scs
__scs_entry_jumppad:
0x0: {  	(pc) =	sbr.rel $0x88, $3  }
0x1: {  	(tag) =	ssettag $0x0;
	lr =	simm.s32 $0x1  }
0x2: {  	[smem:$0x3F96] =	sst lr;
	_ =	strace $0xD0000000  }
0x3: {  	_ = 	snop  }
0x4: {  	_ = 	snop  }
0x5: {  	_ = 	snop  }
0x6: {  	_ = 	snop  }
0x7: {  	_ = 	snop  }
__scs_overlays_trampoline_lowered:
0x8: {  	[smem:$0x3FA5] =	sst s0  }
0x9: {  	[smem:$0x3FA6] =	sst s1  }
0xa: {  	[smem:$0x3FA7] =	sst s2  }
0xb: {  	[smem:$0x3FA8] =	sst s3  }
0xc: {  	[smem:$0x3FA9] =	sst s4  }
0xd: {  	[smem:$0x3FAA] =	sst s5  }
0xe: {  	[smem:$0x3FAB] =	sst s6  }
0xf: {  	[smem:$0x3FAC] =	sst s7  }
0x10: {  	[smem:$0x3FAD] =	sst s8  }
0x11: {  	[smem:$0x3FAE] =	sst s9;
	s0 =	simm.s32 @!p0 $0x0  }
0x12: {  	s1 =	sld [smem:$0x3F94];
	s0 =	simm.s32 @p0 $0x1  }
0x13: {  	[smem:$0x3FAF] =	sst s0;
	s0 =	simm.s32 @!p1 $0x0  }
0x14: {  	s2 =	sld [smem:$0x3F93];
	s0 =	simm.s32 @p1 $0x1  }
0x15: {  	[smem:$0x3FB0] =	sst s0;
	s0 =	simm.s32 @!p2 $0x0  }
0x16: {  	s3 =	sld [smem:$0x3FDB];
	s0 =	simm.s32 @p2 $0x1  }
0x17: {  	s4 =	simm.s32 $0x1BF5;
	[smem:$0x3FB2] =	sst s0  }
0x18: {  	s0 =	sld [smem:$0x3F95];
	_ =	swait.ge [sflag:s4], $0x0  }
0x19: {  	s7 =	sld [smem:$0x3F96]  }
0x1a: {  	s8 =	sadd.s32 $0xFFFFE003, lr  }
0x1b: {  	s9 =	sadd.s32 $0xFFFFFEF7, lr;
	s5 =	simm.s32 $0xFFFFFFFF;
	p2 =	slt.u32 s8, $0xFFFFF086  }
0x1c: {  	p1 =	slt.u32 s9, $0xF7A;
	s5 =	simm.s32 @!p2 $0x0  }
0x1d: {  	s5 =	simm.s32 @p1 $0x1;
	p0 =	seq.s32 s7, s2  }
0x1e: {  	s7 =	smul.u32 @!p0 $0xF7A, s2;
	p2 =	seq.s32 @!p0 s5, $0x0  }
0x1f: {  	s9 =	smul.u32 $0xF7A, s1;
	s8 =	simm.s32 @!p0 $0x1BF5;
	p2 =	por !p2, p0  }
0x20: {  	[sflag:s8] =	ssyncset.s32 @!p0 $0xFFFFF086;
	s6 =	sadd.s32 @!p0 s3, s7;
	s7 =	simm.s32 @!p0 $0x108  }
0x21: {  	s3 =	sadd.s32 s3, s9;
	s6 =	sadd.s32 @!p0 $0x88, s6;
	s7 =	simm.s32 @p2 $0x1082  }
0x22: {  	[simem:s7], [sflag:s8] =	dma.local @!p0 [hbm:s6], $0xF7A  }
0x23: {  	s9 =	sor.u32 $0xD0000000, s2;
	s6 =	simm.s32 $0x108;
	_ =	swait.ge @!p0 [sflag:s8], $0x0  }
0x24: {  	s3 =	sadd.s32 $0x88, s3;
	s6 =	simm.s32 @!p1 $0x1082;
	[sflag:s4] =	ssyncset.s32 $0xFFFFF086  }
0x25: {  	[simem:s6], [sflag:s4] =	dma.local [hbm:s3], $0xF7A  }
0x26: {  	[smem:$0x3F96] =	sst s1;
	(tag) =	ssettag s2;
	_ =	strace s9  }
0x27: {  	s1 =	sld [smem:$0x3FA6]  }
0x28: {  	s2 =	sld [smem:$0x3FA7]  }
0x29: {  	s4 =	sld [smem:$0x3FA9]  }
0x2a: {  	p0 =	seq.s32 s5, $0x0;
	s5 =	sld [smem:$0x3FAA]  }
0x2b: {  	s6 =	sld [smem:$0x3FAB]  }
0x2c: {  	s7 =	sld [smem:$0x3FAC]  }
0x2d: {  	s3 =	simm.s32 $0x108;
	s8 =	sld [smem:$0x3FAD]  }
0x2e: {  	s3 =	simm.s32 @!p0 $0x1082;
	s9 =	sld [smem:$0x3FAE]  }
0x2f: {  	lr =	sadd.s32 s0, s3;
	s0 =	sld [smem:$0x3FA5]  }
0x30: {  	s3 =	sld [smem:$0x3FA8]  }
0x31: {  	[smem:$0x3FB1] =	sst s10  }
0x32: {  	s10 =	sld [smem:$0x3FAF];
	_ =	sdelay $0x3  }
0x33: {  	p0 =	seq.s32 s10, $0x1;
	s10 =	sld [smem:$0x3FB1];
	_ =	sdelay $0x3  }
0x34: {  	[smem:$0x3FB1] =	sst s10  }
0x35: {  	s10 =	sld [smem:$0x3FB0];
	_ =	sdelay $0x3  }
0x36: {  	p1 =	seq.s32 s10, $0x1;
	s10 =	sld [smem:$0x3FB1];
	_ =	sdelay $0x3  }
0x37: {  	[smem:$0x3FB1] =	sst s10  }
0x38: {  	s10 =	sld [smem:$0x3FB2]  }
0x39: {  	_ = 	snop;
	(pc) =	sbr.ind lr, $3  }
0x3a: {  	_ = 	snop  }
0x3b: {  	_ = 	snop  }
0x3c: {  	p2 =	seq.s32 s10, $0x1;
	s10 =	sld [smem:$0x3FB1]  }
0x3d: {  	_ =	shalt  }
0x3e: {  	_ =	shalt  }
0x3f: {  	_ =	shalt  }
0x40: {  	_ =	shalt  }
0x41: {  	_ =	shalt  }
0x42: {  	_ =	shalt  }
0x43: {  	_ =	shalt  }
0x44: {  	_ =	shalt  }
0x45: {  	_ =	shalt  }
0x46: {  	_ =	shalt  }
0x47: {  	_ =	shalt  }
0x48: {  	_ =	shalt  }
0x49: {  	_ =	shalt  }
0x4a: {  	_ =	shalt  }
0x4b: {  	_ =	shalt  }
0x4c: {  	_ =	shalt  }
0x4d: {  	_ =	shalt  }
0x4e: {  	_ =	shalt  }
0x4f: {  	_ =	shalt  }
0x50: {  	_ =	shalt  }
0x51: {  	_ =	shalt  }
0x52: {  	_ =	shalt  }
0x53: {  	_ =	shalt  }
0x54: {  	_ =	shalt  }
0x55: {  	_ =	shalt  }
0x56: {  	_ =	shalt  }
0x57: {  	_ =	shalt  }
0x58: {  	_ =	shalt  }
0x59: {  	_ =	shalt  }
0x5a: {  	_ =	shalt  }
0x5b: {  	_ =	shalt  }
0x5c: {  	_ =	shalt  }
0x5d: {  	_ =	shalt  }
0x5e: {  	_ =	shalt  }
0x5f: {  	_ =	shalt  }
0x60: {  	_ =	shalt  }
0x61: {  	_ =	shalt  }
0x62: {  	_ =	shalt  }
0x63: {  	_ =	shalt  }
0x64: {  	_ =	shalt  }
0x65: {  	_ =	shalt  }
0x66: {  	_ =	shalt  }
0x67: {  	_ =	shalt  }
0x68: {  	_ =	shalt  }
0x69: {  	_ =	shalt  }
0x6a: {  	_ =	shalt  }
0x6b: {  	_ =	shalt  }
0x6c: {  	_ =	shalt  }
0x6d: {  	_ =	shalt  }
0x6e: {  	_ =	shalt  }
0x6f: {  	_ =	shalt  }
0x70: {  	_ =	shalt  }
0x71: {  	_ =	shalt  }
0x72: {  	_ =	shalt  }
0x73: {  	_ =	shalt  }
0x74: {  	_ =	shalt  }
0x75: {  	_ =	shalt  }
0x76: {  	_ =	shalt  }
0x77: {  	_ =	shalt  }
0x78: {  	_ =	shalt  }
0x79: {  	_ =	shalt  }
0x7a: {  	_ =	shalt  }
0x7b: {  	_ =	shalt  }
0x7c: {  	_ =	shalt  }
0x7d: {  	_ =	shalt  }
0x7e: {  	_ =	shalt  }
0x7f: {  	_ =	shalt  }
0x80: {  	_ =	shalt  }
0x81: {  	_ =	shalt  }
0x82: {  	_ =	shalt  }
0x83: {  	_ =	shalt  }
0x84: {  	_ =	shalt  }
0x85: {  	_ =	shalt  }
0x86: {  	_ =	shalt  }
0x87: {  	_ =	shalt  }
.Lfunc_end0:
.L_simem_size_0:
called_computation.3_lowered:
.L_overlay_start_0:
0x88: {  	s2 =	sld [smem:$0x3FD9]  }
0x89: {  	s3 =	sld [smem:$0x3FFE];
	_ =	sdelay $0x1  }
0x8a: {  	s1 =	srdreg.scid  }
0x8b: {  	s0 =	sand.u32 $0x1, s1  }
0x8c: {  	s16 =	sshll.u32 s0, $0xA;
	s2 =	sadd.s32 s3, s2  }
0x8d: {  	s2 =	sadd.s32 s2, s16  }
0x8e: {  	[smem:$0x3FBD] =	sst s2  }
0x8f: {  	_ = 	snop  }
0x90: {  	(tm) =	ssettm $0x1  }
0x91: {  	s17 =	sld [smem:$0x3FFB];
	_ =	sdelay $0x3  }
0x92: {  	_ =	strace s17  }
0x93: {  	s2 =	sld [smem:$0x3FFC];
	_ =	sdelay $0x3  }
0x94: {  	_ =	strace s2  }
0x95: {  	s2 =	sld [smem:$0x3FFD];
	_ =	sdelay $0x3  }
0x96: {  	_ =	strace s2  }
0x97: {  	_ =	strace $0x8FFFFFFF  }
0x98: {  	s18 =	sld [smem:$0x3FDB];
	_ =	sdelay $0x1  }
0x99: {  	s19 =	simm.s32 $_scs_section_size  }
0x9a: {  	s4 =	simm.s32 $_size__tile_overlayer_lowered;
	s5 =	simm.s32 $_tile_overlayer_lowered  }
0x9b: {  	s22 =	simm.s32 $0x1BFF;
	s21 =	sshll.u32 s5, $0x1;
	s2 =	sadd.s32 s19, s18  }
0x9c: {  	s6 =	simm.s32 $0x0;
	s20 =	sshll.u32 s4, $0x1;
	s4 =	sadd.s32 s21, s2  }
0x9d: {  	[timem:s6], [sflag:s22] =	dma.local [hbm:s4], s20  }
0x9e: {  	_ =	swait.ge [sflag:s22], s20  }
0x9f: {  	s3 =	ssub.s32 $0x0, s20;
	[sflag:s22] =	ssyncset.done $0x0  }
0xa0: {  	[sflag:s22] =	ssyncadd.s32 s3;
	_ =	sdelay $0x1  }
0xa1: {  	s23 =	simm.s32 $0x1B8B  }
0xa2: {  	_ =	swait.ge [sflag:s23], $0x1  }
0xa3: {  	[sflag:s23] =	ssyncset.done $0x0  }
0xa4: {  	s25 =	simm.s32 $0x1B8E;
	s24 =	sld [smem:$0x3FFE];
	[sflag:s23] =	ssyncadd.s32 $0xFFFFFFFF  }
0xa5: {  	s26 =	simm.s32 $execute0_lowered;
	[smem:$0x3FD2] =	sst s25  }
0xa6: {  	s4 =	sshll.u32 s26, $0x1;
	_ =	strace $0x8000004F;
	[dreg:$0x1] =	wrdreg $0xFFFFFFFF  }
0xa7: {  	s28 =	simm.s32 $_size_execute0_lowered;
	s2 =	sadd.s32 s2, s4;
	[dreg:$0x0] =	wrdreg $0x0  }
0xa8: {  	s4 =	sshll.u32 s28, $0x1;
	[dreg:$0x2] =	wrdreg s2  }
0xa9: {  	[dreg:$0x3] =	wrdreg s4  }
0xaa: {  	[dreg:$0x4] =	wrdreg $0xC0  }
0xab: {  	_ =	task [dreg:s6], $0x5FFFF  }
0xac: {  	[dreg:$0x1] =	wrdreg $0xFFFFFFFF  }
0xad: {  	[dreg:$0x0] =	wrdreg $0x60  }
0xae: {  	[dreg:$0x2] =	wrdreg s24  }
0xaf: {  	[dreg:$0x3] =	wrdreg $0xA8000  }
0xb0: {  	[dreg:$0x4] =	wrdreg $0x9  }
0xb1: {  	_ =	task.clear_ibuf [dreg:s6], $0x5FFFF;
	_ =	strace $0x9000004F  }
0xb2: {  	s29 =	simm.s32 $0x9;
	_ =	strace $0x80000051  }
0xb3: {  	_ =	swait.ge [sflag:s29], $0x1  }
0xb4: {  	[sflag:s29] =	ssyncadd.s32 $0xFFFFFFFF  }
0xb5: {  	_ =	strace $0x90000051  }
0xb6: {  	_ =	sfence  }
0xb7: {  	s30 =	sld [smem:$0x0];
	_ =	sdelay $0x2  }
0xb8: {  	s31 =	sshll.u32 s1, $0xD;
	s1 =	sshrl.u32 s1, $0x2  }
0xb9: {  	s3 =	sand.u32 $0x4000, s31;
	s1 =	sadd.s32 s1, s30  }
0xba: {  	s0 =	sor.u32 s3, s0;
	s1 =	sshll.u32 s1, $0x11  }
0xbb: {  	s0 =	sor.u32 s1, s0  }
0xbc: {  	s0 =	sadd.s32 $0x8F2B, s0  }
0xbd: {  	[sflag:s0] =	ssyncadd.remote.s32 $0x1  }
0xbe: {  	_ =	sfence.sel $0xFFFF  }
0xbf: {  	[dreg:$0x0] =	wrdreg $0xFFFFFFFF;
	(pc) =	sbr.abs _section_cstart, $3  }
0xc0: {  	[dreg:$0x1] =	wrdreg $0xFFFFFFFF  }
0xc1: {  	_ =	task.clear_ibuf [dreg:s6], $0x2FFFF;
	_ =	strace $0x9FFFFFFF  }
0xc2: {  	(tm) =	ssettm $0x7FFFFFFF  }
0xc3: {  	_ =	shalt  }
tec
execute0_lowered:
.L_overlay_start_1:
0x0: {  	(tag) =	ssettag $0x1  }
0x1: {  	s7 =	rddreg [dreg:$0x0]  }
0x2: {  	s0 =	srdreg.scid;
	s2 =	rddreg [dreg:$0x1]  }
0x3: {  	s3 =	simm.s32 $0x0;
	s15 =	simm.s32 $0x1400;
	s16 =	simm.s32 $0x80  }
0x4: {  	s17 =	simm.s32 $0x2800;
	s18 =	simm.s32 $0x6800;
	s19 =	simm.s32 $0x1  }
0x5: {  	s20 =	simm.s32 $0x2;
	s21 =	simm.s32 $0x3;
	s22 =	simm.s32 $0x4  }
0x6: {  	s23 =	simm.s32 $0x2700;
	s24 =	simm.s32 $0x2780;
	s25 =	simm.s32 $0x0  }
0x7: {  	s6 =	sand.u32 $0x1, s0;
	s0 =	stileid.u32;
	[smem:$0x7FF] =	sst s3  }
0x8: {  	s4 =	sadd.s32 $0x85E00, s7;
	s5 =	sadd.s32 $0x5DE00, s7;
	s9 =	smul.u32 $0x28000, s0  }
0x9: {  	s1 =	sshll.u32 s6, $0x4;
	s10 =	smul.u32 $0x500000, s6;
	s6 =	ssub.s32 $0x2, s6  }
0xa: {  	s31 =	sshll.u32 s0, $0x6;
	s1 =	sor.u32 s0, s1;
	s29 =	sshrl.u32 s6, $0x1  }
0xb: {  	s8 =	smul.u32 $0x280, s1;
	s1 =	rddreg [dreg:$0x2];
	_ =	strace $0x80000050  }
0xc: {  	s26 =	sadd.s32 s9, s10;
	s28 =	sshrl.u32 s9, $0x4;
	s30 =	sshrl.u32 s9, $0x1  }
0xd: {  	s13 =	ssub.s32 s6, s29;
	s10 =	sadd.s32 s28, s7;
	s14 =	sadd.s32 s30, s2  }
0xe: {  	s11 =	sadd.s32 s8, s7;
	s8 =	sshrl.u32 s26, $0x4;
	s6 =	sadd.s32 $0xD6600, s10  }
0xf: {  	s12 =	sadd.s32 s8, s7;
	s7 =	sor.u32 $0x1C05, s31;
	s8 =	sadd.s32 $0x3E00, s11  }
0x10: {  	s9 =	sadd.s32 $0x8E00, s11;
	s10 =	sadd.s32 $0xFE600, s12;
	s11 =	sadd.s32 $0x126600, s12  }
0x11: {  	s12 =	smax.u32 s13, $0x1;
	s13 =	sshrl.u32 s14, $0x3;
	s14 =	simm.s32 $0x5  }
.LBB2_1:
0x12: {  	[spmem:s13], [sflag:s7] =	dma.local [hbm:s6], $0x2800  }
0x13: {  	_ =	swait.ge [sflag:s14], $0x2800  }
0x14: {  	[sflag:s14] =	ssyncset.done $0x0  }
0x15: {  	[sflag:s14] =	ssyncadd.s32 $0xFFFFD800  }
0x16: {  	[bflag:$0x0] =	sbarrier.arrive $0xFFFF  }
0x17: {  	[tilespmem:s3], [sflag:$0x5] =	stream.linear.gather [hbm4b:s8+s3], $0x1400, $0x38;
	[tilespmem:$0x1E800] =	vst v63  }
0x18: {  	_ =	swait.ge [sflag:s14], $0x1400  }
0x19: {  	[sflag:s14] =	ssyncset.done $0x0  }
0x1a: {  	[sflag:s14] =	ssyncadd.s32 $0xFFFFEC00  }
0x1b: {  	[tilespmem:s15], [sflag:$0x5] =	stream.linear.gather [hbm4b:s9+s3], $0x1400, $0x38;
	[tilespmem:$0x1E800] =	vst v63  }
0x1c: {  	_ =	swait.ge [sflag:s14], $0x1400  }
0x1d: {  	[sflag:s14] =	ssyncset.done $0x0  }
0x1e: {  	[sflag:s14] =	ssyncadd.s32 $0xFFFFEC00  }
0x1f: {  	[tilespmem:s17], [sflag:$0x1] =	stream.indirect.gather [hbm4b:s4+s16], $0x80, s3, s16, $0xb8;
	[tilespmem:$0x1E800] =	vst v63  }
0x20: {  	_ = 	snop  }
0x21: {  	[tilespmem:s18], [sflag:$0x2] =	stream.indirect.gather [hbm4b:s4+s16], $0x80, s16, s16, $0xb8;
	[tilespmem:$0x1E800] =	vst v63  }
0x22: {  	_ =	swait.ge [sflag:s19], $0x4000  }
0x23: {  	[sflag:s19] =	ssyncset.done $0x0  }
0x24: {  	s26 =	simm.s32 $0x1400;
	[sflag:s19] =	ssyncadd.s32 $0xFFFFC000  }
0x25: {  	[spmem:s2] =	stream.indirect.scatter.add.bf16 [tilespmem:s17], [sflag:$0x3], $0x80, s26, s16, $0xb8;
	[tilespmem:$0x1E800] =	vst v63  }
0x26: {  	_ =	swait.ge [sflag:s20], $0x4000  }
0x27: {  	[sflag:s20] =	ssyncset.done $0x0  }
0x28: {  	s30 =	simm.s32 $0x1480;
	[sflag:s20] =	ssyncadd.s32 $0xFFFFC000  }
0x29: {  	[spmem:s2] =	stream.indirect.scatter.add.bf16 [tilespmem:s18], [sflag:$0x4], $0x80, s30, s16, $0xb8;
	[tilespmem:$0x1E800] =	vst v63  }
0x2a: {  	_ =	swait.ge [sflag:s21], $0x4000  }
0x2b: {  	[sflag:s21] =	ssyncset.done $0x0  }
0x2c: {  	s31 =	simm.s32 $0x100;
	[sflag:s21] =	ssyncadd.s32 $0xFFFFC000  }
0x2d: {  	[tilespmem:s17], [sflag:$0x1] =	stream.indirect.gather [hbm4b:s4+s16], $0x80, s31, s16, $0xb8;
	[tilespmem:$0x1E800] =	vst v63  }
0x2e: {  	_ =	swait.ge [sflag:s22], $0x4000  }
0x2f: {  	[sflag:s22] =	ssyncset.done $0x0  }
0x30: {  	s28 =	simm.s32 $0x180;
	s26 =	simm.s32 $0x400;
	[sflag:s22] =	ssyncadd.s32 $0xFFFFC000  }
.LBB2_2:
0x31: {  	[tilespmem:s18], [sflag:$0x2] =	stream.indirect.gather [hbm4b:s4+s16], $0x80, s28, s16, $0xb8;
	[tilespmem:$0x1E800] =	vst v63  }
0x32: {  	s28 =	smov.u32 s26  }
0x33: {  	p0 =	sne.s32 s26, $0x4800;
	s26 =	sadd.s32 $0x400, s26;
	_ =	swait.ge [sflag:s19], $0x4000  }
0x34: {  	s28 =	sshra.s32 s28, $0x2;
	[sflag:s19] =	ssyncset.done $0x0  }
0x35: {  	s29 =	sadd.s32 $0x1400, s28;
	[sflag:s19] =	ssyncadd.s32 $0xFFFFC000  }
0x36: {  	[spmem:s2] =	stream.indirect.scatter.add.bf16 [tilespmem:s17], [sflag:$0x3], $0x80, s29, s16, $0xb8;
	[tilespmem:$0x1E800] =	vst v63  }
0x37: {  	_ =	swait.ge [sflag:s20], $0x4000  }
0x38: {  	[sflag:s20] =	ssyncset.done $0x0  }
0x39: {  	s29 =	sadd.s32 $0x1480, s28;
	[sflag:s20] =	ssyncadd.s32 $0xFFFFC000  }
0x3a: {  	[spmem:s2] =	stream.indirect.scatter.add.bf16 [tilespmem:s18], [sflag:$0x4], $0x80, s29, s16, $0xb8;
	[tilespmem:$0x1E800] =	vst v63  }
0x3b: {  	_ =	swait.ge [sflag:s21], $0x4000  }
0x3c: {  	[sflag:s21] =	ssyncset.done $0x0  }
.Ltmp0:
0x3d: {  	s29 =	sadd.s32 $0x100, s28;
	[sflag:s21] =	ssyncadd.s32 $0xFFFFC000;
	(pc) =	sbr.rel @p0 .LBB2_2-.Ltmp0, $4  }
0x3e: {  	[tilespmem:s17], [sflag:$0x1] =	stream.indirect.gather [hbm4b:s4+s16], $0x80, s29, s16, $0xb8;
	[tilespmem:$0x1E800] =	vst v63  }
0x3f: {  	_ =	swait.ge [sflag:s22], $0x4000  }
0x40: {  	[sflag:s22] =	ssyncset.done $0x0  }
0x41: {  	s28 =	sadd.s32 $0x180, s28;
	[sflag:s22] =	ssyncadd.s32 $0xFFFFC000  }
0x42: {  	[tilespmem:s18], [sflag:$0x2] =	stream.indirect.gather [hbm4b:s4+s16], $0x80, s28, s16, $0xb8;
	[tilespmem:$0x1E800] =	vst v63  }
0x43: {  	_ =	swait.ge [sflag:s19], $0x4000  }
0x44: {  	[sflag:s19] =	ssyncset.done $0x0  }
0x45: {  	[sflag:s19] =	ssyncadd.s32 $0xFFFFC000  }
0x46: {  	[spmem:s2] =	stream.indirect.scatter.add.bf16 [tilespmem:s17], [sflag:$0x3], $0x80, s23, s16, $0xb8;
	[tilespmem:$0x1E800] =	vst v63  }
0x47: {  	_ =	swait.ge [sflag:s20], $0x4000  }
0x48: {  	[sflag:s20] =	ssyncset.done $0x0  }
0x49: {  	[sflag:s20] =	ssyncadd.s32 $0xFFFFC000  }
0x4a: {  	[spmem:s2] =	stream.indirect.scatter.add.bf16 [tilespmem:s18], [sflag:$0x4], $0x80, s24, s16, $0xb8;
	[tilespmem:$0x1E800] =	vst v63  }
0x4b: {  	_ =	swait.ge [sflag:s21], $0x4000  }
0x4c: {  	[sflag:s21] =	ssyncset.done $0x0  }
0x4d: {  	[sflag:s21] =	ssyncadd.s32 $0xFFFFC000  }
0x4e: {  	_ =	swait.ge [sflag:s22], $0x4000  }
0x4f: {  	[sflag:s22] =	ssyncset.done $0x0  }
0x50: {  	[sflag:s22] =	ssyncadd.s32 $0xFFFFC000  }
0x51: {  	[bflag:$0x0] =	sbarrier.arrive $0xFFFF  }
0x52: {  	[hbm:s10], [sflag:s7] =	dma.local [spmem:s13], $0x2800  }
0x53: {  	_ =	swait.ge [sflag:s14], $0x2800  }
0x54: {  	[sflag:s14] =	ssyncset.done $0x0  }
0x55: {  	[sflag:s14] =	ssyncadd.s32 $0xFFFFD800  }
0x56: {  	[bflag:$0x0] =	sbarrier.arrive $0xFFFF  }
0x57: {  	[spmem:s13], [sflag:s7] =	dma.local [hbm:s6], $0x2800  }
0x58: {  	_ =	swait.ge [sflag:s14], $0x2800  }
0x59: {  	[sflag:s14] =	ssyncset.done $0x0  }
0x5a: {  	[sflag:s14] =	ssyncadd.s32 $0xFFFFD800  }
0x5b: {  	s26 =	simm.s32 $0x0;
	[bflag:$0x0] =	sbarrier.arrive $0xFFFF  }
0x5c: {  	[tilespmem:s26], [sflag:$0x5] =	stream.linear.gather [hbm4b:s8+s26], $0x1400, $0x38;
	[tilespmem:$0x1E800] =	vst v63  }
0x5d: {  	_ =	swait.ge [sflag:s14], $0x1400  }
0x5e: {  	[sflag:s14] =	ssyncset.done $0x0  }
0x5f: {  	[sflag:s14] =	ssyncadd.s32 $0xFFFFEC00  }
0x60: {  	[tilespmem:s15], [sflag:$0x5] =	stream.linear.gather [hbm4b:s9+s26], $0x1400, $0x38;
	[tilespmem:$0x1E800] =	vst v63  }
0x61: {  	_ =	swait.ge [sflag:s14], $0x1400  }
0x62: {  	[sflag:s14] =	ssyncset.done $0x0  }
0x63: {  	[sflag:s14] =	ssyncadd.s32 $0xFFFFEC00  }
0x64: {  	[tilespmem:s17], [sflag:$0x1] =	stream.indirect.gather [hbm4b:s5+s16], $0x80, s26, s16, $0xb8;
	[tilespmem:$0x1E800] =	vst v63  }
0x65: {  	_ = 	snop  }
0x66: {  	[tilespmem:s18], [sflag:$0x2] =	stream.indirect.gather [hbm4b:s5+s16], $0x80, s16, s16, $0xb8;
	[tilespmem:$0x1E800] =	vst v63  }
0x67: {  	_ =	swait.ge [sflag:s19], $0x4000  }
0x68: {  	[sflag:s19] =	ssyncset.done $0x0  }
0x69: {  	s29 =	simm.s32 $0x1400;
	[sflag:s19] =	ssyncadd.s32 $0xFFFFC000  }
0x6a: {  	[spmem:s2] =	stream.indirect.scatter.add.bf16 [tilespmem:s17], [sflag:$0x3], $0x80, s29, s16, $0xb8;
	[tilespmem:$0x1E800] =	vst v63  }
0x6b: {  	_ =	swait.ge [sflag:s20], $0x4000  }
0x6c: {  	[sflag:s20] =	ssyncset.done $0x0  }
0x6d: {  	s30 =	simm.s32 $0x1480;
	[sflag:s20] =	ssyncadd.s32 $0xFFFFC000  }
0x6e: {  	[spmem:s2] =	stream.indirect.scatter.add.bf16 [tilespmem:s18], [sflag:$0x4], $0x80, s30, s16, $0xb8;
	[tilespmem:$0x1E800] =	vst v63  }
0x6f: {  	_ =	swait.ge [sflag:s21], $0x4000  }
0x70: {  	[sflag:s21] =	ssyncset.done $0x0  }
0x71: {  	s31 =	simm.s32 $0x100;
	[sflag:s21] =	ssyncadd.s32 $0xFFFFC000  }
0x72: {  	[tilespmem:s17], [sflag:$0x1] =	stream.indirect.gather [hbm4b:s5+s16], $0x80, s31, s16, $0xb8;
	[tilespmem:$0x1E800] =	vst v63  }
0x73: {  	_ =	swait.ge [sflag:s22], $0x4000  }
0x74: {  	[sflag:s22] =	ssyncset.done $0x0  }
0x75: {  	s28 =	simm.s32 $0x180;
	s26 =	simm.s32 $0x400;
	[sflag:s22] =	ssyncadd.s32 $0xFFFFC000  }
.LBB2_4:
0x76: {  	[tilespmem:s18], [sflag:$0x2] =	stream.indirect.gather [hbm4b:s5+s16], $0x80, s28, s16, $0xb8;
	[tilespmem:$0x1E800] =	vst v63  }
0x77: {  	s28 =	smov.u32 s26  }
0x78: {  	p0 =	sne.s32 s26, $0x4800;
	s26 =	sadd.s32 $0x400, s26;
	_ =	swait.ge [sflag:s19], $0x4000  }
0x79: {  	s28 =	sshra.s32 s28, $0x2;
	[sflag:s19] =	ssyncset.done $0x0  }
0x7a: {  	s29 =	sadd.s32 $0x1400, s28;
	[sflag:s19] =	ssyncadd.s32 $0xFFFFC000  }
0x7b: {  	[spmem:s2] =	stream.indirect.scatter.add.bf16 [tilespmem:s17], [sflag:$0x3], $0x80, s29, s16, $0xb8;
	[tilespmem:$0x1E800] =	vst v63  }
0x7c: {  	_ =	swait.ge [sflag:s20], $0x4000  }
0x7d: {  	[sflag:s20] =	ssyncset.done $0x0  }
0x7e: {  	s29 =	sadd.s32 $0x1480, s28;
	[sflag:s20] =	ssyncadd.s32 $0xFFFFC000  }
0x7f: {  	[spmem:s2] =	stream.indirect.scatter.add.bf16 [tilespmem:s18], [sflag:$0x4], $0x80, s29, s16, $0xb8;
	[tilespmem:$0x1E800] =	vst v63  }
0x80: {  	_ =	swait.ge [sflag:s21], $0x4000  }
0x81: {  	[sflag:s21] =	ssyncset.done $0x0  }
.Ltmp1:
0x82: {  	s29 =	sadd.s32 $0x100, s28;
	[sflag:s21] =	ssyncadd.s32 $0xFFFFC000;
	(pc) =	sbr.rel @p0 .LBB2_4-.Ltmp1, $4  }
0x83: {  	[tilespmem:s17], [sflag:$0x1] =	stream.indirect.gather [hbm4b:s5+s16], $0x80, s29, s16, $0xb8;
	[tilespmem:$0x1E800] =	vst v63  }
0x84: {  	_ =	swait.ge [sflag:s22], $0x4000  }
0x85: {  	[sflag:s22] =	ssyncset.done $0x0  }
0x86: {  	s28 =	sadd.s32 $0x180, s28;
	[sflag:s22] =	ssyncadd.s32 $0xFFFFC000  }
0x87: {  	[tilespmem:s18], [sflag:$0x2] =	stream.indirect.gather [hbm4b:s5+s16], $0x80, s28, s16, $0xb8;
	[tilespmem:$0x1E800] =	vst v63  }
0x88: {  	_ =	swait.ge [sflag:s19], $0x4000  }
0x89: {  	[sflag:s19] =	ssyncset.done $0x0  }
0x8a: {  	[sflag:s19] =	ssyncadd.s32 $0xFFFFC000  }
0x8b: {  	[spmem:s2] =	stream.indirect.scatter.add.bf16 [tilespmem:s17], [sflag:$0x3], $0x80, s23, s16, $0xb8;
	[tilespmem:$0x1E800] =	vst v63  }
0x8c: {  	_ =	swait.ge [sflag:s20], $0x4000  }
0x8d: {  	[sflag:s20] =	ssyncset.done $0x0  }
0x8e: {  	[sflag:s20] =	ssyncadd.s32 $0xFFFFC000  }
0x8f: {  	[spmem:s2] =	stream.indirect.scatter.add.bf16 [tilespmem:s18], [sflag:$0x4], $0x80, s24, s16, $0xb8;
	[tilespmem:$0x1E800] =	vst v63  }
0x90: {  	_ =	swait.ge [sflag:s21], $0x4000  }
0x91: {  	[sflag:s21] =	ssyncset.done $0x0  }
0x92: {  	[sflag:s21] =	ssyncadd.s32 $0xFFFFC000  }
0x93: {  	_ =	swait.ge [sflag:s22], $0x4000  }
0x94: {  	[sflag:s22] =	ssyncset.done $0x0  }
0x95: {  	s25 =	sadd.s32 $0x1, s25;
	[sflag:s22] =	ssyncadd.s32 $0xFFFFC000  }
0x96: {  	p0 =	sne.s32 s25, s12;
	[bflag:$0x0] =	sbarrier.arrive $0xFFFF  }
0x97: {  	[hbm:s11], [sflag:s7] =	dma.local [spmem:s13], $0x2800  }
.Ltmp2:
0x98: {  	_ =	swait.ge [sflag:s14], $0x2800;
	(pc) =	sbr.rel @p0 .LBB2_1-.Ltmp2, $3  }
0x99: {  	[sflag:s14] =	ssyncset.done $0x0  }
0x9a: {  	[sflag:s14] =	ssyncadd.s32 $0xFFFFD800  }
0x9b: {  	[bflag:$0x0] =	sbarrier.arrive $0xFFFF;
	_ =	sdelay $0x1  }
0x9c: {  	_ =	sfence.sel $0x180000  }
0x9d: {  	[bflag:$0x0] =	sbarrier.arrive $0xFFFF  }
0x9e: {  	p0 =	sne.s32 s0, $0x0;
	_ =	strace $0x90000050  }
0x9f: {  	s0 =	sadd.s32 @!p0 $0x100000, s1;
	[bflag:$0x2] =	sbarrier.arrive $0xFFFF  }
0xa0: {  	[sflag:s0] =	ssyncadd.tile.s32 @!p0 $0x1;
	_ =	shalt  }
.Lfunc_end2:
_tile_overlayer_lowered:
.L_overlay_start_2:
0xa1: {  	(tag) =	ssettag $0x2  }
0xa2: {  	s0 =	rddreg [dreg:$0x0];
	s2 =	stileid.u32  }
0xa3: {  	s1 =	rddreg [dreg:$0x1];
	p0 =	sne.s32 s2, $0x0  }
0xa4: {  	s3 =	rddreg [dreg:$0x2];
	[bflag:$0x3] =	sbarrier.arrive $0xFFFF;
	s2 =	simm.s32 @!p0 $0x1C05  }
0xa5: {  	[timem:s3], [sflag:s2] =	dma.local @!p0 [hbm:s0], s1  }
0xa6: {  	s0 =	simm.s32 @!p0 $0x5  }
0xa7: {  	_ =	swait.ge @!p0 [sflag:s0], s1  }
0xa8: {  	s1 =	ssub.s32 @!p0 $0x0, s1;
	[sflag:s0] =	ssyncset.done @!p0 $0x0  }
0xa9: {  	[sflag:s0] =	ssyncadd.s32 @!p0 s1  }
0xaa: {  	[bflag:$0x3] =	sbarrier.arrive $0xFFFF  }
0xab: {  	_ =	shalt  }

</sc_bundles>
